<compile_context>
chip_gen: v7x
topology: tpu7x:2x2x1
jax: 0.10.2.dev20260603
libtpu: 0.0.44.dev20260713+nightly
codegen_flags: <defaults>
</compile_context>

<pallas_src>
import jax
import jax.numpy as jnp
from jax import lax
from jax.experimental import pallas as pl
from jax.experimental.pallas import tpu as pltpu
from jax.experimental.pallas import tpu_sc as plsc

L = 16
N = 4
C = 384
H = 224
W = 224
PIX = N * H * W
NC = 2
NS = 16
NW = NC * NS
PPW = PIX // NW
GCHUNK = 32
SCHUNK = 112
SBUF = 2


def _sc_body(inp_hbm, mask_hbm, out_hbm, mask_v, sel_v, shared_v,
             buf0, buf1, isem0, isem1, osem0, osem1):
    cid = lax.axis_index("c")
    sid = lax.axis_index("s")
    wid = sid * NC + cid

    pltpu.sync_copy(mask_hbm, mask_v)
    zeros = jnp.zeros((L,), jnp.int32)
    for k in range(C // L):
        sel_v[pl.ds(k * L, L)] = zeros
    count = jnp.int32(0)
    mism = jnp.int32(0)
    for k in range(C // L):
        v = mask_v[pl.ds(k * L, L)]
        nz = v != 0.0
        nzi = nz.astype(jnp.int32)
        cs = plsc.cumsum(nzi)
        pos = count + cs - nzi
        vals = lax.iota(jnp.int32, L) + (k * L)
        plsc.store_scatter(sel_v, [pos], vals, mask=nz)
        count = count + jnp.sum(nzi)
        mism = mism + jnp.sum((~nz).astype(jnp.int32))

    base = wid * PPW
    in_sems = (isem0, isem1)
    out_sems = (osem0, osem1)
    nq = PPW // GCHUNK

    @pl.when(mism == 0)
    def _fast():
        snq = PPW // SCHUNK

        def s_read(q):
            return pltpu.async_copy(
                inp_hbm.at[pl.ds(base + q * SCHUNK, SCHUNK)],
                shared_v.at[sid, q % SBUF], in_sems[q % SBUF])

        def s_write(q):
            return pltpu.async_copy(
                shared_v.at[sid, q % SBUF],
                out_hbm.at[pl.ds(base + q * SCHUNK, SCHUNK)],
                out_sems[q % SBUF])

        reads = [None] * snq
        writes = [None] * snq
        for q in range(min(SBUF - 1, snq)):
            reads[q] = s_read(q)
        for q in range(snq):
            if q + SBUF - 1 < snq:
                if q - 1 >= 0:
                    writes[q - 1].wait()
                reads[q + SBUF - 1] = s_read(q + SBUF - 1)
            reads[q].wait()
            writes[q] = s_write(q)
        for r in range(max(0, snq - SBUF), snq):
            writes[r].wait()

    @pl.when(mism != 0)
    def _general():
        def chunk_body(q, carry):
            lo = base + q * GCHUNK
            pltpu.sync_copy(inp_hbm.at[pl.ds(lo, GCHUNK)], buf0)

            def pixel_body(p, c2):
                for g in range(C // L):
                    off = pl.multiple_of(g * L, 8)
                    src_c = sel_v[pl.ds(off, L)]
                    rows = jnp.zeros((L,), jnp.int32) + p
                    vals = plsc.load_gather(buf0, [rows, src_c])
                    buf1[p, pl.ds(g * L, L)] = vals
                return c2
            lax.fori_loop(0, GCHUNK, pixel_body, jnp.int32(0))

            pltpu.sync_copy(buf1, out_hbm.at[pl.ds(lo, GCHUNK)])
            return carry
        lax.fori_loop(0, nq, chunk_body, jnp.int32(0))


@jax.jit
def _sc_gather(inp2, mask):
    mesh = plsc.VectorSubcoreMesh(core_axis_name="c", subcore_axis_name="s",
                                  num_cores=NC, num_subcores=NS)
    return pl.kernel(
        _sc_body,
        out_type=jax.ShapeDtypeStruct((PIX, C), jnp.float32),
        mesh=mesh,
        compiler_params=pltpu.CompilerParams(needs_layout_passes=False),
        scratch_types=[
            pltpu.VMEM((C,), jnp.float32),
            pltpu.VMEM((C,), jnp.int32),
            pltpu.VMEM_SHARED((NS, SBUF, SCHUNK, C), jnp.float32),
            pltpu.VMEM((GCHUNK, C), jnp.float32),
            pltpu.VMEM((GCHUNK, C), jnp.float32),
            pltpu.SemaphoreType.DMA,
            pltpu.SemaphoreType.DMA,
            pltpu.SemaphoreType.DMA,
            pltpu.SemaphoreType.DMA,
        ],
    )(inp2, mask)


def kernel(input_tensor, indexes):
    x2 = input_tensor.transpose(0, 2, 3, 1).reshape(PIX, C)
    out2 = _sc_gather(x2, indexes)
    return out2.reshape(N, H, W, C).transpose(0, 3, 1, 2)

# --- scband reference (transcript-rebuilt; emitter-appended) ---
"""Pipeline reference for scband-channel-selection-38156489458240 (READ-ONLY COPY).

The authoritative reference and input builder live on the scoring server;
editing this copy changes nothing except your own understanding.
"""

import jax, jax.numpy as jnp
import numpy as np


def setup_inputs(seed: int = 0) -> dict:
    key = jax.random.key(seed)
    k1, _ = jax.random.split(key)
    input_tensor = jax.random.normal(k1, (4, 384, 224, 224), dtype=jnp.float32)
    # learned (frozen) parameter: all-ones channel-selection mask, per num_channels=384
    indexes = jnp.ones((384,), dtype=jnp.float32)
    return {"input_tensor": input_tensor, "indexes": indexes}


def reference(input_tensor, indexes):
    # Faithful translation of channel_selection.forward:
    # selected_index = np.squeeze(np.argwhere(indexes)); gather along channel dim.
    num_channels = indexes.shape[0]
    (selected_index,) = jnp.nonzero(indexes, size=num_channels, fill_value=0)
    sel = selected_index.astype(jnp.int32)
    output = jnp.take(input_tensor, sel, axis=1)
    return output

if __name__ == "__main__":
    import jax
    _d = setup_inputs()
    print(jax.jit(kernel)(*tuple(_d.values())))

</pallas_src>

<mosaic_0001>
#map = affine_map<(d0, d1) -> (0, 0)>
#map1 = affine_map<(d0, d1) -> (0)>
module attributes {stable_mosaic.version = 14 : i64} {
  func.func @_sc_body(%arg0: i32, %arg1: i32, %arg2: memref<200704x384xf32, #tpu.memory_space<hbm>>, %arg3: memref<384xf32, #tpu.memory_space<hbm>>, %arg4: memref<200704x384xf32, #tpu.memory_space<hbm>>, %arg5: memref<384xf32, #tpu.memory_space<vmem>>, %arg6: memref<384xi32, #tpu.memory_space<vmem>>, %arg7: memref<16x2x112x384xf32, #tpu.memory_space<vmem_shared>>, %arg8: memref<32x384xf32, #tpu.memory_space<vmem>>, %arg9: memref<32x384xf32, #tpu.memory_space<vmem>>, %arg10: memref<!tpu.dma_semaphore, #tpu.memory_space<semaphore_mem>>, %arg11: memref<!tpu.dma_semaphore, #tpu.memory_space<semaphore_mem>>, %arg12: memref<!tpu.dma_semaphore, #tpu.memory_space<semaphore_mem>>, %arg13: memref<!tpu.dma_semaphore, #tpu.memory_space<semaphore_mem>>) attributes {dimension_semantics = [#tpu.dimension_semantics<core_parallel>, #tpu.dimension_semantics<subcore_parallel>], iteration_bounds = array<i64: 2, 16>, scalar_prefetch = 0 : i64, scratch_operands = 9 : i64, tpu.core_type = #tpu.core_type<sc_vector_subcore>, window_params = [{transform_indices = #map}, {transform_indices = #map1}, {transform_indices = #map}]} {
    %mul3A = arith.constant 2 : i32
    %mul3A_0 = arith.muli %arg1, %mul3A : i32
    %add3A = arith.addi %mul3A_0, %arg0 : i32
    "tpu.region"() ({
      %run_scoped3A = tpu.sem_alloc : memref<!tpu.dma_semaphore, #tpu.memory_space<semaphore_mem>>
      tpu.enqueue_dma source(%arg3 : memref<384xf32, #tpu.memory_space<hbm>>) target(%arg5 : memref<384xf32, #tpu.memory_space<vmem>>) target_semaphore(%run_scoped3A : memref<!tpu.dma_semaphore, #tpu.memory_space<semaphore_mem>>)
      tpu.wait_dma2 semaphore(%run_scoped3A : memref<!tpu.dma_semaphore, #tpu.memory_space<semaphore_mem>>) src(%arg3 : memref<384xf32, #tpu.memory_space<hbm>>) dst(%arg5 : memref<384xf32, #tpu.memory_space<vmem>>)
      tpu.yield
    }) : () -> ()
    %broadcast_in_dim3A = arith.constant 0 : i32
    %broadcast_in_dim3A_1 = vector.broadcast %broadcast_in_dim3A : i32 to vector<16xi32>
    %swap3A = arith.constant 0 : index
    %swap3A_2 = tpu.vector_load %arg6[%swap3A] {strides = array<i32>} : memref<384xi32, #tpu.memory_space<vmem>>, vector<16xi32>,
    tpu.vector_store %arg6[%swap3A], %broadcast_in_dim3A_1 {strides = array<i32>} : memref<384xi32, #tpu.memory_space<vmem>>, vector<16xi32>,
    %swap3A_3 = arith.constant 16 : index
    %swap3A_4 = tpu.vector_load %arg6[%swap3A_3] {strides = array<i32>} : memref<384xi32, #tpu.memory_space<vmem>>, vector<16xi32>,
    tpu.vector_store %arg6[%swap3A_3], %broadcast_in_dim3A_1 {strides = array<i32>} : memref<384xi32, #tpu.memory_space<vmem>>, vector<16xi32>,
    %swap3A_5 = arith.constant 32 : index
    %swap3A_6 = tpu.vector_load %arg6[%swap3A_5] {strides = array<i32>} : memref<384xi32, #tpu.memory_space<vmem>>, vector<16xi32>,
    tpu.vector_store %arg6[%swap3A_5], %broadcast_in_dim3A_1 {strides = array<i32>} : memref<384xi32, #tpu.memory_space<vmem>>, vector<16xi32>,
    %swap3A_7 = arith.constant 48 : index
    %swap3A_8 = tpu.vector_load %arg6[%swap3A_7] {strides = array<i32>} : memref<384xi32, #tpu.memory_space<vmem>>, vector<16xi32>,
    tpu.vector_store %arg6[%swap3A_7], %broadcast_in_dim3A_1 {strides = array<i32>} : memref<384xi32, #tpu.memory_space<vmem>>, vector<16xi32>,
    %swap3A_9 = arith.constant 64 : index
    %swap3A_10 = tpu.vector_load %arg6[%swap3A_9] {strides = array<i32>} : memref<384xi32, #tpu.memory_space<vmem>>, vector<16xi32>,
    tpu.vector_store %arg6[%swap3A_9], %broadcast_in_dim3A_1 {strides = array<i32>} : memref<384xi32, #tpu.memory_space<vmem>>, vector<16xi32>,
    %swap3A_11 = arith.constant 80 : index
    %swap3A_12 = tpu.vector_load %arg6[%swap3A_11] {strides = array<i32>} : memref<384xi32, #tpu.memory_space<vmem>>, vector<16xi32>,
    tpu.vector_store %arg6[%swap3A_11], %broadcast_in_dim3A_1 {strides = array<i32>} : memref<384xi32, #tpu.memory_space<vmem>>, vector<16xi32>,
    %swap3A_13 = arith.constant 96 : index
    %swap3A_14 = tpu.vector_load %arg6[%swap3A_13] {strides = array<i32>} : memref<384xi32, #tpu.memory_space<vmem>>, vector<16xi32>,
    tpu.vector_store %arg6[%swap3A_13], %broadcast_in_dim3A_1 {strides = array<i32>} : memref<384xi32, #tpu.memory_space<vmem>>, vector<16xi32>,
    %swap3A_15 = arith.constant 112 : index
    %swap3A_16 = tpu.vector_load %arg6[%swap3A_15] {strides = array<i32>} : memref<384xi32, #tpu.memory_space<vmem>>, vector<16xi32>,
    tpu.vector_store %arg6[%swap3A_15], %broadcast_in_dim3A_1 {strides = array<i32>} : memref<384xi32, #tpu.memory_space<vmem>>, vector<16xi32>,
    %swap3A_17 = arith.constant 128 : index
    %swap3A_18 = tpu.vector_load %arg6[%swap3A_17] {strides = array<i32>} : memref<384xi32, #tpu.memory_space<vmem>>, vector<16xi32>,
    tpu.vector_store %arg6[%swap3A_17], %broadcast_in_dim3A_1 {strides = array<i32>} : memref<384xi32, #tpu.memory_space<vmem>>, vector<16xi32>,
    %swap3A_19 = arith.constant 144 : index
    %swap3A_20 = tpu.vector_load %arg6[%swap3A_19] {strides = array<i32>} : memref<384xi32, #tpu.memory_space<vmem>>, vector<16xi32>,
    tpu.vector_store %arg6[%swap3A_19], %broadcast_in_dim3A_1 {strides = array<i32>} : memref<384xi32, #tpu.memory_space<vmem>>, vector<16xi32>,
    %swap3A_21 = arith.constant 160 : index
    %swap3A_22 = tpu.vector_load %arg6[%swap3A_21] {strides = array<i32>} : memref<384xi32, #tpu.memory_space<vmem>>, vector<16xi32>,
    tpu.vector_store %arg6[%swap3A_21], %broadcast_in_dim3A_1 {strides = array<i32>} : memref<384xi32, #tpu.memory_space<vmem>>, vector<16xi32>,
    %swap3A_23 = arith.constant 176 : index
    %swap3A_24 = tpu.vector_load %arg6[%swap3A_23] {strides = array<i32>} : memref<384xi32, #tpu.memory_space<vmem>>, vector<16xi32>,
    tpu.vector_store %arg6[%swap3A_23], %broadcast_in_dim3A_1 {strides = array<i32>} : memref<384xi32, #tpu.memory_space<vmem>>, vector<16xi32>,
    %swap3A_25 = arith.constant 192 : index
    %swap3A_26 = tpu.vector_load %arg6[%swap3A_25] {strides = array<i32>} : memref<384xi32, #tpu.memory_space<vmem>>, vector<16xi32>,
    tpu.vector_store %arg6[%swap3A_25], %broadcast_in_dim3A_1 {strides = array<i32>} : memref<384xi32, #tpu.memory_space<vmem>>, vector<16xi32>,
    %swap3A_27 = arith.constant 208 : index
    %swap3A_28 = tpu.vector_load %arg6[%swap3A_27] {strides = array<i32>} : memref<384xi32, #tpu.memory_space<vmem>>, vector<16xi32>,
    tpu.vector_store %arg6[%swap3A_27], %broadcast_in_dim3A_1 {strides = array<i32>} : memref<384xi32, #tpu.memory_space<vmem>>, vector<16xi32>,
    %swap3A_29 = arith.constant 224 : index
    %swap3A_30 = tpu.vector_load %arg6[%swap3A_29] {strides = array<i32>} : memref<384xi32, #tpu.memory_space<vmem>>, vector<16xi32>,
    tpu.vector_store %arg6[%swap3A_29], %broadcast_in_dim3A_1 {strides = array<i32>} : memref<384xi32, #tpu.memory_space<vmem>>, vector<16xi32>,
    %swap3A_31 = arith.constant 240 : index
    %swap3A_32 = tpu.vector_load %arg6[%swap3A_31] {strides = array<i32>} : memref<384xi32, #tpu.memory_space<vmem>>, vector<16xi32>,
    tpu.vector_store %arg6[%swap3A_31], %broadcast_in_dim3A_1 {strides = array<i32>} : memref<384xi32, #tpu.memory_space<vmem>>, vector<16xi32>,
    %swap3A_33 = arith.constant 256 : index
    %swap3A_34 = tpu.vector_load %arg6[%swap3A_33] {strides = array<i32>} : memref<384xi32, #tpu.memory_space<vmem>>, vector<16xi32>,
    tpu.vector_store %arg6[%swap3A_33], %broadcast_in_dim3A_1 {strides = array<i32>} : memref<384xi32, #tpu.memory_space<vmem>>, vector<16xi32>,
    %swap3A_35 = arith.constant 272 : index
    %swap3A_36 = tpu.vector_load %arg6[%swap3A_35] {strides = array<i32>} : memref<384xi32, #tpu.memory_space<vmem>>, vector<16xi32>,
    tpu.vector_store %arg6[%swap3A_35], %broadcast_in_dim3A_1 {strides = array<i32>} : memref<384xi32, #tpu.memory_space<vmem>>, vector<16xi32>,
    %swap3A_37 = arith.constant 288 : index
    %swap3A_38 = tpu.vector_load %arg6[%swap3A_37] {strides = array<i32>} : memref<384xi32, #tpu.memory_space<vmem>>, vector<16xi32>,
    tpu.vector_store %arg6[%swap3A_37], %broadcast_in_dim3A_1 {strides = array<i32>} : memref<384xi32, #tpu.memory_space<vmem>>, vector<16xi32>,
    %swap3A_39 = arith.constant 304 : index
    %swap3A_40 = tpu.vector_load %arg6[%swap3A_39] {strides = array<i32>} : memref<384xi32, #tpu.memory_space<vmem>>, vector<16xi32>,
    tpu.vector_store %arg6[%swap3A_39], %broadcast_in_dim3A_1 {strides = array<i32>} : memref<384xi32, #tpu.memory_space<vmem>>, vector<16xi32>,
    %swap3A_41 = arith.constant 320 : index
    %swap3A_42 = tpu.vector_load %arg6[%swap3A_41] {strides = array<i32>} : memref<384xi32, #tpu.memory_space<vmem>>, vector<16xi32>,
    tpu.vector_store %arg6[%swap3A_41], %broadcast_in_dim3A_1 {strides = array<i32>} : memref<384xi32, #tpu.memory_space<vmem>>, vector<16xi32>,
    %swap3A_43 = arith.constant 336 : index
    %swap3A_44 = tpu.vector_load %arg6[%swap3A_43] {strides = array<i32>} : memref<384xi32, #tpu.memory_space<vmem>>, vector<16xi32>,
    tpu.vector_store %arg6[%swap3A_43], %broadcast_in_dim3A_1 {strides = array<i32>} : memref<384xi32, #tpu.memory_space<vmem>>, vector<16xi32>,
    %swap3A_45 = arith.constant 352 : index
    %swap3A_46 = tpu.vector_load %arg6[%swap3A_45] {strides = array<i32>} : memref<384xi32, #tpu.memory_space<vmem>>, vector<16xi32>,
    tpu.vector_store %arg6[%swap3A_45], %broadcast_in_dim3A_1 {strides = array<i32>} : memref<384xi32, #tpu.memory_space<vmem>>, vector<16xi32>,
    %swap3A_47 = arith.constant 368 : index
    %swap3A_48 = tpu.vector_load %arg6[%swap3A_47] {strides = array<i32>} : memref<384xi32, #tpu.memory_space<vmem>>, vector<16xi32>,
    tpu.vector_store %arg6[%swap3A_47], %broadcast_in_dim3A_1 {strides = array<i32>} : memref<384xi32, #tpu.memory_space<vmem>>, vector<16xi32>,
    %get3A = arith.constant 0 : index
    %get3A_49 = tpu.vector_load %arg5[%get3A] {strides = array<i32>} : memref<384xf32, #tpu.memory_space<vmem>>, vector<16xf32>,
    %ne3A = arith.constant 0.000000e+00 : f32
    %ne3A_50 = vector.broadcast %ne3A : f32 to vector<16xf32>
    %ne3A_51 = arith.cmpf one, %get3A_49, %ne3A_50 : vector<16xf32>
    %convert_element_type3A = arith.extui %ne3A_51 : vector<16xi1> to vector<16xi32>
    %broadcast_in_dim3A_52 = arith.constant true
    %broadcast_in_dim3A_53 = vector.broadcast %broadcast_in_dim3A_52 : i1 to vector<16xi1>
    %masked_cumsum3A = tpu.scan <sum>, %convert_element_type3A masked %broadcast_in_dim3A_53 : vector<16xi32>, vector<16xi1> -> vector<16xi32>
    %add3A_54 = arith.constant 0 : i32
    %add3A_55 = vector.broadcast %add3A_54 : i32 to vector<16xi32>
    %add3A_56 = arith.addi %add3A_55, %masked_cumsum3A : vector<16xi32>
    %sub3A = arith.subi %add3A_56, %convert_element_type3A : vector<16xi32>
    %iota3A = tpu.iota {dimensions = array<i32: 0>} : vector<16xi32>
    %add3A_57 = arith.constant 0 : i32
    %add3A_58 = vector.broadcast %add3A_57 : i32 to vector<16xi32>
    %add3A_59 = arith.addi %iota3A, %add3A_58 : vector<16xi32>
    tpu.vector_store_idx %arg6[%sub3A], %add3A_59 masked %ne3A_51 : memref<384xi32, #tpu.memory_space<vmem>>[vector<16xi32>], vector<16xi32>, vector<16xi1>
    %reduce_sum3A = arith.constant true
    %reduce_sum3A_60 = vector.broadcast %reduce_sum3A : i1 to vector<16xi1>
    %reduce_sum3A_61 = tpu.scan <sum>, %convert_element_type3A masked %reduce_sum3A_60 : vector<16xi32>, vector<16xi1> -> vector<16xi32>
    %reduce_sum3A_62 = vector.extract %reduce_sum3A_61[15] : i32 from vector<16xi32>
    %add3A_63 = arith.constant 0 : i32
    %add3A_64 = arith.addi %add3A_63, %reduce_sum3A_62 : i32
    %not3A = arith.constant dense<true> : vector<16xi1>
    %not3A_65 = arith.xori %ne3A_51, %not3A : vector<16xi1>
    %convert_element_type3A_66 = arith.extui %not3A_65 : vector<16xi1> to vector<16xi32>
    %reduce_sum3A_67 = arith.constant true
    %reduce_sum3A_68 = vector.broadcast %reduce_sum3A_67 : i1 to vector<16xi1>
    %reduce_sum3A_69 = tpu.scan <sum>, %convert_element_type3A_66 masked %reduce_sum3A_68 : vector<16xi32>, vector<16xi1> -> vector<16xi32>
    %reduce_sum3A_70 = vector.extract %reduce_sum3A_69[15] : i32 from vector<16xi32>
    %add3A_71 = arith.constant 0 : i32
    %add3A_72 = arith.addi %add3A_71, %reduce_sum3A_70 : i32
    %get3A_73 = arith.constant 16 : index
    %get3A_74 = tpu.vector_load %arg5[%get3A_73] {strides = array<i32>} : memref<384xf32, #tpu.memory_space<vmem>>, vector<16xf32>,
    %ne3A_75 = arith.constant 0.000000e+00 : f32
    %ne3A_76 = vector.broadcast %ne3A_75 : f32 to vector<16xf32>
    %ne3A_77 = arith.cmpf one, %get3A_74, %ne3A_76 : vector<16xf32>
    %convert_element_type3A_78 = arith.extui %ne3A_77 : vector<16xi1> to vector<16xi32>
    %broadcast_in_dim3A_79 = arith.constant true
    %broadcast_in_dim3A_80 = vector.broadcast %broadcast_in_dim3A_79 : i1 to vector<16xi1>
    %masked_cumsum3A_81 = tpu.scan <sum>, %convert_element_type3A_78 masked %broadcast_in_dim3A_80 : vector<16xi32>, vector<16xi1> -> vector<16xi32>
    %add3A_82 = vector.broadcast %add3A_64 : i32 to vector<16xi32>
    %add3A_83 = arith.addi %add3A_82, %masked_cumsum3A_81 : vector<16xi32>
    %sub3A_84 = arith.subi %add3A_83, %convert_element_type3A_78 : vector<16xi32>
    %iota3A_85 = tpu.iota {dimensions = array<i32: 0>} : vector<16xi32>
    %add3A_86 = arith.constant 16 : i32
    %add3A_87 = vector.broadcast %add3A_86 : i32 to vector<16xi32>
    %add3A_88 = arith.addi %iota3A_85, %add3A_87 : vector<16xi32>
    tpu.vector_store_idx %arg6[%sub3A_84], %add3A_88 masked %ne3A_77 : memref<384xi32, #tpu.memory_space<vmem>>[vector<16xi32>], vector<16xi32>, vector<16xi1>
    %reduce_sum3A_89 = arith.constant true
    %reduce_sum3A_90 = vector.broadcast %reduce_sum3A_89 : i1 to vector<16xi1>
    %reduce_sum3A_91 = tpu.scan <sum>, %convert_element_type3A_78 masked %reduce_sum3A_90 : vector<16xi32>, vector<16xi1> -> vector<16xi32>
    %reduce_sum3A_92 = vector.extract %reduce_sum3A_91[15] : i32 from vector<16xi32>
    %add3A_93 = arith.addi %add3A_64, %reduce_sum3A_92 : i32
    %not3A_94 = arith.constant dense<true> : vector<16xi1>
    %not3A_95 = arith.xori %ne3A_77, %not3A_94 : vector<16xi1>
    %convert_element_type3A_96 = arith.extui %not3A_95 : vector<16xi1> to vector<16xi32>
    %reduce_sum3A_97 = arith.constant true
    %reduce_sum3A_98 = vector.broadcast %reduce_sum3A_97 : i1 to vector<16xi1>
    %reduce_sum3A_99 = tpu.scan <sum>, %convert_element_type3A_96 masked %reduce_sum3A_98 : vector<16xi32>, vector<16xi1> -> vector<16xi32>
    %reduce_sum3A_100 = vector.extract %reduce_sum3A_99[15] : i32 from vector<16xi32>
    %add3A_101 = arith.addi %add3A_72, %reduce_sum3A_100 : i32
    %get3A_102 = arith.constant 32 : index
    %get3A_103 = tpu.vector_load %arg5[%get3A_102] {strides = array<i32>} : memref<384xf32, #tpu.memory_space<vmem>>, vector<16xf32>,
    %ne3A_104 = arith.constant 0.000000e+00 : f32
    %ne3A_105 = vector.broadcast %ne3A_104 : f32 to vector<16xf32>
    %ne3A_106 = arith.cmpf one, %get3A_103, %ne3A_105 : vector<16xf32>
    %convert_element_type3A_107 = arith.extui %ne3A_106 : vector<16xi1> to vector<16xi32>
    %broadcast_in_dim3A_108 = arith.constant true
    %broadcast_in_dim3A_109 = vector.broadcast %broadcast_in_dim3A_108 : i1 to vector<16xi1>
    %masked_cumsum3A_110 = tpu.scan <sum>, %convert_element_type3A_107 masked %broadcast_in_dim3A_109 : vector<16xi32>, vector<16xi1> -> vector<16xi32>
    %add3A_111 = vector.broadcast %add3A_93 : i32 to vector<16xi32>
    %add3A_112 = arith.addi %add3A_111, %masked_cumsum3A_110 : vector<16xi32>
    %sub3A_113 = arith.subi %add3A_112, %convert_element_type3A_107 : vector<16xi32>
    %iota3A_114 = tpu.iota {dimensions = array<i32: 0>} : vector<16xi32>
    %add3A_115 = arith.constant 32 : i32
    %add3A_116 = vector.broadcast %add3A_115 : i32 to vector<16xi32>
    %add3A_117 = arith.addi %iota3A_114, %add3A_116 : vector<16xi32>
    tpu.vector_store_idx %arg6[%sub3A_113], %add3A_117 masked %ne3A_106 : memref<384xi32, #tpu.memory_space<vmem>>[vector<16xi32>], vector<16xi32>, vector<16xi1>
    %reduce_sum3A_118 = arith.constant true
    %reduce_sum3A_119 = vector.broadcast %reduce_sum3A_118 : i1 to vector<16xi1>
    %reduce_sum3A_120 = tpu.scan <sum>, %convert_element_type3A_107 masked %reduce_sum3A_119 : vector<16xi32>, vector<16xi1> -> vector<16xi32>
    %reduce_sum3A_121 = vector.extract %reduce_sum3A_120[15] : i32 from vector<16xi32>
    %add3A_122 = arith.addi %add3A_93, %reduce_sum3A_121 : i32
    %not3A_123 = arith.constant dense<true> : vector<16xi1>
    %not3A_124 = arith.xori %ne3A_106, %not3A_123 : vector<16xi1>
    %convert_element_type3A_125 = arith.extui %not3A_124 : vector<16xi1> to vector<16xi32>
    %reduce_sum3A_126 = arith.constant true
    %reduce_sum3A_127 = vector.broadcast %reduce_sum3A_126 : i1 to vector<16xi1>
    %reduce_sum3A_128 = tpu.scan <sum>, %convert_element_type3A_125 masked %reduce_sum3A_127 : vector<16xi32>, vector<16xi1> -> vector<16xi32>
    %reduce_sum3A_129 = vector.extract %reduce_sum3A_128[15] : i32 from vector<16xi32>
    %add3A_130 = arith.addi %add3A_101, %reduce_sum3A_129 : i32
    %get3A_131 = arith.constant 48 : index
    %get3A_132 = tpu.vector_load %arg5[%get3A_131] {strides = array<i32>} : memref<384xf32, #tpu.memory_space<vmem>>, vector<16xf32>,
    %ne3A_133 = arith.constant 0.000000e+00 : f32
    %ne3A_134 = vector.broadcast %ne3A_133 : f32 to vector<16xf32>
    %ne3A_135 = arith.cmpf one, %get3A_132, %ne3A_134 : vector<16xf32>
    %convert_element_type3A_136 = arith.extui %ne3A_135 : vector<16xi1> to vector<16xi32>
    %broadcast_in_dim3A_137 = arith.constant true
    %broadcast_in_dim3A_138 = vector.broadcast %broadcast_in_dim3A_137 : i1 to vector<16xi1>
    %masked_cumsum3A_139 = tpu.scan <sum>, %convert_element_type3A_136 masked %broadcast_in_dim3A_138 : vector<16xi32>, vector<16xi1> -> vector<16xi32>
    %add3A_140 = vector.broadcast %add3A_122 : i32 to vector<16xi32>
    %add3A_141 = arith.addi %add3A_140, %masked_cumsum3A_139 : vector<16xi32>
    %sub3A_142 = arith.subi %add3A_141, %convert_element_type3A_136 : vector<16xi32>
    %iota3A_143 = tpu.iota {dimensions = array<i32: 0>} : vector<16xi32>
    %add3A_144 = arith.constant 48 : i32
    %add3A_145 = vector.broadcast %add3A_144 : i32 to vector<16xi32>
    %add3A_146 = arith.addi %iota3A_143, %add3A_145 : vector<16xi32>
    tpu.vector_store_idx %arg6[%sub3A_142], %add3A_146 masked %ne3A_135 : memref<384xi32, #tpu.memory_space<vmem>>[vector<16xi32>], vector<16xi32>, vector<16xi1>
    %reduce_sum3A_147 = arith.constant true
    %reduce_sum3A_148 = vector.broadcast %reduce_sum3A_147 : i1 to vector<16xi1>
    %reduce_sum3A_149 = tpu.scan <sum>, %convert_element_type3A_136 masked %reduce_sum3A_148 : vector<16xi32>, vector<16xi1> -> vector<16xi32>
    %reduce_sum3A_150 = vector.extract %reduce_sum3A_149[15] : i32 from vector<16xi32>
    %add3A_151 = arith.addi %add3A_122, %reduce_sum3A_150 : i32
    %not3A_152 = arith.constant dense<true> : vector<16xi1>
    %not3A_153 = arith.xori %ne3A_135, %not3A_152 : vector<16xi1>
    %convert_element_type3A_154 = arith.extui %not3A_153 : vector<16xi1> to vector<16xi32>
    %reduce_sum3A_155 = arith.constant true
    %reduce_sum3A_156 = vector.broadcast %reduce_sum3A_155 : i1 to vector<16xi1>
    %reduce_sum3A_157 = tpu.scan <sum>, %convert_element_type3A_154 masked %reduce_sum3A_156 : vector<16xi32>, vector<16xi1> -> vector<16xi32>
    %reduce_sum3A_158 = vector.extract %reduce_sum3A_157[15] : i32 from vector<16xi32>
    %add3A_159 = arith.addi %add3A_130, %reduce_sum3A_158 : i32
    %get3A_160 = arith.constant 64 : index
    %get3A_161 = tpu.vector_load %arg5[%get3A_160] {strides = array<i32>} : memref<384xf32, #tpu.memory_space<vmem>>, vector<16xf32>,
    %ne3A_162 = arith.constant 0.000000e+00 : f32
    %ne3A_163 = vector.broadcast %ne3A_162 : f32 to vector<16xf32>
    %ne3A_164 = arith.cmpf one, %get3A_161, %ne3A_163 : vector<16xf32>
    %convert_element_type3A_165 = arith.extui %ne3A_164 : vector<16xi1> to vector<16xi32>
    %broadcast_in_dim3A_166 = arith.constant true
    %broadcast_in_dim3A_167 = vector.broadcast %broadcast_in_dim3A_166 : i1 to vector<16xi1>
    %masked_cumsum3A_168 = tpu.scan <sum>, %convert_element_type3A_165 masked %broadcast_in_dim3A_167 : vector<16xi32>, vector<16xi1> -> vector<16xi32>
    %add3A_169 = vector.broadcast %add3A_151 : i32 to vector<16xi32>
    %add3A_170 = arith.addi %add3A_169, %masked_cumsum3A_168 : vector<16xi32>
    %sub3A_171 = arith.subi %add3A_170, %convert_element_type3A_165 : vector<16xi32>
    %iota3A_172 = tpu.iota {dimensions = array<i32: 0>} : vector<16xi32>
    %add3A_173 = arith.constant 64 : i32
    %add3A_174 = vector.broadcast %add3A_173 : i32 to vector<16xi32>
    %add3A_175 = arith.addi %iota3A_172, %add3A_174 : vector<16xi32>
    tpu.vector_store_idx %arg6[%sub3A_171], %add3A_175 masked %ne3A_164 : memref<384xi32, #tpu.memory_space<vmem>>[vector<16xi32>], vector<16xi32>, vector<16xi1>
    %reduce_sum3A_176 = arith.constant true
    %reduce_sum3A_177 = vector.broadcast %reduce_sum3A_176 : i1 to vector<16xi1>
    %reduce_sum3A_178 = tpu.scan <sum>, %convert_element_type3A_165 masked %reduce_sum3A_177 : vector<16xi32>, vector<16xi1> -> vector<16xi32>
    %reduce_sum3A_179 = vector.extract %reduce_sum3A_178[15] : i32 from vector<16xi32>
    %add3A_180 = arith.addi %add3A_151, %reduce_sum3A_179 : i32
    %not3A_181 = arith.constant dense<true> : vector<16xi1>
    %not3A_182 = arith.xori %ne3A_164, %not3A_181 : vector<16xi1>
    %convert_element_type3A_183 = arith.extui %not3A_182 : vector<16xi1> to vector<16xi32>
    %reduce_sum3A_184 = arith.constant true
    %reduce_sum3A_185 = vector.broadcast %reduce_sum3A_184 : i1 to vector<16xi1>
    %reduce_sum3A_186 = tpu.scan <sum>, %convert_element_type3A_183 masked %reduce_sum3A_185 : vector<16xi32>, vector<16xi1> -> vector<16xi32>
    %reduce_sum3A_187 = vector.extract %reduce_sum3A_186[15] : i32 from vector<16xi32>
    %add3A_188 = arith.addi %add3A_159, %reduce_sum3A_187 : i32
    %get3A_189 = arith.constant 80 : index
    %get3A_190 = tpu.vector_load %arg5[%get3A_189] {strides = array<i32>} : memref<384xf32, #tpu.memory_space<vmem>>, vector<16xf32>,
    %ne3A_191 = arith.constant 0.000000e+00 : f32
    %ne3A_192 = vector.broadcast %ne3A_191 : f32 to vector<16xf32>
    %ne3A_193 = arith.cmpf one, %get3A_190, %ne3A_192 : vector<16xf32>
    %convert_element_type3A_194 = arith.extui %ne3A_193 : vector<16xi1> to vector<16xi32>
    %broadcast_in_dim3A_195 = arith.constant true
    %broadcast_in_dim3A_196 = vector.broadcast %broadcast_in_dim3A_195 : i1 to vector<16xi1>
    %masked_cumsum3A_197 = tpu.scan <sum>, %convert_element_type3A_194 masked %broadcast_in_dim3A_196 : vector<16xi32>, vector<16xi1> -> vector<16xi32>
    %add3A_198 = vector.broadcast %add3A_180 : i32 to vector<16xi32>
    %add3A_199 = arith.addi %add3A_198, %masked_cumsum3A_197 : vector<16xi32>
    %sub3A_200 = arith.subi %add3A_199, %convert_element_type3A_194 : vector<16xi32>
    %iota3A_201 = tpu.iota {dimensions = array<i32: 0>} : vector<16xi32>
    %add3A_202 = arith.constant 80 : i32
    %add3A_203 = vector.broadcast %add3A_202 : i32 to vector<16xi32>
    %add3A_204 = arith.addi %iota3A_201, %add3A_203 : vector<16xi32>
    tpu.vector_store_idx %arg6[%sub3A_200], %add3A_204 masked %ne3A_193 : memref<384xi32, #tpu.memory_space<vmem>>[vector<16xi32>], vector<16xi32>, vector<16xi1>
    %reduce_sum3A_205 = arith.constant true
    %reduce_sum3A_206 = vector.broadcast %reduce_sum3A_205 : i1 to vector<16xi1>
    %reduce_sum3A_207 = tpu.scan <sum>, %convert_element_type3A_194 masked %reduce_sum3A_206 : vector<16xi32>, vector<16xi1> -> vector<16xi32>
    %reduce_sum3A_208 = vector.extract %reduce_sum3A_207[15] : i32 from vector<16xi32>
    %add3A_209 = arith.addi %add3A_180, %reduce_sum3A_208 : i32
    %not3A_210 = arith.constant dense<true> : vector<16xi1>
    %not3A_211 = arith.xori %ne3A_193, %not3A_210 : vector<16xi1>
    %convert_element_type3A_212 = arith.extui %not3A_211 : vector<16xi1> to vector<16xi32>
    %reduce_sum3A_213 = arith.constant true
    %reduce_sum3A_214 = vector.broadcast %reduce_sum3A_213 : i1 to vector<16xi1>
    %reduce_sum3A_215 = tpu.scan <sum>, %convert_element_type3A_212 masked %reduce_sum3A_214 : vector<16xi32>, vector<16xi1> -> vector<16xi32>
    %reduce_sum3A_216 = vector.extract %reduce_sum3A_215[15] : i32 from vector<16xi32>
    %add3A_217 = arith.addi %add3A_188, %reduce_sum3A_216 : i32
    %get3A_218 = arith.constant 96 : index
    %get3A_219 = tpu.vector_load %arg5[%get3A_218] {strides = array<i32>} : memref<384xf32, #tpu.memory_space<vmem>>, vector<16xf32>,
    %ne3A_220 = arith.constant 0.000000e+00 : f32
    %ne3A_221 = vector.broadcast %ne3A_220 : f32 to vector<16xf32>
    %ne3A_222 = arith.cmpf one, %get3A_219, %ne3A_221 : vector<16xf32>
    %convert_element_type3A_223 = arith.extui %ne3A_222 : vector<16xi1> to vector<16xi32>
    %broadcast_in_dim3A_224 = arith.constant true
    %broadcast_in_dim3A_225 = vector.broadcast %broadcast_in_dim3A_224 : i1 to vector<16xi1>
    %masked_cumsum3A_226 = tpu.scan <sum>, %convert_element_type3A_223 masked %broadcast_in_dim3A_225 : vector<16xi32>, vector<16xi1> -> vector<16xi32>
    %add3A_227 = vector.broadcast %add3A_209 : i32 to vector<16xi32>
    %add3A_228 = arith.addi %add3A_227, %masked_cumsum3A_226 : vector<16xi32>
    %sub3A_229 = arith.subi %add3A_228, %convert_element_type3A_223 : vector<16xi32>
    %iota3A_230 = tpu.iota {dimensions = array<i32: 0>} : vector<16xi32>
    %add3A_231 = arith.constant 96 : i32
    %add3A_232 = vector.broadcast %add3A_231 : i32 to vector<16xi32>
    %add3A_233 = arith.addi %iota3A_230, %add3A_232 : vector<16xi32>
    tpu.vector_store_idx %arg6[%sub3A_229], %add3A_233 masked %ne3A_222 : memref<384xi32, #tpu.memory_space<vmem>>[vector<16xi32>], vector<16xi32>, vector<16xi1>
    %reduce_sum3A_234 = arith.constant true
    %reduce_sum3A_235 = vector.broadcast %reduce_sum3A_234 : i1 to vector<16xi1>
    %reduce_sum3A_236 = tpu.scan <sum>, %convert_element_type3A_223 masked %reduce_sum3A_235 : vector<16xi32>, vector<16xi1> -> vector<16xi32>
    %reduce_sum3A_237 = vector.extract %reduce_sum3A_236[15] : i32 from vector<16xi32>
    %add3A_238 = arith.addi %add3A_209, %reduce_sum3A_237 : i32
    %not3A_239 = arith.constant dense<true> : vector<16xi1>
    %not3A_240 = arith.xori %ne3A_222, %not3A_239 : vector<16xi1>
    %convert_element_type3A_241 = arith.extui %not3A_240 : vector<16xi1> to vector<16xi32>
    %reduce_sum3A_242 = arith.constant true
    %reduce_sum3A_243 = vector.broadcast %reduce_sum3A_242 : i1 to vector<16xi1>
    %reduce_sum3A_244 = tpu.scan <sum>, %convert_element_type3A_241 masked %reduce_sum3A_243 : vector<16xi32>, vector<16xi1> -> vector<16xi32>
    %reduce_sum3A_245 = vector.extract %reduce_sum3A_244[15] : i32 from vector<16xi32>
    %add3A_246 = arith.addi %add3A_217, %reduce_sum3A_245 : i32
    %get3A_247 = arith.constant 112 : index
    %get3A_248 = tpu.vector_load %arg5[%get3A_247] {strides = array<i32>} : memref<384xf32, #tpu.memory_space<vmem>>, vector<16xf32>,
    %ne3A_249 = arith.constant 0.000000e+00 : f32
    %ne3A_250 = vector.broadcast %ne3A_249 : f32 to vector<16xf32>
    %ne3A_251 = arith.cmpf one, %get3A_248, %ne3A_250 : vector<16xf32>
    %convert_element_type3A_252 = arith.extui %ne3A_251 : vector<16xi1> to vector<16xi32>
    %broadcast_in_dim3A_253 = arith.constant true
    %broadcast_in_dim3A_254 = vector.broadcast %broadcast_in_dim3A_253 : i1 to vector<16xi1>
    %masked_cumsum3A_255 = tpu.scan <sum>, %convert_element_type3A_252 masked %broadcast_in_dim3A_254 : vector<16xi32>, vector<16xi1> -> vector<16xi32>
    %add3A_256 = vector.broadcast %add3A_238 : i32 to vector<16xi32>
    %add3A_257 = arith.addi %add3A_256, %masked_cumsum3A_255 : vector<16xi32>
    %sub3A_258 = arith.subi %add3A_257, %convert_element_type3A_252 : vector<16xi32>
    %iota3A_259 = tpu.iota {dimensions = array<i32: 0>} : vector<16xi32>
    %add3A_260 = arith.constant 112 : i32
    %add3A_261 = vector.broadcast %add3A_260 : i32 to vector<16xi32>
    %add3A_262 = arith.addi %iota3A_259, %add3A_261 : vector<16xi32>
    tpu.vector_store_idx %arg6[%sub3A_258], %add3A_262 masked %ne3A_251 : memref<384xi32, #tpu.memory_space<vmem>>[vector<16xi32>], vector<16xi32>, vector<16xi1>
    %reduce_sum3A_263 = arith.constant true
    %reduce_sum3A_264 = vector.broadcast %reduce_sum3A_263 : i1 to vector<16xi1>
    %reduce_sum3A_265 = tpu.scan <sum>, %convert_element_type3A_252 masked %reduce_sum3A_264 : vector<16xi32>, vector<16xi1> -> vector<16xi32>
    %reduce_sum3A_266 = vector.extract %reduce_sum3A_265[15] : i32 from vector<16xi32>
    %add3A_267 = arith.addi %add3A_238, %reduce_sum3A_266 : i32
    %not3A_268 = arith.constant dense<true> : vector<16xi1>
    %not3A_269 = arith.xori %ne3A_251, %not3A_268 : vector<16xi1>
    %convert_element_type3A_270 = arith.extui %not3A_269 : vector<16xi1> to vector<16xi32>
    %reduce_sum3A_271 = arith.constant true
    %reduce_sum3A_272 = vector.broadcast %reduce_sum3A_271 : i1 to vector<16xi1>
    %reduce_sum3A_273 = tpu.scan <sum>, %convert_element_type3A_270 masked %reduce_sum3A_272 : vector<16xi32>, vector<16xi1> -> vector<16xi32>
    %reduce_sum3A_274 = vector.extract %reduce_sum3A_273[15] : i32 from vector<16xi32>
    %add3A_275 = arith.addi %add3A_246, %reduce_sum3A_274 : i32
    %get3A_276 = arith.constant 128 : index
    %get3A_277 = tpu.vector_load %arg5[%get3A_276] {strides = array<i32>} : memref<384xf32, #tpu.memory_space<vmem>>, vector<16xf32>,
    %ne3A_278 = arith.constant 0.000000e+00 : f32
    %ne3A_279 = vector.broadcast %ne3A_278 : f32 to vector<16xf32>
    %ne3A_280 = arith.cmpf one, %get3A_277, %ne3A_279 : vector<16xf32>
    %convert_element_type3A_281 = arith.extui %ne3A_280 : vector<16xi1> to vector<16xi32>
    %broadcast_in_dim3A_282 = arith.constant true
    %broadcast_in_dim3A_283 = vector.broadcast %broadcast_in_dim3A_282 : i1 to vector<16xi1>
    %masked_cumsum3A_284 = tpu.scan <sum>, %convert_element_type3A_281 masked %broadcast_in_dim3A_283 : vector<16xi32>, vector<16xi1> -> vector<16xi32>
    %add3A_285 = vector.broadcast %add3A_267 : i32 to vector<16xi32>
    %add3A_286 = arith.addi %add3A_285, %masked_cumsum3A_284 : vector<16xi32>
    %sub3A_287 = arith.subi %add3A_286, %convert_element_type3A_281 : vector<16xi32>
    %iota3A_288 = tpu.iota {dimensions = array<i32: 0>} : vector<16xi32>
    %add3A_289 = arith.constant 128 : i32
    %add3A_290 = vector.broadcast %add3A_289 : i32 to vector<16xi32>
    %add3A_291 = arith.addi %iota3A_288, %add3A_290 : vector<16xi32>
    tpu.vector_store_idx %arg6[%sub3A_287], %add3A_291 masked %ne3A_280 : memref<384xi32, #tpu.memory_space<vmem>>[vector<16xi32>], vector<16xi32>, vector<16xi1>
    %reduce_sum3A_292 = arith.constant true
    %reduce_sum3A_293 = vector.broadcast %reduce_sum3A_292 : i1 to vector<16xi1>
    %reduce_sum3A_294 = tpu.scan <sum>, %convert_element_type3A_281 masked %reduce_sum3A_293 : vector<16xi32>, vector<16xi1> -> vector<16xi32>
    %reduce_sum3A_295 = vector.extract %reduce_sum3A_294[15] : i32 from vector<16xi32>
    %add3A_296 = arith.addi %add3A_267, %reduce_sum3A_295 : i32
    %not3A_297 = arith.constant dense<true> : vector<16xi1>
    %not3A_298 = arith.xori %ne3A_280, %not3A_297 : vector<16xi1>
    %convert_element_type3A_299 = arith.extui %not3A_298 : vector<16xi1> to vector<16xi32>
    %reduce_sum3A_300 = arith.constant true
    %reduce_sum3A_301 = vector.broadcast %reduce_sum3A_300 : i1 to vector<16xi1>
    %reduce_sum3A_302 = tpu.scan <sum>, %convert_element_type3A_299 masked %reduce_sum3A_301 : vector<16xi32>, vector<16xi1> -> vector<16xi32>
    %reduce_sum3A_303 = vector.extract %reduce_sum3A_302[15] : i32 from vector<16xi32>
    %add3A_304 = arith.addi %add3A_275, %reduce_sum3A_303 : i32
    %get3A_305 = arith.constant 144 : index
    %get3A_306 = tpu.vector_load %arg5[%get3A_305] {strides = array<i32>} : memref<384xf32, #tpu.memory_space<vmem>>, vector<16xf32>,
    %ne3A_307 = arith.constant 0.000000e+00 : f32
    %ne3A_308 = vector.broadcast %ne3A_307 : f32 to vector<16xf32>
    %ne3A_309 = arith.cmpf one, %get3A_306, %ne3A_308 : vector<16xf32>
    %convert_element_type3A_310 = arith.extui %ne3A_309 : vector<16xi1> to vector<16xi32>
    %broadcast_in_dim3A_311 = arith.constant true
    %broadcast_in_dim3A_312 = vector.broadcast %broadcast_in_dim3A_311 : i1 to vector<16xi1>
    %masked_cumsum3A_313 = tpu.scan <sum>, %convert_element_type3A_310 masked %broadcast_in_dim3A_312 : vector<16xi32>, vector<16xi1> -> vector<16xi32>
    %add3A_314 = vector.broadcast %add3A_296 : i32 to vector<16xi32>
    %add3A_315 = arith.addi %add3A_314, %masked_cumsum3A_313 : vector<16xi32>
    %sub3A_316 = arith.subi %add3A_315, %convert_element_type3A_310 : vector<16xi32>
    %iota3A_317 = tpu.iota {dimensions = array<i32: 0>} : vector<16xi32>
    %add3A_318 = arith.constant 144 : i32
    %add3A_319 = vector.broadcast %add3A_318 : i32 to vector<16xi32>
    %add3A_320 = arith.addi %iota3A_317, %add3A_319 : vector<16xi32>
    tpu.vector_store_idx %arg6[%sub3A_316], %add3A_320 masked %ne3A_309 : memref<384xi32, #tpu.memory_space<vmem>>[vector<16xi32>], vector<16xi32>, vector<16xi1>
    %reduce_sum3A_321 = arith.constant true
    %reduce_sum3A_322 = vector.broadcast %reduce_sum3A_321 : i1 to vector<16xi1>
    %reduce_sum3A_323 = tpu.scan <sum>, %convert_element_type3A_310 masked %reduce_sum3A_322 : vector<16xi32>, vector<16xi1> -> vector<16xi32>
    %reduce_sum3A_324 = vector.extract %reduce_sum3A_323[15] : i32 from vector<16xi32>
    %add3A_325 = arith.addi %add3A_296, %reduce_sum3A_324 : i32
    %not3A_326 = arith.constant dense<true> : vector<16xi1>
    %not3A_327 = arith.xori %ne3A_309, %not3A_326 : vector<16xi1>
    %convert_element_type3A_328 = arith.extui %not3A_327 : vector<16xi1> to vector<16xi32>
    %reduce_sum3A_329 = arith.constant true
    %reduce_sum3A_330 = vector.broadcast %reduce_sum3A_329 : i1 to vector<16xi1>
    %reduce_sum3A_331 = tpu.scan <sum>, %convert_element_type3A_328 masked %reduce_sum3A_330 : vector<16xi32>, vector<16xi1> -> vector<16xi32>
    %reduce_sum3A_332 = vector.extract %reduce_sum3A_331[15] : i32 from vector<16xi32>
    %add3A_333 = arith.addi %add3A_304, %reduce_sum3A_332 : i32
    %get3A_334 = arith.constant 160 : index
    %get3A_335 = tpu.vector_load %arg5[%get3A_334] {strides = array<i32>} : memref<384xf32, #tpu.memory_space<vmem>>, vector<16xf32>,
    %ne3A_336 = arith.constant 0.000000e+00 : f32
    %ne3A_337 = vector.broadcast %ne3A_336 : f32 to vector<16xf32>
    %ne3A_338 = arith.cmpf one, %get3A_335, %ne3A_337 : vector<16xf32>
    %convert_element_type3A_339 = arith.extui %ne3A_338 : vector<16xi1> to vector<16xi32>
    %broadcast_in_dim3A_340 = arith.constant true
    %broadcast_in_dim3A_341 = vector.broadcast %broadcast_in_dim3A_340 : i1 to vector<16xi1>
    %masked_cumsum3A_342 = tpu.scan <sum>, %convert_element_type3A_339 masked %broadcast_in_dim3A_341 : vector<16xi32>, vector<16xi1> -> vector<16xi32>
    %add3A_343 = vector.broadcast %add3A_325 : i32 to vector<16xi32>
    %add3A_344 = arith.addi %add3A_343, %masked_cumsum3A_342 : vector<16xi32>
    %sub3A_345 = arith.subi %add3A_344, %convert_element_type3A_339 : vector<16xi32>
    %iota3A_346 = tpu.iota {dimensions = array<i32: 0>} : vector<16xi32>
    %add3A_347 = arith.constant 160 : i32
    %add3A_348 = vector.broadcast %add3A_347 : i32 to vector<16xi32>
    %add3A_349 = arith.addi %iota3A_346, %add3A_348 : vector<16xi32>
    tpu.vector_store_idx %arg6[%sub3A_345], %add3A_349 masked %ne3A_338 : memref<384xi32, #tpu.memory_space<vmem>>[vector<16xi32>], vector<16xi32>, vector<16xi1>
    %reduce_sum3A_350 = arith.constant true
    %reduce_sum3A_351 = vector.broadcast %reduce_sum3A_350 : i1 to vector<16xi1>
    %reduce_sum3A_352 = tpu.scan <sum>, %convert_element_type3A_339 masked %reduce_sum3A_351 : vector<16xi32>, vector<16xi1> -> vector<16xi32>
    %reduce_sum3A_353 = vector.extract %reduce_sum3A_352[15] : i32 from vector<16xi32>
    %add3A_354 = arith.addi %add3A_325, %reduce_sum3A_353 : i32
    %not3A_355 = arith.constant dense<true> : vector<16xi1>
    %not3A_356 = arith.xori %ne3A_338, %not3A_355 : vector<16xi1>
    %convert_element_type3A_357 = arith.extui %not3A_356 : vector<16xi1> to vector<16xi32>
    %reduce_sum3A_358 = arith.constant true
    %reduce_sum3A_359 = vector.broadcast %reduce_sum3A_358 : i1 to vector<16xi1>
    %reduce_sum3A_360 = tpu.scan <sum>, %convert_element_type3A_357 masked %reduce_sum3A_359 : vector<16xi32>, vector<16xi1> -> vector<16xi32>
    %reduce_sum3A_361 = vector.extract %reduce_sum3A_360[15] : i32 from vector<16xi32>
    %add3A_362 = arith.addi %add3A_333, %reduce_sum3A_361 : i32
    %get3A_363 = arith.constant 176 : index
    %get3A_364 = tpu.vector_load %arg5[%get3A_363] {strides = array<i32>} : memref<384xf32, #tpu.memory_space<vmem>>, vector<16xf32>,
    %ne3A_365 = arith.constant 0.000000e+00 : f32
    %ne3A_366 = vector.broadcast %ne3A_365 : f32 to vector<16xf32>
    %ne3A_367 = arith.cmpf one, %get3A_364, %ne3A_366 : vector<16xf32>
    %convert_element_type3A_368 = arith.extui %ne3A_367 : vector<16xi1> to vector<16xi32>
    %broadcast_in_dim3A_369 = arith.constant true
    %broadcast_in_dim3A_370 = vector.broadcast %broadcast_in_dim3A_369 : i1 to vector<16xi1>
    %masked_cumsum3A_371 = tpu.scan <sum>, %convert_element_type3A_368 masked %broadcast_in_dim3A_370 : vector<16xi32>, vector<16xi1> -> vector<16xi32>
    %add3A_372 = vector.broadcast %add3A_354 : i32 to vector<16xi32>
    %add3A_373 = arith.addi %add3A_372, %masked_cumsum3A_371 : vector<16xi32>
    %sub3A_374 = arith.subi %add3A_373, %convert_element_type3A_368 : vector<16xi32>
    %iota3A_375 = tpu.iota {dimensions = array<i32: 0>} : vector<16xi32>
    %add3A_376 = arith.constant 176 : i32
    %add3A_377 = vector.broadcast %add3A_376 : i32 to vector<16xi32>
    %add3A_378 = arith.addi %iota3A_375, %add3A_377 : vector<16xi32>
    tpu.vector_store_idx %arg6[%sub3A_374], %add3A_378 masked %ne3A_367 : memref<384xi32, #tpu.memory_space<vmem>>[vector<16xi32>], vector<16xi32>, vector<16xi1>
    %reduce_sum3A_379 = arith.constant true
    %reduce_sum3A_380 = vector.broadcast %reduce_sum3A_379 : i1 to vector<16xi1>
    %reduce_sum3A_381 = tpu.scan <sum>, %convert_element_type3A_368 masked %reduce_sum3A_380 : vector<16xi32>, vector<16xi1> -> vector<16xi32>
    %reduce_sum3A_382 = vector.extract %reduce_sum3A_381[15] : i32 from vector<16xi32>
    %add3A_383 = arith.addi %add3A_354, %reduce_sum3A_382 : i32
    %not3A_384 = arith.constant dense<true> : vector<16xi1>
    %not3A_385 = arith.xori %ne3A_367, %not3A_384 : vector<16xi1>
    %convert_element_type3A_386 = arith.extui %not3A_385 : vector<16xi1> to vector<16xi32>
    %reduce_sum3A_387 = arith.constant true
    %reduce_sum3A_388 = vector.broadcast %reduce_sum3A_387 : i1 to vector<16xi1>
    %reduce_sum3A_389 = tpu.scan <sum>, %convert_element_type3A_386 masked %reduce_sum3A_388 : vector<16xi32>, vector<16xi1> -> vector<16xi32>
    %reduce_sum3A_390 = vector.extract %reduce_sum3A_389[15] : i32 from vector<16xi32>
    %add3A_391 = arith.addi %add3A_362, %reduce_sum3A_390 : i32
    %get3A_392 = arith.constant 192 : index
    %get3A_393 = tpu.vector_load %arg5[%get3A_392] {strides = array<i32>} : memref<384xf32, #tpu.memory_space<vmem>>, vector<16xf32>,
    %ne3A_394 = arith.constant 0.000000e+00 : f32
    %ne3A_395 = vector.broadcast %ne3A_394 : f32 to vector<16xf32>
    %ne3A_396 = arith.cmpf one, %get3A_393, %ne3A_395 : vector<16xf32>
    %convert_element_type3A_397 = arith.extui %ne3A_396 : vector<16xi1> to vector<16xi32>
    %broadcast_in_dim3A_398 = arith.constant true
    %broadcast_in_dim3A_399 = vector.broadcast %broadcast_in_dim3A_398 : i1 to vector<16xi1>
    %masked_cumsum3A_400 = tpu.scan <sum>, %convert_element_type3A_397 masked %broadcast_in_dim3A_399 : vector<16xi32>, vector<16xi1> -> vector<16xi32>
    %add3A_401 = vector.broadcast %add3A_383 : i32 to vector<16xi32>
    %add3A_402 = arith.addi %add3A_401, %masked_cumsum3A_400 : vector<16xi32>
    %sub3A_403 = arith.subi %add3A_402, %convert_element_type3A_397 : vector<16xi32>
    %iota3A_404 = tpu.iota {dimensions = array<i32: 0>} : vector<16xi32>
    %add3A_405 = arith.constant 192 : i32
    %add3A_406 = vector.broadcast %add3A_405 : i32 to vector<16xi32>
    %add3A_407 = arith.addi %iota3A_404, %add3A_406 : vector<16xi32>
    tpu.vector_store_idx %arg6[%sub3A_403], %add3A_407 masked %ne3A_396 : memref<384xi32, #tpu.memory_space<vmem>>[vector<16xi32>], vector<16xi32>, vector<16xi1>
    %reduce_sum3A_408 = arith.constant true
    %reduce_sum3A_409 = vector.broadcast %reduce_sum3A_408 : i1 to vector<16xi1>
    %reduce_sum3A_410 = tpu.scan <sum>, %convert_element_type3A_397 masked %reduce_sum3A_409 : vector<16xi32>, vector<16xi1> -> vector<16xi32>
    %reduce_sum3A_411 = vector.extract %reduce_sum3A_410[15] : i32 from vector<16xi32>
    %add3A_412 = arith.addi %add3A_383, %reduce_sum3A_411 : i32
    %not3A_413 = arith.constant dense<true> : vector<16xi1>
    %not3A_414 = arith.xori %ne3A_396, %not3A_413 : vector<16xi1>
    %convert_element_type3A_415 = arith.extui %not3A_414 : vector<16xi1> to vector<16xi32>
    %reduce_sum3A_416 = arith.constant true
    %reduce_sum3A_417 = vector.broadcast %reduce_sum3A_416 : i1 to vector<16xi1>
    %reduce_sum3A_418 = tpu.scan <sum>, %convert_element_type3A_415 masked %reduce_sum3A_417 : vector<16xi32>, vector<16xi1> -> vector<16xi32>
    %reduce_sum3A_419 = vector.extract %reduce_sum3A_418[15] : i32 from vector<16xi32>
    %add3A_420 = arith.addi %add3A_391, %reduce_sum3A_419 : i32
    %get3A_421 = arith.constant 208 : index
    %get3A_422 = tpu.vector_load %arg5[%get3A_421] {strides = array<i32>} : memref<384xf32, #tpu.memory_space<vmem>>, vector<16xf32>,
    %ne3A_423 = arith.constant 0.000000e+00 : f32
    %ne3A_424 = vector.broadcast %ne3A_423 : f32 to vector<16xf32>
    %ne3A_425 = arith.cmpf one, %get3A_422, %ne3A_424 : vector<16xf32>
    %convert_element_type3A_426 = arith.extui %ne3A_425 : vector<16xi1> to vector<16xi32>
    %broadcast_in_dim3A_427 = arith.constant true
    %broadcast_in_dim3A_428 = vector.broadcast %broadcast_in_dim3A_427 : i1 to vector<16xi1>
    %masked_cumsum3A_429 = tpu.scan <sum>, %convert_element_type3A_426 masked %broadcast_in_dim3A_428 : vector<16xi32>, vector<16xi1> -> vector<16xi32>
    %add3A_430 = vector.broadcast %add3A_412 : i32 to vector<16xi32>
    %add3A_431 = arith.addi %add3A_430, %masked_cumsum3A_429 : vector<16xi32>
    %sub3A_432 = arith.subi %add3A_431, %convert_element_type3A_426 : vector<16xi32>
    %iota3A_433 = tpu.iota {dimensions = array<i32: 0>} : vector<16xi32>
    %add3A_434 = arith.constant 208 : i32
    %add3A_435 = vector.broadcast %add3A_434 : i32 to vector<16xi32>
    %add3A_436 = arith.addi %iota3A_433, %add3A_435 : vector<16xi32>
    tpu.vector_store_idx %arg6[%sub3A_432], %add3A_436 masked %ne3A_425 : memref<384xi32, #tpu.memory_space<vmem>>[vector<16xi32>], vector<16xi32>, vector<16xi1>
    %reduce_sum3A_437 = arith.constant true
    %reduce_sum3A_438 = vector.broadcast %reduce_sum3A_437 : i1 to vector<16xi1>
    %reduce_sum3A_439 = tpu.scan <sum>, %convert_element_type3A_426 masked %reduce_sum3A_438 : vector<16xi32>, vector<16xi1> -> vector<16xi32>
    %reduce_sum3A_440 = vector.extract %reduce_sum3A_439[15] : i32 from vector<16xi32>
    %add3A_441 = arith.addi %add3A_412, %reduce_sum3A_440 : i32
    %not3A_442 = arith.constant dense<true> : vector<16xi1>
    %not3A_443 = arith.xori %ne3A_425, %not3A_442 : vector<16xi1>
    %convert_element_type3A_444 = arith.extui %not3A_443 : vector<16xi1> to vector<16xi32>
    %reduce_sum3A_445 = arith.constant true
    %reduce_sum3A_446 = vector.broadcast %reduce_sum3A_445 : i1 to vector<16xi1>
    %reduce_sum3A_447 = tpu.scan <sum>, %convert_element_type3A_444 masked %reduce_sum3A_446 : vector<16xi32>, vector<16xi1> -> vector<16xi32>
    %reduce_sum3A_448 = vector.extract %reduce_sum3A_447[15] : i32 from vector<16xi32>
    %add3A_449 = arith.addi %add3A_420, %reduce_sum3A_448 : i32
    %get3A_450 = arith.constant 224 : index
    %get3A_451 = tpu.vector_load %arg5[%get3A_450] {strides = array<i32>} : memref<384xf32, #tpu.memory_space<vmem>>, vector<16xf32>,
    %ne3A_452 = arith.constant 0.000000e+00 : f32
    %ne3A_453 = vector.broadcast %ne3A_452 : f32 to vector<16xf32>
    %ne3A_454 = arith.cmpf one, %get3A_451, %ne3A_453 : vector<16xf32>
    %convert_element_type3A_455 = arith.extui %ne3A_454 : vector<16xi1> to vector<16xi32>
    %broadcast_in_dim3A_456 = arith.constant true
    %broadcast_in_dim3A_457 = vector.broadcast %broadcast_in_dim3A_456 : i1 to vector<16xi1>
    %masked_cumsum3A_458 = tpu.scan <sum>, %convert_element_type3A_455 masked %broadcast_in_dim3A_457 : vector<16xi32>, vector<16xi1> -> vector<16xi32>
    %add3A_459 = vector.broadcast %add3A_441 : i32 to vector<16xi32>
    %add3A_460 = arith.addi %add3A_459, %masked_cumsum3A_458 : vector<16xi32>
    %sub3A_461 = arith.subi %add3A_460, %convert_element_type3A_455 : vector<16xi32>
    %iota3A_462 = tpu.iota {dimensions = array<i32: 0>} : vector<16xi32>
    %add3A_463 = arith.constant 224 : i32
    %add3A_464 = vector.broadcast %add3A_463 : i32 to vector<16xi32>
    %add3A_465 = arith.addi %iota3A_462, %add3A_464 : vector<16xi32>
    tpu.vector_store_idx %arg6[%sub3A_461], %add3A_465 masked %ne3A_454 : memref<384xi32, #tpu.memory_space<vmem>>[vector<16xi32>], vector<16xi32>, vector<16xi1>
    %reduce_sum3A_466 = arith.constant true
    %reduce_sum3A_467 = vector.broadcast %reduce_sum3A_466 : i1 to vector<16xi1>
    %reduce_sum3A_468 = tpu.scan <sum>, %convert_element_type3A_455 masked %reduce_sum3A_467 : vector<16xi32>, vector<16xi1> -> vector<16xi32>
    %reduce_sum3A_469 = vector.extract %reduce_sum3A_468[15] : i32 from vector<16xi32>
    %add3A_470 = arith.addi %add3A_441, %reduce_sum3A_469 : i32
    %not3A_471 = arith.constant dense<true> : vector<16xi1>
    %not3A_472 = arith.xori %ne3A_454, %not3A_471 : vector<16xi1>
    %convert_element_type3A_473 = arith.extui %not3A_472 : vector<16xi1> to vector<16xi32>
    %reduce_sum3A_474 = arith.constant true
    %reduce_sum3A_475 = vector.broadcast %reduce_sum3A_474 : i1 to vector<16xi1>
    %reduce_sum3A_476 = tpu.scan <sum>, %convert_element_type3A_473 masked %reduce_sum3A_475 : vector<16xi32>, vector<16xi1> -> vector<16xi32>
    %reduce_sum3A_477 = vector.extract %reduce_sum3A_476[15] : i32 from vector<16xi32>
    %add3A_478 = arith.addi %add3A_449, %reduce_sum3A_477 : i32
    %get3A_479 = arith.constant 240 : index
    %get3A_480 = tpu.vector_load %arg5[%get3A_479] {strides = array<i32>} : memref<384xf32, #tpu.memory_space<vmem>>, vector<16xf32>,
    %ne3A_481 = arith.constant 0.000000e+00 : f32
    %ne3A_482 = vector.broadcast %ne3A_481 : f32 to vector<16xf32>
    %ne3A_483 = arith.cmpf one, %get3A_480, %ne3A_482 : vector<16xf32>
    %convert_element_type3A_484 = arith.extui %ne3A_483 : vector<16xi1> to vector<16xi32>
    %broadcast_in_dim3A_485 = arith.constant true
    %broadcast_in_dim3A_486 = vector.broadcast %broadcast_in_dim3A_485 : i1 to vector<16xi1>
    %masked_cumsum3A_487 = tpu.scan <sum>, %convert_element_type3A_484 masked %broadcast_in_dim3A_486 : vector<16xi32>, vector<16xi1> -> vector<16xi32>
    %add3A_488 = vector.broadcast %add3A_470 : i32 to vector<16xi32>
    %add3A_489 = arith.addi %add3A_488, %masked_cumsum3A_487 : vector<16xi32>
    %sub3A_490 = arith.subi %add3A_489, %convert_element_type3A_484 : vector<16xi32>
    %iota3A_491 = tpu.iota {dimensions = array<i32: 0>} : vector<16xi32>
    %add3A_492 = arith.constant 240 : i32
    %add3A_493 = vector.broadcast %add3A_492 : i32 to vector<16xi32>
    %add3A_494 = arith.addi %iota3A_491, %add3A_493 : vector<16xi32>
    tpu.vector_store_idx %arg6[%sub3A_490], %add3A_494 masked %ne3A_483 : memref<384xi32, #tpu.memory_space<vmem>>[vector<16xi32>], vector<16xi32>, vector<16xi1>
    %reduce_sum3A_495 = arith.constant true
    %reduce_sum3A_496 = vector.broadcast %reduce_sum3A_495 : i1 to vector<16xi1>
    %reduce_sum3A_497 = tpu.scan <sum>, %convert_element_type3A_484 masked %reduce_sum3A_496 : vector<16xi32>, vector<16xi1> -> vector<16xi32>
    %reduce_sum3A_498 = vector.extract %reduce_sum3A_497[15] : i32 from vector<16xi32>
    %add3A_499 = arith.addi %add3A_470, %reduce_sum3A_498 : i32
    %not3A_500 = arith.constant dense<true> : vector<16xi1>
    %not3A_501 = arith.xori %ne3A_483, %not3A_500 : vector<16xi1>
    %convert_element_type3A_502 = arith.extui %not3A_501 : vector<16xi1> to vector<16xi32>
    %reduce_sum3A_503 = arith.constant true
    %reduce_sum3A_504 = vector.broadcast %reduce_sum3A_503 : i1 to vector<16xi1>
    %reduce_sum3A_505 = tpu.scan <sum>, %convert_element_type3A_502 masked %reduce_sum3A_504 : vector<16xi32>, vector<16xi1> -> vector<16xi32>
    %reduce_sum3A_506 = vector.extract %reduce_sum3A_505[15] : i32 from vector<16xi32>
    %add3A_507 = arith.addi %add3A_478, %reduce_sum3A_506 : i32
    %get3A_508 = arith.constant 256 : index
    %get3A_509 = tpu.vector_load %arg5[%get3A_508] {strides = array<i32>} : memref<384xf32, #tpu.memory_space<vmem>>, vector<16xf32>,
    %ne3A_510 = arith.constant 0.000000e+00 : f32
    %ne3A_511 = vector.broadcast %ne3A_510 : f32 to vector<16xf32>
    %ne3A_512 = arith.cmpf one, %get3A_509, %ne3A_511 : vector<16xf32>
    %convert_element_type3A_513 = arith.extui %ne3A_512 : vector<16xi1> to vector<16xi32>
    %broadcast_in_dim3A_514 = arith.constant true
    %broadcast_in_dim3A_515 = vector.broadcast %broadcast_in_dim3A_514 : i1 to vector<16xi1>
    %masked_cumsum3A_516 = tpu.scan <sum>, %convert_element_type3A_513 masked %broadcast_in_dim3A_515 : vector<16xi32>, vector<16xi1> -> vector<16xi32>
    %add3A_517 = vector.broadcast %add3A_499 : i32 to vector<16xi32>
    %add3A_518 = arith.addi %add3A_517, %masked_cumsum3A_516 : vector<16xi32>
    %sub3A_519 = arith.subi %add3A_518, %convert_element_type3A_513 : vector<16xi32>
    %iota3A_520 = tpu.iota {dimensions = array<i32: 0>} : vector<16xi32>
    %add3A_521 = arith.constant 256 : i32
    %add3A_522 = vector.broadcast %add3A_521 : i32 to vector<16xi32>
    %add3A_523 = arith.addi %iota3A_520, %add3A_522 : vector<16xi32>
    tpu.vector_store_idx %arg6[%sub3A_519], %add3A_523 masked %ne3A_512 : memref<384xi32, #tpu.memory_space<vmem>>[vector<16xi32>], vector<16xi32>, vector<16xi1>
    %reduce_sum3A_524 = arith.constant true
    %reduce_sum3A_525 = vector.broadcast %reduce_sum3A_524 : i1 to vector<16xi1>
    %reduce_sum3A_526 = tpu.scan <sum>, %convert_element_type3A_513 masked %reduce_sum3A_525 : vector<16xi32>, vector<16xi1> -> vector<16xi32>
    %reduce_sum3A_527 = vector.extract %reduce_sum3A_526[15] : i32 from vector<16xi32>
    %add3A_528 = arith.addi %add3A_499, %reduce_sum3A_527 : i32
    %not3A_529 = arith.constant dense<true> : vector<16xi1>
    %not3A_530 = arith.xori %ne3A_512, %not3A_529 : vector<16xi1>
    %convert_element_type3A_531 = arith.extui %not3A_530 : vector<16xi1> to vector<16xi32>
    %reduce_sum3A_532 = arith.constant true
    %reduce_sum3A_533 = vector.broadcast %reduce_sum3A_532 : i1 to vector<16xi1>
    %reduce_sum3A_534 = tpu.scan <sum>, %convert_element_type3A_531 masked %reduce_sum3A_533 : vector<16xi32>, vector<16xi1> -> vector<16xi32>
    %reduce_sum3A_535 = vector.extract %reduce_sum3A_534[15] : i32 from vector<16xi32>
    %add3A_536 = arith.addi %add3A_507, %reduce_sum3A_535 : i32
    %get3A_537 = arith.constant 272 : index
    %get3A_538 = tpu.vector_load %arg5[%get3A_537] {strides = array<i32>} : memref<384xf32, #tpu.memory_space<vmem>>, vector<16xf32>,
    %ne3A_539 = arith.constant 0.000000e+00 : f32
    %ne3A_540 = vector.broadcast %ne3A_539 : f32 to vector<16xf32>
    %ne3A_541 = arith.cmpf one, %get3A_538, %ne3A_540 : vector<16xf32>
    %convert_element_type3A_542 = arith.extui %ne3A_541 : vector<16xi1> to vector<16xi32>
    %broadcast_in_dim3A_543 = arith.constant true
    %broadcast_in_dim3A_544 = vector.broadcast %broadcast_in_dim3A_543 : i1 to vector<16xi1>
    %masked_cumsum3A_545 = tpu.scan <sum>, %convert_element_type3A_542 masked %broadcast_in_dim3A_544 : vector<16xi32>, vector<16xi1> -> vector<16xi32>
    %add3A_546 = vector.broadcast %add3A_528 : i32 to vector<16xi32>
    %add3A_547 = arith.addi %add3A_546, %masked_cumsum3A_545 : vector<16xi32>
    %sub3A_548 = arith.subi %add3A_547, %convert_element_type3A_542 : vector<16xi32>
    %iota3A_549 = tpu.iota {dimensions = array<i32: 0>} : vector<16xi32>
    %add3A_550 = arith.constant 272 : i32
    %add3A_551 = vector.broadcast %add3A_550 : i32 to vector<16xi32>
    %add3A_552 = arith.addi %iota3A_549, %add3A_551 : vector<16xi32>
    tpu.vector_store_idx %arg6[%sub3A_548], %add3A_552 masked %ne3A_541 : memref<384xi32, #tpu.memory_space<vmem>>[vector<16xi32>], vector<16xi32>, vector<16xi1>
    %reduce_sum3A_553 = arith.constant true
    %reduce_sum3A_554 = vector.broadcast %reduce_sum3A_553 : i1 to vector<16xi1>
    %reduce_sum3A_555 = tpu.scan <sum>, %convert_element_type3A_542 masked %reduce_sum3A_554 : vector<16xi32>, vector<16xi1> -> vector<16xi32>
    %reduce_sum3A_556 = vector.extract %reduce_sum3A_555[15] : i32 from vector<16xi32>
    %add3A_557 = arith.addi %add3A_528, %reduce_sum3A_556 : i32
    %not3A_558 = arith.constant dense<true> : vector<16xi1>
    %not3A_559 = arith.xori %ne3A_541, %not3A_558 : vector<16xi1>
    %convert_element_type3A_560 = arith.extui %not3A_559 : vector<16xi1> to vector<16xi32>
    %reduce_sum3A_561 = arith.constant true
    %reduce_sum3A_562 = vector.broadcast %reduce_sum3A_561 : i1 to vector<16xi1>
    %reduce_sum3A_563 = tpu.scan <sum>, %convert_element_type3A_560 masked %reduce_sum3A_562 : vector<16xi32>, vector<16xi1> -> vector<16xi32>
    %reduce_sum3A_564 = vector.extract %reduce_sum3A_563[15] : i32 from vector<16xi32>
    %add3A_565 = arith.addi %add3A_536, %reduce_sum3A_564 : i32
    %get3A_566 = arith.constant 288 : index
    %get3A_567 = tpu.vector_load %arg5[%get3A_566] {strides = array<i32>} : memref<384xf32, #tpu.memory_space<vmem>>, vector<16xf32>,
    %ne3A_568 = arith.constant 0.000000e+00 : f32
    %ne3A_569 = vector.broadcast %ne3A_568 : f32 to vector<16xf32>
    %ne3A_570 = arith.cmpf one, %get3A_567, %ne3A_569 : vector<16xf32>
    %convert_element_type3A_571 = arith.extui %ne3A_570 : vector<16xi1> to vector<16xi32>
    %broadcast_in_dim3A_572 = arith.constant true
    %broadcast_in_dim3A_573 = vector.broadcast %broadcast_in_dim3A_572 : i1 to vector<16xi1>
    %masked_cumsum3A_574 = tpu.scan <sum>, %convert_element_type3A_571 masked %broadcast_in_dim3A_573 : vector<16xi32>, vector<16xi1> -> vector<16xi32>
    %add3A_575 = vector.broadcast %add3A_557 : i32 to vector<16xi32>
    %add3A_576 = arith.addi %add3A_575, %masked_cumsum3A_574 : vector<16xi32>
    %sub3A_577 = arith.subi %add3A_576, %convert_element_type3A_571 : vector<16xi32>
    %iota3A_578 = tpu.iota {dimensions = array<i32: 0>} : vector<16xi32>
    %add3A_579 = arith.constant 288 : i32
    %add3A_580 = vector.broadcast %add3A_579 : i32 to vector<16xi32>
    %add3A_581 = arith.addi %iota3A_578, %add3A_580 : vector<16xi32>
    tpu.vector_store_idx %arg6[%sub3A_577], %add3A_581 masked %ne3A_570 : memref<384xi32, #tpu.memory_space<vmem>>[vector<16xi32>], vector<16xi32>, vector<16xi1>
    %reduce_sum3A_582 = arith.constant true
    %reduce_sum3A_583 = vector.broadcast %reduce_sum3A_582 : i1 to vector<16xi1>
    %reduce_sum3A_584 = tpu.scan <sum>, %convert_element_type3A_571 masked %reduce_sum3A_583 : vector<16xi32>, vector<16xi1> -> vector<16xi32>
    %reduce_sum3A_585 = vector.extract %reduce_sum3A_584[15] : i32 from vector<16xi32>
    %add3A_586 = arith.addi %add3A_557, %reduce_sum3A_585 : i32
    %not3A_587 = arith.constant dense<true> : vector<16xi1>
    %not3A_588 = arith.xori %ne3A_570, %not3A_587 : vector<16xi1>
    %convert_element_type3A_589 = arith.extui %not3A_588 : vector<16xi1> to vector<16xi32>
    %reduce_sum3A_590 = arith.constant true
    %reduce_sum3A_591 = vector.broadcast %reduce_sum3A_590 : i1 to vector<16xi1>
    %reduce_sum3A_592 = tpu.scan <sum>, %convert_element_type3A_589 masked %reduce_sum3A_591 : vector<16xi32>, vector<16xi1> -> vector<16xi32>
    %reduce_sum3A_593 = vector.extract %reduce_sum3A_592[15] : i32 from vector<16xi32>
    %add3A_594 = arith.addi %add3A_565, %reduce_sum3A_593 : i32
    %get3A_595 = arith.constant 304 : index
    %get3A_596 = tpu.vector_load %arg5[%get3A_595] {strides = array<i32>} : memref<384xf32, #tpu.memory_space<vmem>>, vector<16xf32>,
    %ne3A_597 = arith.constant 0.000000e+00 : f32
    %ne3A_598 = vector.broadcast %ne3A_597 : f32 to vector<16xf32>
    %ne3A_599 = arith.cmpf one, %get3A_596, %ne3A_598 : vector<16xf32>
    %convert_element_type3A_600 = arith.extui %ne3A_599 : vector<16xi1> to vector<16xi32>
    %broadcast_in_dim3A_601 = arith.constant true
    %broadcast_in_dim3A_602 = vector.broadcast %broadcast_in_dim3A_601 : i1 to vector<16xi1>
    %masked_cumsum3A_603 = tpu.scan <sum>, %convert_element_type3A_600 masked %broadcast_in_dim3A_602 : vector<16xi32>, vector<16xi1> -> vector<16xi32>
    %add3A_604 = vector.broadcast %add3A_586 : i32 to vector<16xi32>
    %add3A_605 = arith.addi %add3A_604, %masked_cumsum3A_603 : vector<16xi32>
    %sub3A_606 = arith.subi %add3A_605, %convert_element_type3A_600 : vector<16xi32>
    %iota3A_607 = tpu.iota {dimensions = array<i32: 0>} : vector<16xi32>
    %add3A_608 = arith.constant 304 : i32
    %add3A_609 = vector.broadcast %add3A_608 : i32 to vector<16xi32>
    %add3A_610 = arith.addi %iota3A_607, %add3A_609 : vector<16xi32>
    tpu.vector_store_idx %arg6[%sub3A_606], %add3A_610 masked %ne3A_599 : memref<384xi32, #tpu.memory_space<vmem>>[vector<16xi32>], vector<16xi32>, vector<16xi1>
    %reduce_sum3A_611 = arith.constant true
    %reduce_sum3A_612 = vector.broadcast %reduce_sum3A_611 : i1 to vector<16xi1>
    %reduce_sum3A_613 = tpu.scan <sum>, %convert_element_type3A_600 masked %reduce_sum3A_612 : vector<16xi32>, vector<16xi1> -> vector<16xi32>
    %reduce_sum3A_614 = vector.extract %reduce_sum3A_613[15] : i32 from vector<16xi32>
    %add3A_615 = arith.addi %add3A_586, %reduce_sum3A_614 : i32
    %not3A_616 = arith.constant dense<true> : vector<16xi1>
    %not3A_617 = arith.xori %ne3A_599, %not3A_616 : vector<16xi1>
    %convert_element_type3A_618 = arith.extui %not3A_617 : vector<16xi1> to vector<16xi32>
    %reduce_sum3A_619 = arith.constant true
    %reduce_sum3A_620 = vector.broadcast %reduce_sum3A_619 : i1 to vector<16xi1>
    %reduce_sum3A_621 = tpu.scan <sum>, %convert_element_type3A_618 masked %reduce_sum3A_620 : vector<16xi32>, vector<16xi1> -> vector<16xi32>
    %reduce_sum3A_622 = vector.extract %reduce_sum3A_621[15] : i32 from vector<16xi32>
    %add3A_623 = arith.addi %add3A_594, %reduce_sum3A_622 : i32
    %get3A_624 = arith.constant 320 : index
    %get3A_625 = tpu.vector_load %arg5[%get3A_624] {strides = array<i32>} : memref<384xf32, #tpu.memory_space<vmem>>, vector<16xf32>,
    %ne3A_626 = arith.constant 0.000000e+00 : f32
    %ne3A_627 = vector.broadcast %ne3A_626 : f32 to vector<16xf32>
    %ne3A_628 = arith.cmpf one, %get3A_625, %ne3A_627 : vector<16xf32>
    %convert_element_type3A_629 = arith.extui %ne3A_628 : vector<16xi1> to vector<16xi32>
    %broadcast_in_dim3A_630 = arith.constant true
    %broadcast_in_dim3A_631 = vector.broadcast %broadcast_in_dim3A_630 : i1 to vector<16xi1>
    %masked_cumsum3A_632 = tpu.scan <sum>, %convert_element_type3A_629 masked %broadcast_in_dim3A_631 : vector<16xi32>, vector<16xi1> -> vector<16xi32>
    %add3A_633 = vector.broadcast %add3A_615 : i32 to vector<16xi32>
    %add3A_634 = arith.addi %add3A_633, %masked_cumsum3A_632 : vector<16xi32>
    %sub3A_635 = arith.subi %add3A_634, %convert_element_type3A_629 : vector<16xi32>
    %iota3A_636 = tpu.iota {dimensions = array<i32: 0>} : vector<16xi32>
    %add3A_637 = arith.constant 320 : i32
    %add3A_638 = vector.broadcast %add3A_637 : i32 to vector<16xi32>
    %add3A_639 = arith.addi %iota3A_636, %add3A_638 : vector<16xi32>
    tpu.vector_store_idx %arg6[%sub3A_635], %add3A_639 masked %ne3A_628 : memref<384xi32, #tpu.memory_space<vmem>>[vector<16xi32>], vector<16xi32>, vector<16xi1>
    %reduce_sum3A_640 = arith.constant true
    %reduce_sum3A_641 = vector.broadcast %reduce_sum3A_640 : i1 to vector<16xi1>
    %reduce_sum3A_642 = tpu.scan <sum>, %convert_element_type3A_629 masked %reduce_sum3A_641 : vector<16xi32>, vector<16xi1> -> vector<16xi32>
    %reduce_sum3A_643 = vector.extract %reduce_sum3A_642[15] : i32 from vector<16xi32>
    %add3A_644 = arith.addi %add3A_615, %reduce_sum3A_643 : i32
    %not3A_645 = arith.constant dense<true> : vector<16xi1>
    %not3A_646 = arith.xori %ne3A_628, %not3A_645 : vector<16xi1>
    %convert_element_type3A_647 = arith.extui %not3A_646 : vector<16xi1> to vector<16xi32>
    %reduce_sum3A_648 = arith.constant true
    %reduce_sum3A_649 = vector.broadcast %reduce_sum3A_648 : i1 to vector<16xi1>
    %reduce_sum3A_650 = tpu.scan <sum>, %convert_element_type3A_647 masked %reduce_sum3A_649 : vector<16xi32>, vector<16xi1> -> vector<16xi32>
    %reduce_sum3A_651 = vector.extract %reduce_sum3A_650[15] : i32 from vector<16xi32>
    %add3A_652 = arith.addi %add3A_623, %reduce_sum3A_651 : i32
    %get3A_653 = arith.constant 336 : index
    %get3A_654 = tpu.vector_load %arg5[%get3A_653] {strides = array<i32>} : memref<384xf32, #tpu.memory_space<vmem>>, vector<16xf32>,
    %ne3A_655 = arith.constant 0.000000e+00 : f32
    %ne3A_656 = vector.broadcast %ne3A_655 : f32 to vector<16xf32>
    %ne3A_657 = arith.cmpf one, %get3A_654, %ne3A_656 : vector<16xf32>
    %convert_element_type3A_658 = arith.extui %ne3A_657 : vector<16xi1> to vector<16xi32>
    %broadcast_in_dim3A_659 = arith.constant true
    %broadcast_in_dim3A_660 = vector.broadcast %broadcast_in_dim3A_659 : i1 to vector<16xi1>
    %masked_cumsum3A_661 = tpu.scan <sum>, %convert_element_type3A_658 masked %broadcast_in_dim3A_660 : vector<16xi32>, vector<16xi1> -> vector<16xi32>
    %add3A_662 = vector.broadcast %add3A_644 : i32 to vector<16xi32>
    %add3A_663 = arith.addi %add3A_662, %masked_cumsum3A_661 : vector<16xi32>
    %sub3A_664 = arith.subi %add3A_663, %convert_element_type3A_658 : vector<16xi32>
    %iota3A_665 = tpu.iota {dimensions = array<i32: 0>} : vector<16xi32>
    %add3A_666 = arith.constant 336 : i32
    %add3A_667 = vector.broadcast %add3A_666 : i32 to vector<16xi32>
    %add3A_668 = arith.addi %iota3A_665, %add3A_667 : vector<16xi32>
    tpu.vector_store_idx %arg6[%sub3A_664], %add3A_668 masked %ne3A_657 : memref<384xi32, #tpu.memory_space<vmem>>[vector<16xi32>], vector<16xi32>, vector<16xi1>
    %reduce_sum3A_669 = arith.constant true
    %reduce_sum3A_670 = vector.broadcast %reduce_sum3A_669 : i1 to vector<16xi1>
    %reduce_sum3A_671 = tpu.scan <sum>, %convert_element_type3A_658 masked %reduce_sum3A_670 : vector<16xi32>, vector<16xi1> -> vector<16xi32>
    %reduce_sum3A_672 = vector.extract %reduce_sum3A_671[15] : i32 from vector<16xi32>
    %add3A_673 = arith.addi %add3A_644, %reduce_sum3A_672 : i32
    %not3A_674 = arith.constant dense<true> : vector<16xi1>
    %not3A_675 = arith.xori %ne3A_657, %not3A_674 : vector<16xi1>
    %convert_element_type3A_676 = arith.extui %not3A_675 : vector<16xi1> to vector<16xi32>
    %reduce_sum3A_677 = arith.constant true
    %reduce_sum3A_678 = vector.broadcast %reduce_sum3A_677 : i1 to vector<16xi1>
    %reduce_sum3A_679 = tpu.scan <sum>, %convert_element_type3A_676 masked %reduce_sum3A_678 : vector<16xi32>, vector<16xi1> -> vector<16xi32>
    %reduce_sum3A_680 = vector.extract %reduce_sum3A_679[15] : i32 from vector<16xi32>
    %add3A_681 = arith.addi %add3A_652, %reduce_sum3A_680 : i32
    %get3A_682 = arith.constant 352 : index
    %get3A_683 = tpu.vector_load %arg5[%get3A_682] {strides = array<i32>} : memref<384xf32, #tpu.memory_space<vmem>>, vector<16xf32>,
    %ne3A_684 = arith.constant 0.000000e+00 : f32
    %ne3A_685 = vector.broadcast %ne3A_684 : f32 to vector<16xf32>
    %ne3A_686 = arith.cmpf one, %get3A_683, %ne3A_685 : vector<16xf32>
    %convert_element_type3A_687 = arith.extui %ne3A_686 : vector<16xi1> to vector<16xi32>
    %broadcast_in_dim3A_688 = arith.constant true
    %broadcast_in_dim3A_689 = vector.broadcast %broadcast_in_dim3A_688 : i1 to vector<16xi1>
    %masked_cumsum3A_690 = tpu.scan <sum>, %convert_element_type3A_687 masked %broadcast_in_dim3A_689 : vector<16xi32>, vector<16xi1> -> vector<16xi32>
    %add3A_691 = vector.broadcast %add3A_673 : i32 to vector<16xi32>
    %add3A_692 = arith.addi %add3A_691, %masked_cumsum3A_690 : vector<16xi32>
    %sub3A_693 = arith.subi %add3A_692, %convert_element_type3A_687 : vector<16xi32>
    %iota3A_694 = tpu.iota {dimensions = array<i32: 0>} : vector<16xi32>
    %add3A_695 = arith.constant 352 : i32
    %add3A_696 = vector.broadcast %add3A_695 : i32 to vector<16xi32>
    %add3A_697 = arith.addi %iota3A_694, %add3A_696 : vector<16xi32>
    tpu.vector_store_idx %arg6[%sub3A_693], %add3A_697 masked %ne3A_686 : memref<384xi32, #tpu.memory_space<vmem>>[vector<16xi32>], vector<16xi32>, vector<16xi1>
    %reduce_sum3A_698 = arith.constant true
    %reduce_sum3A_699 = vector.broadcast %reduce_sum3A_698 : i1 to vector<16xi1>
    %reduce_sum3A_700 = tpu.scan <sum>, %convert_element_type3A_687 masked %reduce_sum3A_699 : vector<16xi32>, vector<16xi1> -> vector<16xi32>
    %reduce_sum3A_701 = vector.extract %reduce_sum3A_700[15] : i32 from vector<16xi32>
    %add3A_702 = arith.addi %add3A_673, %reduce_sum3A_701 : i32
    %not3A_703 = arith.constant dense<true> : vector<16xi1>
    %not3A_704 = arith.xori %ne3A_686, %not3A_703 : vector<16xi1>
    %convert_element_type3A_705 = arith.extui %not3A_704 : vector<16xi1> to vector<16xi32>
    %reduce_sum3A_706 = arith.constant true
    %reduce_sum3A_707 = vector.broadcast %reduce_sum3A_706 : i1 to vector<16xi1>
    %reduce_sum3A_708 = tpu.scan <sum>, %convert_element_type3A_705 masked %reduce_sum3A_707 : vector<16xi32>, vector<16xi1> -> vector<16xi32>
    %reduce_sum3A_709 = vector.extract %reduce_sum3A_708[15] : i32 from vector<16xi32>
    %add3A_710 = arith.addi %add3A_681, %reduce_sum3A_709 : i32
    %get3A_711 = arith.constant 368 : index
    %get3A_712 = tpu.vector_load %arg5[%get3A_711] {strides = array<i32>} : memref<384xf32, #tpu.memory_space<vmem>>, vector<16xf32>,
    %ne3A_713 = arith.constant 0.000000e+00 : f32
    %ne3A_714 = vector.broadcast %ne3A_713 : f32 to vector<16xf32>
    %ne3A_715 = arith.cmpf one, %get3A_712, %ne3A_714 : vector<16xf32>
    %convert_element_type3A_716 = arith.extui %ne3A_715 : vector<16xi1> to vector<16xi32>
    %broadcast_in_dim3A_717 = arith.constant true
    %broadcast_in_dim3A_718 = vector.broadcast %broadcast_in_dim3A_717 : i1 to vector<16xi1>
    %masked_cumsum3A_719 = tpu.scan <sum>, %convert_element_type3A_716 masked %broadcast_in_dim3A_718 : vector<16xi32>, vector<16xi1> -> vector<16xi32>
    %add3A_720 = vector.broadcast %add3A_702 : i32 to vector<16xi32>
    %add3A_721 = arith.addi %add3A_720, %masked_cumsum3A_719 : vector<16xi32>
    %sub3A_722 = arith.subi %add3A_721, %convert_element_type3A_716 : vector<16xi32>
    %iota3A_723 = tpu.iota {dimensions = array<i32: 0>} : vector<16xi32>
    %add3A_724 = arith.constant 368 : i32
    %add3A_725 = vector.broadcast %add3A_724 : i32 to vector<16xi32>
    %add3A_726 = arith.addi %iota3A_723, %add3A_725 : vector<16xi32>
    tpu.vector_store_idx %arg6[%sub3A_722], %add3A_726 masked %ne3A_715 : memref<384xi32, #tpu.memory_space<vmem>>[vector<16xi32>], vector<16xi32>, vector<16xi1>
    %reduce_sum3A_727 = arith.constant true
    %reduce_sum3A_728 = vector.broadcast %reduce_sum3A_727 : i1 to vector<16xi1>
    %reduce_sum3A_729 = tpu.scan <sum>, %convert_element_type3A_716 masked %reduce_sum3A_728 : vector<16xi32>, vector<16xi1> -> vector<16xi32>
    %reduce_sum3A_730 = vector.extract %reduce_sum3A_729[15] : i32 from vector<16xi32>
    %add3A_731 = arith.addi %add3A_702, %reduce_sum3A_730 : i32
    %not3A_732 = arith.constant dense<true> : vector<16xi1>
    %not3A_733 = arith.xori %ne3A_715, %not3A_732 : vector<16xi1>
    %convert_element_type3A_734 = arith.extui %not3A_733 : vector<16xi1> to vector<16xi32>
    %reduce_sum3A_735 = arith.constant true
    %reduce_sum3A_736 = vector.broadcast %reduce_sum3A_735 : i1 to vector<16xi1>
    %reduce_sum3A_737 = tpu.scan <sum>, %convert_element_type3A_734 masked %reduce_sum3A_736 : vector<16xi32>, vector<16xi1> -> vector<16xi32>
    %reduce_sum3A_738 = vector.extract %reduce_sum3A_737[15] : i32 from vector<16xi32>
    %add3A_739 = arith.addi %add3A_710, %reduce_sum3A_738 : i32
    %mul3A_740 = arith.constant 6272 : i32
    %mul3A_741 = arith.muli %add3A, %mul3A_740 : i32
    %eq3A = arith.constant 0 : i32
    %eq3A_742 = arith.cmpi eq, %add3A_739, %eq3A : i32
    %convert_element_type3A_743 = arith.extui %eq3A_742 : i1 to i32
    %cond3A = arith.constant 0 : i32
    %cond3A_744 = arith.cmpi ne, %convert_element_type3A_743, %cond3A : i32
    scf.if %cond3A_744 {
      %add3A_750 = arith.constant 0 : i32
      %add3A_751 = arith.addi %mul3A_741, %add3A_750 : i32
      %dma_start3A = arith.constant 0 : i32
      %dma_start3A_752 = arith.constant 0 : i32
      %dma_start3A_753 = arith.constant 0 : i32
      %dma_start3A_754 = tpu.memref_slice %arg7[%arg1, %dma_start3A, %dma_start3A_752, %dma_start3A_753] : memref<16x2x112x384xf32, #tpu.memory_space<vmem_shared>> -> memref<1x1x112x384xf32, #tpu.memory_space<vmem_shared>>
      %dma_start3A_755 = tpu.memref_squeeze %dma_start3A_754 : memref<1x1x112x384xf32, #tpu.memory_space<vmem_shared>> -> memref<112x384xf32, #tpu.memory_space<vmem_shared>>
      %dma_start3A_756 = arith.constant 0 : i32
      %dma_start3A_757 = tpu.memref_slice %arg2[%add3A_751, %dma_start3A_756] : memref<200704x384xf32, #tpu.memory_space<hbm>> -> memref<112x384xf32, #tpu.memory_space<hbm>>
      tpu.enqueue_dma source(%dma_start3A_757 : memref<112x384xf32, #tpu.memory_space<hbm>>) target(%dma_start3A_755 : memref<112x384xf32, #tpu.memory_space<vmem_shared>>) target_semaphore(%arg10 : memref<!tpu.dma_semaphore, #tpu.memory_space<semaphore_mem>>)
      %add3A_758 = arith.constant 112 : i32
      %add3A_759 = arith.addi %mul3A_741, %add3A_758 : i32
      %dma_start3A_760 = arith.constant 1 : i32
      %dma_start3A_761 = arith.constant 0 : i32
      %dma_start3A_762 = arith.constant 0 : i32
      %dma_start3A_763 = tpu.memref_slice %arg7[%arg1, %dma_start3A_760, %dma_start3A_761, %dma_start3A_762] : memref<16x2x112x384xf32, #tpu.memory_space<vmem_shared>> -> memref<1x1x112x384xf32, #tpu.memory_space<vmem_shared>>
      %dma_start3A_764 = tpu.memref_squeeze %dma_start3A_763 : memref<1x1x112x384xf32, #tpu.memory_space<vmem_shared>> -> memref<112x384xf32, #tpu.memory_space<vmem_shared>>
      %dma_start3A_765 = arith.constant 0 : i32
      %dma_start3A_766 = tpu.memref_slice %arg2[%add3A_759, %dma_start3A_765] : memref<200704x384xf32, #tpu.memory_space<hbm>> -> memref<112x384xf32, #tpu.memory_space<hbm>>
      tpu.enqueue_dma source(%dma_start3A_766 : memref<112x384xf32, #tpu.memory_space<hbm>>) target(%dma_start3A_764 : memref<112x384xf32, #tpu.memory_space<vmem_shared>>) target_semaphore(%arg11 : memref<!tpu.dma_semaphore, #tpu.memory_space<semaphore_mem>>)
      %dma_wait3A = arith.constant 0 : i32
      %dma_wait3A_767 = arith.constant 0 : i32
      %dma_wait3A_768 = arith.constant 0 : i32
      %dma_wait3A_769 = tpu.memref_slice %arg7[%arg1, %dma_wait3A, %dma_wait3A_767, %dma_wait3A_768] : memref<16x2x112x384xf32, #tpu.memory_space<vmem_shared>> -> memref<1x1x112x384xf32, #tpu.memory_space<vmem_shared>>
      %dma_wait3A_770 = tpu.memref_squeeze %dma_wait3A_769 : memref<1x1x112x384xf32, #tpu.memory_space<vmem_shared>> -> memref<112x384xf32, #tpu.memory_space<vmem_shared>>
      %dma_wait3A_771 = arith.constant 0 : i32
      %dma_wait3A_772 = tpu.memref_slice %arg2[%add3A_751, %dma_wait3A_771] : memref<200704x384xf32, #tpu.memory_space<hbm>> -> memref<112x384xf32, #tpu.memory_space<hbm>>
      tpu.wait_dma2 semaphore(%arg10 : memref<!tpu.dma_semaphore, #tpu.memory_space<semaphore_mem>>) src(%dma_wait3A_772 : memref<112x384xf32, #tpu.memory_space<hbm>>) dst(%dma_wait3A_770 : memref<112x384xf32, #tpu.memory_space<vmem_shared>>)
      %add3A_773 = arith.constant 0 : i32
      %add3A_774 = arith.addi %mul3A_741, %add3A_773 : i32
      %dma_start3A_775 = arith.constant 0 : i32
      %dma_start3A_776 = arith.constant 0 : i32
      %dma_start3A_777 = tpu.memref_slice %arg4[%add3A_774, %dma_start3A_776] : memref<200704x384xf32, #tpu.memory_space<hbm>> -> memref<112x384xf32, #tpu.memory_space<hbm>>
      %dma_start3A_778 = arith.constant 0 : i32
      %dma_start3A_779 = arith.constant 0 : i32
      %dma_start3A_780 = tpu.memref_slice %arg7[%arg1, %dma_start3A_775, %dma_start3A_778, %dma_start3A_779] : memref<16x2x112x384xf32, #tpu.memory_space<vmem_shared>> -> memref<1x1x112x384xf32, #tpu.memory_space<vmem_shared>>
      %dma_start3A_781 = tpu.memref_squeeze %dma_start3A_780 : memref<1x1x112x384xf32, #tpu.memory_space<vmem_shared>> -> memref<112x384xf32, #tpu.memory_space<vmem_shared>>
      tpu.enqueue_dma source(%dma_start3A_781 : memref<112x384xf32, #tpu.memory_space<vmem_shared>>) target(%dma_start3A_777 : memref<112x384xf32, #tpu.memory_space<hbm>>) target_semaphore(%arg12 : memref<!tpu.dma_semaphore, #tpu.memory_space<semaphore_mem>>)
      %dma_wait3A_782 = arith.constant 0 : i32
      %dma_wait3A_783 = arith.constant 0 : i32
      %dma_wait3A_784 = tpu.memref_slice %arg4[%add3A_774, %dma_wait3A_783] : memref<200704x384xf32, #tpu.memory_space<hbm>> -> memref<112x384xf32, #tpu.memory_space<hbm>>
      %dma_wait3A_785 = arith.constant 0 : i32
      %dma_wait3A_786 = arith.constant 0 : i32
      %dma_wait3A_787 = tpu.memref_slice %arg7[%arg1, %dma_wait3A_782, %dma_wait3A_785, %dma_wait3A_786] : memref<16x2x112x384xf32, #tpu.memory_space<vmem_shared>> -> memref<1x1x112x384xf32, #tpu.memory_space<vmem_shared>>
      %dma_wait3A_788 = tpu.memref_squeeze %dma_wait3A_787 : memref<1x1x112x384xf32, #tpu.memory_space<vmem_shared>> -> memref<112x384xf32, #tpu.memory_space<vmem_shared>>
      tpu.wait_dma2 semaphore(%arg12 : memref<!tpu.dma_semaphore, #tpu.memory_space<semaphore_mem>>) src(%dma_wait3A_788 : memref<112x384xf32, #tpu.memory_space<vmem_shared>>) dst(%dma_wait3A_784 : memref<112x384xf32, #tpu.memory_space<hbm>>)
      %add3A_789 = arith.constant 224 : i32
      %add3A_790 = arith.addi %mul3A_741, %add3A_789 : i32
      %dma_start3A_791 = arith.constant 0 : i32
      %dma_start3A_792 = arith.constant 0 : i32
      %dma_start3A_793 = arith.constant 0 : i32
      %dma_start3A_794 = tpu.memref_slice %arg7[%arg1, %dma_start3A_791, %dma_start3A_792, %dma_start3A_793] : memref<16x2x112x384xf32, #tpu.memory_space<vmem_shared>> -> memref<1x1x112x384xf32, #tpu.memory_space<vmem_shared>>
      %dma_start3A_795 = tpu.memref_squeeze %dma_start3A_794 : memref<1x1x112x384xf32, #tpu.memory_space<vmem_shared>> -> memref<112x384xf32, #tpu.memory_space<vmem_shared>>
      %dma_start3A_796 = arith.constant 0 : i32
      %dma_start3A_797 = tpu.memref_slice %arg2[%add3A_790, %dma_start3A_796] : memref<200704x384xf32, #tpu.memory_space<hbm>> -> memref<112x384xf32, #tpu.memory_space<hbm>>
      tpu.enqueue_dma source(%dma_start3A_797 : memref<112x384xf32, #tpu.memory_space<hbm>>) target(%dma_start3A_795 : memref<112x384xf32, #tpu.memory_space<vmem_shared>>) target_semaphore(%arg10 : memref<!tpu.dma_semaphore, #tpu.memory_space<semaphore_mem>>)
      %dma_wait3A_798 = arith.constant 1 : i32
      %dma_wait3A_799 = arith.constant 0 : i32
      %dma_wait3A_800 = arith.constant 0 : i32
      %dma_wait3A_801 = tpu.memref_slice %arg7[%arg1, %dma_wait3A_798, %dma_wait3A_799, %dma_wait3A_800] : memref<16x2x112x384xf32, #tpu.memory_space<vmem_shared>> -> memref<1x1x112x384xf32, #tpu.memory_space<vmem_shared>>
      %dma_wait3A_802 = tpu.memref_squeeze %dma_wait3A_801 : memref<1x1x112x384xf32, #tpu.memory_space<vmem_shared>> -> memref<112x384xf32, #tpu.memory_space<vmem_shared>>
      %dma_wait3A_803 = arith.constant 0 : i32
      %dma_wait3A_804 = tpu.memref_slice %arg2[%add3A_759, %dma_wait3A_803] : memref<200704x384xf32, #tpu.memory_space<hbm>> -> memref<112x384xf32, #tpu.memory_space<hbm>>
      tpu.wait_dma2 semaphore(%arg11 : memref<!tpu.dma_semaphore, #tpu.memory_space<semaphore_mem>>) src(%dma_wait3A_804 : memref<112x384xf32, #tpu.memory_space<hbm>>) dst(%dma_wait3A_802 : memref<112x384xf32, #tpu.memory_space<vmem_shared>>)
      %add3A_805 = arith.constant 112 : i32
      %add3A_806 = arith.addi %mul3A_741, %add3A_805 : i32
      %dma_start3A_807 = arith.constant 1 : i32
      %dma_start3A_808 = arith.constant 0 : i32
      %dma_start3A_809 = tpu.memref_slice %arg4[%add3A_806, %dma_start3A_808] : memref<200704x384xf32, #tpu.memory_space<hbm>> -> memref<112x384xf32, #tpu.memory_space<hbm>>
      %dma_start3A_810 = arith.constant 0 : i32
      %dma_start3A_811 = arith.constant 0 : i32
      %dma_start3A_812 = tpu.memref_slice %arg7[%arg1, %dma_start3A_807, %dma_start3A_810, %dma_start3A_811] : memref<16x2x112x384xf32, #tpu.memory_space<vmem_shared>> -> memref<1x1x112x384xf32, #tpu.memory_space<vmem_shared>>
      %dma_start3A_813 = tpu.memref_squeeze %dma_start3A_812 : memref<1x1x112x384xf32, #tpu.memory_space<vmem_shared>> -> memref<112x384xf32, #tpu.memory_space<vmem_shared>>
      tpu.enqueue_dma source(%dma_start3A_813 : memref<112x384xf32, #tpu.memory_space<vmem_shared>>) target(%dma_start3A_809 : memref<112x384xf32, #tpu.memory_space<hbm>>) target_semaphore(%arg13 : memref<!tpu.dma_semaphore, #tpu.memory_space<semaphore_mem>>)
      %dma_wait3A_814 = arith.constant 1 : i32
      %dma_wait3A_815 = arith.constant 0 : i32
      %dma_wait3A_816 = tpu.memref_slice %arg4[%add3A_806, %dma_wait3A_815] : memref<200704x384xf32, #tpu.memory_space<hbm>> -> memref<112x384xf32, #tpu.memory_space<hbm>>
      %dma_wait3A_817 = arith.constant 0 : i32
      %dma_wait3A_818 = arith.constant 0 : i32
      %dma_wait3A_819 = tpu.memref_slice %arg7[%arg1, %dma_wait3A_814, %dma_wait3A_817, %dma_wait3A_818] : memref<16x2x112x384xf32, #tpu.memory_space<vmem_shared>> -> memref<1x1x112x384xf32, #tpu.memory_space<vmem_shared>>
      %dma_wait3A_820 = tpu.memref_squeeze %dma_wait3A_819 : memref<1x1x112x384xf32, #tpu.memory_space<vmem_shared>> -> memref<112x384xf32, #tpu.memory_space<vmem_shared>>
      tpu.wait_dma2 semaphore(%arg13 : memref<!tpu.dma_semaphore, #tpu.memory_space<semaphore_mem>>) src(%dma_wait3A_820 : memref<112x384xf32, #tpu.memory_space<vmem_shared>>) dst(%dma_wait3A_816 : memref<112x384xf32, #tpu.memory_space<hbm>>)
      %add3A_821 = arith.constant 336 : i32
      %add3A_822 = arith.addi %mul3A_741, %add3A_821 : i32
      %dma_start3A_823 = arith.constant 1 : i32
      %dma_start3A_824 = arith.constant 0 : i32
      %dma_start3A_825 = arith.constant 0 : i32
      %dma_start3A_826 = tpu.memref_slice %arg7[%arg1, %dma_start3A_823, %dma_start3A_824, %dma_start3A_825] : memref<16x2x112x384xf32, #tpu.memory_space<vmem_shared>> -> memref<1x1x112x384xf32, #tpu.memory_space<vmem_shared>>
      %dma_start3A_827 = tpu.memref_squeeze %dma_start3A_826 : memref<1x1x112x384xf32, #tpu.memory_space<vmem_shared>> -> memref<112x384xf32, #tpu.memory_space<vmem_shared>>
      %dma_start3A_828 = arith.constant 0 : i32
      %dma_start3A_829 = tpu.memref_slice %arg2[%add3A_822, %dma_start3A_828] : memref<200704x384xf32, #tpu.memory_space<hbm>> -> memref<112x384xf32, #tpu.memory_space<hbm>>
      tpu.enqueue_dma source(%dma_start3A_829 : memref<112x384xf32, #tpu.memory_space<hbm>>) target(%dma_start3A_827 : memref<112x384xf32, #tpu.memory_space<vmem_shared>>) target_semaphore(%arg11 : memref<!tpu.dma_semaphore, #tpu.memory_space<semaphore_mem>>)
      %dma_wait3A_830 = arith.constant 0 : i32
      %dma_wait3A_831 = arith.constant 0 : i32
      %dma_wait3A_832 = arith.constant 0 : i32
      %dma_wait3A_833 = tpu.memref_slice %arg7[%arg1, %dma_wait3A_830, %dma_wait3A_831, %dma_wait3A_832] : memref<16x2x112x384xf32, #tpu.memory_space<vmem_shared>> -> memref<1x1x112x384xf32, #tpu.memory_space<vmem_shared>>
      %dma_wait3A_834 = tpu.memref_squeeze %dma_wait3A_833 : memref<1x1x112x384xf32, #tpu.memory_space<vmem_shared>> -> memref<112x384xf32, #tpu.memory_space<vmem_shared>>
      %dma_wait3A_835 = arith.constant 0 : i32
      %dma_wait3A_836 = tpu.memref_slice %arg2[%add3A_790, %dma_wait3A_835] : memref<200704x384xf32, #tpu.memory_space<hbm>> -> memref<112x384xf32, #tpu.memory_space<hbm>>
      tpu.wait_dma2 semaphore(%arg10 : memref<!tpu.dma_semaphore, #tpu.memory_space<semaphore_mem>>) src(%dma_wait3A_836 : memref<112x384xf32, #tpu.memory_space<hbm>>) dst(%dma_wait3A_834 : memref<112x384xf32, #tpu.memory_space<vmem_shared>>)
      %add3A_837 = arith.constant 224 : i32
      %add3A_838 = arith.addi %mul3A_741, %add3A_837 : i32
      %dma_start3A_839 = arith.constant 0 : i32
      %dma_start3A_840 = arith.constant 0 : i32
      %dma_start3A_841 = tpu.memref_slice %arg4[%add3A_838, %dma_start3A_840] : memref<200704x384xf32, #tpu.memory_space<hbm>> -> memref<112x384xf32, #tpu.memory_space<hbm>>
      %dma_start3A_842 = arith.constant 0 : i32
      %dma_start3A_843 = arith.constant 0 : i32
      %dma_start3A_844 = tpu.memref_slice %arg7[%arg1, %dma_start3A_839, %dma_start3A_842, %dma_start3A_843] : memref<16x2x112x384xf32, #tpu.memory_space<vmem_shared>> -> memref<1x1x112x384xf32, #tpu.memory_space<vmem_shared>>
      %dma_start3A_845 = tpu.memref_squeeze %dma_start3A_844 : memref<1x1x112x384xf32, #tpu.memory_space<vmem_shared>> -> memref<112x384xf32, #tpu.memory_space<vmem_shared>>
      tpu.enqueue_dma source(%dma_start3A_845 : memref<112x384xf32, #tpu.memory_space<vmem_shared>>) target(%dma_start3A_841 : memref<112x384xf32, #tpu.memory_space<hbm>>) target_semaphore(%arg12 : memref<!tpu.dma_semaphore, #tpu.memory_space<semaphore_mem>>)
      %dma_wait3A_846 = arith.constant 0 : i32
      %dma_wait3A_847 = arith.constant 0 : i32
      %dma_wait3A_848 = tpu.memref_slice %arg4[%add3A_838, %dma_wait3A_847] : memref<200704x384xf32, #tpu.memory_space<hbm>> -> memref<112x384xf32, #tpu.memory_space<hbm>>
      %dma_wait3A_849 = arith.constant 0 : i32
      %dma_wait3A_850 = arith.constant 0 : i32
      %dma_wait3A_851 = tpu.memref_slice %arg7[%arg1, %dma_wait3A_846, %dma_wait3A_849, %dma_wait3A_850] : memref<16x2x112x384xf32, #tpu.memory_space<vmem_shared>> -> memref<1x1x112x384xf32, #tpu.memory_space<vmem_shared>>
      %dma_wait3A_852 = tpu.memref_squeeze %dma_wait3A_851 : memref<1x1x112x384xf32, #tpu.memory_space<vmem_shared>> -> memref<112x384xf32, #tpu.memory_space<vmem_shared>>
      tpu.wait_dma2 semaphore(%arg12 : memref<!tpu.dma_semaphore, #tpu.memory_space<semaphore_mem>>) src(%dma_wait3A_852 : memref<112x384xf32, #tpu.memory_space<vmem_shared>>) dst(%dma_wait3A_848 : memref<112x384xf32, #tpu.memory_space<hbm>>)
      %add3A_853 = arith.constant 448 : i32
      %add3A_854 = arith.addi %mul3A_741, %add3A_853 : i32
      %dma_start3A_855 = arith.constant 0 : i32
      %dma_start3A_856 = arith.constant 0 : i32
      %dma_start3A_857 = arith.constant 0 : i32
      %dma_start3A_858 = tpu.memref_slice %arg7[%arg1, %dma_start3A_855, %dma_start3A_856, %dma_start3A_857] : memref<16x2x112x384xf32, #tpu.memory_space<vmem_shared>> -> memref<1x1x112x384xf32, #tpu.memory_space<vmem_shared>>
      %dma_start3A_859 = tpu.memref_squeeze %dma_start3A_858 : memref<1x1x112x384xf32, #tpu.memory_space<vmem_shared>> -> memref<112x384xf32, #tpu.memory_space<vmem_shared>>
      %dma_start3A_860 = arith.constant 0 : i32
      %dma_start3A_861 = tpu.memref_slice %arg2[%add3A_854, %dma_start3A_860] : memref<200704x384xf32, #tpu.memory_space<hbm>> -> memref<112x384xf32, #tpu.memory_space<hbm>>
      tpu.enqueue_dma source(%dma_start3A_861 : memref<112x384xf32, #tpu.memory_space<hbm>>) target(%dma_start3A_859 : memref<112x384xf32, #tpu.memory_space<vmem_shared>>) target_semaphore(%arg10 : memref<!tpu.dma_semaphore, #tpu.memory_space<semaphore_mem>>)
      %dma_wait3A_862 = arith.constant 1 : i32
      %dma_wait3A_863 = arith.constant 0 : i32
      %dma_wait3A_864 = arith.constant 0 : i32
      %dma_wait3A_865 = tpu.memref_slice %arg7[%arg1, %dma_wait3A_862, %dma_wait3A_863, %dma_wait3A_864] : memref<16x2x112x384xf32, #tpu.memory_space<vmem_shared>> -> memref<1x1x112x384xf32, #tpu.memory_space<vmem_shared>>
      %dma_wait3A_866 = tpu.memref_squeeze %dma_wait3A_865 : memref<1x1x112x384xf32, #tpu.memory_space<vmem_shared>> -> memref<112x384xf32, #tpu.memory_space<vmem_shared>>
      %dma_wait3A_867 = arith.constant 0 : i32
      %dma_wait3A_868 = tpu.memref_slice %arg2[%add3A_822, %dma_wait3A_867] : memref<200704x384xf32, #tpu.memory_space<hbm>> -> memref<112x384xf32, #tpu.memory_space<hbm>>
      tpu.wait_dma2 semaphore(%arg11 : memref<!tpu.dma_semaphore, #tpu.memory_space<semaphore_mem>>) src(%dma_wait3A_868 : memref<112x384xf32, #tpu.memory_space<hbm>>) dst(%dma_wait3A_866 : memref<112x384xf32, #tpu.memory_space<vmem_shared>>)
      %add3A_869 = arith.constant 336 : i32
      %add3A_870 = arith.addi %mul3A_741, %add3A_869 : i32
      %dma_start3A_871 = arith.constant 1 : i32
      %dma_start3A_872 = arith.constant 0 : i32
      %dma_start3A_873 = tpu.memref_slice %arg4[%add3A_870, %dma_start3A_872] : memref<200704x384xf32, #tpu.memory_space<hbm>> -> memref<112x384xf32, #tpu.memory_space<hbm>>
      %dma_start3A_874 = arith.constant 0 : i32
      %dma_start3A_875 = arith.constant 0 : i32
      %dma_start3A_876 = tpu.memref_slice %arg7[%arg1, %dma_start3A_871, %dma_start3A_874, %dma_start3A_875] : memref<16x2x112x384xf32, #tpu.memory_space<vmem_shared>> -> memref<1x1x112x384xf32, #tpu.memory_space<vmem_shared>>
      %dma_start3A_877 = tpu.memref_squeeze %dma_start3A_876 : memref<1x1x112x384xf32, #tpu.memory_space<vmem_shared>> -> memref<112x384xf32, #tpu.memory_space<vmem_shared>>
      tpu.enqueue_dma source(%dma_start3A_877 : memref<112x384xf32, #tpu.memory_space<vmem_shared>>) target(%dma_start3A_873 : memref<112x384xf32, #tpu.memory_space<hbm>>) target_semaphore(%arg13 : memref<!tpu.dma_semaphore, #tpu.memory_space<semaphore_mem>>)
      %dma_wait3A_878 = arith.constant 1 : i32
      %dma_wait3A_879 = arith.constant 0 : i32
      %dma_wait3A_880 = tpu.memref_slice %arg4[%add3A_870, %dma_wait3A_879] : memref<200704x384xf32, #tpu.memory_space<hbm>> -> memref<112x384xf32, #tpu.memory_space<hbm>>
      %dma_wait3A_881 = arith.constant 0 : i32
      %dma_wait3A_882 = arith.constant 0 : i32
      %dma_wait3A_883 = tpu.memref_slice %arg7[%arg1, %dma_wait3A_878, %dma_wait3A_881, %dma_wait3A_882] : memref<16x2x112x384xf32, #tpu.memory_space<vmem_shared>> -> memref<1x1x112x384xf32, #tpu.memory_space<vmem_shared>>
      %dma_wait3A_884 = tpu.memref_squeeze %dma_wait3A_883 : memref<1x1x112x384xf32, #tpu.memory_space<vmem_shared>> -> memref<112x384xf32, #tpu.memory_space<vmem_shared>>
      tpu.wait_dma2 semaphore(%arg13 : memref<!tpu.dma_semaphore, #tpu.memory_space<semaphore_mem>>) src(%dma_wait3A_884 : memref<112x384xf32, #tpu.memory_space<vmem_shared>>) dst(%dma_wait3A_880 : memref<112x384xf32, #tpu.memory_space<hbm>>)
      %add3A_885 = arith.constant 560 : i32
      %add3A_886 = arith.addi %mul3A_741, %add3A_885 : i32
      %dma_start3A_887 = arith.constant 1 : i32
      %dma_start3A_888 = arith.constant 0 : i32
      %dma_start3A_889 = arith.constant 0 : i32
      %dma_start3A_890 = tpu.memref_slice %arg7[%arg1, %dma_start3A_887, %dma_start3A_888, %dma_start3A_889] : memref<16x2x112x384xf32, #tpu.memory_space<vmem_shared>> -> memref<1x1x112x384xf32, #tpu.memory_space<vmem_shared>>
      %dma_start3A_891 = tpu.memref_squeeze %dma_start3A_890 : memref<1x1x112x384xf32, #tpu.memory_space<vmem_shared>> -> memref<112x384xf32, #tpu.memory_space<vmem_shared>>
      %dma_start3A_892 = arith.constant 0 : i32
      %dma_start3A_893 = tpu.memref_slice %arg2[%add3A_886, %dma_start3A_892] : memref<200704x384xf32, #tpu.memory_space<hbm>> -> memref<112x384xf32, #tpu.memory_space<hbm>>
      tpu.enqueue_dma source(%dma_start3A_893 : memref<112x384xf32, #tpu.memory_space<hbm>>) target(%dma_start3A_891 : memref<112x384xf32, #tpu.memory_space<vmem_shared>>) target_semaphore(%arg11 : memref<!tpu.dma_semaphore, #tpu.memory_space<semaphore_mem>>)
      %dma_wait3A_894 = arith.constant 0 : i32
      %dma_wait3A_895 = arith.constant 0 : i32
      %dma_wait3A_896 = arith.constant 0 : i32
      %dma_wait3A_897 = tpu.memref_slice %arg7[%arg1, %dma_wait3A_894, %dma_wait3A_895, %dma_wait3A_896] : memref<16x2x112x384xf32, #tpu.memory_space<vmem_shared>> -> memref<1x1x112x384xf32, #tpu.memory_space<vmem_shared>>
      %dma_wait3A_898 = tpu.memref_squeeze %dma_wait3A_897 : memref<1x1x112x384xf32, #tpu.memory_space<vmem_shared>> -> memref<112x384xf32, #tpu.memory_space<vmem_shared>>
      %dma_wait3A_899 = arith.constant 0 : i32
      %dma_wait3A_900 = tpu.memref_slice %arg2[%add3A_854, %dma_wait3A_899] : memref<200704x384xf32, #tpu.memory_space<hbm>> -> memref<112x384xf32, #tpu.memory_space<hbm>>
      tpu.wait_dma2 semaphore(%arg10 : memref<!tpu.dma_semaphore, #tpu.memory_space<semaphore_mem>>) src(%dma_wait3A_900 : memref<112x384xf32, #tpu.memory_space<hbm>>) dst(%dma_wait3A_898 : memref<112x384xf32, #tpu.memory_space<vmem_shared>>)
      %add3A_901 = arith.constant 448 : i32
      %add3A_902 = arith.addi %mul3A_741, %add3A_901 : i32
      %dma_start3A_903 = arith.constant 0 : i32
      %dma_start3A_904 = arith.constant 0 : i32
      %dma_start3A_905 = tpu.memref_slice %arg4[%add3A_902, %dma_start3A_904] : memref<200704x384xf32, #tpu.memory_space<hbm>> -> memref<112x384xf32, #tpu.memory_space<hbm>>
      %dma_start3A_906 = arith.constant 0 : i32
      %dma_start3A_907 = arith.constant 0 : i32
      %dma_start3A_908 = tpu.memref_slice %arg7[%arg1, %dma_start3A_903, %dma_start3A_906, %dma_start3A_907] : memref<16x2x112x384xf32, #tpu.memory_space<vmem_shared>> -> memref<1x1x112x384xf32, #tpu.memory_space<vmem_shared>>
      %dma_start3A_909 = tpu.memref_squeeze %dma_start3A_908 : memref<1x1x112x384xf32, #tpu.memory_space<vmem_shared>> -> memref<112x384xf32, #tpu.memory_space<vmem_shared>>
      tpu.enqueue_dma source(%dma_start3A_909 : memref<112x384xf32, #tpu.memory_space<vmem_shared>>) target(%dma_start3A_905 : memref<112x384xf32, #tpu.memory_space<hbm>>) target_semaphore(%arg12 : memref<!tpu.dma_semaphore, #tpu.memory_space<semaphore_mem>>)
      %dma_wait3A_910 = arith.constant 0 : i32
      %dma_wait3A_911 = arith.constant 0 : i32
      %dma_wait3A_912 = tpu.memref_slice %arg4[%add3A_902, %dma_wait3A_911] : memref<200704x384xf32, #tpu.memory_space<hbm>> -> memref<112x384xf32, #tpu.memory_space<hbm>>
      %dma_wait3A_913 = arith.constant 0 : i32
      %dma_wait3A_914 = arith.constant 0 : i32
      %dma_wait3A_915 = tpu.memref_slice %arg7[%arg1, %dma_wait3A_910, %dma_wait3A_913, %dma_wait3A_914] : memref<16x2x112x384xf32, #tpu.memory_space<vmem_shared>> -> memref<1x1x112x384xf32, #tpu.memory_space<vmem_shared>>
      %dma_wait3A_916 = tpu.memref_squeeze %dma_wait3A_915 : memref<1x1x112x384xf32, #tpu.memory_space<vmem_shared>> -> memref<112x384xf32, #tpu.memory_space<vmem_shared>>
      tpu.wait_dma2 semaphore(%arg12 : memref<!tpu.dma_semaphore, #tpu.memory_space<semaphore_mem>>) src(%dma_wait3A_916 : memref<112x384xf32, #tpu.memory_space<vmem_shared>>) dst(%dma_wait3A_912 : memref<112x384xf32, #tpu.memory_space<hbm>>)
      %add3A_917 = arith.constant 672 : i32
      %add3A_918 = arith.addi %mul3A_741, %add3A_917 : i32
      %dma_start3A_919 = arith.constant 0 : i32
      %dma_start3A_920 = arith.constant 0 : i32
      %dma_start3A_921 = arith.constant 0 : i32
      %dma_start3A_922 = tpu.memref_slice %arg7[%arg1, %dma_start3A_919, %dma_start3A_920, %dma_start3A_921] : memref<16x2x112x384xf32, #tpu.memory_space<vmem_shared>> -> memref<1x1x112x384xf32, #tpu.memory_space<vmem_shared>>
      %dma_start3A_923 = tpu.memref_squeeze %dma_start3A_922 : memref<1x1x112x384xf32, #tpu.memory_space<vmem_shared>> -> memref<112x384xf32, #tpu.memory_space<vmem_shared>>
      %dma_start3A_924 = arith.constant 0 : i32
      %dma_start3A_925 = tpu.memref_slice %arg2[%add3A_918, %dma_start3A_924] : memref<200704x384xf32, #tpu.memory_space<hbm>> -> memref<112x384xf32, #tpu.memory_space<hbm>>
      tpu.enqueue_dma source(%dma_start3A_925 : memref<112x384xf32, #tpu.memory_space<hbm>>) target(%dma_start3A_923 : memref<112x384xf32, #tpu.memory_space<vmem_shared>>) target_semaphore(%arg10 : memref<!tpu.dma_semaphore, #tpu.memory_space<semaphore_mem>>)
      %dma_wait3A_926 = arith.constant 1 : i32
      %dma_wait3A_927 = arith.constant 0 : i32
      %dma_wait3A_928 = arith.constant 0 : i32
      %dma_wait3A_929 = tpu.memref_slice %arg7[%arg1, %dma_wait3A_926, %dma_wait3A_927, %dma_wait3A_928] : memref<16x2x112x384xf32, #tpu.memory_space<vmem_shared>> -> memref<1x1x112x384xf32, #tpu.memory_space<vmem_shared>>
      %dma_wait3A_930 = tpu.memref_squeeze %dma_wait3A_929 : memref<1x1x112x384xf32, #tpu.memory_space<vmem_shared>> -> memref<112x384xf32, #tpu.memory_space<vmem_shared>>
      %dma_wait3A_931 = arith.constant 0 : i32
      %dma_wait3A_932 = tpu.memref_slice %arg2[%add3A_886, %dma_wait3A_931] : memref<200704x384xf32, #tpu.memory_space<hbm>> -> memref<112x384xf32, #tpu.memory_space<hbm>>
      tpu.wait_dma2 semaphore(%arg11 : memref<!tpu.dma_semaphore, #tpu.memory_space<semaphore_mem>>) src(%dma_wait3A_932 : memref<112x384xf32, #tpu.memory_space<hbm>>) dst(%dma_wait3A_930 : memref<112x384xf32, #tpu.memory_space<vmem_shared>>)
      %add3A_933 = arith.constant 560 : i32
      %add3A_934 = arith.addi %mul3A_741, %add3A_933 : i32
      %dma_start3A_935 = arith.constant 1 : i32
      %dma_start3A_936 = arith.constant 0 : i32
      %dma_start3A_937 = tpu.memref_slice %arg4[%add3A_934, %dma_start3A_936] : memref<200704x384xf32, #tpu.memory_space<hbm>> -> memref<112x384xf32, #tpu.memory_space<hbm>>
      %dma_start3A_938 = arith.constant 0 : i32
      %dma_start3A_939 = arith.constant 0 : i32
      %dma_start3A_940 = tpu.memref_slice %arg7[%arg1, %dma_start3A_935, %dma_start3A_938, %dma_start3A_939] : memref<16x2x112x384xf32, #tpu.memory_space<vmem_shared>> -> memref<1x1x112x384xf32, #tpu.memory_space<vmem_shared>>
      %dma_start3A_941 = tpu.memref_squeeze %dma_start3A_940 : memref<1x1x112x384xf32, #tpu.memory_space<vmem_shared>> -> memref<112x384xf32, #tpu.memory_space<vmem_shared>>
      tpu.enqueue_dma source(%dma_start3A_941 : memref<112x384xf32, #tpu.memory_space<vmem_shared>>) target(%dma_start3A_937 : memref<112x384xf32, #tpu.memory_space<hbm>>) target_semaphore(%arg13 : memref<!tpu.dma_semaphore, #tpu.memory_space<semaphore_mem>>)
      %dma_wait3A_942 = arith.constant 1 : i32
      %dma_wait3A_943 = arith.constant 0 : i32
      %dma_wait3A_944 = tpu.memref_slice %arg4[%add3A_934, %dma_wait3A_943] : memref<200704x384xf32, #tpu.memory_space<hbm>> -> memref<112x384xf32, #tpu.memory_space<hbm>>
      %dma_wait3A_945 = arith.constant 0 : i32
      %dma_wait3A_946 = arith.constant 0 : i32
      %dma_wait3A_947 = tpu.memref_slice %arg7[%arg1, %dma_wait3A_942, %dma_wait3A_945, %dma_wait3A_946] : memref<16x2x112x384xf32, #tpu.memory_space<vmem_shared>> -> memref<1x1x112x384xf32, #tpu.memory_space<vmem_shared>>
      %dma_wait3A_948 = tpu.memref_squeeze %dma_wait3A_947 : memref<1x1x112x384xf32, #tpu.memory_space<vmem_shared>> -> memref<112x384xf32, #tpu.memory_space<vmem_shared>>
      tpu.wait_dma2 semaphore(%arg13 : memref<!tpu.dma_semaphore, #tpu.memory_space<semaphore_mem>>) src(%dma_wait3A_948 : memref<112x384xf32, #tpu.memory_space<vmem_shared>>) dst(%dma_wait3A_944 : memref<112x384xf32, #tpu.memory_space<hbm>>)
      %add3A_949 = arith.constant 784 : i32
      %add3A_950 = arith.addi %mul3A_741, %add3A_949 : i32
      %dma_start3A_951 = arith.constant 1 : i32
      %dma_start3A_952 = arith.constant 0 : i32
      %dma_start3A_953 = arith.constant 0 : i32
      %dma_start3A_954 = tpu.memref_slice %arg7[%arg1, %dma_start3A_951, %dma_start3A_952, %dma_start3A_953] : memref<16x2x112x384xf32, #tpu.memory_space<vmem_shared>> -> memref<1x1x112x384xf32, #tpu.memory_space<vmem_shared>>
      %dma_start3A_955 = tpu.memref_squeeze %dma_start3A_954 : memref<1x1x112x384xf32, #tpu.memory_space<vmem_shared>> -> memref<112x384xf32, #tpu.memory_space<vmem_shared>>
      %dma_start3A_956 = arith.constant 0 : i32
      %dma_start3A_957 = tpu.memref_slice %arg2[%add3A_950, %dma_start3A_956] : memref<200704x384xf32, #tpu.memory_space<hbm>> -> memref<112x384xf32, #tpu.memory_space<hbm>>
      tpu.enqueue_dma source(%dma_start3A_957 : memref<112x384xf32, #tpu.memory_space<hbm>>) target(%dma_start3A_955 : memref<112x384xf32, #tpu.memory_space<vmem_shared>>) target_semaphore(%arg11 : memref<!tpu.dma_semaphore, #tpu.memory_space<semaphore_mem>>)
      %dma_wait3A_958 = arith.constant 0 : i32
      %dma_wait3A_959 = arith.constant 0 : i32
      %dma_wait3A_960 = arith.constant 0 : i32
      %dma_wait3A_961 = tpu.memref_slice %arg7[%arg1, %dma_wait3A_958, %dma_wait3A_959, %dma_wait3A_960] : memref<16x2x112x384xf32, #tpu.memory_space<vmem_shared>> -> memref<1x1x112x384xf32, #tpu.memory_space<vmem_shared>>
      %dma_wait3A_962 = tpu.memref_squeeze %dma_wait3A_961 : memref<1x1x112x384xf32, #tpu.memory_space<vmem_shared>> -> memref<112x384xf32, #tpu.memory_space<vmem_shared>>
      %dma_wait3A_963 = arith.constant 0 : i32
      %dma_wait3A_964 = tpu.memref_slice %arg2[%add3A_918, %dma_wait3A_963] : memref<200704x384xf32, #tpu.memory_space<hbm>> -> memref<112x384xf32, #tpu.memory_space<hbm>>
      tpu.wait_dma2 semaphore(%arg10 : memref<!tpu.dma_semaphore, #tpu.memory_space<semaphore_mem>>) src(%dma_wait3A_964 : memref<112x384xf32, #tpu.memory_space<hbm>>) dst(%dma_wait3A_962 : memref<112x384xf32, #tpu.memory_space<vmem_shared>>)
      %add3A_965 = arith.constant 672 : i32
      %add3A_966 = arith.addi %mul3A_741, %add3A_965 : i32
      %dma_start3A_967 = arith.constant 0 : i32
      %dma_start3A_968 = arith.constant 0 : i32
      %dma_start3A_969 = tpu.memref_slice %arg4[%add3A_966, %dma_start3A_968] : memref<200704x384xf32, #tpu.memory_space<hbm>> -> memref<112x384xf32, #tpu.memory_space<hbm>>
      %dma_start3A_970 = arith.constant 0 : i32
      %dma_start3A_971 = arith.constant 0 : i32
      %dma_start3A_972 = tpu.memref_slice %arg7[%arg1, %dma_start3A_967, %dma_start3A_970, %dma_start3A_971] : memref<16x2x112x384xf32, #tpu.memory_space<vmem_shared>> -> memref<1x1x112x384xf32, #tpu.memory_space<vmem_shared>>
      %dma_start3A_973 = tpu.memref_squeeze %dma_start3A_972 : memref<1x1x112x384xf32, #tpu.memory_space<vmem_shared>> -> memref<112x384xf32, #tpu.memory_space<vmem_shared>>
      tpu.enqueue_dma source(%dma_start3A_973 : memref<112x384xf32, #tpu.memory_space<vmem_shared>>) target(%dma_start3A_969 : memref<112x384xf32, #tpu.memory_space<hbm>>) target_semaphore(%arg12 : memref<!tpu.dma_semaphore, #tpu.memory_space<semaphore_mem>>)
      %dma_wait3A_974 = arith.constant 0 : i32
      %dma_wait3A_975 = arith.constant 0 : i32
      %dma_wait3A_976 = tpu.memref_slice %arg4[%add3A_966, %dma_wait3A_975] : memref<200704x384xf32, #tpu.memory_space<hbm>> -> memref<112x384xf32, #tpu.memory_space<hbm>>
      %dma_wait3A_977 = arith.constant 0 : i32
      %dma_wait3A_978 = arith.constant 0 : i32
      %dma_wait3A_979 = tpu.memref_slice %arg7[%arg1, %dma_wait3A_974, %dma_wait3A_977, %dma_wait3A_978] : memref<16x2x112x384xf32, #tpu.memory_space<vmem_shared>> -> memref<1x1x112x384xf32, #tpu.memory_space<vmem_shared>>
      %dma_wait3A_980 = tpu.memref_squeeze %dma_wait3A_979 : memref<1x1x112x384xf32, #tpu.memory_space<vmem_shared>> -> memref<112x384xf32, #tpu.memory_space<vmem_shared>>
      tpu.wait_dma2 semaphore(%arg12 : memref<!tpu.dma_semaphore, #tpu.memory_space<semaphore_mem>>) src(%dma_wait3A_980 : memref<112x384xf32, #tpu.memory_space<vmem_shared>>) dst(%dma_wait3A_976 : memref<112x384xf32, #tpu.memory_space<hbm>>)
      %add3A_981 = arith.constant 896 : i32
      %add3A_982 = arith.addi %mul3A_741, %add3A_981 : i32
      %dma_start3A_983 = arith.constant 0 : i32
      %dma_start3A_984 = arith.constant 0 : i32
      %dma_start3A_985 = arith.constant 0 : i32
      %dma_start3A_986 = tpu.memref_slice %arg7[%arg1, %dma_start3A_983, %dma_start3A_984, %dma_start3A_985] : memref<16x2x112x384xf32, #tpu.memory_space<vmem_shared>> -> memref<1x1x112x384xf32, #tpu.memory_space<vmem_shared>>
      %dma_start3A_987 = tpu.memref_squeeze %dma_start3A_986 : memref<1x1x112x384xf32, #tpu.memory_space<vmem_shared>> -> memref<112x384xf32, #tpu.memory_space<vmem_shared>>
      %dma_start3A_988 = arith.constant 0 : i32
      %dma_start3A_989 = tpu.memref_slice %arg2[%add3A_982, %dma_start3A_988] : memref<200704x384xf32, #tpu.memory_space<hbm>> -> memref<112x384xf32, #tpu.memory_space<hbm>>
      tpu.enqueue_dma source(%dma_start3A_989 : memref<112x384xf32, #tpu.memory_space<hbm>>) target(%dma_start3A_987 : memref<112x384xf32, #tpu.memory_space<vmem_shared>>) target_semaphore(%arg10 : memref<!tpu.dma_semaphore, #tpu.memory_space<semaphore_mem>>)
      %dma_wait3A_990 = arith.constant 1 : i32
      %dma_wait3A_991 = arith.constant 0 : i32
      %dma_wait3A_992 = arith.constant 0 : i32
      %dma_wait3A_993 = tpu.memref_slice %arg7[%arg1, %dma_wait3A_990, %dma_wait3A_991, %dma_wait3A_992] : memref<16x2x112x384xf32, #tpu.memory_space<vmem_shared>> -> memref<1x1x112x384xf32, #tpu.memory_space<vmem_shared>>
      %dma_wait3A_994 = tpu.memref_squeeze %dma_wait3A_993 : memref<1x1x112x384xf32, #tpu.memory_space<vmem_shared>> -> memref<112x384xf32, #tpu.memory_space<vmem_shared>>
      %dma_wait3A_995 = arith.constant 0 : i32
      %dma_wait3A_996 = tpu.memref_slice %arg2[%add3A_950, %dma_wait3A_995] : memref<200704x384xf32, #tpu.memory_space<hbm>> -> memref<112x384xf32, #tpu.memory_space<hbm>>
      tpu.wait_dma2 semaphore(%arg11 : memref<!tpu.dma_semaphore, #tpu.memory_space<semaphore_mem>>) src(%dma_wait3A_996 : memref<112x384xf32, #tpu.memory_space<hbm>>) dst(%dma_wait3A_994 : memref<112x384xf32, #tpu.memory_space<vmem_shared>>)
      %add3A_997 = arith.constant 784 : i32
      %add3A_998 = arith.addi %mul3A_741, %add3A_997 : i32
      %dma_start3A_999 = arith.constant 1 : i32
      %dma_start3A_1000 = arith.constant 0 : i32
      %dma_start3A_1001 = tpu.memref_slice %arg4[%add3A_998, %dma_start3A_1000] : memref<200704x384xf32, #tpu.memory_space<hbm>> -> memref<112x384xf32, #tpu.memory_space<hbm>>
      %dma_start3A_1002 = arith.constant 0 : i32
      %dma_start3A_1003 = arith.constant 0 : i32
      %dma_start3A_1004 = tpu.memref_slice %arg7[%arg1, %dma_start3A_999, %dma_start3A_1002, %dma_start3A_1003] : memref<16x2x112x384xf32, #tpu.memory_space<vmem_shared>> -> memref<1x1x112x384xf32, #tpu.memory_space<vmem_shared>>
      %dma_start3A_1005 = tpu.memref_squeeze %dma_start3A_1004 : memref<1x1x112x384xf32, #tpu.memory_space<vmem_shared>> -> memref<112x384xf32, #tpu.memory_space<vmem_shared>>
      tpu.enqueue_dma source(%dma_start3A_1005 : memref<112x384xf32, #tpu.memory_space<vmem_shared>>) target(%dma_start3A_1001 : memref<112x384xf32, #tpu.memory_space<hbm>>) target_semaphore(%arg13 : memref<!tpu.dma_semaphore, #tpu.memory_space<semaphore_mem>>)
      %dma_wait3A_1006 = arith.constant 1 : i32
      %dma_wait3A_1007 = arith.constant 0 : i32
      %dma_wait3A_1008 = tpu.memref_slice %arg4[%add3A_998, %dma_wait3A_1007] : memref<200704x384xf32, #tpu.memory_space<hbm>> -> memref<112x384xf32, #tpu.memory_space<hbm>>
      %dma_wait3A_1009 = arith.constant 0 : i32
      %dma_wait3A_1010 = arith.constant 0 : i32
      %dma_wait3A_1011 = tpu.memref_slice %arg7[%arg1, %dma_wait3A_1006, %dma_wait3A_1009, %dma_wait3A_1010] : memref<16x2x112x384xf32, #tpu.memory_space<vmem_shared>> -> memref<1x1x112x384xf32, #tpu.memory_space<vmem_shared>>
      %dma_wait3A_1012 = tpu.memref_squeeze %dma_wait3A_1011 : memref<1x1x112x384xf32, #tpu.memory_space<vmem_shared>> -> memref<112x384xf32, #tpu.memory_space<vmem_shared>>
      tpu.wait_dma2 semaphore(%arg13 : memref<!tpu.dma_semaphore, #tpu.memory_space<semaphore_mem>>) src(%dma_wait3A_1012 : memref<112x384xf32, #tpu.memory_space<vmem_shared>>) dst(%dma_wait3A_1008 : memref<112x384xf32, #tpu.memory_space<hbm>>)
      %add3A_1013 = arith.constant 1008 : i32
      %add3A_1014 = arith.addi %mul3A_741, %add3A_1013 : i32
      %dma_start3A_1015 = arith.constant 1 : i32
      %dma_start3A_1016 = arith.constant 0 : i32
      %dma_start3A_1017 = arith.constant 0 : i32
      %dma_start3A_1018 = tpu.memref_slice %arg7[%arg1, %dma_start3A_1015, %dma_start3A_1016, %dma_start3A_1017] : memref<16x2x112x384xf32, #tpu.memory_space<vmem_shared>> -> memref<1x1x112x384xf32, #tpu.memory_space<vmem_shared>>
      %dma_start3A_1019 = tpu.memref_squeeze %dma_start3A_1018 : memref<1x1x112x384xf32, #tpu.memory_space<vmem_shared>> -> memref<112x384xf32, #tpu.memory_space<vmem_shared>>
      %dma_start3A_1020 = arith.constant 0 : i32
      %dma_start3A_1021 = tpu.memref_slice %arg2[%add3A_1014, %dma_start3A_1020] : memref<200704x384xf32, #tpu.memory_space<hbm>> -> memref<112x384xf32, #tpu.memory_space<hbm>>
      tpu.enqueue_dma source(%dma_start3A_1021 : memref<112x384xf32, #tpu.memory_space<hbm>>) target(%dma_start3A_1019 : memref<112x384xf32, #tpu.memory_space<vmem_shared>>) target_semaphore(%arg11 : memref<!tpu.dma_semaphore, #tpu.memory_space<semaphore_mem>>)
      %dma_wait3A_1022 = arith.constant 0 : i32
      %dma_wait3A_1023 = arith.constant 0 : i32
      %dma_wait3A_1024 = arith.constant 0 : i32
      %dma_wait3A_1025 = tpu.memref_slice %arg7[%arg1, %dma_wait3A_1022, %dma_wait3A_1023, %dma_wait3A_1024] : memref<16x2x112x384xf32, #tpu.memory_space<vmem_shared>> -> memref<1x1x112x384xf32, #tpu.memory_space<vmem_shared>>
      %dma_wait3A_1026 = tpu.memref_squeeze %dma_wait3A_1025 : memref<1x1x112x384xf32, #tpu.memory_space<vmem_shared>> -> memref<112x384xf32, #tpu.memory_space<vmem_shared>>
      %dma_wait3A_1027 = arith.constant 0 : i32
      %dma_wait3A_1028 = tpu.memref_slice %arg2[%add3A_982, %dma_wait3A_1027] : memref<200704x384xf32, #tpu.memory_space<hbm>> -> memref<112x384xf32, #tpu.memory_space<hbm>>
      tpu.wait_dma2 semaphore(%arg10 : memref<!tpu.dma_semaphore, #tpu.memory_space<semaphore_mem>>) src(%dma_wait3A_1028 : memref<112x384xf32, #tpu.memory_space<hbm>>) dst(%dma_wait3A_1026 : memref<112x384xf32, #tpu.memory_space<vmem_shared>>)
      %add3A_1029 = arith.constant 896 : i32
      %add3A_1030 = arith.addi %mul3A_741, %add3A_1029 : i32
      %dma_start3A_1031 = arith.constant 0 : i32
      %dma_start3A_1032 = arith.constant 0 : i32
      %dma_start3A_1033 = tpu.memref_slice %arg4[%add3A_1030, %dma_start3A_1032] : memref<200704x384xf32, #tpu.memory_space<hbm>> -> memref<112x384xf32, #tpu.memory_space<hbm>>
      %dma_start3A_1034 = arith.constant 0 : i32
      %dma_start3A_1035 = arith.constant 0 : i32
      %dma_start3A_1036 = tpu.memref_slice %arg7[%arg1, %dma_start3A_1031, %dma_start3A_1034, %dma_start3A_1035] : memref<16x2x112x384xf32, #tpu.memory_space<vmem_shared>> -> memref<1x1x112x384xf32, #tpu.memory_space<vmem_shared>>
      %dma_start3A_1037 = tpu.memref_squeeze %dma_start3A_1036 : memref<1x1x112x384xf32, #tpu.memory_space<vmem_shared>> -> memref<112x384xf32, #tpu.memory_space<vmem_shared>>
      tpu.enqueue_dma source(%dma_start3A_1037 : memref<112x384xf32, #tpu.memory_space<vmem_shared>>) target(%dma_start3A_1033 : memref<112x384xf32, #tpu.memory_space<hbm>>) target_semaphore(%arg12 : memref<!tpu.dma_semaphore, #tpu.memory_space<semaphore_mem>>)
      %dma_wait3A_1038 = arith.constant 0 : i32
      %dma_wait3A_1039 = arith.constant 0 : i32
      %dma_wait3A_1040 = tpu.memref_slice %arg4[%add3A_1030, %dma_wait3A_1039] : memref<200704x384xf32, #tpu.memory_space<hbm>> -> memref<112x384xf32, #tpu.memory_space<hbm>>
      %dma_wait3A_1041 = arith.constant 0 : i32
      %dma_wait3A_1042 = arith.constant 0 : i32
      %dma_wait3A_1043 = tpu.memref_slice %arg7[%arg1, %dma_wait3A_1038, %dma_wait3A_1041, %dma_wait3A_1042] : memref<16x2x112x384xf32, #tpu.memory_space<vmem_shared>> -> memref<1x1x112x384xf32, #tpu.memory_space<vmem_shared>>
      %dma_wait3A_1044 = tpu.memref_squeeze %dma_wait3A_1043 : memref<1x1x112x384xf32, #tpu.memory_space<vmem_shared>> -> memref<112x384xf32, #tpu.memory_space<vmem_shared>>
      tpu.wait_dma2 semaphore(%arg12 : memref<!tpu.dma_semaphore, #tpu.memory_space<semaphore_mem>>) src(%dma_wait3A_1044 : memref<112x384xf32, #tpu.memory_space<vmem_shared>>) dst(%dma_wait3A_1040 : memref<112x384xf32, #tpu.memory_space<hbm>>)
      %add3A_1045 = arith.constant 1120 : i32
      %add3A_1046 = arith.addi %mul3A_741, %add3A_1045 : i32
      %dma_start3A_1047 = arith.constant 0 : i32
      %dma_start3A_1048 = arith.constant 0 : i32
      %dma_start3A_1049 = arith.constant 0 : i32
      %dma_start3A_1050 = tpu.memref_slice %arg7[%arg1, %dma_start3A_1047, %dma_start3A_1048, %dma_start3A_1049] : memref<16x2x112x384xf32, #tpu.memory_space<vmem_shared>> -> memref<1x1x112x384xf32, #tpu.memory_space<vmem_shared>>
      %dma_start3A_1051 = tpu.memref_squeeze %dma_start3A_1050 : memref<1x1x112x384xf32, #tpu.memory_space<vmem_shared>> -> memref<112x384xf32, #tpu.memory_space<vmem_shared>>
      %dma_start3A_1052 = arith.constant 0 : i32
      %dma_start3A_1053 = tpu.memref_slice %arg2[%add3A_1046, %dma_start3A_1052] : memref<200704x384xf32, #tpu.memory_space<hbm>> -> memref<112x384xf32, #tpu.memory_space<hbm>>
      tpu.enqueue_dma source(%dma_start3A_1053 : memref<112x384xf32, #tpu.memory_space<hbm>>) target(%dma_start3A_1051 : memref<112x384xf32, #tpu.memory_space<vmem_shared>>) target_semaphore(%arg10 : memref<!tpu.dma_semaphore, #tpu.memory_space<semaphore_mem>>)
      %dma_wait3A_1054 = arith.constant 1 : i32
      %dma_wait3A_1055 = arith.constant 0 : i32
      %dma_wait3A_1056 = arith.constant 0 : i32
      %dma_wait3A_1057 = tpu.memref_slice %arg7[%arg1, %dma_wait3A_1054, %dma_wait3A_1055, %dma_wait3A_1056] : memref<16x2x112x384xf32, #tpu.memory_space<vmem_shared>> -> memref<1x1x112x384xf32, #tpu.memory_space<vmem_shared>>
      %dma_wait3A_1058 = tpu.memref_squeeze %dma_wait3A_1057 : memref<1x1x112x384xf32, #tpu.memory_space<vmem_shared>> -> memref<112x384xf32, #tpu.memory_space<vmem_shared>>
      %dma_wait3A_1059 = arith.constant 0 : i32
      %dma_wait3A_1060 = tpu.memref_slice %arg2[%add3A_1014, %dma_wait3A_1059] : memref<200704x384xf32, #tpu.memory_space<hbm>> -> memref<112x384xf32, #tpu.memory_space<hbm>>
      tpu.wait_dma2 semaphore(%arg11 : memref<!tpu.dma_semaphore, #tpu.memory_space<semaphore_mem>>) src(%dma_wait3A_1060 : memref<112x384xf32, #tpu.memory_space<hbm>>) dst(%dma_wait3A_1058 : memref<112x384xf32, #tpu.memory_space<vmem_shared>>)
      %add3A_1061 = arith.constant 1008 : i32
      %add3A_1062 = arith.addi %mul3A_741, %add3A_1061 : i32
      %dma_start3A_1063 = arith.constant 1 : i32
      %dma_start3A_1064 = arith.constant 0 : i32
      %dma_start3A_1065 = tpu.memref_slice %arg4[%add3A_1062, %dma_start3A_1064] : memref<200704x384xf32, #tpu.memory_space<hbm>> -> memref<112x384xf32, #tpu.memory_space<hbm>>
      %dma_start3A_1066 = arith.constant 0 : i32
      %dma_start3A_1067 = arith.constant 0 : i32
      %dma_start3A_1068 = tpu.memref_slice %arg7[%arg1, %dma_start3A_1063, %dma_start3A_1066, %dma_start3A_1067] : memref<16x2x112x384xf32, #tpu.memory_space<vmem_shared>> -> memref<1x1x112x384xf32, #tpu.memory_space<vmem_shared>>
      %dma_start3A_1069 = tpu.memref_squeeze %dma_start3A_1068 : memref<1x1x112x384xf32, #tpu.memory_space<vmem_shared>> -> memref<112x384xf32, #tpu.memory_space<vmem_shared>>
      tpu.enqueue_dma source(%dma_start3A_1069 : memref<112x384xf32, #tpu.memory_space<vmem_shared>>) target(%dma_start3A_1065 : memref<112x384xf32, #tpu.memory_space<hbm>>) target_semaphore(%arg13 : memref<!tpu.dma_semaphore, #tpu.memory_space<semaphore_mem>>)
      %dma_wait3A_1070 = arith.constant 1 : i32
      %dma_wait3A_1071 = arith.constant 0 : i32
      %dma_wait3A_1072 = tpu.memref_slice %arg4[%add3A_1062, %dma_wait3A_1071] : memref<200704x384xf32, #tpu.memory_space<hbm>> -> memref<112x384xf32, #tpu.memory_space<hbm>>
      %dma_wait3A_1073 = arith.constant 0 : i32
      %dma_wait3A_1074 = arith.constant 0 : i32
      %dma_wait3A_1075 = tpu.memref_slice %arg7[%arg1, %dma_wait3A_1070, %dma_wait3A_1073, %dma_wait3A_1074] : memref<16x2x112x384xf32, #tpu.memory_space<vmem_shared>> -> memref<1x1x112x384xf32, #tpu.memory_space<vmem_shared>>
      %dma_wait3A_1076 = tpu.memref_squeeze %dma_wait3A_1075 : memref<1x1x112x384xf32, #tpu.memory_space<vmem_shared>> -> memref<112x384xf32, #tpu.memory_space<vmem_shared>>
      tpu.wait_dma2 semaphore(%arg13 : memref<!tpu.dma_semaphore, #tpu.memory_space<semaphore_mem>>) src(%dma_wait3A_1076 : memref<112x384xf32, #tpu.memory_space<vmem_shared>>) dst(%dma_wait3A_1072 : memref<112x384xf32, #tpu.memory_space<hbm>>)
      %add3A_1077 = arith.constant 1232 : i32
      %add3A_1078 = arith.addi %mul3A_741, %add3A_1077 : i32
      %dma_start3A_1079 = arith.constant 1 : i32
      %dma_start3A_1080 = arith.constant 0 : i32
      %dma_start3A_1081 = arith.constant 0 : i32
      %dma_start3A_1082 = tpu.memref_slice %arg7[%arg1, %dma_start3A_1079, %dma_start3A_1080, %dma_start3A_1081] : memref<16x2x112x384xf32, #tpu.memory_space<vmem_shared>> -> memref<1x1x112x384xf32, #tpu.memory_space<vmem_shared>>
      %dma_start3A_1083 = tpu.memref_squeeze %dma_start3A_1082 : memref<1x1x112x384xf32, #tpu.memory_space<vmem_shared>> -> memref<112x384xf32, #tpu.memory_space<vmem_shared>>
      %dma_start3A_1084 = arith.constant 0 : i32
      %dma_start3A_1085 = tpu.memref_slice %arg2[%add3A_1078, %dma_start3A_1084] : memref<200704x384xf32, #tpu.memory_space<hbm>> -> memref<112x384xf32, #tpu.memory_space<hbm>>
      tpu.enqueue_dma source(%dma_start3A_1085 : memref<112x384xf32, #tpu.memory_space<hbm>>) target(%dma_start3A_1083 : memref<112x384xf32, #tpu.memory_space<vmem_shared>>) target_semaphore(%arg11 : memref<!tpu.dma_semaphore, #tpu.memory_space<semaphore_mem>>)
      %dma_wait3A_1086 = arith.constant 0 : i32
      %dma_wait3A_1087 = arith.constant 0 : i32
      %dma_wait3A_1088 = arith.constant 0 : i32
      %dma_wait3A_1089 = tpu.memref_slice %arg7[%arg1, %dma_wait3A_1086, %dma_wait3A_1087, %dma_wait3A_1088] : memref<16x2x112x384xf32, #tpu.memory_space<vmem_shared>> -> memref<1x1x112x384xf32, #tpu.memory_space<vmem_shared>>
      %dma_wait3A_1090 = tpu.memref_squeeze %dma_wait3A_1089 : memref<1x1x112x384xf32, #tpu.memory_space<vmem_shared>> -> memref<112x384xf32, #tpu.memory_space<vmem_shared>>
      %dma_wait3A_1091 = arith.constant 0 : i32
      %dma_wait3A_1092 = tpu.memref_slice %arg2[%add3A_1046, %dma_wait3A_1091] : memref<200704x384xf32, #tpu.memory_space<hbm>> -> memref<112x384xf32, #tpu.memory_space<hbm>>
      tpu.wait_dma2 semaphore(%arg10 : memref<!tpu.dma_semaphore, #tpu.memory_space<semaphore_mem>>) src(%dma_wait3A_1092 : memref<112x384xf32, #tpu.memory_space<hbm>>) dst(%dma_wait3A_1090 : memref<112x384xf32, #tpu.memory_space<vmem_shared>>)
      %add3A_1093 = arith.constant 1120 : i32
      %add3A_1094 = arith.addi %mul3A_741, %add3A_1093 : i32
      %dma_start3A_1095 = arith.constant 0 : i32
      %dma_start3A_1096 = arith.constant 0 : i32
      %dma_start3A_1097 = tpu.memref_slice %arg4[%add3A_1094, %dma_start3A_1096] : memref<200704x384xf32, #tpu.memory_space<hbm>> -> memref<112x384xf32, #tpu.memory_space<hbm>>
      %dma_start3A_1098 = arith.constant 0 : i32
      %dma_start3A_1099 = arith.constant 0 : i32
      %dma_start3A_1100 = tpu.memref_slice %arg7[%arg1, %dma_start3A_1095, %dma_start3A_1098, %dma_start3A_1099] : memref<16x2x112x384xf32, #tpu.memory_space<vmem_shared>> -> memref<1x1x112x384xf32, #tpu.memory_space<vmem_shared>>
      %dma_start3A_1101 = tpu.memref_squeeze %dma_start3A_1100 : memref<1x1x112x384xf32, #tpu.memory_space<vmem_shared>> -> memref<112x384xf32, #tpu.memory_space<vmem_shared>>
      tpu.enqueue_dma source(%dma_start3A_1101 : memref<112x384xf32, #tpu.memory_space<vmem_shared>>) target(%dma_start3A_1097 : memref<112x384xf32, #tpu.memory_space<hbm>>) target_semaphore(%arg12 : memref<!tpu.dma_semaphore, #tpu.memory_space<semaphore_mem>>)
      %dma_wait3A_1102 = arith.constant 0 : i32
      %dma_wait3A_1103 = arith.constant 0 : i32
      %dma_wait3A_1104 = tpu.memref_slice %arg4[%add3A_1094, %dma_wait3A_1103] : memref<200704x384xf32, #tpu.memory_space<hbm>> -> memref<112x384xf32, #tpu.memory_space<hbm>>
      %dma_wait3A_1105 = arith.constant 0 : i32
      %dma_wait3A_1106 = arith.constant 0 : i32
      %dma_wait3A_1107 = tpu.memref_slice %arg7[%arg1, %dma_wait3A_1102, %dma_wait3A_1105, %dma_wait3A_1106] : memref<16x2x112x384xf32, #tpu.memory_space<vmem_shared>> -> memref<1x1x112x384xf32, #tpu.memory_space<vmem_shared>>
      %dma_wait3A_1108 = tpu.memref_squeeze %dma_wait3A_1107 : memref<1x1x112x384xf32, #tpu.memory_space<vmem_shared>> -> memref<112x384xf32, #tpu.memory_space<vmem_shared>>
      tpu.wait_dma2 semaphore(%arg12 : memref<!tpu.dma_semaphore, #tpu.memory_space<semaphore_mem>>) src(%dma_wait3A_1108 : memref<112x384xf32, #tpu.memory_space<vmem_shared>>) dst(%dma_wait3A_1104 : memref<112x384xf32, #tpu.memory_space<hbm>>)
      %add3A_1109 = arith.constant 1344 : i32
      %add3A_1110 = arith.addi %mul3A_741, %add3A_1109 : i32
      %dma_start3A_1111 = arith.constant 0 : i32
      %dma_start3A_1112 = arith.constant 0 : i32
      %dma_start3A_1113 = arith.constant 0 : i32
      %dma_start3A_1114 = tpu.memref_slice %arg7[%arg1, %dma_start3A_1111, %dma_start3A_1112, %dma_start3A_1113] : memref<16x2x112x384xf32, #tpu.memory_space<vmem_shared>> -> memref<1x1x112x384xf32, #tpu.memory_space<vmem_shared>>
      %dma_start3A_1115 = tpu.memref_squeeze %dma_start3A_1114 : memref<1x1x112x384xf32, #tpu.memory_space<vmem_shared>> -> memref<112x384xf32, #tpu.memory_space<vmem_shared>>
      %dma_start3A_1116 = arith.constant 0 : i32
      %dma_start3A_1117 = tpu.memref_slice %arg2[%add3A_1110, %dma_start3A_1116] : memref<200704x384xf32, #tpu.memory_space<hbm>> -> memref<112x384xf32, #tpu.memory_space<hbm>>
      tpu.enqueue_dma source(%dma_start3A_1117 : memref<112x384xf32, #tpu.memory_space<hbm>>) target(%dma_start3A_1115 : memref<112x384xf32, #tpu.memory_space<vmem_shared>>) target_semaphore(%arg10 : memref<!tpu.dma_semaphore, #tpu.memory_space<semaphore_mem>>)
      %dma_wait3A_1118 = arith.constant 1 : i32
      %dma_wait3A_1119 = arith.constant 0 : i32
      %dma_wait3A_1120 = arith.constant 0 : i32
      %dma_wait3A_1121 = tpu.memref_slice %arg7[%arg1, %dma_wait3A_1118, %dma_wait3A_1119, %dma_wait3A_1120] : memref<16x2x112x384xf32, #tpu.memory_space<vmem_shared>> -> memref<1x1x112x384xf32, #tpu.memory_space<vmem_shared>>
      %dma_wait3A_1122 = tpu.memref_squeeze %dma_wait3A_1121 : memref<1x1x112x384xf32, #tpu.memory_space<vmem_shared>> -> memref<112x384xf32, #tpu.memory_space<vmem_shared>>
      %dma_wait3A_1123 = arith.constant 0 : i32
      %dma_wait3A_1124 = tpu.memref_slice %arg2[%add3A_1078, %dma_wait3A_1123] : memref<200704x384xf32, #tpu.memory_space<hbm>> -> memref<112x384xf32, #tpu.memory_space<hbm>>
      tpu.wait_dma2 semaphore(%arg11 : memref<!tpu.dma_semaphore, #tpu.memory_space<semaphore_mem>>) src(%dma_wait3A_1124 : memref<112x384xf32, #tpu.memory_space<hbm>>) dst(%dma_wait3A_1122 : memref<112x384xf32, #tpu.memory_space<vmem_shared>>)
      %add3A_1125 = arith.constant 1232 : i32
      %add3A_1126 = arith.addi %mul3A_741, %add3A_1125 : i32
      %dma_start3A_1127 = arith.constant 1 : i32
      %dma_start3A_1128 = arith.constant 0 : i32
      %dma_start3A_1129 = tpu.memref_slice %arg4[%add3A_1126, %dma_start3A_1128] : memref<200704x384xf32, #tpu.memory_space<hbm>> -> memref<112x384xf32, #tpu.memory_space<hbm>>
      %dma_start3A_1130 = arith.constant 0 : i32
      %dma_start3A_1131 = arith.constant 0 : i32
      %dma_start3A_1132 = tpu.memref_slice %arg7[%arg1, %dma_start3A_1127, %dma_start3A_1130, %dma_start3A_1131] : memref<16x2x112x384xf32, #tpu.memory_space<vmem_shared>> -> memref<1x1x112x384xf32, #tpu.memory_space<vmem_shared>>
      %dma_start3A_1133 = tpu.memref_squeeze %dma_start3A_1132 : memref<1x1x112x384xf32, #tpu.memory_space<vmem_shared>> -> memref<112x384xf32, #tpu.memory_space<vmem_shared>>
      tpu.enqueue_dma source(%dma_start3A_1133 : memref<112x384xf32, #tpu.memory_space<vmem_shared>>) target(%dma_start3A_1129 : memref<112x384xf32, #tpu.memory_space<hbm>>) target_semaphore(%arg13 : memref<!tpu.dma_semaphore, #tpu.memory_space<semaphore_mem>>)
      %dma_wait3A_1134 = arith.constant 1 : i32
      %dma_wait3A_1135 = arith.constant 0 : i32
      %dma_wait3A_1136 = tpu.memref_slice %arg4[%add3A_1126, %dma_wait3A_1135] : memref<200704x384xf32, #tpu.memory_space<hbm>> -> memref<112x384xf32, #tpu.memory_space<hbm>>
      %dma_wait3A_1137 = arith.constant 0 : i32
      %dma_wait3A_1138 = arith.constant 0 : i32
      %dma_wait3A_1139 = tpu.memref_slice %arg7[%arg1, %dma_wait3A_1134, %dma_wait3A_1137, %dma_wait3A_1138] : memref<16x2x112x384xf32, #tpu.memory_space<vmem_shared>> -> memref<1x1x112x384xf32, #tpu.memory_space<vmem_shared>>
      %dma_wait3A_1140 = tpu.memref_squeeze %dma_wait3A_1139 : memref<1x1x112x384xf32, #tpu.memory_space<vmem_shared>> -> memref<112x384xf32, #tpu.memory_space<vmem_shared>>
      tpu.wait_dma2 semaphore(%arg13 : memref<!tpu.dma_semaphore, #tpu.memory_space<semaphore_mem>>) src(%dma_wait3A_1140 : memref<112x384xf32, #tpu.memory_space<vmem_shared>>) dst(%dma_wait3A_1136 : memref<112x384xf32, #tpu.memory_space<hbm>>)
      %add3A_1141 = arith.constant 1456 : i32
      %add3A_1142 = arith.addi %mul3A_741, %add3A_1141 : i32
      %dma_start3A_1143 = arith.constant 1 : i32
      %dma_start3A_1144 = arith.constant 0 : i32
      %dma_start3A_1145 = arith.constant 0 : i32
      %dma_start3A_1146 = tpu.memref_slice %arg7[%arg1, %dma_start3A_1143, %dma_start3A_1144, %dma_start3A_1145] : memref<16x2x112x384xf32, #tpu.memory_space<vmem_shared>> -> memref<1x1x112x384xf32, #tpu.memory_space<vmem_shared>>
      %dma_start3A_1147 = tpu.memref_squeeze %dma_start3A_1146 : memref<1x1x112x384xf32, #tpu.memory_space<vmem_shared>> -> memref<112x384xf32, #tpu.memory_space<vmem_shared>>
      %dma_start3A_1148 = arith.constant 0 : i32
      %dma_start3A_1149 = tpu.memref_slice %arg2[%add3A_1142, %dma_start3A_1148] : memref<200704x384xf32, #tpu.memory_space<hbm>> -> memref<112x384xf32, #tpu.memory_space<hbm>>
      tpu.enqueue_dma source(%dma_start3A_1149 : memref<112x384xf32, #tpu.memory_space<hbm>>) target(%dma_start3A_1147 : memref<112x384xf32, #tpu.memory_space<vmem_shared>>) target_semaphore(%arg11 : memref<!tpu.dma_semaphore, #tpu.memory_space<semaphore_mem>>)
      %dma_wait3A_1150 = arith.constant 0 : i32
      %dma_wait3A_1151 = arith.constant 0 : i32
      %dma_wait3A_1152 = arith.constant 0 : i32
      %dma_wait3A_1153 = tpu.memref_slice %arg7[%arg1, %dma_wait3A_1150, %dma_wait3A_1151, %dma_wait3A_1152] : memref<16x2x112x384xf32, #tpu.memory_space<vmem_shared>> -> memref<1x1x112x384xf32, #tpu.memory_space<vmem_shared>>
      %dma_wait3A_1154 = tpu.memref_squeeze %dma_wait3A_1153 : memref<1x1x112x384xf32, #tpu.memory_space<vmem_shared>> -> memref<112x384xf32, #tpu.memory_space<vmem_shared>>
      %dma_wait3A_1155 = arith.constant 0 : i32
      %dma_wait3A_1156 = tpu.memref_slice %arg2[%add3A_1110, %dma_wait3A_1155] : memref<200704x384xf32, #tpu.memory_space<hbm>> -> memref<112x384xf32, #tpu.memory_space<hbm>>
      tpu.wait_dma2 semaphore(%arg10 : memref<!tpu.dma_semaphore, #tpu.memory_space<semaphore_mem>>) src(%dma_wait3A_1156 : memref<112x384xf32, #tpu.memory_space<hbm>>) dst(%dma_wait3A_1154 : memref<112x384xf32, #tpu.memory_space<vmem_shared>>)
      %add3A_1157 = arith.constant 1344 : i32
      %add3A_1158 = arith.addi %mul3A_741, %add3A_1157 : i32
      %dma_start3A_1159 = arith.constant 0 : i32
      %dma_start3A_1160 = arith.constant 0 : i32
      %dma_start3A_1161 = tpu.memref_slice %arg4[%add3A_1158, %dma_start3A_1160] : memref<200704x384xf32, #tpu.memory_space<hbm>> -> memref<112x384xf32, #tpu.memory_space<hbm>>
      %dma_start3A_1162 = arith.constant 0 : i32
      %dma_start3A_1163 = arith.constant 0 : i32
      %dma_start3A_1164 = tpu.memref_slice %arg7[%arg1, %dma_start3A_1159, %dma_start3A_1162, %dma_start3A_1163] : memref<16x2x112x384xf32, #tpu.memory_space<vmem_shared>> -> memref<1x1x112x384xf32, #tpu.memory_space<vmem_shared>>
      %dma_start3A_1165 = tpu.memref_squeeze %dma_start3A_1164 : memref<1x1x112x384xf32, #tpu.memory_space<vmem_shared>> -> memref<112x384xf32, #tpu.memory_space<vmem_shared>>
      tpu.enqueue_dma source(%dma_start3A_1165 : memref<112x384xf32, #tpu.memory_space<vmem_shared>>) target(%dma_start3A_1161 : memref<112x384xf32, #tpu.memory_space<hbm>>) target_semaphore(%arg12 : memref<!tpu.dma_semaphore, #tpu.memory_space<semaphore_mem>>)
      %dma_wait3A_1166 = arith.constant 0 : i32
      %dma_wait3A_1167 = arith.constant 0 : i32
      %dma_wait3A_1168 = tpu.memref_slice %arg4[%add3A_1158, %dma_wait3A_1167] : memref<200704x384xf32, #tpu.memory_space<hbm>> -> memref<112x384xf32, #tpu.memory_space<hbm>>
      %dma_wait3A_1169 = arith.constant 0 : i32
      %dma_wait3A_1170 = arith.constant 0 : i32
      %dma_wait3A_1171 = tpu.memref_slice %arg7[%arg1, %dma_wait3A_1166, %dma_wait3A_1169, %dma_wait3A_1170] : memref<16x2x112x384xf32, #tpu.memory_space<vmem_shared>> -> memref<1x1x112x384xf32, #tpu.memory_space<vmem_shared>>
      %dma_wait3A_1172 = tpu.memref_squeeze %dma_wait3A_1171 : memref<1x1x112x384xf32, #tpu.memory_space<vmem_shared>> -> memref<112x384xf32, #tpu.memory_space<vmem_shared>>
      tpu.wait_dma2 semaphore(%arg12 : memref<!tpu.dma_semaphore, #tpu.memory_space<semaphore_mem>>) src(%dma_wait3A_1172 : memref<112x384xf32, #tpu.memory_space<vmem_shared>>) dst(%dma_wait3A_1168 : memref<112x384xf32, #tpu.memory_space<hbm>>)
      %add3A_1173 = arith.constant 1568 : i32
      %add3A_1174 = arith.addi %mul3A_741, %add3A_1173 : i32
      %dma_start3A_1175 = arith.constant 0 : i32
      %dma_start3A_1176 = arith.constant 0 : i32
      %dma_start3A_1177 = arith.constant 0 : i32
      %dma_start3A_1178 = tpu.memref_slice %arg7[%arg1, %dma_start3A_1175, %dma_start3A_1176, %dma_start3A_1177] : memref<16x2x112x384xf32, #tpu.memory_space<vmem_shared>> -> memref<1x1x112x384xf32, #tpu.memory_space<vmem_shared>>
      %dma_start3A_1179 = tpu.memref_squeeze %dma_start3A_1178 : memref<1x1x112x384xf32, #tpu.memory_space<vmem_shared>> -> memref<112x384xf32, #tpu.memory_space<vmem_shared>>
      %dma_start3A_1180 = arith.constant 0 : i32
      %dma_start3A_1181 = tpu.memref_slice %arg2[%add3A_1174, %dma_start3A_1180] : memref<200704x384xf32, #tpu.memory_space<hbm>> -> memref<112x384xf32, #tpu.memory_space<hbm>>
      tpu.enqueue_dma source(%dma_start3A_1181 : memref<112x384xf32, #tpu.memory_space<hbm>>) target(%dma_start3A_1179 : memref<112x384xf32, #tpu.memory_space<vmem_shared>>) target_semaphore(%arg10 : memref<!tpu.dma_semaphore, #tpu.memory_space<semaphore_mem>>)
      %dma_wait3A_1182 = arith.constant 1 : i32
      %dma_wait3A_1183 = arith.constant 0 : i32
      %dma_wait3A_1184 = arith.constant 0 : i32
      %dma_wait3A_1185 = tpu.memref_slice %arg7[%arg1, %dma_wait3A_1182, %dma_wait3A_1183, %dma_wait3A_1184] : memref<16x2x112x384xf32, #tpu.memory_space<vmem_shared>> -> memref<1x1x112x384xf32, #tpu.memory_space<vmem_shared>>
      %dma_wait3A_1186 = tpu.memref_squeeze %dma_wait3A_1185 : memref<1x1x112x384xf32, #tpu.memory_space<vmem_shared>> -> memref<112x384xf32, #tpu.memory_space<vmem_shared>>
      %dma_wait3A_1187 = arith.constant 0 : i32
      %dma_wait3A_1188 = tpu.memref_slice %arg2[%add3A_1142, %dma_wait3A_1187] : memref<200704x384xf32, #tpu.memory_space<hbm>> -> memref<112x384xf32, #tpu.memory_space<hbm>>
      tpu.wait_dma2 semaphore(%arg11 : memref<!tpu.dma_semaphore, #tpu.memory_space<semaphore_mem>>) src(%dma_wait3A_1188 : memref<112x384xf32, #tpu.memory_space<hbm>>) dst(%dma_wait3A_1186 : memref<112x384xf32, #tpu.memory_space<vmem_shared>>)
      %add3A_1189 = arith.constant 1456 : i32
      %add3A_1190 = arith.addi %mul3A_741, %add3A_1189 : i32
      %dma_start3A_1191 = arith.constant 1 : i32
      %dma_start3A_1192 = arith.constant 0 : i32
      %dma_start3A_1193 = tpu.memref_slice %arg4[%add3A_1190, %dma_start3A_1192] : memref<200704x384xf32, #tpu.memory_space<hbm>> -> memref<112x384xf32, #tpu.memory_space<hbm>>
      %dma_start3A_1194 = arith.constant 0 : i32
      %dma_start3A_1195 = arith.constant 0 : i32
      %dma_start3A_1196 = tpu.memref_slice %arg7[%arg1, %dma_start3A_1191, %dma_start3A_1194, %dma_start3A_1195] : memref<16x2x112x384xf32, #tpu.memory_space<vmem_shared>> -> memref<1x1x112x384xf32, #tpu.memory_space<vmem_shared>>
      %dma_start3A_1197 = tpu.memref_squeeze %dma_start3A_1196 : memref<1x1x112x384xf32, #tpu.memory_space<vmem_shared>> -> memref<112x384xf32, #tpu.memory_space<vmem_shared>>
      tpu.enqueue_dma source(%dma_start3A_1197 : memref<112x384xf32, #tpu.memory_space<vmem_shared>>) target(%dma_start3A_1193 : memref<112x384xf32, #tpu.memory_space<hbm>>) target_semaphore(%arg13 : memref<!tpu.dma_semaphore, #tpu.memory_space<semaphore_mem>>)
      %dma_wait3A_1198 = arith.constant 1 : i32
      %dma_wait3A_1199 = arith.constant 0 : i32
      %dma_wait3A_1200 = tpu.memref_slice %arg4[%add3A_1190, %dma_wait3A_1199] : memref<200704x384xf32, #tpu.memory_space<hbm>> -> memref<112x384xf32, #tpu.memory_space<hbm>>
      %dma_wait3A_1201 = arith.constant 0 : i32
      %dma_wait3A_1202 = arith.constant 0 : i32
      %dma_wait3A_1203 = tpu.memref_slice %arg7[%arg1, %dma_wait3A_1198, %dma_wait3A_1201, %dma_wait3A_1202] : memref<16x2x112x384xf32, #tpu.memory_space<vmem_shared>> -> memref<1x1x112x384xf32, #tpu.memory_space<vmem_shared>>
      %dma_wait3A_1204 = tpu.memref_squeeze %dma_wait3A_1203 : memref<1x1x112x384xf32, #tpu.memory_space<vmem_shared>> -> memref<112x384xf32, #tpu.memory_space<vmem_shared>>
      tpu.wait_dma2 semaphore(%arg13 : memref<!tpu.dma_semaphore, #tpu.memory_space<semaphore_mem>>) src(%dma_wait3A_1204 : memref<112x384xf32, #tpu.memory_space<vmem_shared>>) dst(%dma_wait3A_1200 : memref<112x384xf32, #tpu.memory_space<hbm>>)
      %add3A_1205 = arith.constant 1680 : i32
      %add3A_1206 = arith.addi %mul3A_741, %add3A_1205 : i32
      %dma_start3A_1207 = arith.constant 1 : i32
      %dma_start3A_1208 = arith.constant 0 : i32
      %dma_start3A_1209 = arith.constant 0 : i32
      %dma_start3A_1210 = tpu.memref_slice %arg7[%arg1, %dma_start3A_1207, %dma_start3A_1208, %dma_start3A_1209] : memref<16x2x112x384xf32, #tpu.memory_space<vmem_shared>> -> memref<1x1x112x384xf32, #tpu.memory_space<vmem_shared>>
      %dma_start3A_1211 = tpu.memref_squeeze %dma_start3A_1210 : memref<1x1x112x384xf32, #tpu.memory_space<vmem_shared>> -> memref<112x384xf32, #tpu.memory_space<vmem_shared>>
      %dma_start3A_1212 = arith.constant 0 : i32
      %dma_start3A_1213 = tpu.memref_slice %arg2[%add3A_1206, %dma_start3A_1212] : memref<200704x384xf32, #tpu.memory_space<hbm>> -> memref<112x384xf32, #tpu.memory_space<hbm>>
      tpu.enqueue_dma source(%dma_start3A_1213 : memref<112x384xf32, #tpu.memory_space<hbm>>) target(%dma_start3A_1211 : memref<112x384xf32, #tpu.memory_space<vmem_shared>>) target_semaphore(%arg11 : memref<!tpu.dma_semaphore, #tpu.memory_space<semaphore_mem>>)
      %dma_wait3A_1214 = arith.constant 0 : i32
      %dma_wait3A_1215 = arith.constant 0 : i32
      %dma_wait3A_1216 = arith.constant 0 : i32
      %dma_wait3A_1217 = tpu.memref_slice %arg7[%arg1, %dma_wait3A_1214, %dma_wait3A_1215, %dma_wait3A_1216] : memref<16x2x112x384xf32, #tpu.memory_space<vmem_shared>> -> memref<1x1x112x384xf32, #tpu.memory_space<vmem_shared>>
      %dma_wait3A_1218 = tpu.memref_squeeze %dma_wait3A_1217 : memref<1x1x112x384xf32, #tpu.memory_space<vmem_shared>> -> memref<112x384xf32, #tpu.memory_space<vmem_shared>>
      %dma_wait3A_1219 = arith.constant 0 : i32
      %dma_wait3A_1220 = tpu.memref_slice %arg2[%add3A_1174, %dma_wait3A_1219] : memref<200704x384xf32, #tpu.memory_space<hbm>> -> memref<112x384xf32, #tpu.memory_space<hbm>>
      tpu.wait_dma2 semaphore(%arg10 : memref<!tpu.dma_semaphore, #tpu.memory_space<semaphore_mem>>) src(%dma_wait3A_1220 : memref<112x384xf32, #tpu.memory_space<hbm>>) dst(%dma_wait3A_1218 : memref<112x384xf32, #tpu.memory_space<vmem_shared>>)
      %add3A_1221 = arith.constant 1568 : i32
      %add3A_1222 = arith.addi %mul3A_741, %add3A_1221 : i32
      %dma_start3A_1223 = arith.constant 0 : i32
      %dma_start3A_1224 = arith.constant 0 : i32
      %dma_start3A_1225 = tpu.memref_slice %arg4[%add3A_1222, %dma_start3A_1224] : memref<200704x384xf32, #tpu.memory_space<hbm>> -> memref<112x384xf32, #tpu.memory_space<hbm>>
      %dma_start3A_1226 = arith.constant 0 : i32
      %dma_start3A_1227 = arith.constant 0 : i32
      %dma_start3A_1228 = tpu.memref_slice %arg7[%arg1, %dma_start3A_1223, %dma_start3A_1226, %dma_start3A_1227] : memref<16x2x112x384xf32, #tpu.memory_space<vmem_shared>> -> memref<1x1x112x384xf32, #tpu.memory_space<vmem_shared>>
      %dma_start3A_1229 = tpu.memref_squeeze %dma_start3A_1228 : memref<1x1x112x384xf32, #tpu.memory_space<vmem_shared>> -> memref<112x384xf32, #tpu.memory_space<vmem_shared>>
      tpu.enqueue_dma source(%dma_start3A_1229 : memref<112x384xf32, #tpu.memory_space<vmem_shared>>) target(%dma_start3A_1225 : memref<112x384xf32, #tpu.memory_space<hbm>>) target_semaphore(%arg12 : memref<!tpu.dma_semaphore, #tpu.memory_space<semaphore_mem>>)
      %dma_wait3A_1230 = arith.constant 0 : i32
      %dma_wait3A_1231 = arith.constant 0 : i32
      %dma_wait3A_1232 = tpu.memref_slice %arg4[%add3A_1222, %dma_wait3A_1231] : memref<200704x384xf32, #tpu.memory_space<hbm>> -> memref<112x384xf32, #tpu.memory_space<hbm>>
      %dma_wait3A_1233 = arith.constant 0 : i32
      %dma_wait3A_1234 = arith.constant 0 : i32
      %dma_wait3A_1235 = tpu.memref_slice %arg7[%arg1, %dma_wait3A_1230, %dma_wait3A_1233, %dma_wait3A_1234] : memref<16x2x112x384xf32, #tpu.memory_space<vmem_shared>> -> memref<1x1x112x384xf32, #tpu.memory_space<vmem_shared>>
      %dma_wait3A_1236 = tpu.memref_squeeze %dma_wait3A_1235 : memref<1x1x112x384xf32, #tpu.memory_space<vmem_shared>> -> memref<112x384xf32, #tpu.memory_space<vmem_shared>>
      tpu.wait_dma2 semaphore(%arg12 : memref<!tpu.dma_semaphore, #tpu.memory_space<semaphore_mem>>) src(%dma_wait3A_1236 : memref<112x384xf32, #tpu.memory_space<vmem_shared>>) dst(%dma_wait3A_1232 : memref<112x384xf32, #tpu.memory_space<hbm>>)
      %add3A_1237 = arith.constant 1792 : i32
      %add3A_1238 = arith.addi %mul3A_741, %add3A_1237 : i32
      %dma_start3A_1239 = arith.constant 0 : i32
      %dma_start3A_1240 = arith.constant 0 : i32
      %dma_start3A_1241 = arith.constant 0 : i32
      %dma_start3A_1242 = tpu.memref_slice %arg7[%arg1, %dma_start3A_1239, %dma_start3A_1240, %dma_start3A_1241] : memref<16x2x112x384xf32, #tpu.memory_space<vmem_shared>> -> memref<1x1x112x384xf32, #tpu.memory_space<vmem_shared>>
      %dma_start3A_1243 = tpu.memref_squeeze %dma_start3A_1242 : memref<1x1x112x384xf32, #tpu.memory_space<vmem_shared>> -> memref<112x384xf32, #tpu.memory_space<vmem_shared>>
      %dma_start3A_1244 = arith.constant 0 : i32
      %dma_start3A_1245 = tpu.memref_slice %arg2[%add3A_1238, %dma_start3A_1244] : memref<200704x384xf32, #tpu.memory_space<hbm>> -> memref<112x384xf32, #tpu.memory_space<hbm>>
      tpu.enqueue_dma source(%dma_start3A_1245 : memref<112x384xf32, #tpu.memory_space<hbm>>) target(%dma_start3A_1243 : memref<112x384xf32, #tpu.memory_space<vmem_shared>>) target_semaphore(%arg10 : memref<!tpu.dma_semaphore, #tpu.memory_space<semaphore_mem>>)
      %dma_wait3A_1246 = arith.constant 1 : i32
      %dma_wait3A_1247 = arith.constant 0 : i32
      %dma_wait3A_1248 = arith.constant 0 : i32
      %dma_wait3A_1249 = tpu.memref_slice %arg7[%arg1, %dma_wait3A_1246, %dma_wait3A_1247, %dma_wait3A_1248] : memref<16x2x112x384xf32, #tpu.memory_space<vmem_shared>> -> memref<1x1x112x384xf32, #tpu.memory_space<vmem_shared>>
      %dma_wait3A_1250 = tpu.memref_squeeze %dma_wait3A_1249 : memref<1x1x112x384xf32, #tpu.memory_space<vmem_shared>> -> memref<112x384xf32, #tpu.memory_space<vmem_shared>>
      %dma_wait3A_1251 = arith.constant 0 : i32
      %dma_wait3A_1252 = tpu.memref_slice %arg2[%add3A_1206, %dma_wait3A_1251] : memref<200704x384xf32, #tpu.memory_space<hbm>> -> memref<112x384xf32, #tpu.memory_space<hbm>>
      tpu.wait_dma2 semaphore(%arg11 : memref<!tpu.dma_semaphore, #tpu.memory_space<semaphore_mem>>) src(%dma_wait3A_1252 : memref<112x384xf32, #tpu.memory_space<hbm>>) dst(%dma_wait3A_1250 : memref<112x384xf32, #tpu.memory_space<vmem_shared>>)
      %add3A_1253 = arith.constant 1680 : i32
      %add3A_1254 = arith.addi %mul3A_741, %add3A_1253 : i32
      %dma_start3A_1255 = arith.constant 1 : i32
      %dma_start3A_1256 = arith.constant 0 : i32
      %dma_start3A_1257 = tpu.memref_slice %arg4[%add3A_1254, %dma_start3A_1256] : memref<200704x384xf32, #tpu.memory_space<hbm>> -> memref<112x384xf32, #tpu.memory_space<hbm>>
      %dma_start3A_1258 = arith.constant 0 : i32
      %dma_start3A_1259 = arith.constant 0 : i32
      %dma_start3A_1260 = tpu.memref_slice %arg7[%arg1, %dma_start3A_1255, %dma_start3A_1258, %dma_start3A_1259] : memref<16x2x112x384xf32, #tpu.memory_space<vmem_shared>> -> memref<1x1x112x384xf32, #tpu.memory_space<vmem_shared>>
      %dma_start3A_1261 = tpu.memref_squeeze %dma_start3A_1260 : memref<1x1x112x384xf32, #tpu.memory_space<vmem_shared>> -> memref<112x384xf32, #tpu.memory_space<vmem_shared>>
      tpu.enqueue_dma source(%dma_start3A_1261 : memref<112x384xf32, #tpu.memory_space<vmem_shared>>) target(%dma_start3A_1257 : memref<112x384xf32, #tpu.memory_space<hbm>>) target_semaphore(%arg13 : memref<!tpu.dma_semaphore, #tpu.memory_space<semaphore_mem>>)
      %dma_wait3A_1262 = arith.constant 1 : i32
      %dma_wait3A_1263 = arith.constant 0 : i32
      %dma_wait3A_1264 = tpu.memref_slice %arg4[%add3A_1254, %dma_wait3A_1263] : memref<200704x384xf32, #tpu.memory_space<hbm>> -> memref<112x384xf32, #tpu.memory_space<hbm>>
      %dma_wait3A_1265 = arith.constant 0 : i32
      %dma_wait3A_1266 = arith.constant 0 : i32
      %dma_wait3A_1267 = tpu.memref_slice %arg7[%arg1, %dma_wait3A_1262, %dma_wait3A_1265, %dma_wait3A_1266] : memref<16x2x112x384xf32, #tpu.memory_space<vmem_shared>> -> memref<1x1x112x384xf32, #tpu.memory_space<vmem_shared>>
      %dma_wait3A_1268 = tpu.memref_squeeze %dma_wait3A_1267 : memref<1x1x112x384xf32, #tpu.memory_space<vmem_shared>> -> memref<112x384xf32, #tpu.memory_space<vmem_shared>>
      tpu.wait_dma2 semaphore(%arg13 : memref<!tpu.dma_semaphore, #tpu.memory_space<semaphore_mem>>) src(%dma_wait3A_1268 : memref<112x384xf32, #tpu.memory_space<vmem_shared>>) dst(%dma_wait3A_1264 : memref<112x384xf32, #tpu.memory_space<hbm>>)
      %add3A_1269 = arith.constant 1904 : i32
      %add3A_1270 = arith.addi %mul3A_741, %add3A_1269 : i32
      %dma_start3A_1271 = arith.constant 1 : i32
      %dma_start3A_1272 = arith.constant 0 : i32
      %dma_start3A_1273 = arith.constant 0 : i32
      %dma_start3A_1274 = tpu.memref_slice %arg7[%arg1, %dma_start3A_1271, %dma_start3A_1272, %dma_start3A_1273] : memref<16x2x112x384xf32, #tpu.memory_space<vmem_shared>> -> memref<1x1x112x384xf32, #tpu.memory_space<vmem_shared>>
      %dma_start3A_1275 = tpu.memref_squeeze %dma_start3A_1274 : memref<1x1x112x384xf32, #tpu.memory_space<vmem_shared>> -> memref<112x384xf32, #tpu.memory_space<vmem_shared>>
      %dma_start3A_1276 = arith.constant 0 : i32
      %dma_start3A_1277 = tpu.memref_slice %arg2[%add3A_1270, %dma_start3A_1276] : memref<200704x384xf32, #tpu.memory_space<hbm>> -> memref<112x384xf32, #tpu.memory_space<hbm>>
      tpu.enqueue_dma source(%dma_start3A_1277 : memref<112x384xf32, #tpu.memory_space<hbm>>) target(%dma_start3A_1275 : memref<112x384xf32, #tpu.memory_space<vmem_shared>>) target_semaphore(%arg11 : memref<!tpu.dma_semaphore, #tpu.memory_space<semaphore_mem>>)
      %dma_wait3A_1278 = arith.constant 0 : i32
      %dma_wait3A_1279 = arith.constant 0 : i32
      %dma_wait3A_1280 = arith.constant 0 : i32
      %dma_wait3A_1281 = tpu.memref_slice %arg7[%arg1, %dma_wait3A_1278, %dma_wait3A_1279, %dma_wait3A_1280] : memref<16x2x112x384xf32, #tpu.memory_space<vmem_shared>> -> memref<1x1x112x384xf32, #tpu.memory_space<vmem_shared>>
      %dma_wait3A_1282 = tpu.memref_squeeze %dma_wait3A_1281 : memref<1x1x112x384xf32, #tpu.memory_space<vmem_shared>> -> memref<112x384xf32, #tpu.memory_space<vmem_shared>>
      %dma_wait3A_1283 = arith.constant 0 : i32
      %dma_wait3A_1284 = tpu.memref_slice %arg2[%add3A_1238, %dma_wait3A_1283] : memref<200704x384xf32, #tpu.memory_space<hbm>> -> memref<112x384xf32, #tpu.memory_space<hbm>>
      tpu.wait_dma2 semaphore(%arg10 : memref<!tpu.dma_semaphore, #tpu.memory_space<semaphore_mem>>) src(%dma_wait3A_1284 : memref<112x384xf32, #tpu.memory_space<hbm>>) dst(%dma_wait3A_1282 : memref<112x384xf32, #tpu.memory_space<vmem_shared>>)
      %add3A_1285 = arith.constant 1792 : i32
      %add3A_1286 = arith.addi %mul3A_741, %add3A_1285 : i32
      %dma_start3A_1287 = arith.constant 0 : i32
      %dma_start3A_1288 = arith.constant 0 : i32
      %dma_start3A_1289 = tpu.memref_slice %arg4[%add3A_1286, %dma_start3A_1288] : memref<200704x384xf32, #tpu.memory_space<hbm>> -> memref<112x384xf32, #tpu.memory_space<hbm>>
      %dma_start3A_1290 = arith.constant 0 : i32
      %dma_start3A_1291 = arith.constant 0 : i32
      %dma_start3A_1292 = tpu.memref_slice %arg7[%arg1, %dma_start3A_1287, %dma_start3A_1290, %dma_start3A_1291] : memref<16x2x112x384xf32, #tpu.memory_space<vmem_shared>> -> memref<1x1x112x384xf32, #tpu.memory_space<vmem_shared>>
      %dma_start3A_1293 = tpu.memref_squeeze %dma_start3A_1292 : memref<1x1x112x384xf32, #tpu.memory_space<vmem_shared>> -> memref<112x384xf32, #tpu.memory_space<vmem_shared>>
      tpu.enqueue_dma source(%dma_start3A_1293 : memref<112x384xf32, #tpu.memory_space<vmem_shared>>) target(%dma_start3A_1289 : memref<112x384xf32, #tpu.memory_space<hbm>>) target_semaphore(%arg12 : memref<!tpu.dma_semaphore, #tpu.memory_space<semaphore_mem>>)
      %dma_wait3A_1294 = arith.constant 0 : i32
      %dma_wait3A_1295 = arith.constant 0 : i32
      %dma_wait3A_1296 = tpu.memref_slice %arg4[%add3A_1286, %dma_wait3A_1295] : memref<200704x384xf32, #tpu.memory_space<hbm>> -> memref<112x384xf32, #tpu.memory_space<hbm>>
      %dma_wait3A_1297 = arith.constant 0 : i32
      %dma_wait3A_1298 = arith.constant 0 : i32
      %dma_wait3A_1299 = tpu.memref_slice %arg7[%arg1, %dma_wait3A_1294, %dma_wait3A_1297, %dma_wait3A_1298] : memref<16x2x112x384xf32, #tpu.memory_space<vmem_shared>> -> memref<1x1x112x384xf32, #tpu.memory_space<vmem_shared>>
      %dma_wait3A_1300 = tpu.memref_squeeze %dma_wait3A_1299 : memref<1x1x112x384xf32, #tpu.memory_space<vmem_shared>> -> memref<112x384xf32, #tpu.memory_space<vmem_shared>>
      tpu.wait_dma2 semaphore(%arg12 : memref<!tpu.dma_semaphore, #tpu.memory_space<semaphore_mem>>) src(%dma_wait3A_1300 : memref<112x384xf32, #tpu.memory_space<vmem_shared>>) dst(%dma_wait3A_1296 : memref<112x384xf32, #tpu.memory_space<hbm>>)
      %add3A_1301 = arith.constant 2016 : i32
      %add3A_1302 = arith.addi %mul3A_741, %add3A_1301 : i32
      %dma_start3A_1303 = arith.constant 0 : i32
      %dma_start3A_1304 = arith.constant 0 : i32
      %dma_start3A_1305 = arith.constant 0 : i32
      %dma_start3A_1306 = tpu.memref_slice %arg7[%arg1, %dma_start3A_1303, %dma_start3A_1304, %dma_start3A_1305] : memref<16x2x112x384xf32, #tpu.memory_space<vmem_shared>> -> memref<1x1x112x384xf32, #tpu.memory_space<vmem_shared>>
      %dma_start3A_1307 = tpu.memref_squeeze %dma_start3A_1306 : memref<1x1x112x384xf32, #tpu.memory_space<vmem_shared>> -> memref<112x384xf32, #tpu.memory_space<vmem_shared>>
      %dma_start3A_1308 = arith.constant 0 : i32
      %dma_start3A_1309 = tpu.memref_slice %arg2[%add3A_1302, %dma_start3A_1308] : memref<200704x384xf32, #tpu.memory_space<hbm>> -> memref<112x384xf32, #tpu.memory_space<hbm>>
      tpu.enqueue_dma source(%dma_start3A_1309 : memref<112x384xf32, #tpu.memory_space<hbm>>) target(%dma_start3A_1307 : memref<112x384xf32, #tpu.memory_space<vmem_shared>>) target_semaphore(%arg10 : memref<!tpu.dma_semaphore, #tpu.memory_space<semaphore_mem>>)
      %dma_wait3A_1310 = arith.constant 1 : i32
      %dma_wait3A_1311 = arith.constant 0 : i32
      %dma_wait3A_1312 = arith.constant 0 : i32
      %dma_wait3A_1313 = tpu.memref_slice %arg7[%arg1, %dma_wait3A_1310, %dma_wait3A_1311, %dma_wait3A_1312] : memref<16x2x112x384xf32, #tpu.memory_space<vmem_shared>> -> memref<1x1x112x384xf32, #tpu.memory_space<vmem_shared>>
      %dma_wait3A_1314 = tpu.memref_squeeze %dma_wait3A_1313 : memref<1x1x112x384xf32, #tpu.memory_space<vmem_shared>> -> memref<112x384xf32, #tpu.memory_space<vmem_shared>>
      %dma_wait3A_1315 = arith.constant 0 : i32
      %dma_wait3A_1316 = tpu.memref_slice %arg2[%add3A_1270, %dma_wait3A_1315] : memref<200704x384xf32, #tpu.memory_space<hbm>> -> memref<112x384xf32, #tpu.memory_space<hbm>>
      tpu.wait_dma2 semaphore(%arg11 : memref<!tpu.dma_semaphore, #tpu.memory_space<semaphore_mem>>) src(%dma_wait3A_1316 : memref<112x384xf32, #tpu.memory_space<hbm>>) dst(%dma_wait3A_1314 : memref<112x384xf32, #tpu.memory_space<vmem_shared>>)
      %add3A_1317 = arith.constant 1904 : i32
      %add3A_1318 = arith.addi %mul3A_741, %add3A_1317 : i32
      %dma_start3A_1319 = arith.constant 1 : i32
      %dma_start3A_1320 = arith.constant 0 : i32
      %dma_start3A_1321 = tpu.memref_slice %arg4[%add3A_1318, %dma_start3A_1320] : memref<200704x384xf32, #tpu.memory_space<hbm>> -> memref<112x384xf32, #tpu.memory_space<hbm>>
      %dma_start3A_1322 = arith.constant 0 : i32
      %dma_start3A_1323 = arith.constant 0 : i32
      %dma_start3A_1324 = tpu.memref_slice %arg7[%arg1, %dma_start3A_1319, %dma_start3A_1322, %dma_start3A_1323] : memref<16x2x112x384xf32, #tpu.memory_space<vmem_shared>> -> memref<1x1x112x384xf32, #tpu.memory_space<vmem_shared>>
      %dma_start3A_1325 = tpu.memref_squeeze %dma_start3A_1324 : memref<1x1x112x384xf32, #tpu.memory_space<vmem_shared>> -> memref<112x384xf32, #tpu.memory_space<vmem_shared>>
      tpu.enqueue_dma source(%dma_start3A_1325 : memref<112x384xf32, #tpu.memory_space<vmem_shared>>) target(%dma_start3A_1321 : memref<112x384xf32, #tpu.memory_space<hbm>>) target_semaphore(%arg13 : memref<!tpu.dma_semaphore, #tpu.memory_space<semaphore_mem>>)
      %dma_wait3A_1326 = arith.constant 1 : i32
      %dma_wait3A_1327 = arith.constant 0 : i32
      %dma_wait3A_1328 = tpu.memref_slice %arg4[%add3A_1318, %dma_wait3A_1327] : memref<200704x384xf32, #tpu.memory_space<hbm>> -> memref<112x384xf32, #tpu.memory_space<hbm>>
      %dma_wait3A_1329 = arith.constant 0 : i32
      %dma_wait3A_1330 = arith.constant 0 : i32
      %dma_wait3A_1331 = tpu.memref_slice %arg7[%arg1, %dma_wait3A_1326, %dma_wait3A_1329, %dma_wait3A_1330] : memref<16x2x112x384xf32, #tpu.memory_space<vmem_shared>> -> memref<1x1x112x384xf32, #tpu.memory_space<vmem_shared>>
      %dma_wait3A_1332 = tpu.memref_squeeze %dma_wait3A_1331 : memref<1x1x112x384xf32, #tpu.memory_space<vmem_shared>> -> memref<112x384xf32, #tpu.memory_space<vmem_shared>>
      tpu.wait_dma2 semaphore(%arg13 : memref<!tpu.dma_semaphore, #tpu.memory_space<semaphore_mem>>) src(%dma_wait3A_1332 : memref<112x384xf32, #tpu.memory_space<vmem_shared>>) dst(%dma_wait3A_1328 : memref<112x384xf32, #tpu.memory_space<hbm>>)
      %add3A_1333 = arith.constant 2128 : i32
      %add3A_1334 = arith.addi %mul3A_741, %add3A_1333 : i32
      %dma_start3A_1335 = arith.constant 1 : i32
      %dma_start3A_1336 = arith.constant 0 : i32
      %dma_start3A_1337 = arith.constant 0 : i32
      %dma_start3A_1338 = tpu.memref_slice %arg7[%arg1, %dma_start3A_1335, %dma_start3A_1336, %dma_start3A_1337] : memref<16x2x112x384xf32, #tpu.memory_space<vmem_shared>> -> memref<1x1x112x384xf32, #tpu.memory_space<vmem_shared>>
      %dma_start3A_1339 = tpu.memref_squeeze %dma_start3A_1338 : memref<1x1x112x384xf32, #tpu.memory_space<vmem_shared>> -> memref<112x384xf32, #tpu.memory_space<vmem_shared>>
      %dma_start3A_1340 = arith.constant 0 : i32
      %dma_start3A_1341 = tpu.memref_slice %arg2[%add3A_1334, %dma_start3A_1340] : memref<200704x384xf32, #tpu.memory_space<hbm>> -> memref<112x384xf32, #tpu.memory_space<hbm>>
      tpu.enqueue_dma source(%dma_start3A_1341 : memref<112x384xf32, #tpu.memory_space<hbm>>) target(%dma_start3A_1339 : memref<112x384xf32, #tpu.memory_space<vmem_shared>>) target_semaphore(%arg11 : memref<!tpu.dma_semaphore, #tpu.memory_space<semaphore_mem>>)
      %dma_wait3A_1342 = arith.constant 0 : i32
      %dma_wait3A_1343 = arith.constant 0 : i32
      %dma_wait3A_1344 = arith.constant 0 : i32
      %dma_wait3A_1345 = tpu.memref_slice %arg7[%arg1, %dma_wait3A_1342, %dma_wait3A_1343, %dma_wait3A_1344] : memref<16x2x112x384xf32, #tpu.memory_space<vmem_shared>> -> memref<1x1x112x384xf32, #tpu.memory_space<vmem_shared>>
      %dma_wait3A_1346 = tpu.memref_squeeze %dma_wait3A_1345 : memref<1x1x112x384xf32, #tpu.memory_space<vmem_shared>> -> memref<112x384xf32, #tpu.memory_space<vmem_shared>>
      %dma_wait3A_1347 = arith.constant 0 : i32
      %dma_wait3A_1348 = tpu.memref_slice %arg2[%add3A_1302, %dma_wait3A_1347] : memref<200704x384xf32, #tpu.memory_space<hbm>> -> memref<112x384xf32, #tpu.memory_space<hbm>>
      tpu.wait_dma2 semaphore(%arg10 : memref<!tpu.dma_semaphore, #tpu.memory_space<semaphore_mem>>) src(%dma_wait3A_1348 : memref<112x384xf32, #tpu.memory_space<hbm>>) dst(%dma_wait3A_1346 : memref<112x384xf32, #tpu.memory_space<vmem_shared>>)
      %add3A_1349 = arith.constant 2016 : i32
      %add3A_1350 = arith.addi %mul3A_741, %add3A_1349 : i32
      %dma_start3A_1351 = arith.constant 0 : i32
      %dma_start3A_1352 = arith.constant 0 : i32
      %dma_start3A_1353 = tpu.memref_slice %arg4[%add3A_1350, %dma_start3A_1352] : memref<200704x384xf32, #tpu.memory_space<hbm>> -> memref<112x384xf32, #tpu.memory_space<hbm>>
      %dma_start3A_1354 = arith.constant 0 : i32
      %dma_start3A_1355 = arith.constant 0 : i32
      %dma_start3A_1356 = tpu.memref_slice %arg7[%arg1, %dma_start3A_1351, %dma_start3A_1354, %dma_start3A_1355] : memref<16x2x112x384xf32, #tpu.memory_space<vmem_shared>> -> memref<1x1x112x384xf32, #tpu.memory_space<vmem_shared>>
      %dma_start3A_1357 = tpu.memref_squeeze %dma_start3A_1356 : memref<1x1x112x384xf32, #tpu.memory_space<vmem_shared>> -> memref<112x384xf32, #tpu.memory_space<vmem_shared>>
      tpu.enqueue_dma source(%dma_start3A_1357 : memref<112x384xf32, #tpu.memory_space<vmem_shared>>) target(%dma_start3A_1353 : memref<112x384xf32, #tpu.memory_space<hbm>>) target_semaphore(%arg12 : memref<!tpu.dma_semaphore, #tpu.memory_space<semaphore_mem>>)
      %dma_wait3A_1358 = arith.constant 0 : i32
      %dma_wait3A_1359 = arith.constant 0 : i32
      %dma_wait3A_1360 = tpu.memref_slice %arg4[%add3A_1350, %dma_wait3A_1359] : memref<200704x384xf32, #tpu.memory_space<hbm>> -> memref<112x384xf32, #tpu.memory_space<hbm>>
      %dma_wait3A_1361 = arith.constant 0 : i32
      %dma_wait3A_1362 = arith.constant 0 : i32
      %dma_wait3A_1363 = tpu.memref_slice %arg7[%arg1, %dma_wait3A_1358, %dma_wait3A_1361, %dma_wait3A_1362] : memref<16x2x112x384xf32, #tpu.memory_space<vmem_shared>> -> memref<1x1x112x384xf32, #tpu.memory_space<vmem_shared>>
      %dma_wait3A_1364 = tpu.memref_squeeze %dma_wait3A_1363 : memref<1x1x112x384xf32, #tpu.memory_space<vmem_shared>> -> memref<112x384xf32, #tpu.memory_space<vmem_shared>>
      tpu.wait_dma2 semaphore(%arg12 : memref<!tpu.dma_semaphore, #tpu.memory_space<semaphore_mem>>) src(%dma_wait3A_1364 : memref<112x384xf32, #tpu.memory_space<vmem_shared>>) dst(%dma_wait3A_1360 : memref<112x384xf32, #tpu.memory_space<hbm>>)
      %add3A_1365 = arith.constant 2240 : i32
      %add3A_1366 = arith.addi %mul3A_741, %add3A_1365 : i32
      %dma_start3A_1367 = arith.constant 0 : i32
      %dma_start3A_1368 = arith.constant 0 : i32
      %dma_start3A_1369 = arith.constant 0 : i32
      %dma_start3A_1370 = tpu.memref_slice %arg7[%arg1, %dma_start3A_1367, %dma_start3A_1368, %dma_start3A_1369] : memref<16x2x112x384xf32, #tpu.memory_space<vmem_shared>> -> memref<1x1x112x384xf32, #tpu.memory_space<vmem_shared>>
      %dma_start3A_1371 = tpu.memref_squeeze %dma_start3A_1370 : memref<1x1x112x384xf32, #tpu.memory_space<vmem_shared>> -> memref<112x384xf32, #tpu.memory_space<vmem_shared>>
      %dma_start3A_1372 = arith.constant 0 : i32
      %dma_start3A_1373 = tpu.memref_slice %arg2[%add3A_1366, %dma_start3A_1372] : memref<200704x384xf32, #tpu.memory_space<hbm>> -> memref<112x384xf32, #tpu.memory_space<hbm>>
      tpu.enqueue_dma source(%dma_start3A_1373 : memref<112x384xf32, #tpu.memory_space<hbm>>) target(%dma_start3A_1371 : memref<112x384xf32, #tpu.memory_space<vmem_shared>>) target_semaphore(%arg10 : memref<!tpu.dma_semaphore, #tpu.memory_space<semaphore_mem>>)
      %dma_wait3A_1374 = arith.constant 1 : i32
      %dma_wait3A_1375 = arith.constant 0 : i32
      %dma_wait3A_1376 = arith.constant 0 : i32
      %dma_wait3A_1377 = tpu.memref_slice %arg7[%arg1, %dma_wait3A_1374, %dma_wait3A_1375, %dma_wait3A_1376] : memref<16x2x112x384xf32, #tpu.memory_space<vmem_shared>> -> memref<1x1x112x384xf32, #tpu.memory_space<vmem_shared>>
      %dma_wait3A_1378 = tpu.memref_squeeze %dma_wait3A_1377 : memref<1x1x112x384xf32, #tpu.memory_space<vmem_shared>> -> memref<112x384xf32, #tpu.memory_space<vmem_shared>>
      %dma_wait3A_1379 = arith.constant 0 : i32
      %dma_wait3A_1380 = tpu.memref_slice %arg2[%add3A_1334, %dma_wait3A_1379] : memref<200704x384xf32, #tpu.memory_space<hbm>> -> memref<112x384xf32, #tpu.memory_space<hbm>>
      tpu.wait_dma2 semaphore(%arg11 : memref<!tpu.dma_semaphore, #tpu.memory_space<semaphore_mem>>) src(%dma_wait3A_1380 : memref<112x384xf32, #tpu.memory_space<hbm>>) dst(%dma_wait3A_1378 : memref<112x384xf32, #tpu.memory_space<vmem_shared>>)
      %add3A_1381 = arith.constant 2128 : i32
      %add3A_1382 = arith.addi %mul3A_741, %add3A_1381 : i32
      %dma_start3A_1383 = arith.constant 1 : i32
      %dma_start3A_1384 = arith.constant 0 : i32
      %dma_start3A_1385 = tpu.memref_slice %arg4[%add3A_1382, %dma_start3A_1384] : memref<200704x384xf32, #tpu.memory_space<hbm>> -> memref<112x384xf32, #tpu.memory_space<hbm>>
      %dma_start3A_1386 = arith.constant 0 : i32
      %dma_start3A_1387 = arith.constant 0 : i32
      %dma_start3A_1388 = tpu.memref_slice %arg7[%arg1, %dma_start3A_1383, %dma_start3A_1386, %dma_start3A_1387] : memref<16x2x112x384xf32, #tpu.memory_space<vmem_shared>> -> memref<1x1x112x384xf32, #tpu.memory_space<vmem_shared>>
      %dma_start3A_1389 = tpu.memref_squeeze %dma_start3A_1388 : memref<1x1x112x384xf32, #tpu.memory_space<vmem_shared>> -> memref<112x384xf32, #tpu.memory_space<vmem_shared>>
      tpu.enqueue_dma source(%dma_start3A_1389 : memref<112x384xf32, #tpu.memory_space<vmem_shared>>) target(%dma_start3A_1385 : memref<112x384xf32, #tpu.memory_space<hbm>>) target_semaphore(%arg13 : memref<!tpu.dma_semaphore, #tpu.memory_space<semaphore_mem>>)
      %dma_wait3A_1390 = arith.constant 1 : i32
      %dma_wait3A_1391 = arith.constant 0 : i32
      %dma_wait3A_1392 = tpu.memref_slice %arg4[%add3A_1382, %dma_wait3A_1391] : memref<200704x384xf32, #tpu.memory_space<hbm>> -> memref<112x384xf32, #tpu.memory_space<hbm>>
      %dma_wait3A_1393 = arith.constant 0 : i32
      %dma_wait3A_1394 = arith.constant 0 : i32
      %dma_wait3A_1395 = tpu.memref_slice %arg7[%arg1, %dma_wait3A_1390, %dma_wait3A_1393, %dma_wait3A_1394] : memref<16x2x112x384xf32, #tpu.memory_space<vmem_shared>> -> memref<1x1x112x384xf32, #tpu.memory_space<vmem_shared>>
      %dma_wait3A_1396 = tpu.memref_squeeze %dma_wait3A_1395 : memref<1x1x112x384xf32, #tpu.memory_space<vmem_shared>> -> memref<112x384xf32, #tpu.memory_space<vmem_shared>>
      tpu.wait_dma2 semaphore(%arg13 : memref<!tpu.dma_semaphore, #tpu.memory_space<semaphore_mem>>) src(%dma_wait3A_1396 : memref<112x384xf32, #tpu.memory_space<vmem_shared>>) dst(%dma_wait3A_1392 : memref<112x384xf32, #tpu.memory_space<hbm>>)
      %add3A_1397 = arith.constant 2352 : i32
      %add3A_1398 = arith.addi %mul3A_741, %add3A_1397 : i32
      %dma_start3A_1399 = arith.constant 1 : i32
      %dma_start3A_1400 = arith.constant 0 : i32
      %dma_start3A_1401 = arith.constant 0 : i32
      %dma_start3A_1402 = tpu.memref_slice %arg7[%arg1, %dma_start3A_1399, %dma_start3A_1400, %dma_start3A_1401] : memref<16x2x112x384xf32, #tpu.memory_space<vmem_shared>> -> memref<1x1x112x384xf32, #tpu.memory_space<vmem_shared>>
      %dma_start3A_1403 = tpu.memref_squeeze %dma_start3A_1402 : memref<1x1x112x384xf32, #tpu.memory_space<vmem_shared>> -> memref<112x384xf32, #tpu.memory_space<vmem_shared>>
      %dma_start3A_1404 = arith.constant 0 : i32
      %dma_start3A_1405 = tpu.memref_slice %arg2[%add3A_1398, %dma_start3A_1404] : memref<200704x384xf32, #tpu.memory_space<hbm>> -> memref<112x384xf32, #tpu.memory_space<hbm>>
      tpu.enqueue_dma source(%dma_start3A_1405 : memref<112x384xf32, #tpu.memory_space<hbm>>) target(%dma_start3A_1403 : memref<112x384xf32, #tpu.memory_space<vmem_shared>>) target_semaphore(%arg11 : memref<!tpu.dma_semaphore, #tpu.memory_space<semaphore_mem>>)
      %dma_wait3A_1406 = arith.constant 0 : i32
      %dma_wait3A_1407 = arith.constant 0 : i32
      %dma_wait3A_1408 = arith.constant 0 : i32
      %dma_wait3A_1409 = tpu.memref_slice %arg7[%arg1, %dma_wait3A_1406, %dma_wait3A_1407, %dma_wait3A_1408] : memref<16x2x112x384xf32, #tpu.memory_space<vmem_shared>> -> memref<1x1x112x384xf32, #tpu.memory_space<vmem_shared>>
      %dma_wait3A_1410 = tpu.memref_squeeze %dma_wait3A_1409 : memref<1x1x112x384xf32, #tpu.memory_space<vmem_shared>> -> memref<112x384xf32, #tpu.memory_space<vmem_shared>>
      %dma_wait3A_1411 = arith.constant 0 : i32
      %dma_wait3A_1412 = tpu.memref_slice %arg2[%add3A_1366, %dma_wait3A_1411] : memref<200704x384xf32, #tpu.memory_space<hbm>> -> memref<112x384xf32, #tpu.memory_space<hbm>>
      tpu.wait_dma2 semaphore(%arg10 : memref<!tpu.dma_semaphore, #tpu.memory_space<semaphore_mem>>) src(%dma_wait3A_1412 : memref<112x384xf32, #tpu.memory_space<hbm>>) dst(%dma_wait3A_1410 : memref<112x384xf32, #tpu.memory_space<vmem_shared>>)
      %add3A_1413 = arith.constant 2240 : i32
      %add3A_1414 = arith.addi %mul3A_741, %add3A_1413 : i32
      %dma_start3A_1415 = arith.constant 0 : i32
      %dma_start3A_1416 = arith.constant 0 : i32
      %dma_start3A_1417 = tpu.memref_slice %arg4[%add3A_1414, %dma_start3A_1416] : memref<200704x384xf32, #tpu.memory_space<hbm>> -> memref<112x384xf32, #tpu.memory_space<hbm>>
      %dma_start3A_1418 = arith.constant 0 : i32
      %dma_start3A_1419 = arith.constant 0 : i32
      %dma_start3A_1420 = tpu.memref_slice %arg7[%arg1, %dma_start3A_1415, %dma_start3A_1418, %dma_start3A_1419] : memref<16x2x112x384xf32, #tpu.memory_space<vmem_shared>> -> memref<1x1x112x384xf32, #tpu.memory_space<vmem_shared>>
      %dma_start3A_1421 = tpu.memref_squeeze %dma_start3A_1420 : memref<1x1x112x384xf32, #tpu.memory_space<vmem_shared>> -> memref<112x384xf32, #tpu.memory_space<vmem_shared>>
      tpu.enqueue_dma source(%dma_start3A_1421 : memref<112x384xf32, #tpu.memory_space<vmem_shared>>) target(%dma_start3A_1417 : memref<112x384xf32, #tpu.memory_space<hbm>>) target_semaphore(%arg12 : memref<!tpu.dma_semaphore, #tpu.memory_space<semaphore_mem>>)
      %dma_wait3A_1422 = arith.constant 0 : i32
      %dma_wait3A_1423 = arith.constant 0 : i32
      %dma_wait3A_1424 = tpu.memref_slice %arg4[%add3A_1414, %dma_wait3A_1423] : memref<200704x384xf32, #tpu.memory_space<hbm>> -> memref<112x384xf32, #tpu.memory_space<hbm>>
      %dma_wait3A_1425 = arith.constant 0 : i32
      %dma_wait3A_1426 = arith.constant 0 : i32
      %dma_wait3A_1427 = tpu.memref_slice %arg7[%arg1, %dma_wait3A_1422, %dma_wait3A_1425, %dma_wait3A_1426] : memref<16x2x112x384xf32, #tpu.memory_space<vmem_shared>> -> memref<1x1x112x384xf32, #tpu.memory_space<vmem_shared>>
      %dma_wait3A_1428 = tpu.memref_squeeze %dma_wait3A_1427 : memref<1x1x112x384xf32, #tpu.memory_space<vmem_shared>> -> memref<112x384xf32, #tpu.memory_space<vmem_shared>>
      tpu.wait_dma2 semaphore(%arg12 : memref<!tpu.dma_semaphore, #tpu.memory_space<semaphore_mem>>) src(%dma_wait3A_1428 : memref<112x384xf32, #tpu.memory_space<vmem_shared>>) dst(%dma_wait3A_1424 : memref<112x384xf32, #tpu.memory_space<hbm>>)
      %add3A_1429 = arith.constant 2464 : i32
      %add3A_1430 = arith.addi %mul3A_741, %add3A_1429 : i32
      %dma_start3A_1431 = arith.constant 0 : i32
      %dma_start3A_1432 = arith.constant 0 : i32
      %dma_start3A_1433 = arith.constant 0 : i32
      %dma_start3A_1434 = tpu.memref_slice %arg7[%arg1, %dma_start3A_1431, %dma_start3A_1432, %dma_start3A_1433] : memref<16x2x112x384xf32, #tpu.memory_space<vmem_shared>> -> memref<1x1x112x384xf32, #tpu.memory_space<vmem_shared>>
      %dma_start3A_1435 = tpu.memref_squeeze %dma_start3A_1434 : memref<1x1x112x384xf32, #tpu.memory_space<vmem_shared>> -> memref<112x384xf32, #tpu.memory_space<vmem_shared>>
      %dma_start3A_1436 = arith.constant 0 : i32
      %dma_start3A_1437 = tpu.memref_slice %arg2[%add3A_1430, %dma_start3A_1436] : memref<200704x384xf32, #tpu.memory_space<hbm>> -> memref<112x384xf32, #tpu.memory_space<hbm>>
      tpu.enqueue_dma source(%dma_start3A_1437 : memref<112x384xf32, #tpu.memory_space<hbm>>) target(%dma_start3A_1435 : memref<112x384xf32, #tpu.memory_space<vmem_shared>>) target_semaphore(%arg10 : memref<!tpu.dma_semaphore, #tpu.memory_space<semaphore_mem>>)
      %dma_wait3A_1438 = arith.constant 1 : i32
      %dma_wait3A_1439 = arith.constant 0 : i32
      %dma_wait3A_1440 = arith.constant 0 : i32
      %dma_wait3A_1441 = tpu.memref_slice %arg7[%arg1, %dma_wait3A_1438, %dma_wait3A_1439, %dma_wait3A_1440] : memref<16x2x112x384xf32, #tpu.memory_space<vmem_shared>> -> memref<1x1x112x384xf32, #tpu.memory_space<vmem_shared>>
      %dma_wait3A_1442 = tpu.memref_squeeze %dma_wait3A_1441 : memref<1x1x112x384xf32, #tpu.memory_space<vmem_shared>> -> memref<112x384xf32, #tpu.memory_space<vmem_shared>>
      %dma_wait3A_1443 = arith.constant 0 : i32
      %dma_wait3A_1444 = tpu.memref_slice %arg2[%add3A_1398, %dma_wait3A_1443] : memref<200704x384xf32, #tpu.memory_space<hbm>> -> memref<112x384xf32, #tpu.memory_space<hbm>>
      tpu.wait_dma2 semaphore(%arg11 : memref<!tpu.dma_semaphore, #tpu.memory_space<semaphore_mem>>) src(%dma_wait3A_1444 : memref<112x384xf32, #tpu.memory_space<hbm>>) dst(%dma_wait3A_1442 : memref<112x384xf32, #tpu.memory_space<vmem_shared>>)
      %add3A_1445 = arith.constant 2352 : i32
      %add3A_1446 = arith.addi %mul3A_741, %add3A_1445 : i32
      %dma_start3A_1447 = arith.constant 1 : i32
      %dma_start3A_1448 = arith.constant 0 : i32
      %dma_start3A_1449 = tpu.memref_slice %arg4[%add3A_1446, %dma_start3A_1448] : memref<200704x384xf32, #tpu.memory_space<hbm>> -> memref<112x384xf32, #tpu.memory_space<hbm>>
      %dma_start3A_1450 = arith.constant 0 : i32
      %dma_start3A_1451 = arith.constant 0 : i32
      %dma_start3A_1452 = tpu.memref_slice %arg7[%arg1, %dma_start3A_1447, %dma_start3A_1450, %dma_start3A_1451] : memref<16x2x112x384xf32, #tpu.memory_space<vmem_shared>> -> memref<1x1x112x384xf32, #tpu.memory_space<vmem_shared>>
      %dma_start3A_1453 = tpu.memref_squeeze %dma_start3A_1452 : memref<1x1x112x384xf32, #tpu.memory_space<vmem_shared>> -> memref<112x384xf32, #tpu.memory_space<vmem_shared>>
      tpu.enqueue_dma source(%dma_start3A_1453 : memref<112x384xf32, #tpu.memory_space<vmem_shared>>) target(%dma_start3A_1449 : memref<112x384xf32, #tpu.memory_space<hbm>>) target_semaphore(%arg13 : memref<!tpu.dma_semaphore, #tpu.memory_space<semaphore_mem>>)
      %dma_wait3A_1454 = arith.constant 1 : i32
      %dma_wait3A_1455 = arith.constant 0 : i32
      %dma_wait3A_1456 = tpu.memref_slice %arg4[%add3A_1446, %dma_wait3A_1455] : memref<200704x384xf32, #tpu.memory_space<hbm>> -> memref<112x384xf32, #tpu.memory_space<hbm>>
      %dma_wait3A_1457 = arith.constant 0 : i32
      %dma_wait3A_1458 = arith.constant 0 : i32
      %dma_wait3A_1459 = tpu.memref_slice %arg7[%arg1, %dma_wait3A_1454, %dma_wait3A_1457, %dma_wait3A_1458] : memref<16x2x112x384xf32, #tpu.memory_space<vmem_shared>> -> memref<1x1x112x384xf32, #tpu.memory_space<vmem_shared>>
      %dma_wait3A_1460 = tpu.memref_squeeze %dma_wait3A_1459 : memref<1x1x112x384xf32, #tpu.memory_space<vmem_shared>> -> memref<112x384xf32, #tpu.memory_space<vmem_shared>>
      tpu.wait_dma2 semaphore(%arg13 : memref<!tpu.dma_semaphore, #tpu.memory_space<semaphore_mem>>) src(%dma_wait3A_1460 : memref<112x384xf32, #tpu.memory_space<vmem_shared>>) dst(%dma_wait3A_1456 : memref<112x384xf32, #tpu.memory_space<hbm>>)
      %add3A_1461 = arith.constant 2576 : i32
      %add3A_1462 = arith.addi %mul3A_741, %add3A_1461 : i32
      %dma_start3A_1463 = arith.constant 1 : i32
      %dma_start3A_1464 = arith.constant 0 : i32
      %dma_start3A_1465 = arith.constant 0 : i32
      %dma_start3A_1466 = tpu.memref_slice %arg7[%arg1, %dma_start3A_1463, %dma_start3A_1464, %dma_start3A_1465] : memref<16x2x112x384xf32, #tpu.memory_space<vmem_shared>> -> memref<1x1x112x384xf32, #tpu.memory_space<vmem_shared>>
      %dma_start3A_1467 = tpu.memref_squeeze %dma_start3A_1466 : memref<1x1x112x384xf32, #tpu.memory_space<vmem_shared>> -> memref<112x384xf32, #tpu.memory_space<vmem_shared>>
      %dma_start3A_1468 = arith.constant 0 : i32
      %dma_start3A_1469 = tpu.memref_slice %arg2[%add3A_1462, %dma_start3A_1468] : memref<200704x384xf32, #tpu.memory_space<hbm>> -> memref<112x384xf32, #tpu.memory_space<hbm>>
      tpu.enqueue_dma source(%dma_start3A_1469 : memref<112x384xf32, #tpu.memory_space<hbm>>) target(%dma_start3A_1467 : memref<112x384xf32, #tpu.memory_space<vmem_shared>>) target_semaphore(%arg11 : memref<!tpu.dma_semaphore, #tpu.memory_space<semaphore_mem>>)
      %dma_wait3A_1470 = arith.constant 0 : i32
      %dma_wait3A_1471 = arith.constant 0 : i32
      %dma_wait3A_1472 = arith.constant 0 : i32
      %dma_wait3A_1473 = tpu.memref_slice %arg7[%arg1, %dma_wait3A_1470, %dma_wait3A_1471, %dma_wait3A_1472] : memref<16x2x112x384xf32, #tpu.memory_space<vmem_shared>> -> memref<1x1x112x384xf32, #tpu.memory_space<vmem_shared>>
      %dma_wait3A_1474 = tpu.memref_squeeze %dma_wait3A_1473 : memref<1x1x112x384xf32, #tpu.memory_space<vmem_shared>> -> memref<112x384xf32, #tpu.memory_space<vmem_shared>>
      %dma_wait3A_1475 = arith.constant 0 : i32
      %dma_wait3A_1476 = tpu.memref_slice %arg2[%add3A_1430, %dma_wait3A_1475] : memref<200704x384xf32, #tpu.memory_space<hbm>> -> memref<112x384xf32, #tpu.memory_space<hbm>>
      tpu.wait_dma2 semaphore(%arg10 : memref<!tpu.dma_semaphore, #tpu.memory_space<semaphore_mem>>) src(%dma_wait3A_1476 : memref<112x384xf32, #tpu.memory_space<hbm>>) dst(%dma_wait3A_1474 : memref<112x384xf32, #tpu.memory_space<vmem_shared>>)
      %add3A_1477 = arith.constant 2464 : i32
      %add3A_1478 = arith.addi %mul3A_741, %add3A_1477 : i32
      %dma_start3A_1479 = arith.constant 0 : i32
      %dma_start3A_1480 = arith.constant 0 : i32
      %dma_start3A_1481 = tpu.memref_slice %arg4[%add3A_1478, %dma_start3A_1480] : memref<200704x384xf32, #tpu.memory_space<hbm>> -> memref<112x384xf32, #tpu.memory_space<hbm>>
      %dma_start3A_1482 = arith.constant 0 : i32
      %dma_start3A_1483 = arith.constant 0 : i32
      %dma_start3A_1484 = tpu.memref_slice %arg7[%arg1, %dma_start3A_1479, %dma_start3A_1482, %dma_start3A_1483] : memref<16x2x112x384xf32, #tpu.memory_space<vmem_shared>> -> memref<1x1x112x384xf32, #tpu.memory_space<vmem_shared>>
      %dma_start3A_1485 = tpu.memref_squeeze %dma_start3A_1484 : memref<1x1x112x384xf32, #tpu.memory_space<vmem_shared>> -> memref<112x384xf32, #tpu.memory_space<vmem_shared>>
      tpu.enqueue_dma source(%dma_start3A_1485 : memref<112x384xf32, #tpu.memory_space<vmem_shared>>) target(%dma_start3A_1481 : memref<112x384xf32, #tpu.memory_space<hbm>>) target_semaphore(%arg12 : memref<!tpu.dma_semaphore, #tpu.memory_space<semaphore_mem>>)
      %dma_wait3A_1486 = arith.constant 0 : i32
      %dma_wait3A_1487 = arith.constant 0 : i32
      %dma_wait3A_1488 = tpu.memref_slice %arg4[%add3A_1478, %dma_wait3A_1487] : memref<200704x384xf32, #tpu.memory_space<hbm>> -> memref<112x384xf32, #tpu.memory_space<hbm>>
      %dma_wait3A_1489 = arith.constant 0 : i32
      %dma_wait3A_1490 = arith.constant 0 : i32
      %dma_wait3A_1491 = tpu.memref_slice %arg7[%arg1, %dma_wait3A_1486, %dma_wait3A_1489, %dma_wait3A_1490] : memref<16x2x112x384xf32, #tpu.memory_space<vmem_shared>> -> memref<1x1x112x384xf32, #tpu.memory_space<vmem_shared>>
      %dma_wait3A_1492 = tpu.memref_squeeze %dma_wait3A_1491 : memref<1x1x112x384xf32, #tpu.memory_space<vmem_shared>> -> memref<112x384xf32, #tpu.memory_space<vmem_shared>>
      tpu.wait_dma2 semaphore(%arg12 : memref<!tpu.dma_semaphore, #tpu.memory_space<semaphore_mem>>) src(%dma_wait3A_1492 : memref<112x384xf32, #tpu.memory_space<vmem_shared>>) dst(%dma_wait3A_1488 : memref<112x384xf32, #tpu.memory_space<hbm>>)
      %add3A_1493 = arith.constant 2688 : i32
      %add3A_1494 = arith.addi %mul3A_741, %add3A_1493 : i32
      %dma_start3A_1495 = arith.constant 0 : i32
      %dma_start3A_1496 = arith.constant 0 : i32
      %dma_start3A_1497 = arith.constant 0 : i32
      %dma_start3A_1498 = tpu.memref_slice %arg7[%arg1, %dma_start3A_1495, %dma_start3A_1496, %dma_start3A_1497] : memref<16x2x112x384xf32, #tpu.memory_space<vmem_shared>> -> memref<1x1x112x384xf32, #tpu.memory_space<vmem_shared>>
      %dma_start3A_1499 = tpu.memref_squeeze %dma_start3A_1498 : memref<1x1x112x384xf32, #tpu.memory_space<vmem_shared>> -> memref<112x384xf32, #tpu.memory_space<vmem_shared>>
      %dma_start3A_1500 = arith.constant 0 : i32
      %dma_start3A_1501 = tpu.memref_slice %arg2[%add3A_1494, %dma_start3A_1500] : memref<200704x384xf32, #tpu.memory_space<hbm>> -> memref<112x384xf32, #tpu.memory_space<hbm>>
      tpu.enqueue_dma source(%dma_start3A_1501 : memref<112x384xf32, #tpu.memory_space<hbm>>) target(%dma_start3A_1499 : memref<112x384xf32, #tpu.memory_space<vmem_shared>>) target_semaphore(%arg10 : memref<!tpu.dma_semaphore, #tpu.memory_space<semaphore_mem>>)
      %dma_wait3A_1502 = arith.constant 1 : i32
      %dma_wait3A_1503 = arith.constant 0 : i32
      %dma_wait3A_1504 = arith.constant 0 : i32
      %dma_wait3A_1505 = tpu.memref_slice %arg7[%arg1, %dma_wait3A_1502, %dma_wait3A_1503, %dma_wait3A_1504] : memref<16x2x112x384xf32, #tpu.memory_space<vmem_shared>> -> memref<1x1x112x384xf32, #tpu.memory_space<vmem_shared>>
      %dma_wait3A_1506 = tpu.memref_squeeze %dma_wait3A_1505 : memref<1x1x112x384xf32, #tpu.memory_space<vmem_shared>> -> memref<112x384xf32, #tpu.memory_space<vmem_shared>>
      %dma_wait3A_1507 = arith.constant 0 : i32
      %dma_wait3A_1508 = tpu.memref_slice %arg2[%add3A_1462, %dma_wait3A_1507] : memref<200704x384xf32, #tpu.memory_space<hbm>> -> memref<112x384xf32, #tpu.memory_space<hbm>>
      tpu.wait_dma2 semaphore(%arg11 : memref<!tpu.dma_semaphore, #tpu.memory_space<semaphore_mem>>) src(%dma_wait3A_1508 : memref<112x384xf32, #tpu.memory_space<hbm>>) dst(%dma_wait3A_1506 : memref<112x384xf32, #tpu.memory_space<vmem_shared>>)
      %add3A_1509 = arith.constant 2576 : i32
      %add3A_1510 = arith.addi %mul3A_741, %add3A_1509 : i32
      %dma_start3A_1511 = arith.constant 1 : i32
      %dma_start3A_1512 = arith.constant 0 : i32
      %dma_start3A_1513 = tpu.memref_slice %arg4[%add3A_1510, %dma_start3A_1512] : memref<200704x384xf32, #tpu.memory_space<hbm>> -> memref<112x384xf32, #tpu.memory_space<hbm>>
      %dma_start3A_1514 = arith.constant 0 : i32
      %dma_start3A_1515 = arith.constant 0 : i32
      %dma_start3A_1516 = tpu.memref_slice %arg7[%arg1, %dma_start3A_1511, %dma_start3A_1514, %dma_start3A_1515] : memref<16x2x112x384xf32, #tpu.memory_space<vmem_shared>> -> memref<1x1x112x384xf32, #tpu.memory_space<vmem_shared>>
      %dma_start3A_1517 = tpu.memref_squeeze %dma_start3A_1516 : memref<1x1x112x384xf32, #tpu.memory_space<vmem_shared>> -> memref<112x384xf32, #tpu.memory_space<vmem_shared>>
      tpu.enqueue_dma source(%dma_start3A_1517 : memref<112x384xf32, #tpu.memory_space<vmem_shared>>) target(%dma_start3A_1513 : memref<112x384xf32, #tpu.memory_space<hbm>>) target_semaphore(%arg13 : memref<!tpu.dma_semaphore, #tpu.memory_space<semaphore_mem>>)
      %dma_wait3A_1518 = arith.constant 1 : i32
      %dma_wait3A_1519 = arith.constant 0 : i32
      %dma_wait3A_1520 = tpu.memref_slice %arg4[%add3A_1510, %dma_wait3A_1519] : memref<200704x384xf32, #tpu.memory_space<hbm>> -> memref<112x384xf32, #tpu.memory_space<hbm>>
      %dma_wait3A_1521 = arith.constant 0 : i32
      %dma_wait3A_1522 = arith.constant 0 : i32
      %dma_wait3A_1523 = tpu.memref_slice %arg7[%arg1, %dma_wait3A_1518, %dma_wait3A_1521, %dma_wait3A_1522] : memref<16x2x112x384xf32, #tpu.memory_space<vmem_shared>> -> memref<1x1x112x384xf32, #tpu.memory_space<vmem_shared>>
      %dma_wait3A_1524 = tpu.memref_squeeze %dma_wait3A_1523 : memref<1x1x112x384xf32, #tpu.memory_space<vmem_shared>> -> memref<112x384xf32, #tpu.memory_space<vmem_shared>>
      tpu.wait_dma2 semaphore(%arg13 : memref<!tpu.dma_semaphore, #tpu.memory_space<semaphore_mem>>) src(%dma_wait3A_1524 : memref<112x384xf32, #tpu.memory_space<vmem_shared>>) dst(%dma_wait3A_1520 : memref<112x384xf32, #tpu.memory_space<hbm>>)
      %add3A_1525 = arith.constant 2800 : i32
      %add3A_1526 = arith.addi %mul3A_741, %add3A_1525 : i32
      %dma_start3A_1527 = arith.constant 1 : i32
      %dma_start3A_1528 = arith.constant 0 : i32
      %dma_start3A_1529 = arith.constant 0 : i32
      %dma_start3A_1530 = tpu.memref_slice %arg7[%arg1, %dma_start3A_1527, %dma_start3A_1528, %dma_start3A_1529] : memref<16x2x112x384xf32, #tpu.memory_space<vmem_shared>> -> memref<1x1x112x384xf32, #tpu.memory_space<vmem_shared>>
      %dma_start3A_1531 = tpu.memref_squeeze %dma_start3A_1530 : memref<1x1x112x384xf32, #tpu.memory_space<vmem_shared>> -> memref<112x384xf32, #tpu.memory_space<vmem_shared>>
      %dma_start3A_1532 = arith.constant 0 : i32
      %dma_start3A_1533 = tpu.memref_slice %arg2[%add3A_1526, %dma_start3A_1532] : memref<200704x384xf32, #tpu.memory_space<hbm>> -> memref<112x384xf32, #tpu.memory_space<hbm>>
      tpu.enqueue_dma source(%dma_start3A_1533 : memref<112x384xf32, #tpu.memory_space<hbm>>) target(%dma_start3A_1531 : memref<112x384xf32, #tpu.memory_space<vmem_shared>>) target_semaphore(%arg11 : memref<!tpu.dma_semaphore, #tpu.memory_space<semaphore_mem>>)
      %dma_wait3A_1534 = arith.constant 0 : i32
      %dma_wait3A_1535 = arith.constant 0 : i32
      %dma_wait3A_1536 = arith.constant 0 : i32
      %dma_wait3A_1537 = tpu.memref_slice %arg7[%arg1, %dma_wait3A_1534, %dma_wait3A_1535, %dma_wait3A_1536] : memref<16x2x112x384xf32, #tpu.memory_space<vmem_shared>> -> memref<1x1x112x384xf32, #tpu.memory_space<vmem_shared>>
      %dma_wait3A_1538 = tpu.memref_squeeze %dma_wait3A_1537 : memref<1x1x112x384xf32, #tpu.memory_space<vmem_shared>> -> memref<112x384xf32, #tpu.memory_space<vmem_shared>>
      %dma_wait3A_1539 = arith.constant 0 : i32
      %dma_wait3A_1540 = tpu.memref_slice %arg2[%add3A_1494, %dma_wait3A_1539] : memref<200704x384xf32, #tpu.memory_space<hbm>> -> memref<112x384xf32, #tpu.memory_space<hbm>>
      tpu.wait_dma2 semaphore(%arg10 : memref<!tpu.dma_semaphore, #tpu.memory_space<semaphore_mem>>) src(%dma_wait3A_1540 : memref<112x384xf32, #tpu.memory_space<hbm>>) dst(%dma_wait3A_1538 : memref<112x384xf32, #tpu.memory_space<vmem_shared>>)
      %add3A_1541 = arith.constant 2688 : i32
      %add3A_1542 = arith.addi %mul3A_741, %add3A_1541 : i32
      %dma_start3A_1543 = arith.constant 0 : i32
      %dma_start3A_1544 = arith.constant 0 : i32
      %dma_start3A_1545 = tpu.memref_slice %arg4[%add3A_1542, %dma_start3A_1544] : memref<200704x384xf32, #tpu.memory_space<hbm>> -> memref<112x384xf32, #tpu.memory_space<hbm>>
      %dma_start3A_1546 = arith.constant 0 : i32
      %dma_start3A_1547 = arith.constant 0 : i32
      %dma_start3A_1548 = tpu.memref_slice %arg7[%arg1, %dma_start3A_1543, %dma_start3A_1546, %dma_start3A_1547] : memref<16x2x112x384xf32, #tpu.memory_space<vmem_shared>> -> memref<1x1x112x384xf32, #tpu.memory_space<vmem_shared>>
      %dma_start3A_1549 = tpu.memref_squeeze %dma_start3A_1548 : memref<1x1x112x384xf32, #tpu.memory_space<vmem_shared>> -> memref<112x384xf32, #tpu.memory_space<vmem_shared>>
      tpu.enqueue_dma source(%dma_start3A_1549 : memref<112x384xf32, #tpu.memory_space<vmem_shared>>) target(%dma_start3A_1545 : memref<112x384xf32, #tpu.memory_space<hbm>>) target_semaphore(%arg12 : memref<!tpu.dma_semaphore, #tpu.memory_space<semaphore_mem>>)
      %dma_wait3A_1550 = arith.constant 0 : i32
      %dma_wait3A_1551 = arith.constant 0 : i32
      %dma_wait3A_1552 = tpu.memref_slice %arg4[%add3A_1542, %dma_wait3A_1551] : memref<200704x384xf32, #tpu.memory_space<hbm>> -> memref<112x384xf32, #tpu.memory_space<hbm>>
      %dma_wait3A_1553 = arith.constant 0 : i32
      %dma_wait3A_1554 = arith.constant 0 : i32
      %dma_wait3A_1555 = tpu.memref_slice %arg7[%arg1, %dma_wait3A_1550, %dma_wait3A_1553, %dma_wait3A_1554] : memref<16x2x112x384xf32, #tpu.memory_space<vmem_shared>> -> memref<1x1x112x384xf32, #tpu.memory_space<vmem_shared>>
      %dma_wait3A_1556 = tpu.memref_squeeze %dma_wait3A_1555 : memref<1x1x112x384xf32, #tpu.memory_space<vmem_shared>> -> memref<112x384xf32, #tpu.memory_space<vmem_shared>>
      tpu.wait_dma2 semaphore(%arg12 : memref<!tpu.dma_semaphore, #tpu.memory_space<semaphore_mem>>) src(%dma_wait3A_1556 : memref<112x384xf32, #tpu.memory_space<vmem_shared>>) dst(%dma_wait3A_1552 : memref<112x384xf32, #tpu.memory_space<hbm>>)
      %add3A_1557 = arith.constant 2912 : i32
      %add3A_1558 = arith.addi %mul3A_741, %add3A_1557 : i32
      %dma_start3A_1559 = arith.constant 0 : i32
      %dma_start3A_1560 = arith.constant 0 : i32
      %dma_start3A_1561 = arith.constant 0 : i32
      %dma_start3A_1562 = tpu.memref_slice %arg7[%arg1, %dma_start3A_1559, %dma_start3A_1560, %dma_start3A_1561] : memref<16x2x112x384xf32, #tpu.memory_space<vmem_shared>> -> memref<1x1x112x384xf32, #tpu.memory_space<vmem_shared>>
      %dma_start3A_1563 = tpu.memref_squeeze %dma_start3A_1562 : memref<1x1x112x384xf32, #tpu.memory_space<vmem_shared>> -> memref<112x384xf32, #tpu.memory_space<vmem_shared>>
      %dma_start3A_1564 = arith.constant 0 : i32
      %dma_start3A_1565 = tpu.memref_slice %arg2[%add3A_1558, %dma_start3A_1564] : memref<200704x384xf32, #tpu.memory_space<hbm>> -> memref<112x384xf32, #tpu.memory_space<hbm>>
      tpu.enqueue_dma source(%dma_start3A_1565 : memref<112x384xf32, #tpu.memory_space<hbm>>) target(%dma_start3A_1563 : memref<112x384xf32, #tpu.memory_space<vmem_shared>>) target_semaphore(%arg10 : memref<!tpu.dma_semaphore, #tpu.memory_space<semaphore_mem>>)
      %dma_wait3A_1566 = arith.constant 1 : i32
      %dma_wait3A_1567 = arith.constant 0 : i32
      %dma_wait3A_1568 = arith.constant 0 : i32
      %dma_wait3A_1569 = tpu.memref_slice %arg7[%arg1, %dma_wait3A_1566, %dma_wait3A_1567, %dma_wait3A_1568] : memref<16x2x112x384xf32, #tpu.memory_space<vmem_shared>> -> memref<1x1x112x384xf32, #tpu.memory_space<vmem_shared>>
      %dma_wait3A_1570 = tpu.memref_squeeze %dma_wait3A_1569 : memref<1x1x112x384xf32, #tpu.memory_space<vmem_shared>> -> memref<112x384xf32, #tpu.memory_space<vmem_shared>>
      %dma_wait3A_1571 = arith.constant 0 : i32
      %dma_wait3A_1572 = tpu.memref_slice %arg2[%add3A_1526, %dma_wait3A_1571] : memref<200704x384xf32, #tpu.memory_space<hbm>> -> memref<112x384xf32, #tpu.memory_space<hbm>>
      tpu.wait_dma2 semaphore(%arg11 : memref<!tpu.dma_semaphore, #tpu.memory_space<semaphore_mem>>) src(%dma_wait3A_1572 : memref<112x384xf32, #tpu.memory_space<hbm>>) dst(%dma_wait3A_1570 : memref<112x384xf32, #tpu.memory_space<vmem_shared>>)
      %add3A_1573 = arith.constant 2800 : i32
      %add3A_1574 = arith.addi %mul3A_741, %add3A_1573 : i32
      %dma_start3A_1575 = arith.constant 1 : i32
      %dma_start3A_1576 = arith.constant 0 : i32
      %dma_start3A_1577 = tpu.memref_slice %arg4[%add3A_1574, %dma_start3A_1576] : memref<200704x384xf32, #tpu.memory_space<hbm>> -> memref<112x384xf32, #tpu.memory_space<hbm>>
      %dma_start3A_1578 = arith.constant 0 : i32
      %dma_start3A_1579 = arith.constant 0 : i32
      %dma_start3A_1580 = tpu.memref_slice %arg7[%arg1, %dma_start3A_1575, %dma_start3A_1578, %dma_start3A_1579] : memref<16x2x112x384xf32, #tpu.memory_space<vmem_shared>> -> memref<1x1x112x384xf32, #tpu.memory_space<vmem_shared>>
      %dma_start3A_1581 = tpu.memref_squeeze %dma_start3A_1580 : memref<1x1x112x384xf32, #tpu.memory_space<vmem_shared>> -> memref<112x384xf32, #tpu.memory_space<vmem_shared>>
      tpu.enqueue_dma source(%dma_start3A_1581 : memref<112x384xf32, #tpu.memory_space<vmem_shared>>) target(%dma_start3A_1577 : memref<112x384xf32, #tpu.memory_space<hbm>>) target_semaphore(%arg13 : memref<!tpu.dma_semaphore, #tpu.memory_space<semaphore_mem>>)
      %dma_wait3A_1582 = arith.constant 1 : i32
      %dma_wait3A_1583 = arith.constant 0 : i32
      %dma_wait3A_1584 = tpu.memref_slice %arg4[%add3A_1574, %dma_wait3A_1583] : memref<200704x384xf32, #tpu.memory_space<hbm>> -> memref<112x384xf32, #tpu.memory_space<hbm>>
      %dma_wait3A_1585 = arith.constant 0 : i32
      %dma_wait3A_1586 = arith.constant 0 : i32
      %dma_wait3A_1587 = tpu.memref_slice %arg7[%arg1, %dma_wait3A_1582, %dma_wait3A_1585, %dma_wait3A_1586] : memref<16x2x112x384xf32, #tpu.memory_space<vmem_shared>> -> memref<1x1x112x384xf32, #tpu.memory_space<vmem_shared>>
      %dma_wait3A_1588 = tpu.memref_squeeze %dma_wait3A_1587 : memref<1x1x112x384xf32, #tpu.memory_space<vmem_shared>> -> memref<112x384xf32, #tpu.memory_space<vmem_shared>>
      tpu.wait_dma2 semaphore(%arg13 : memref<!tpu.dma_semaphore, #tpu.memory_space<semaphore_mem>>) src(%dma_wait3A_1588 : memref<112x384xf32, #tpu.memory_space<vmem_shared>>) dst(%dma_wait3A_1584 : memref<112x384xf32, #tpu.memory_space<hbm>>)
      %add3A_1589 = arith.constant 3024 : i32
      %add3A_1590 = arith.addi %mul3A_741, %add3A_1589 : i32
      %dma_start3A_1591 = arith.constant 1 : i32
      %dma_start3A_1592 = arith.constant 0 : i32
      %dma_start3A_1593 = arith.constant 0 : i32
      %dma_start3A_1594 = tpu.memref_slice %arg7[%arg1, %dma_start3A_1591, %dma_start3A_1592, %dma_start3A_1593] : memref<16x2x112x384xf32, #tpu.memory_space<vmem_shared>> -> memref<1x1x112x384xf32, #tpu.memory_space<vmem_shared>>
      %dma_start3A_1595 = tpu.memref_squeeze %dma_start3A_1594 : memref<1x1x112x384xf32, #tpu.memory_space<vmem_shared>> -> memref<112x384xf32, #tpu.memory_space<vmem_shared>>
      %dma_start3A_1596 = arith.constant 0 : i32
      %dma_start3A_1597 = tpu.memref_slice %arg2[%add3A_1590, %dma_start3A_1596] : memref<200704x384xf32, #tpu.memory_space<hbm>> -> memref<112x384xf32, #tpu.memory_space<hbm>>
      tpu.enqueue_dma source(%dma_start3A_1597 : memref<112x384xf32, #tpu.memory_space<hbm>>) target(%dma_start3A_1595 : memref<112x384xf32, #tpu.memory_space<vmem_shared>>) target_semaphore(%arg11 : memref<!tpu.dma_semaphore, #tpu.memory_space<semaphore_mem>>)
      %dma_wait3A_1598 = arith.constant 0 : i32
      %dma_wait3A_1599 = arith.constant 0 : i32
      %dma_wait3A_1600 = arith.constant 0 : i32
      %dma_wait3A_1601 = tpu.memref_slice %arg7[%arg1, %dma_wait3A_1598, %dma_wait3A_1599, %dma_wait3A_1600] : memref<16x2x112x384xf32, #tpu.memory_space<vmem_shared>> -> memref<1x1x112x384xf32, #tpu.memory_space<vmem_shared>>
      %dma_wait3A_1602 = tpu.memref_squeeze %dma_wait3A_1601 : memref<1x1x112x384xf32, #tpu.memory_space<vmem_shared>> -> memref<112x384xf32, #tpu.memory_space<vmem_shared>>
      %dma_wait3A_1603 = arith.constant 0 : i32
      %dma_wait3A_1604 = tpu.memref_slice %arg2[%add3A_1558, %dma_wait3A_1603] : memref<200704x384xf32, #tpu.memory_space<hbm>> -> memref<112x384xf32, #tpu.memory_space<hbm>>
      tpu.wait_dma2 semaphore(%arg10 : memref<!tpu.dma_semaphore, #tpu.memory_space<semaphore_mem>>) src(%dma_wait3A_1604 : memref<112x384xf32, #tpu.memory_space<hbm>>) dst(%dma_wait3A_1602 : memref<112x384xf32, #tpu.memory_space<vmem_shared>>)
      %add3A_1605 = arith.constant 2912 : i32
      %add3A_1606 = arith.addi %mul3A_741, %add3A_1605 : i32
      %dma_start3A_1607 = arith.constant 0 : i32
      %dma_start3A_1608 = arith.constant 0 : i32
      %dma_start3A_1609 = tpu.memref_slice %arg4[%add3A_1606, %dma_start3A_1608] : memref<200704x384xf32, #tpu.memory_space<hbm>> -> memref<112x384xf32, #tpu.memory_space<hbm>>
      %dma_start3A_1610 = arith.constant 0 : i32
      %dma_start3A_1611 = arith.constant 0 : i32
      %dma_start3A_1612 = tpu.memref_slice %arg7[%arg1, %dma_start3A_1607, %dma_start3A_1610, %dma_start3A_1611] : memref<16x2x112x384xf32, #tpu.memory_space<vmem_shared>> -> memref<1x1x112x384xf32, #tpu.memory_space<vmem_shared>>
      %dma_start3A_1613 = tpu.memref_squeeze %dma_start3A_1612 : memref<1x1x112x384xf32, #tpu.memory_space<vmem_shared>> -> memref<112x384xf32, #tpu.memory_space<vmem_shared>>
      tpu.enqueue_dma source(%dma_start3A_1613 : memref<112x384xf32, #tpu.memory_space<vmem_shared>>) target(%dma_start3A_1609 : memref<112x384xf32, #tpu.memory_space<hbm>>) target_semaphore(%arg12 : memref<!tpu.dma_semaphore, #tpu.memory_space<semaphore_mem>>)
      %dma_wait3A_1614 = arith.constant 0 : i32
      %dma_wait3A_1615 = arith.constant 0 : i32
      %dma_wait3A_1616 = tpu.memref_slice %arg4[%add3A_1606, %dma_wait3A_1615] : memref<200704x384xf32, #tpu.memory_space<hbm>> -> memref<112x384xf32, #tpu.memory_space<hbm>>
      %dma_wait3A_1617 = arith.constant 0 : i32
      %dma_wait3A_1618 = arith.constant 0 : i32
      %dma_wait3A_1619 = tpu.memref_slice %arg7[%arg1, %dma_wait3A_1614, %dma_wait3A_1617, %dma_wait3A_1618] : memref<16x2x112x384xf32, #tpu.memory_space<vmem_shared>> -> memref<1x1x112x384xf32, #tpu.memory_space<vmem_shared>>
      %dma_wait3A_1620 = tpu.memref_squeeze %dma_wait3A_1619 : memref<1x1x112x384xf32, #tpu.memory_space<vmem_shared>> -> memref<112x384xf32, #tpu.memory_space<vmem_shared>>
      tpu.wait_dma2 semaphore(%arg12 : memref<!tpu.dma_semaphore, #tpu.memory_space<semaphore_mem>>) src(%dma_wait3A_1620 : memref<112x384xf32, #tpu.memory_space<vmem_shared>>) dst(%dma_wait3A_1616 : memref<112x384xf32, #tpu.memory_space<hbm>>)
      %add3A_1621 = arith.constant 3136 : i32
      %add3A_1622 = arith.addi %mul3A_741, %add3A_1621 : i32
      %dma_start3A_1623 = arith.constant 0 : i32
      %dma_start3A_1624 = arith.constant 0 : i32
      %dma_start3A_1625 = arith.constant 0 : i32
      %dma_start3A_1626 = tpu.memref_slice %arg7[%arg1, %dma_start3A_1623, %dma_start3A_1624, %dma_start3A_1625] : memref<16x2x112x384xf32, #tpu.memory_space<vmem_shared>> -> memref<1x1x112x384xf32, #tpu.memory_space<vmem_shared>>
      %dma_start3A_1627 = tpu.memref_squeeze %dma_start3A_1626 : memref<1x1x112x384xf32, #tpu.memory_space<vmem_shared>> -> memref<112x384xf32, #tpu.memory_space<vmem_shared>>
      %dma_start3A_1628 = arith.constant 0 : i32
      %dma_start3A_1629 = tpu.memref_slice %arg2[%add3A_1622, %dma_start3A_1628] : memref<200704x384xf32, #tpu.memory_space<hbm>> -> memref<112x384xf32, #tpu.memory_space<hbm>>
      tpu.enqueue_dma source(%dma_start3A_1629 : memref<112x384xf32, #tpu.memory_space<hbm>>) target(%dma_start3A_1627 : memref<112x384xf32, #tpu.memory_space<vmem_shared>>) target_semaphore(%arg10 : memref<!tpu.dma_semaphore, #tpu.memory_space<semaphore_mem>>)
      %dma_wait3A_1630 = arith.constant 1 : i32
      %dma_wait3A_1631 = arith.constant 0 : i32
      %dma_wait3A_1632 = arith.constant 0 : i32
      %dma_wait3A_1633 = tpu.memref_slice %arg7[%arg1, %dma_wait3A_1630, %dma_wait3A_1631, %dma_wait3A_1632] : memref<16x2x112x384xf32, #tpu.memory_space<vmem_shared>> -> memref<1x1x112x384xf32, #tpu.memory_space<vmem_shared>>
      %dma_wait3A_1634 = tpu.memref_squeeze %dma_wait3A_1633 : memref<1x1x112x384xf32, #tpu.memory_space<vmem_shared>> -> memref<112x384xf32, #tpu.memory_space<vmem_shared>>
      %dma_wait3A_1635 = arith.constant 0 : i32
      %dma_wait3A_1636 = tpu.memref_slice %arg2[%add3A_1590, %dma_wait3A_1635] : memref<200704x384xf32, #tpu.memory_space<hbm>> -> memref<112x384xf32, #tpu.memory_space<hbm>>
      tpu.wait_dma2 semaphore(%arg11 : memref<!tpu.dma_semaphore, #tpu.memory_space<semaphore_mem>>) src(%dma_wait3A_1636 : memref<112x384xf32, #tpu.memory_space<hbm>>) dst(%dma_wait3A_1634 : memref<112x384xf32, #tpu.memory_space<vmem_shared>>)
      %add3A_1637 = arith.constant 3024 : i32
      %add3A_1638 = arith.addi %mul3A_741, %add3A_1637 : i32
      %dma_start3A_1639 = arith.constant 1 : i32
      %dma_start3A_1640 = arith.constant 0 : i32
      %dma_start3A_1641 = tpu.memref_slice %arg4[%add3A_1638, %dma_start3A_1640] : memref<200704x384xf32, #tpu.memory_space<hbm>> -> memref<112x384xf32, #tpu.memory_space<hbm>>
      %dma_start3A_1642 = arith.constant 0 : i32
      %dma_start3A_1643 = arith.constant 0 : i32
      %dma_start3A_1644 = tpu.memref_slice %arg7[%arg1, %dma_start3A_1639, %dma_start3A_1642, %dma_start3A_1643] : memref<16x2x112x384xf32, #tpu.memory_space<vmem_shared>> -> memref<1x1x112x384xf32, #tpu.memory_space<vmem_shared>>
      %dma_start3A_1645 = tpu.memref_squeeze %dma_start3A_1644 : memref<1x1x112x384xf32, #tpu.memory_space<vmem_shared>> -> memref<112x384xf32, #tpu.memory_space<vmem_shared>>
      tpu.enqueue_dma source(%dma_start3A_1645 : memref<112x384xf32, #tpu.memory_space<vmem_shared>>) target(%dma_start3A_1641 : memref<112x384xf32, #tpu.memory_space<hbm>>) target_semaphore(%arg13 : memref<!tpu.dma_semaphore, #tpu.memory_space<semaphore_mem>>)
      %dma_wait3A_1646 = arith.constant 1 : i32
      %dma_wait3A_1647 = arith.constant 0 : i32
      %dma_wait3A_1648 = tpu.memref_slice %arg4[%add3A_1638, %dma_wait3A_1647] : memref<200704x384xf32, #tpu.memory_space<hbm>> -> memref<112x384xf32, #tpu.memory_space<hbm>>
      %dma_wait3A_1649 = arith.constant 0 : i32
      %dma_wait3A_1650 = arith.constant 0 : i32
      %dma_wait3A_1651 = tpu.memref_slice %arg7[%arg1, %dma_wait3A_1646, %dma_wait3A_1649, %dma_wait3A_1650] : memref<16x2x112x384xf32, #tpu.memory_space<vmem_shared>> -> memref<1x1x112x384xf32, #tpu.memory_space<vmem_shared>>
      %dma_wait3A_1652 = tpu.memref_squeeze %dma_wait3A_1651 : memref<1x1x112x384xf32, #tpu.memory_space<vmem_shared>> -> memref<112x384xf32, #tpu.memory_space<vmem_shared>>
      tpu.wait_dma2 semaphore(%arg13 : memref<!tpu.dma_semaphore, #tpu.memory_space<semaphore_mem>>) src(%dma_wait3A_1652 : memref<112x384xf32, #tpu.memory_space<vmem_shared>>) dst(%dma_wait3A_1648 : memref<112x384xf32, #tpu.memory_space<hbm>>)
      %add3A_1653 = arith.constant 3248 : i32
      %add3A_1654 = arith.addi %mul3A_741, %add3A_1653 : i32
      %dma_start3A_1655 = arith.constant 1 : i32
      %dma_start3A_1656 = arith.constant 0 : i32
      %dma_start3A_1657 = arith.constant 0 : i32
      %dma_start3A_1658 = tpu.memref_slice %arg7[%arg1, %dma_start3A_1655, %dma_start3A_1656, %dma_start3A_1657] : memref<16x2x112x384xf32, #tpu.memory_space<vmem_shared>> -> memref<1x1x112x384xf32, #tpu.memory_space<vmem_shared>>
      %dma_start3A_1659 = tpu.memref_squeeze %dma_start3A_1658 : memref<1x1x112x384xf32, #tpu.memory_space<vmem_shared>> -> memref<112x384xf32, #tpu.memory_space<vmem_shared>>
      %dma_start3A_1660 = arith.constant 0 : i32
      %dma_start3A_1661 = tpu.memref_slice %arg2[%add3A_1654, %dma_start3A_1660] : memref<200704x384xf32, #tpu.memory_space<hbm>> -> memref<112x384xf32, #tpu.memory_space<hbm>>
      tpu.enqueue_dma source(%dma_start3A_1661 : memref<112x384xf32, #tpu.memory_space<hbm>>) target(%dma_start3A_1659 : memref<112x384xf32, #tpu.memory_space<vmem_shared>>) target_semaphore(%arg11 : memref<!tpu.dma_semaphore, #tpu.memory_space<semaphore_mem>>)
      %dma_wait3A_1662 = arith.constant 0 : i32
      %dma_wait3A_1663 = arith.constant 0 : i32
      %dma_wait3A_1664 = arith.constant 0 : i32
      %dma_wait3A_1665 = tpu.memref_slice %arg7[%arg1, %dma_wait3A_1662, %dma_wait3A_1663, %dma_wait3A_1664] : memref<16x2x112x384xf32, #tpu.memory_space<vmem_shared>> -> memref<1x1x112x384xf32, #tpu.memory_space<vmem_shared>>
      %dma_wait3A_1666 = tpu.memref_squeeze %dma_wait3A_1665 : memref<1x1x112x384xf32, #tpu.memory_space<vmem_shared>> -> memref<112x384xf32, #tpu.memory_space<vmem_shared>>
      %dma_wait3A_1667 = arith.constant 0 : i32
      %dma_wait3A_1668 = tpu.memref_slice %arg2[%add3A_1622, %dma_wait3A_1667] : memref<200704x384xf32, #tpu.memory_space<hbm>> -> memref<112x384xf32, #tpu.memory_space<hbm>>
      tpu.wait_dma2 semaphore(%arg10 : memref<!tpu.dma_semaphore, #tpu.memory_space<semaphore_mem>>) src(%dma_wait3A_1668 : memref<112x384xf32, #tpu.memory_space<hbm>>) dst(%dma_wait3A_1666 : memref<112x384xf32, #tpu.memory_space<vmem_shared>>)
      %add3A_1669 = arith.constant 3136 : i32
      %add3A_1670 = arith.addi %mul3A_741, %add3A_1669 : i32
      %dma_start3A_1671 = arith.constant 0 : i32
      %dma_start3A_1672 = arith.constant 0 : i32
      %dma_start3A_1673 = tpu.memref_slice %arg4[%add3A_1670, %dma_start3A_1672] : memref<200704x384xf32, #tpu.memory_space<hbm>> -> memref<112x384xf32, #tpu.memory_space<hbm>>
      %dma_start3A_1674 = arith.constant 0 : i32
      %dma_start3A_1675 = arith.constant 0 : i32
      %dma_start3A_1676 = tpu.memref_slice %arg7[%arg1, %dma_start3A_1671, %dma_start3A_1674, %dma_start3A_1675] : memref<16x2x112x384xf32, #tpu.memory_space<vmem_shared>> -> memref<1x1x112x384xf32, #tpu.memory_space<vmem_shared>>
      %dma_start3A_1677 = tpu.memref_squeeze %dma_start3A_1676 : memref<1x1x112x384xf32, #tpu.memory_space<vmem_shared>> -> memref<112x384xf32, #tpu.memory_space<vmem_shared>>
      tpu.enqueue_dma source(%dma_start3A_1677 : memref<112x384xf32, #tpu.memory_space<vmem_shared>>) target(%dma_start3A_1673 : memref<112x384xf32, #tpu.memory_space<hbm>>) target_semaphore(%arg12 : memref<!tpu.dma_semaphore, #tpu.memory_space<semaphore_mem>>)
      %dma_wait3A_1678 = arith.constant 0 : i32
      %dma_wait3A_1679 = arith.constant 0 : i32
      %dma_wait3A_1680 = tpu.memref_slice %arg4[%add3A_1670, %dma_wait3A_1679] : memref<200704x384xf32, #tpu.memory_space<hbm>> -> memref<112x384xf32, #tpu.memory_space<hbm>>
      %dma_wait3A_1681 = arith.constant 0 : i32
      %dma_wait3A_1682 = arith.constant 0 : i32
      %dma_wait3A_1683 = tpu.memref_slice %arg7[%arg1, %dma_wait3A_1678, %dma_wait3A_1681, %dma_wait3A_1682] : memref<16x2x112x384xf32, #tpu.memory_space<vmem_shared>> -> memref<1x1x112x384xf32, #tpu.memory_space<vmem_shared>>
      %dma_wait3A_1684 = tpu.memref_squeeze %dma_wait3A_1683 : memref<1x1x112x384xf32, #tpu.memory_space<vmem_shared>> -> memref<112x384xf32, #tpu.memory_space<vmem_shared>>
      tpu.wait_dma2 semaphore(%arg12 : memref<!tpu.dma_semaphore, #tpu.memory_space<semaphore_mem>>) src(%dma_wait3A_1684 : memref<112x384xf32, #tpu.memory_space<vmem_shared>>) dst(%dma_wait3A_1680 : memref<112x384xf32, #tpu.memory_space<hbm>>)
      %add3A_1685 = arith.constant 3360 : i32
      %add3A_1686 = arith.addi %mul3A_741, %add3A_1685 : i32
      %dma_start3A_1687 = arith.constant 0 : i32
      %dma_start3A_1688 = arith.constant 0 : i32
      %dma_start3A_1689 = arith.constant 0 : i32
      %dma_start3A_1690 = tpu.memref_slice %arg7[%arg1, %dma_start3A_1687, %dma_start3A_1688, %dma_start3A_1689] : memref<16x2x112x384xf32, #tpu.memory_space<vmem_shared>> -> memref<1x1x112x384xf32, #tpu.memory_space<vmem_shared>>
      %dma_start3A_1691 = tpu.memref_squeeze %dma_start3A_1690 : memref<1x1x112x384xf32, #tpu.memory_space<vmem_shared>> -> memref<112x384xf32, #tpu.memory_space<vmem_shared>>
      %dma_start3A_1692 = arith.constant 0 : i32
      %dma_start3A_1693 = tpu.memref_slice %arg2[%add3A_1686, %dma_start3A_1692] : memref<200704x384xf32, #tpu.memory_space<hbm>> -> memref<112x384xf32, #tpu.memory_space<hbm>>
      tpu.enqueue_dma source(%dma_start3A_1693 : memref<112x384xf32, #tpu.memory_space<hbm>>) target(%dma_start3A_1691 : memref<112x384xf32, #tpu.memory_space<vmem_shared>>) target_semaphore(%arg10 : memref<!tpu.dma_semaphore, #tpu.memory_space<semaphore_mem>>)
      %dma_wait3A_1694 = arith.constant 1 : i32
      %dma_wait3A_1695 = arith.constant 0 : i32
      %dma_wait3A_1696 = arith.constant 0 : i32
      %dma_wait3A_1697 = tpu.memref_slice %arg7[%arg1, %dma_wait3A_1694, %dma_wait3A_1695, %dma_wait3A_1696] : memref<16x2x112x384xf32, #tpu.memory_space<vmem_shared>> -> memref<1x1x112x384xf32, #tpu.memory_space<vmem_shared>>
      %dma_wait3A_1698 = tpu.memref_squeeze %dma_wait3A_1697 : memref<1x1x112x384xf32, #tpu.memory_space<vmem_shared>> -> memref<112x384xf32, #tpu.memory_space<vmem_shared>>
      %dma_wait3A_1699 = arith.constant 0 : i32
      %dma_wait3A_1700 = tpu.memref_slice %arg2[%add3A_1654, %dma_wait3A_1699] : memref<200704x384xf32, #tpu.memory_space<hbm>> -> memref<112x384xf32, #tpu.memory_space<hbm>>
      tpu.wait_dma2 semaphore(%arg11 : memref<!tpu.dma_semaphore, #tpu.memory_space<semaphore_mem>>) src(%dma_wait3A_1700 : memref<112x384xf32, #tpu.memory_space<hbm>>) dst(%dma_wait3A_1698 : memref<112x384xf32, #tpu.memory_space<vmem_shared>>)
      %add3A_1701 = arith.constant 3248 : i32
      %add3A_1702 = arith.addi %mul3A_741, %add3A_1701 : i32
      %dma_start3A_1703 = arith.constant 1 : i32
      %dma_start3A_1704 = arith.constant 0 : i32
      %dma_start3A_1705 = tpu.memref_slice %arg4[%add3A_1702, %dma_start3A_1704] : memref<200704x384xf32, #tpu.memory_space<hbm>> -> memref<112x384xf32, #tpu.memory_space<hbm>>
      %dma_start3A_1706 = arith.constant 0 : i32
      %dma_start3A_1707 = arith.constant 0 : i32
      %dma_start3A_1708 = tpu.memref_slice %arg7[%arg1, %dma_start3A_1703, %dma_start3A_1706, %dma_start3A_1707] : memref<16x2x112x384xf32, #tpu.memory_space<vmem_shared>> -> memref<1x1x112x384xf32, #tpu.memory_space<vmem_shared>>
      %dma_start3A_1709 = tpu.memref_squeeze %dma_start3A_1708 : memref<1x1x112x384xf32, #tpu.memory_space<vmem_shared>> -> memref<112x384xf32, #tpu.memory_space<vmem_shared>>
      tpu.enqueue_dma source(%dma_start3A_1709 : memref<112x384xf32, #tpu.memory_space<vmem_shared>>) target(%dma_start3A_1705 : memref<112x384xf32, #tpu.memory_space<hbm>>) target_semaphore(%arg13 : memref<!tpu.dma_semaphore, #tpu.memory_space<semaphore_mem>>)
      %dma_wait3A_1710 = arith.constant 1 : i32
      %dma_wait3A_1711 = arith.constant 0 : i32
      %dma_wait3A_1712 = tpu.memref_slice %arg4[%add3A_1702, %dma_wait3A_1711] : memref<200704x384xf32, #tpu.memory_space<hbm>> -> memref<112x384xf32, #tpu.memory_space<hbm>>
      %dma_wait3A_1713 = arith.constant 0 : i32
      %dma_wait3A_1714 = arith.constant 0 : i32
      %dma_wait3A_1715 = tpu.memref_slice %arg7[%arg1, %dma_wait3A_1710, %dma_wait3A_1713, %dma_wait3A_1714] : memref<16x2x112x384xf32, #tpu.memory_space<vmem_shared>> -> memref<1x1x112x384xf32, #tpu.memory_space<vmem_shared>>
      %dma_wait3A_1716 = tpu.memref_squeeze %dma_wait3A_1715 : memref<1x1x112x384xf32, #tpu.memory_space<vmem_shared>> -> memref<112x384xf32, #tpu.memory_space<vmem_shared>>
      tpu.wait_dma2 semaphore(%arg13 : memref<!tpu.dma_semaphore, #tpu.memory_space<semaphore_mem>>) src(%dma_wait3A_1716 : memref<112x384xf32, #tpu.memory_space<vmem_shared>>) dst(%dma_wait3A_1712 : memref<112x384xf32, #tpu.memory_space<hbm>>)
      %add3A_1717 = arith.constant 3472 : i32
      %add3A_1718 = arith.addi %mul3A_741, %add3A_1717 : i32
      %dma_start3A_1719 = arith.constant 1 : i32
      %dma_start3A_1720 = arith.constant 0 : i32
      %dma_start3A_1721 = arith.constant 0 : i32
      %dma_start3A_1722 = tpu.memref_slice %arg7[%arg1, %dma_start3A_1719, %dma_start3A_1720, %dma_start3A_1721] : memref<16x2x112x384xf32, #tpu.memory_space<vmem_shared>> -> memref<1x1x112x384xf32, #tpu.memory_space<vmem_shared>>
      %dma_start3A_1723 = tpu.memref_squeeze %dma_start3A_1722 : memref<1x1x112x384xf32, #tpu.memory_space<vmem_shared>> -> memref<112x384xf32, #tpu.memory_space<vmem_shared>>
      %dma_start3A_1724 = arith.constant 0 : i32
      %dma_start3A_1725 = tpu.memref_slice %arg2[%add3A_1718, %dma_start3A_1724] : memref<200704x384xf32, #tpu.memory_space<hbm>> -> memref<112x384xf32, #tpu.memory_space<hbm>>
      tpu.enqueue_dma source(%dma_start3A_1725 : memref<112x384xf32, #tpu.memory_space<hbm>>) target(%dma_start3A_1723 : memref<112x384xf32, #tpu.memory_space<vmem_shared>>) target_semaphore(%arg11 : memref<!tpu.dma_semaphore, #tpu.memory_space<semaphore_mem>>)
      %dma_wait3A_1726 = arith.constant 0 : i32
      %dma_wait3A_1727 = arith.constant 0 : i32
      %dma_wait3A_1728 = arith.constant 0 : i32
      %dma_wait3A_1729 = tpu.memref_slice %arg7[%arg1, %dma_wait3A_1726, %dma_wait3A_1727, %dma_wait3A_1728] : memref<16x2x112x384xf32, #tpu.memory_space<vmem_shared>> -> memref<1x1x112x384xf32, #tpu.memory_space<vmem_shared>>
      %dma_wait3A_1730 = tpu.memref_squeeze %dma_wait3A_1729 : memref<1x1x112x384xf32, #tpu.memory_space<vmem_shared>> -> memref<112x384xf32, #tpu.memory_space<vmem_shared>>
      %dma_wait3A_1731 = arith.constant 0 : i32
      %dma_wait3A_1732 = tpu.memref_slice %arg2[%add3A_1686, %dma_wait3A_1731] : memref<200704x384xf32, #tpu.memory_space<hbm>> -> memref<112x384xf32, #tpu.memory_space<hbm>>
      tpu.wait_dma2 semaphore(%arg10 : memref<!tpu.dma_semaphore, #tpu.memory_space<semaphore_mem>>) src(%dma_wait3A_1732 : memref<112x384xf32, #tpu.memory_space<hbm>>) dst(%dma_wait3A_1730 : memref<112x384xf32, #tpu.memory_space<vmem_shared>>)
      %add3A_1733 = arith.constant 3360 : i32
      %add3A_1734 = arith.addi %mul3A_741, %add3A_1733 : i32
      %dma_start3A_1735 = arith.constant 0 : i32
      %dma_start3A_1736 = arith.constant 0 : i32
      %dma_start3A_1737 = tpu.memref_slice %arg4[%add3A_1734, %dma_start3A_1736] : memref<200704x384xf32, #tpu.memory_space<hbm>> -> memref<112x384xf32, #tpu.memory_space<hbm>>
      %dma_start3A_1738 = arith.constant 0 : i32
      %dma_start3A_1739 = arith.constant 0 : i32
      %dma_start3A_1740 = tpu.memref_slice %arg7[%arg1, %dma_start3A_1735, %dma_start3A_1738, %dma_start3A_1739] : memref<16x2x112x384xf32, #tpu.memory_space<vmem_shared>> -> memref<1x1x112x384xf32, #tpu.memory_space<vmem_shared>>
      %dma_start3A_1741 = tpu.memref_squeeze %dma_start3A_1740 : memref<1x1x112x384xf32, #tpu.memory_space<vmem_shared>> -> memref<112x384xf32, #tpu.memory_space<vmem_shared>>
      tpu.enqueue_dma source(%dma_start3A_1741 : memref<112x384xf32, #tpu.memory_space<vmem_shared>>) target(%dma_start3A_1737 : memref<112x384xf32, #tpu.memory_space<hbm>>) target_semaphore(%arg12 : memref<!tpu.dma_semaphore, #tpu.memory_space<semaphore_mem>>)
      %dma_wait3A_1742 = arith.constant 0 : i32
      %dma_wait3A_1743 = arith.constant 0 : i32
      %dma_wait3A_1744 = tpu.memref_slice %arg4[%add3A_1734, %dma_wait3A_1743] : memref<200704x384xf32, #tpu.memory_space<hbm>> -> memref<112x384xf32, #tpu.memory_space<hbm>>
      %dma_wait3A_1745 = arith.constant 0 : i32
      %dma_wait3A_1746 = arith.constant 0 : i32
      %dma_wait3A_1747 = tpu.memref_slice %arg7[%arg1, %dma_wait3A_1742, %dma_wait3A_1745, %dma_wait3A_1746] : memref<16x2x112x384xf32, #tpu.memory_space<vmem_shared>> -> memref<1x1x112x384xf32, #tpu.memory_space<vmem_shared>>
      %dma_wait3A_1748 = tpu.memref_squeeze %dma_wait3A_1747 : memref<1x1x112x384xf32, #tpu.memory_space<vmem_shared>> -> memref<112x384xf32, #tpu.memory_space<vmem_shared>>
      tpu.wait_dma2 semaphore(%arg12 : memref<!tpu.dma_semaphore, #tpu.memory_space<semaphore_mem>>) src(%dma_wait3A_1748 : memref<112x384xf32, #tpu.memory_space<vmem_shared>>) dst(%dma_wait3A_1744 : memref<112x384xf32, #tpu.memory_space<hbm>>)
      %add3A_1749 = arith.constant 3584 : i32
      %add3A_1750 = arith.addi %mul3A_741, %add3A_1749 : i32
      %dma_start3A_1751 = arith.constant 0 : i32
      %dma_start3A_1752 = arith.constant 0 : i32
      %dma_start3A_1753 = arith.constant 0 : i32
      %dma_start3A_1754 = tpu.memref_slice %arg7[%arg1, %dma_start3A_1751, %dma_start3A_1752, %dma_start3A_1753] : memref<16x2x112x384xf32, #tpu.memory_space<vmem_shared>> -> memref<1x1x112x384xf32, #tpu.memory_space<vmem_shared>>
      %dma_start3A_1755 = tpu.memref_squeeze %dma_start3A_1754 : memref<1x1x112x384xf32, #tpu.memory_space<vmem_shared>> -> memref<112x384xf32, #tpu.memory_space<vmem_shared>>
      %dma_start3A_1756 = arith.constant 0 : i32
      %dma_start3A_1757 = tpu.memref_slice %arg2[%add3A_1750, %dma_start3A_1756] : memref<200704x384xf32, #tpu.memory_space<hbm>> -> memref<112x384xf32, #tpu.memory_space<hbm>>
      tpu.enqueue_dma source(%dma_start3A_1757 : memref<112x384xf32, #tpu.memory_space<hbm>>) target(%dma_start3A_1755 : memref<112x384xf32, #tpu.memory_space<vmem_shared>>) target_semaphore(%arg10 : memref<!tpu.dma_semaphore, #tpu.memory_space<semaphore_mem>>)
      %dma_wait3A_1758 = arith.constant 1 : i32
      %dma_wait3A_1759 = arith.constant 0 : i32
      %dma_wait3A_1760 = arith.constant 0 : i32
      %dma_wait3A_1761 = tpu.memref_slice %arg7[%arg1, %dma_wait3A_1758, %dma_wait3A_1759, %dma_wait3A_1760] : memref<16x2x112x384xf32, #tpu.memory_space<vmem_shared>> -> memref<1x1x112x384xf32, #tpu.memory_space<vmem_shared>>
      %dma_wait3A_1762 = tpu.memref_squeeze %dma_wait3A_1761 : memref<1x1x112x384xf32, #tpu.memory_space<vmem_shared>> -> memref<112x384xf32, #tpu.memory_space<vmem_shared>>
      %dma_wait3A_1763 = arith.constant 0 : i32
      %dma_wait3A_1764 = tpu.memref_slice %arg2[%add3A_1718, %dma_wait3A_1763] : memref<200704x384xf32, #tpu.memory_space<hbm>> -> memref<112x384xf32, #tpu.memory_space<hbm>>
      tpu.wait_dma2 semaphore(%arg11 : memref<!tpu.dma_semaphore, #tpu.memory_space<semaphore_mem>>) src(%dma_wait3A_1764 : memref<112x384xf32, #tpu.memory_space<hbm>>) dst(%dma_wait3A_1762 : memref<112x384xf32, #tpu.memory_space<vmem_shared>>)
      %add3A_1765 = arith.constant 3472 : i32
      %add3A_1766 = arith.addi %mul3A_741, %add3A_1765 : i32
      %dma_start3A_1767 = arith.constant 1 : i32
      %dma_start3A_1768 = arith.constant 0 : i32
      %dma_start3A_1769 = tpu.memref_slice %arg4[%add3A_1766, %dma_start3A_1768] : memref<200704x384xf32, #tpu.memory_space<hbm>> -> memref<112x384xf32, #tpu.memory_space<hbm>>
      %dma_start3A_1770 = arith.constant 0 : i32
      %dma_start3A_1771 = arith.constant 0 : i32
      %dma_start3A_1772 = tpu.memref_slice %arg7[%arg1, %dma_start3A_1767, %dma_start3A_1770, %dma_start3A_1771] : memref<16x2x112x384xf32, #tpu.memory_space<vmem_shared>> -> memref<1x1x112x384xf32, #tpu.memory_space<vmem_shared>>
      %dma_start3A_1773 = tpu.memref_squeeze %dma_start3A_1772 : memref<1x1x112x384xf32, #tpu.memory_space<vmem_shared>> -> memref<112x384xf32, #tpu.memory_space<vmem_shared>>
      tpu.enqueue_dma source(%dma_start3A_1773 : memref<112x384xf32, #tpu.memory_space<vmem_shared>>) target(%dma_start3A_1769 : memref<112x384xf32, #tpu.memory_space<hbm>>) target_semaphore(%arg13 : memref<!tpu.dma_semaphore, #tpu.memory_space<semaphore_mem>>)
      %dma_wait3A_1774 = arith.constant 1 : i32
      %dma_wait3A_1775 = arith.constant 0 : i32
      %dma_wait3A_1776 = tpu.memref_slice %arg4[%add3A_1766, %dma_wait3A_1775] : memref<200704x384xf32, #tpu.memory_space<hbm>> -> memref<112x384xf32, #tpu.memory_space<hbm>>
      %dma_wait3A_1777 = arith.constant 0 : i32
      %dma_wait3A_1778 = arith.constant 0 : i32
      %dma_wait3A_1779 = tpu.memref_slice %arg7[%arg1, %dma_wait3A_1774, %dma_wait3A_1777, %dma_wait3A_1778] : memref<16x2x112x384xf32, #tpu.memory_space<vmem_shared>> -> memref<1x1x112x384xf32, #tpu.memory_space<vmem_shared>>
      %dma_wait3A_1780 = tpu.memref_squeeze %dma_wait3A_1779 : memref<1x1x112x384xf32, #tpu.memory_space<vmem_shared>> -> memref<112x384xf32, #tpu.memory_space<vmem_shared>>
      tpu.wait_dma2 semaphore(%arg13 : memref<!tpu.dma_semaphore, #tpu.memory_space<semaphore_mem>>) src(%dma_wait3A_1780 : memref<112x384xf32, #tpu.memory_space<vmem_shared>>) dst(%dma_wait3A_1776 : memref<112x384xf32, #tpu.memory_space<hbm>>)
      %add3A_1781 = arith.constant 3696 : i32
      %add3A_1782 = arith.addi %mul3A_741, %add3A_1781 : i32
      %dma_start3A_1783 = arith.constant 1 : i32
      %dma_start3A_1784 = arith.constant 0 : i32
      %dma_start3A_1785 = arith.constant 0 : i32
      %dma_start3A_1786 = tpu.memref_slice %arg7[%arg1, %dma_start3A_1783, %dma_start3A_1784, %dma_start3A_1785] : memref<16x2x112x384xf32, #tpu.memory_space<vmem_shared>> -> memref<1x1x112x384xf32, #tpu.memory_space<vmem_shared>>
      %dma_start3A_1787 = tpu.memref_squeeze %dma_start3A_1786 : memref<1x1x112x384xf32, #tpu.memory_space<vmem_shared>> -> memref<112x384xf32, #tpu.memory_space<vmem_shared>>
      %dma_start3A_1788 = arith.constant 0 : i32
      %dma_start3A_1789 = tpu.memref_slice %arg2[%add3A_1782, %dma_start3A_1788] : memref<200704x384xf32, #tpu.memory_space<hbm>> -> memref<112x384xf32, #tpu.memory_space<hbm>>
      tpu.enqueue_dma source(%dma_start3A_1789 : memref<112x384xf32, #tpu.memory_space<hbm>>) target(%dma_start3A_1787 : memref<112x384xf32, #tpu.memory_space<vmem_shared>>) target_semaphore(%arg11 : memref<!tpu.dma_semaphore, #tpu.memory_space<semaphore_mem>>)
      %dma_wait3A_1790 = arith.constant 0 : i32
      %dma_wait3A_1791 = arith.constant 0 : i32
      %dma_wait3A_1792 = arith.constant 0 : i32
      %dma_wait3A_1793 = tpu.memref_slice %arg7[%arg1, %dma_wait3A_1790, %dma_wait3A_1791, %dma_wait3A_1792] : memref<16x2x112x384xf32, #tpu.memory_space<vmem_shared>> -> memref<1x1x112x384xf32, #tpu.memory_space<vmem_shared>>
      %dma_wait3A_1794 = tpu.memref_squeeze %dma_wait3A_1793 : memref<1x1x112x384xf32, #tpu.memory_space<vmem_shared>> -> memref<112x384xf32, #tpu.memory_space<vmem_shared>>
      %dma_wait3A_1795 = arith.constant 0 : i32
      %dma_wait3A_1796 = tpu.memref_slice %arg2[%add3A_1750, %dma_wait3A_1795] : memref<200704x384xf32, #tpu.memory_space<hbm>> -> memref<112x384xf32, #tpu.memory_space<hbm>>
      tpu.wait_dma2 semaphore(%arg10 : memref<!tpu.dma_semaphore, #tpu.memory_space<semaphore_mem>>) src(%dma_wait3A_1796 : memref<112x384xf32, #tpu.memory_space<hbm>>) dst(%dma_wait3A_1794 : memref<112x384xf32, #tpu.memory_space<vmem_shared>>)
      %add3A_1797 = arith.constant 3584 : i32
      %add3A_1798 = arith.addi %mul3A_741, %add3A_1797 : i32
      %dma_start3A_1799 = arith.constant 0 : i32
      %dma_start3A_1800 = arith.constant 0 : i32
      %dma_start3A_1801 = tpu.memref_slice %arg4[%add3A_1798, %dma_start3A_1800] : memref<200704x384xf32, #tpu.memory_space<hbm>> -> memref<112x384xf32, #tpu.memory_space<hbm>>
      %dma_start3A_1802 = arith.constant 0 : i32
      %dma_start3A_1803 = arith.constant 0 : i32
      %dma_start3A_1804 = tpu.memref_slice %arg7[%arg1, %dma_start3A_1799, %dma_start3A_1802, %dma_start3A_1803] : memref<16x2x112x384xf32, #tpu.memory_space<vmem_shared>> -> memref<1x1x112x384xf32, #tpu.memory_space<vmem_shared>>
      %dma_start3A_1805 = tpu.memref_squeeze %dma_start3A_1804 : memref<1x1x112x384xf32, #tpu.memory_space<vmem_shared>> -> memref<112x384xf32, #tpu.memory_space<vmem_shared>>
      tpu.enqueue_dma source(%dma_start3A_1805 : memref<112x384xf32, #tpu.memory_space<vmem_shared>>) target(%dma_start3A_1801 : memref<112x384xf32, #tpu.memory_space<hbm>>) target_semaphore(%arg12 : memref<!tpu.dma_semaphore, #tpu.memory_space<semaphore_mem>>)
      %dma_wait3A_1806 = arith.constant 0 : i32
      %dma_wait3A_1807 = arith.constant 0 : i32
      %dma_wait3A_1808 = tpu.memref_slice %arg4[%add3A_1798, %dma_wait3A_1807] : memref<200704x384xf32, #tpu.memory_space<hbm>> -> memref<112x384xf32, #tpu.memory_space<hbm>>
      %dma_wait3A_1809 = arith.constant 0 : i32
      %dma_wait3A_1810 = arith.constant 0 : i32
      %dma_wait3A_1811 = tpu.memref_slice %arg7[%arg1, %dma_wait3A_1806, %dma_wait3A_1809, %dma_wait3A_1810] : memref<16x2x112x384xf32, #tpu.memory_space<vmem_shared>> -> memref<1x1x112x384xf32, #tpu.memory_space<vmem_shared>>
      %dma_wait3A_1812 = tpu.memref_squeeze %dma_wait3A_1811 : memref<1x1x112x384xf32, #tpu.memory_space<vmem_shared>> -> memref<112x384xf32, #tpu.memory_space<vmem_shared>>
      tpu.wait_dma2 semaphore(%arg12 : memref<!tpu.dma_semaphore, #tpu.memory_space<semaphore_mem>>) src(%dma_wait3A_1812 : memref<112x384xf32, #tpu.memory_space<vmem_shared>>) dst(%dma_wait3A_1808 : memref<112x384xf32, #tpu.memory_space<hbm>>)
      %add3A_1813 = arith.constant 3808 : i32
      %add3A_1814 = arith.addi %mul3A_741, %add3A_1813 : i32
      %dma_start3A_1815 = arith.constant 0 : i32
      %dma_start3A_1816 = arith.constant 0 : i32
      %dma_start3A_1817 = arith.constant 0 : i32
      %dma_start3A_1818 = tpu.memref_slice %arg7[%arg1, %dma_start3A_1815, %dma_start3A_1816, %dma_start3A_1817] : memref<16x2x112x384xf32, #tpu.memory_space<vmem_shared>> -> memref<1x1x112x384xf32, #tpu.memory_space<vmem_shared>>
      %dma_start3A_1819 = tpu.memref_squeeze %dma_start3A_1818 : memref<1x1x112x384xf32, #tpu.memory_space<vmem_shared>> -> memref<112x384xf32, #tpu.memory_space<vmem_shared>>
      %dma_start3A_1820 = arith.constant 0 : i32
      %dma_start3A_1821 = tpu.memref_slice %arg2[%add3A_1814, %dma_start3A_1820] : memref<200704x384xf32, #tpu.memory_space<hbm>> -> memref<112x384xf32, #tpu.memory_space<hbm>>
      tpu.enqueue_dma source(%dma_start3A_1821 : memref<112x384xf32, #tpu.memory_space<hbm>>) target(%dma_start3A_1819 : memref<112x384xf32, #tpu.memory_space<vmem_shared>>) target_semaphore(%arg10 : memref<!tpu.dma_semaphore, #tpu.memory_space<semaphore_mem>>)
      %dma_wait3A_1822 = arith.constant 1 : i32
      %dma_wait3A_1823 = arith.constant 0 : i32
      %dma_wait3A_1824 = arith.constant 0 : i32
      %dma_wait3A_1825 = tpu.memref_slice %arg7[%arg1, %dma_wait3A_1822, %dma_wait3A_1823, %dma_wait3A_1824] : memref<16x2x112x384xf32, #tpu.memory_space<vmem_shared>> -> memref<1x1x112x384xf32, #tpu.memory_space<vmem_shared>>
      %dma_wait3A_1826 = tpu.memref_squeeze %dma_wait3A_1825 : memref<1x1x112x384xf32, #tpu.memory_space<vmem_shared>> -> memref<112x384xf32, #tpu.memory_space<vmem_shared>>
      %dma_wait3A_1827 = arith.constant 0 : i32
      %dma_wait3A_1828 = tpu.memref_slice %arg2[%add3A_1782, %dma_wait3A_1827] : memref<200704x384xf32, #tpu.memory_space<hbm>> -> memref<112x384xf32, #tpu.memory_space<hbm>>
      tpu.wait_dma2 semaphore(%arg11 : memref<!tpu.dma_semaphore, #tpu.memory_space<semaphore_mem>>) src(%dma_wait3A_1828 : memref<112x384xf32, #tpu.memory_space<hbm>>) dst(%dma_wait3A_1826 : memref<112x384xf32, #tpu.memory_space<vmem_shared>>)
      %add3A_1829 = arith.constant 3696 : i32
      %add3A_1830 = arith.addi %mul3A_741, %add3A_1829 : i32
      %dma_start3A_1831 = arith.constant 1 : i32
      %dma_start3A_1832 = arith.constant 0 : i32
      %dma_start3A_1833 = tpu.memref_slice %arg4[%add3A_1830, %dma_start3A_1832] : memref<200704x384xf32, #tpu.memory_space<hbm>> -> memref<112x384xf32, #tpu.memory_space<hbm>>
      %dma_start3A_1834 = arith.constant 0 : i32
      %dma_start3A_1835 = arith.constant 0 : i32
      %dma_start3A_1836 = tpu.memref_slice %arg7[%arg1, %dma_start3A_1831, %dma_start3A_1834, %dma_start3A_1835] : memref<16x2x112x384xf32, #tpu.memory_space<vmem_shared>> -> memref<1x1x112x384xf32, #tpu.memory_space<vmem_shared>>
      %dma_start3A_1837 = tpu.memref_squeeze %dma_start3A_1836 : memref<1x1x112x384xf32, #tpu.memory_space<vmem_shared>> -> memref<112x384xf32, #tpu.memory_space<vmem_shared>>
      tpu.enqueue_dma source(%dma_start3A_1837 : memref<112x384xf32, #tpu.memory_space<vmem_shared>>) target(%dma_start3A_1833 : memref<112x384xf32, #tpu.memory_space<hbm>>) target_semaphore(%arg13 : memref<!tpu.dma_semaphore, #tpu.memory_space<semaphore_mem>>)
      %dma_wait3A_1838 = arith.constant 1 : i32
      %dma_wait3A_1839 = arith.constant 0 : i32
      %dma_wait3A_1840 = tpu.memref_slice %arg4[%add3A_1830, %dma_wait3A_1839] : memref<200704x384xf32, #tpu.memory_space<hbm>> -> memref<112x384xf32, #tpu.memory_space<hbm>>
      %dma_wait3A_1841 = arith.constant 0 : i32
      %dma_wait3A_1842 = arith.constant 0 : i32
      %dma_wait3A_1843 = tpu.memref_slice %arg7[%arg1, %dma_wait3A_1838, %dma_wait3A_1841, %dma_wait3A_1842] : memref<16x2x112x384xf32, #tpu.memory_space<vmem_shared>> -> memref<1x1x112x384xf32, #tpu.memory_space<vmem_shared>>
      %dma_wait3A_1844 = tpu.memref_squeeze %dma_wait3A_1843 : memref<1x1x112x384xf32, #tpu.memory_space<vmem_shared>> -> memref<112x384xf32, #tpu.memory_space<vmem_shared>>
      tpu.wait_dma2 semaphore(%arg13 : memref<!tpu.dma_semaphore, #tpu.memory_space<semaphore_mem>>) src(%dma_wait3A_1844 : memref<112x384xf32, #tpu.memory_space<vmem_shared>>) dst(%dma_wait3A_1840 : memref<112x384xf32, #tpu.memory_space<hbm>>)
      %add3A_1845 = arith.constant 3920 : i32
      %add3A_1846 = arith.addi %mul3A_741, %add3A_1845 : i32
      %dma_start3A_1847 = arith.constant 1 : i32
      %dma_start3A_1848 = arith.constant 0 : i32
      %dma_start3A_1849 = arith.constant 0 : i32
      %dma_start3A_1850 = tpu.memref_slice %arg7[%arg1, %dma_start3A_1847, %dma_start3A_1848, %dma_start3A_1849] : memref<16x2x112x384xf32, #tpu.memory_space<vmem_shared>> -> memref<1x1x112x384xf32, #tpu.memory_space<vmem_shared>>
      %dma_start3A_1851 = tpu.memref_squeeze %dma_start3A_1850 : memref<1x1x112x384xf32, #tpu.memory_space<vmem_shared>> -> memref<112x384xf32, #tpu.memory_space<vmem_shared>>
      %dma_start3A_1852 = arith.constant 0 : i32
      %dma_start3A_1853 = tpu.memref_slice %arg2[%add3A_1846, %dma_start3A_1852] : memref<200704x384xf32, #tpu.memory_space<hbm>> -> memref<112x384xf32, #tpu.memory_space<hbm>>
      tpu.enqueue_dma source(%dma_start3A_1853 : memref<112x384xf32, #tpu.memory_space<hbm>>) target(%dma_start3A_1851 : memref<112x384xf32, #tpu.memory_space<vmem_shared>>) target_semaphore(%arg11 : memref<!tpu.dma_semaphore, #tpu.memory_space<semaphore_mem>>)
      %dma_wait3A_1854 = arith.constant 0 : i32
      %dma_wait3A_1855 = arith.constant 0 : i32
      %dma_wait3A_1856 = arith.constant 0 : i32
      %dma_wait3A_1857 = tpu.memref_slice %arg7[%arg1, %dma_wait3A_1854, %dma_wait3A_1855, %dma_wait3A_1856] : memref<16x2x112x384xf32, #tpu.memory_space<vmem_shared>> -> memref<1x1x112x384xf32, #tpu.memory_space<vmem_shared>>
      %dma_wait3A_1858 = tpu.memref_squeeze %dma_wait3A_1857 : memref<1x1x112x384xf32, #tpu.memory_space<vmem_shared>> -> memref<112x384xf32, #tpu.memory_space<vmem_shared>>
      %dma_wait3A_1859 = arith.constant 0 : i32
      %dma_wait3A_1860 = tpu.memref_slice %arg2[%add3A_1814, %dma_wait3A_1859] : memref<200704x384xf32, #tpu.memory_space<hbm>> -> memref<112x384xf32, #tpu.memory_space<hbm>>
      tpu.wait_dma2 semaphore(%arg10 : memref<!tpu.dma_semaphore, #tpu.memory_space<semaphore_mem>>) src(%dma_wait3A_1860 : memref<112x384xf32, #tpu.memory_space<hbm>>) dst(%dma_wait3A_1858 : memref<112x384xf32, #tpu.memory_space<vmem_shared>>)
      %add3A_1861 = arith.constant 3808 : i32
      %add3A_1862 = arith.addi %mul3A_741, %add3A_1861 : i32
      %dma_start3A_1863 = arith.constant 0 : i32
      %dma_start3A_1864 = arith.constant 0 : i32
      %dma_start3A_1865 = tpu.memref_slice %arg4[%add3A_1862, %dma_start3A_1864] : memref<200704x384xf32, #tpu.memory_space<hbm>> -> memref<112x384xf32, #tpu.memory_space<hbm>>
      %dma_start3A_1866 = arith.constant 0 : i32
      %dma_start3A_1867 = arith.constant 0 : i32
      %dma_start3A_1868 = tpu.memref_slice %arg7[%arg1, %dma_start3A_1863, %dma_start3A_1866, %dma_start3A_1867] : memref<16x2x112x384xf32, #tpu.memory_space<vmem_shared>> -> memref<1x1x112x384xf32, #tpu.memory_space<vmem_shared>>
      %dma_start3A_1869 = tpu.memref_squeeze %dma_start3A_1868 : memref<1x1x112x384xf32, #tpu.memory_space<vmem_shared>> -> memref<112x384xf32, #tpu.memory_space<vmem_shared>>
      tpu.enqueue_dma source(%dma_start3A_1869 : memref<112x384xf32, #tpu.memory_space<vmem_shared>>) target(%dma_start3A_1865 : memref<112x384xf32, #tpu.memory_space<hbm>>) target_semaphore(%arg12 : memref<!tpu.dma_semaphore, #tpu.memory_space<semaphore_mem>>)
      %dma_wait3A_1870 = arith.constant 0 : i32
      %dma_wait3A_1871 = arith.constant 0 : i32
      %dma_wait3A_1872 = tpu.memref_slice %arg4[%add3A_1862, %dma_wait3A_1871] : memref<200704x384xf32, #tpu.memory_space<hbm>> -> memref<112x384xf32, #tpu.memory_space<hbm>>
      %dma_wait3A_1873 = arith.constant 0 : i32
      %dma_wait3A_1874 = arith.constant 0 : i32
      %dma_wait3A_1875 = tpu.memref_slice %arg7[%arg1, %dma_wait3A_1870, %dma_wait3A_1873, %dma_wait3A_1874] : memref<16x2x112x384xf32, #tpu.memory_space<vmem_shared>> -> memref<1x1x112x384xf32, #tpu.memory_space<vmem_shared>>
      %dma_wait3A_1876 = tpu.memref_squeeze %dma_wait3A_1875 : memref<1x1x112x384xf32, #tpu.memory_space<vmem_shared>> -> memref<112x384xf32, #tpu.memory_space<vmem_shared>>
      tpu.wait_dma2 semaphore(%arg12 : memref<!tpu.dma_semaphore, #tpu.memory_space<semaphore_mem>>) src(%dma_wait3A_1876 : memref<112x384xf32, #tpu.memory_space<vmem_shared>>) dst(%dma_wait3A_1872 : memref<112x384xf32, #tpu.memory_space<hbm>>)
      %add3A_1877 = arith.constant 4032 : i32
      %add3A_1878 = arith.addi %mul3A_741, %add3A_1877 : i32
      %dma_start3A_1879 = arith.constant 0 : i32
      %dma_start3A_1880 = arith.constant 0 : i32
      %dma_start3A_1881 = arith.constant 0 : i32
      %dma_start3A_1882 = tpu.memref_slice %arg7[%arg1, %dma_start3A_1879, %dma_start3A_1880, %dma_start3A_1881] : memref<16x2x112x384xf32, #tpu.memory_space<vmem_shared>> -> memref<1x1x112x384xf32, #tpu.memory_space<vmem_shared>>
      %dma_start3A_1883 = tpu.memref_squeeze %dma_start3A_1882 : memref<1x1x112x384xf32, #tpu.memory_space<vmem_shared>> -> memref<112x384xf32, #tpu.memory_space<vmem_shared>>
      %dma_start3A_1884 = arith.constant 0 : i32
      %dma_start3A_1885 = tpu.memref_slice %arg2[%add3A_1878, %dma_start3A_1884] : memref<200704x384xf32, #tpu.memory_space<hbm>> -> memref<112x384xf32, #tpu.memory_space<hbm>>
      tpu.enqueue_dma source(%dma_start3A_1885 : memref<112x384xf32, #tpu.memory_space<hbm>>) target(%dma_start3A_1883 : memref<112x384xf32, #tpu.memory_space<vmem_shared>>) target_semaphore(%arg10 : memref<!tpu.dma_semaphore, #tpu.memory_space<semaphore_mem>>)
      %dma_wait3A_1886 = arith.constant 1 : i32
      %dma_wait3A_1887 = arith.constant 0 : i32
      %dma_wait3A_1888 = arith.constant 0 : i32
      %dma_wait3A_1889 = tpu.memref_slice %arg7[%arg1, %dma_wait3A_1886, %dma_wait3A_1887, %dma_wait3A_1888] : memref<16x2x112x384xf32, #tpu.memory_space<vmem_shared>> -> memref<1x1x112x384xf32, #tpu.memory_space<vmem_shared>>
      %dma_wait3A_1890 = tpu.memref_squeeze %dma_wait3A_1889 : memref<1x1x112x384xf32, #tpu.memory_space<vmem_shared>> -> memref<112x384xf32, #tpu.memory_space<vmem_shared>>
      %dma_wait3A_1891 = arith.constant 0 : i32
      %dma_wait3A_1892 = tpu.memref_slice %arg2[%add3A_1846, %dma_wait3A_1891] : memref<200704x384xf32, #tpu.memory_space<hbm>> -> memref<112x384xf32, #tpu.memory_space<hbm>>
      tpu.wait_dma2 semaphore(%arg11 : memref<!tpu.dma_semaphore, #tpu.memory_space<semaphore_mem>>) src(%dma_wait3A_1892 : memref<112x384xf32, #tpu.memory_space<hbm>>) dst(%dma_wait3A_1890 : memref<112x384xf32, #tpu.memory_space<vmem_shared>>)
      %add3A_1893 = arith.constant 3920 : i32
      %add3A_1894 = arith.addi %mul3A_741, %add3A_1893 : i32
      %dma_start3A_1895 = arith.constant 1 : i32
      %dma_start3A_1896 = arith.constant 0 : i32
      %dma_start3A_1897 = tpu.memref_slice %arg4[%add3A_1894, %dma_start3A_1896] : memref<200704x384xf32, #tpu.memory_space<hbm>> -> memref<112x384xf32, #tpu.memory_space<hbm>>
      %dma_start3A_1898 = arith.constant 0 : i32
      %dma_start3A_1899 = arith.constant 0 : i32
      %dma_start3A_1900 = tpu.memref_slice %arg7[%arg1, %dma_start3A_1895, %dma_start3A_1898, %dma_start3A_1899] : memref<16x2x112x384xf32, #tpu.memory_space<vmem_shared>> -> memref<1x1x112x384xf32, #tpu.memory_space<vmem_shared>>
      %dma_start3A_1901 = tpu.memref_squeeze %dma_start3A_1900 : memref<1x1x112x384xf32, #tpu.memory_space<vmem_shared>> -> memref<112x384xf32, #tpu.memory_space<vmem_shared>>
      tpu.enqueue_dma source(%dma_start3A_1901 : memref<112x384xf32, #tpu.memory_space<vmem_shared>>) target(%dma_start3A_1897 : memref<112x384xf32, #tpu.memory_space<hbm>>) target_semaphore(%arg13 : memref<!tpu.dma_semaphore, #tpu.memory_space<semaphore_mem>>)
      %dma_wait3A_1902 = arith.constant 1 : i32
      %dma_wait3A_1903 = arith.constant 0 : i32
      %dma_wait3A_1904 = tpu.memref_slice %arg4[%add3A_1894, %dma_wait3A_1903] : memref<200704x384xf32, #tpu.memory_space<hbm>> -> memref<112x384xf32, #tpu.memory_space<hbm>>
      %dma_wait3A_1905 = arith.constant 0 : i32
      %dma_wait3A_1906 = arith.constant 0 : i32
      %dma_wait3A_1907 = tpu.memref_slice %arg7[%arg1, %dma_wait3A_1902, %dma_wait3A_1905, %dma_wait3A_1906] : memref<16x2x112x384xf32, #tpu.memory_space<vmem_shared>> -> memref<1x1x112x384xf32, #tpu.memory_space<vmem_shared>>
      %dma_wait3A_1908 = tpu.memref_squeeze %dma_wait3A_1907 : memref<1x1x112x384xf32, #tpu.memory_space<vmem_shared>> -> memref<112x384xf32, #tpu.memory_space<vmem_shared>>
      tpu.wait_dma2 semaphore(%arg13 : memref<!tpu.dma_semaphore, #tpu.memory_space<semaphore_mem>>) src(%dma_wait3A_1908 : memref<112x384xf32, #tpu.memory_space<vmem_shared>>) dst(%dma_wait3A_1904 : memref<112x384xf32, #tpu.memory_space<hbm>>)
      %add3A_1909 = arith.constant 4144 : i32
      %add3A_1910 = arith.addi %mul3A_741, %add3A_1909 : i32
      %dma_start3A_1911 = arith.constant 1 : i32
      %dma_start3A_1912 = arith.constant 0 : i32
      %dma_start3A_1913 = arith.constant 0 : i32
      %dma_start3A_1914 = tpu.memref_slice %arg7[%arg1, %dma_start3A_1911, %dma_start3A_1912, %dma_start3A_1913] : memref<16x2x112x384xf32, #tpu.memory_space<vmem_shared>> -> memref<1x1x112x384xf32, #tpu.memory_space<vmem_shared>>
      %dma_start3A_1915 = tpu.memref_squeeze %dma_start3A_1914 : memref<1x1x112x384xf32, #tpu.memory_space<vmem_shared>> -> memref<112x384xf32, #tpu.memory_space<vmem_shared>>
      %dma_start3A_1916 = arith.constant 0 : i32
      %dma_start3A_1917 = tpu.memref_slice %arg2[%add3A_1910, %dma_start3A_1916] : memref<200704x384xf32, #tpu.memory_space<hbm>> -> memref<112x384xf32, #tpu.memory_space<hbm>>
      tpu.enqueue_dma source(%dma_start3A_1917 : memref<112x384xf32, #tpu.memory_space<hbm>>) target(%dma_start3A_1915 : memref<112x384xf32, #tpu.memory_space<vmem_shared>>) target_semaphore(%arg11 : memref<!tpu.dma_semaphore, #tpu.memory_space<semaphore_mem>>)
      %dma_wait3A_1918 = arith.constant 0 : i32
      %dma_wait3A_1919 = arith.constant 0 : i32
      %dma_wait3A_1920 = arith.constant 0 : i32
      %dma_wait3A_1921 = tpu.memref_slice %arg7[%arg1, %dma_wait3A_1918, %dma_wait3A_1919, %dma_wait3A_1920] : memref<16x2x112x384xf32, #tpu.memory_space<vmem_shared>> -> memref<1x1x112x384xf32, #tpu.memory_space<vmem_shared>>
      %dma_wait3A_1922 = tpu.memref_squeeze %dma_wait3A_1921 : memref<1x1x112x384xf32, #tpu.memory_space<vmem_shared>> -> memref<112x384xf32, #tpu.memory_space<vmem_shared>>
      %dma_wait3A_1923 = arith.constant 0 : i32
      %dma_wait3A_1924 = tpu.memref_slice %arg2[%add3A_1878, %dma_wait3A_1923] : memref<200704x384xf32, #tpu.memory_space<hbm>> -> memref<112x384xf32, #tpu.memory_space<hbm>>
      tpu.wait_dma2 semaphore(%arg10 : memref<!tpu.dma_semaphore, #tpu.memory_space<semaphore_mem>>) src(%dma_wait3A_1924 : memref<112x384xf32, #tpu.memory_space<hbm>>) dst(%dma_wait3A_1922 : memref<112x384xf32, #tpu.memory_space<vmem_shared>>)
      %add3A_1925 = arith.constant 4032 : i32
      %add3A_1926 = arith.addi %mul3A_741, %add3A_1925 : i32
      %dma_start3A_1927 = arith.constant 0 : i32
      %dma_start3A_1928 = arith.constant 0 : i32
      %dma_start3A_1929 = tpu.memref_slice %arg4[%add3A_1926, %dma_start3A_1928] : memref<200704x384xf32, #tpu.memory_space<hbm>> -> memref<112x384xf32, #tpu.memory_space<hbm>>
      %dma_start3A_1930 = arith.constant 0 : i32
      %dma_start3A_1931 = arith.constant 0 : i32
      %dma_start3A_1932 = tpu.memref_slice %arg7[%arg1, %dma_start3A_1927, %dma_start3A_1930, %dma_start3A_1931] : memref<16x2x112x384xf32, #tpu.memory_space<vmem_shared>> -> memref<1x1x112x384xf32, #tpu.memory_space<vmem_shared>>
      %dma_start3A_1933 = tpu.memref_squeeze %dma_start3A_1932 : memref<1x1x112x384xf32, #tpu.memory_space<vmem_shared>> -> memref<112x384xf32, #tpu.memory_space<vmem_shared>>
      tpu.enqueue_dma source(%dma_start3A_1933 : memref<112x384xf32, #tpu.memory_space<vmem_shared>>) target(%dma_start3A_1929 : memref<112x384xf32, #tpu.memory_space<hbm>>) target_semaphore(%arg12 : memref<!tpu.dma_semaphore, #tpu.memory_space<semaphore_mem>>)
      %dma_wait3A_1934 = arith.constant 0 : i32
      %dma_wait3A_1935 = arith.constant 0 : i32
      %dma_wait3A_1936 = tpu.memref_slice %arg4[%add3A_1926, %dma_wait3A_1935] : memref<200704x384xf32, #tpu.memory_space<hbm>> -> memref<112x384xf32, #tpu.memory_space<hbm>>
      %dma_wait3A_1937 = arith.constant 0 : i32
      %dma_wait3A_1938 = arith.constant 0 : i32
      %dma_wait3A_1939 = tpu.memref_slice %arg7[%arg1, %dma_wait3A_1934, %dma_wait3A_1937, %dma_wait3A_1938] : memref<16x2x112x384xf32, #tpu.memory_space<vmem_shared>> -> memref<1x1x112x384xf32, #tpu.memory_space<vmem_shared>>
      %dma_wait3A_1940 = tpu.memref_squeeze %dma_wait3A_1939 : memref<1x1x112x384xf32, #tpu.memory_space<vmem_shared>> -> memref<112x384xf32, #tpu.memory_space<vmem_shared>>
      tpu.wait_dma2 semaphore(%arg12 : memref<!tpu.dma_semaphore, #tpu.memory_space<semaphore_mem>>) src(%dma_wait3A_1940 : memref<112x384xf32, #tpu.memory_space<vmem_shared>>) dst(%dma_wait3A_1936 : memref<112x384xf32, #tpu.memory_space<hbm>>)
      %add3A_1941 = arith.constant 4256 : i32
      %add3A_1942 = arith.addi %mul3A_741, %add3A_1941 : i32
      %dma_start3A_1943 = arith.constant 0 : i32
      %dma_start3A_1944 = arith.constant 0 : i32
      %dma_start3A_1945 = arith.constant 0 : i32
      %dma_start3A_1946 = tpu.memref_slice %arg7[%arg1, %dma_start3A_1943, %dma_start3A_1944, %dma_start3A_1945] : memref<16x2x112x384xf32, #tpu.memory_space<vmem_shared>> -> memref<1x1x112x384xf32, #tpu.memory_space<vmem_shared>>
      %dma_start3A_1947 = tpu.memref_squeeze %dma_start3A_1946 : memref<1x1x112x384xf32, #tpu.memory_space<vmem_shared>> -> memref<112x384xf32, #tpu.memory_space<vmem_shared>>
      %dma_start3A_1948 = arith.constant 0 : i32
      %dma_start3A_1949 = tpu.memref_slice %arg2[%add3A_1942, %dma_start3A_1948] : memref<200704x384xf32, #tpu.memory_space<hbm>> -> memref<112x384xf32, #tpu.memory_space<hbm>>
      tpu.enqueue_dma source(%dma_start3A_1949 : memref<112x384xf32, #tpu.memory_space<hbm>>) target(%dma_start3A_1947 : memref<112x384xf32, #tpu.memory_space<vmem_shared>>) target_semaphore(%arg10 : memref<!tpu.dma_semaphore, #tpu.memory_space<semaphore_mem>>)
      %dma_wait3A_1950 = arith.constant 1 : i32
      %dma_wait3A_1951 = arith.constant 0 : i32
      %dma_wait3A_1952 = arith.constant 0 : i32
      %dma_wait3A_1953 = tpu.memref_slice %arg7[%arg1, %dma_wait3A_1950, %dma_wait3A_1951, %dma_wait3A_1952] : memref<16x2x112x384xf32, #tpu.memory_space<vmem_shared>> -> memref<1x1x112x384xf32, #tpu.memory_space<vmem_shared>>
      %dma_wait3A_1954 = tpu.memref_squeeze %dma_wait3A_1953 : memref<1x1x112x384xf32, #tpu.memory_space<vmem_shared>> -> memref<112x384xf32, #tpu.memory_space<vmem_shared>>
      %dma_wait3A_1955 = arith.constant 0 : i32
      %dma_wait3A_1956 = tpu.memref_slice %arg2[%add3A_1910, %dma_wait3A_1955] : memref<200704x384xf32, #tpu.memory_space<hbm>> -> memref<112x384xf32, #tpu.memory_space<hbm>>
      tpu.wait_dma2 semaphore(%arg11 : memref<!tpu.dma_semaphore, #tpu.memory_space<semaphore_mem>>) src(%dma_wait3A_1956 : memref<112x384xf32, #tpu.memory_space<hbm>>) dst(%dma_wait3A_1954 : memref<112x384xf32, #tpu.memory_space<vmem_shared>>)
      %add3A_1957 = arith.constant 4144 : i32
      %add3A_1958 = arith.addi %mul3A_741, %add3A_1957 : i32
      %dma_start3A_1959 = arith.constant 1 : i32
      %dma_start3A_1960 = arith.constant 0 : i32
      %dma_start3A_1961 = tpu.memref_slice %arg4[%add3A_1958, %dma_start3A_1960] : memref<200704x384xf32, #tpu.memory_space<hbm>> -> memref<112x384xf32, #tpu.memory_space<hbm>>
      %dma_start3A_1962 = arith.constant 0 : i32
      %dma_start3A_1963 = arith.constant 0 : i32
      %dma_start3A_1964 = tpu.memref_slice %arg7[%arg1, %dma_start3A_1959, %dma_start3A_1962, %dma_start3A_1963] : memref<16x2x112x384xf32, #tpu.memory_space<vmem_shared>> -> memref<1x1x112x384xf32, #tpu.memory_space<vmem_shared>>
      %dma_start3A_1965 = tpu.memref_squeeze %dma_start3A_1964 : memref<1x1x112x384xf32, #tpu.memory_space<vmem_shared>> -> memref<112x384xf32, #tpu.memory_space<vmem_shared>>
      tpu.enqueue_dma source(%dma_start3A_1965 : memref<112x384xf32, #tpu.memory_space<vmem_shared>>) target(%dma_start3A_1961 : memref<112x384xf32, #tpu.memory_space<hbm>>) target_semaphore(%arg13 : memref<!tpu.dma_semaphore, #tpu.memory_space<semaphore_mem>>)
      %dma_wait3A_1966 = arith.constant 1 : i32
      %dma_wait3A_1967 = arith.constant 0 : i32
      %dma_wait3A_1968 = tpu.memref_slice %arg4[%add3A_1958, %dma_wait3A_1967] : memref<200704x384xf32, #tpu.memory_space<hbm>> -> memref<112x384xf32, #tpu.memory_space<hbm>>
      %dma_wait3A_1969 = arith.constant 0 : i32
      %dma_wait3A_1970 = arith.constant 0 : i32
      %dma_wait3A_1971 = tpu.memref_slice %arg7[%arg1, %dma_wait3A_1966, %dma_wait3A_1969, %dma_wait3A_1970] : memref<16x2x112x384xf32, #tpu.memory_space<vmem_shared>> -> memref<1x1x112x384xf32, #tpu.memory_space<vmem_shared>>
      %dma_wait3A_1972 = tpu.memref_squeeze %dma_wait3A_1971 : memref<1x1x112x384xf32, #tpu.memory_space<vmem_shared>> -> memref<112x384xf32, #tpu.memory_space<vmem_shared>>
      tpu.wait_dma2 semaphore(%arg13 : memref<!tpu.dma_semaphore, #tpu.memory_space<semaphore_mem>>) src(%dma_wait3A_1972 : memref<112x384xf32, #tpu.memory_space<vmem_shared>>) dst(%dma_wait3A_1968 : memref<112x384xf32, #tpu.memory_space<hbm>>)
      %add3A_1973 = arith.constant 4368 : i32
      %add3A_1974 = arith.addi %mul3A_741, %add3A_1973 : i32
      %dma_start3A_1975 = arith.constant 1 : i32
      %dma_start3A_1976 = arith.constant 0 : i32
      %dma_start3A_1977 = arith.constant 0 : i32
      %dma_start3A_1978 = tpu.memref_slice %arg7[%arg1, %dma_start3A_1975, %dma_start3A_1976, %dma_start3A_1977] : memref<16x2x112x384xf32, #tpu.memory_space<vmem_shared>> -> memref<1x1x112x384xf32, #tpu.memory_space<vmem_shared>>
      %dma_start3A_1979 = tpu.memref_squeeze %dma_start3A_1978 : memref<1x1x112x384xf32, #tpu.memory_space<vmem_shared>> -> memref<112x384xf32, #tpu.memory_space<vmem_shared>>
      %dma_start3A_1980 = arith.constant 0 : i32
      %dma_start3A_1981 = tpu.memref_slice %arg2[%add3A_1974, %dma_start3A_1980] : memref<200704x384xf32, #tpu.memory_space<hbm>> -> memref<112x384xf32, #tpu.memory_space<hbm>>
      tpu.enqueue_dma source(%dma_start3A_1981 : memref<112x384xf32, #tpu.memory_space<hbm>>) target(%dma_start3A_1979 : memref<112x384xf32, #tpu.memory_space<vmem_shared>>) target_semaphore(%arg11 : memref<!tpu.dma_semaphore, #tpu.memory_space<semaphore_mem>>)
      %dma_wait3A_1982 = arith.constant 0 : i32
      %dma_wait3A_1983 = arith.constant 0 : i32
      %dma_wait3A_1984 = arith.constant 0 : i32
      %dma_wait3A_1985 = tpu.memref_slice %arg7[%arg1, %dma_wait3A_1982, %dma_wait3A_1983, %dma_wait3A_1984] : memref<16x2x112x384xf32, #tpu.memory_space<vmem_shared>> -> memref<1x1x112x384xf32, #tpu.memory_space<vmem_shared>>
      %dma_wait3A_1986 = tpu.memref_squeeze %dma_wait3A_1985 : memref<1x1x112x384xf32, #tpu.memory_space<vmem_shared>> -> memref<112x384xf32, #tpu.memory_space<vmem_shared>>
      %dma_wait3A_1987 = arith.constant 0 : i32
      %dma_wait3A_1988 = tpu.memref_slice %arg2[%add3A_1942, %dma_wait3A_1987] : memref<200704x384xf32, #tpu.memory_space<hbm>> -> memref<112x384xf32, #tpu.memory_space<hbm>>
      tpu.wait_dma2 semaphore(%arg10 : memref<!tpu.dma_semaphore, #tpu.memory_space<semaphore_mem>>) src(%dma_wait3A_1988 : memref<112x384xf32, #tpu.memory_space<hbm>>) dst(%dma_wait3A_1986 : memref<112x384xf32, #tpu.memory_space<vmem_shared>>)
      %add3A_1989 = arith.constant 4256 : i32
      %add3A_1990 = arith.addi %mul3A_741, %add3A_1989 : i32
      %dma_start3A_1991 = arith.constant 0 : i32
      %dma_start3A_1992 = arith.constant 0 : i32
      %dma_start3A_1993 = tpu.memref_slice %arg4[%add3A_1990, %dma_start3A_1992] : memref<200704x384xf32, #tpu.memory_space<hbm>> -> memref<112x384xf32, #tpu.memory_space<hbm>>
      %dma_start3A_1994 = arith.constant 0 : i32
      %dma_start3A_1995 = arith.constant 0 : i32
      %dma_start3A_1996 = tpu.memref_slice %arg7[%arg1, %dma_start3A_1991, %dma_start3A_1994, %dma_start3A_1995] : memref<16x2x112x384xf32, #tpu.memory_space<vmem_shared>> -> memref<1x1x112x384xf32, #tpu.memory_space<vmem_shared>>
      %dma_start3A_1997 = tpu.memref_squeeze %dma_start3A_1996 : memref<1x1x112x384xf32, #tpu.memory_space<vmem_shared>> -> memref<112x384xf32, #tpu.memory_space<vmem_shared>>
      tpu.enqueue_dma source(%dma_start3A_1997 : memref<112x384xf32, #tpu.memory_space<vmem_shared>>) target(%dma_start3A_1993 : memref<112x384xf32, #tpu.memory_space<hbm>>) target_semaphore(%arg12 : memref<!tpu.dma_semaphore, #tpu.memory_space<semaphore_mem>>)
      %dma_wait3A_1998 = arith.constant 0 : i32
      %dma_wait3A_1999 = arith.constant 0 : i32
      %dma_wait3A_2000 = tpu.memref_slice %arg4[%add3A_1990, %dma_wait3A_1999] : memref<200704x384xf32, #tpu.memory_space<hbm>> -> memref<112x384xf32, #tpu.memory_space<hbm>>
      %dma_wait3A_2001 = arith.constant 0 : i32
      %dma_wait3A_2002 = arith.constant 0 : i32
      %dma_wait3A_2003 = tpu.memref_slice %arg7[%arg1, %dma_wait3A_1998, %dma_wait3A_2001, %dma_wait3A_2002] : memref<16x2x112x384xf32, #tpu.memory_space<vmem_shared>> -> memref<1x1x112x384xf32, #tpu.memory_space<vmem_shared>>
      %dma_wait3A_2004 = tpu.memref_squeeze %dma_wait3A_2003 : memref<1x1x112x384xf32, #tpu.memory_space<vmem_shared>> -> memref<112x384xf32, #tpu.memory_space<vmem_shared>>
      tpu.wait_dma2 semaphore(%arg12 : memref<!tpu.dma_semaphore, #tpu.memory_space<semaphore_mem>>) src(%dma_wait3A_2004 : memref<112x384xf32, #tpu.memory_space<vmem_shared>>) dst(%dma_wait3A_2000 : memref<112x384xf32, #tpu.memory_space<hbm>>)
      %add3A_2005 = arith.constant 4480 : i32
      %add3A_2006 = arith.addi %mul3A_741, %add3A_2005 : i32
      %dma_start3A_2007 = arith.constant 0 : i32
      %dma_start3A_2008 = arith.constant 0 : i32
      %dma_start3A_2009 = arith.constant 0 : i32
      %dma_start3A_2010 = tpu.memref_slice %arg7[%arg1, %dma_start3A_2007, %dma_start3A_2008, %dma_start3A_2009] : memref<16x2x112x384xf32, #tpu.memory_space<vmem_shared>> -> memref<1x1x112x384xf32, #tpu.memory_space<vmem_shared>>
      %dma_start3A_2011 = tpu.memref_squeeze %dma_start3A_2010 : memref<1x1x112x384xf32, #tpu.memory_space<vmem_shared>> -> memref<112x384xf32, #tpu.memory_space<vmem_shared>>
      %dma_start3A_2012 = arith.constant 0 : i32
      %dma_start3A_2013 = tpu.memref_slice %arg2[%add3A_2006, %dma_start3A_2012] : memref<200704x384xf32, #tpu.memory_space<hbm>> -> memref<112x384xf32, #tpu.memory_space<hbm>>
      tpu.enqueue_dma source(%dma_start3A_2013 : memref<112x384xf32, #tpu.memory_space<hbm>>) target(%dma_start3A_2011 : memref<112x384xf32, #tpu.memory_space<vmem_shared>>) target_semaphore(%arg10 : memref<!tpu.dma_semaphore, #tpu.memory_space<semaphore_mem>>)
      %dma_wait3A_2014 = arith.constant 1 : i32
      %dma_wait3A_2015 = arith.constant 0 : i32
      %dma_wait3A_2016 = arith.constant 0 : i32
      %dma_wait3A_2017 = tpu.memref_slice %arg7[%arg1, %dma_wait3A_2014, %dma_wait3A_2015, %dma_wait3A_2016] : memref<16x2x112x384xf32, #tpu.memory_space<vmem_shared>> -> memref<1x1x112x384xf32, #tpu.memory_space<vmem_shared>>
      %dma_wait3A_2018 = tpu.memref_squeeze %dma_wait3A_2017 : memref<1x1x112x384xf32, #tpu.memory_space<vmem_shared>> -> memref<112x384xf32, #tpu.memory_space<vmem_shared>>
      %dma_wait3A_2019 = arith.constant 0 : i32
      %dma_wait3A_2020 = tpu.memref_slice %arg2[%add3A_1974, %dma_wait3A_2019] : memref<200704x384xf32, #tpu.memory_space<hbm>> -> memref<112x384xf32, #tpu.memory_space<hbm>>
      tpu.wait_dma2 semaphore(%arg11 : memref<!tpu.dma_semaphore, #tpu.memory_space<semaphore_mem>>) src(%dma_wait3A_2020 : memref<112x384xf32, #tpu.memory_space<hbm>>) dst(%dma_wait3A_2018 : memref<112x384xf32, #tpu.memory_space<vmem_shared>>)
      %add3A_2021 = arith.constant 4368 : i32
      %add3A_2022 = arith.addi %mul3A_741, %add3A_2021 : i32
      %dma_start3A_2023 = arith.constant 1 : i32
      %dma_start3A_2024 = arith.constant 0 : i32
      %dma_start3A_2025 = tpu.memref_slice %arg4[%add3A_2022, %dma_start3A_2024] : memref<200704x384xf32, #tpu.memory_space<hbm>> -> memref<112x384xf32, #tpu.memory_space<hbm>>
      %dma_start3A_2026 = arith.constant 0 : i32
      %dma_start3A_2027 = arith.constant 0 : i32
      %dma_start3A_2028 = tpu.memref_slice %arg7[%arg1, %dma_start3A_2023, %dma_start3A_2026, %dma_start3A_2027] : memref<16x2x112x384xf32, #tpu.memory_space<vmem_shared>> -> memref<1x1x112x384xf32, #tpu.memory_space<vmem_shared>>
      %dma_start3A_2029 = tpu.memref_squeeze %dma_start3A_2028 : memref<1x1x112x384xf32, #tpu.memory_space<vmem_shared>> -> memref<112x384xf32, #tpu.memory_space<vmem_shared>>
      tpu.enqueue_dma source(%dma_start3A_2029 : memref<112x384xf32, #tpu.memory_space<vmem_shared>>) target(%dma_start3A_2025 : memref<112x384xf32, #tpu.memory_space<hbm>>) target_semaphore(%arg13 : memref<!tpu.dma_semaphore, #tpu.memory_space<semaphore_mem>>)
      %dma_wait3A_2030 = arith.constant 1 : i32
      %dma_wait3A_2031 = arith.constant 0 : i32
      %dma_wait3A_2032 = tpu.memref_slice %arg4[%add3A_2022, %dma_wait3A_2031] : memref<200704x384xf32, #tpu.memory_space<hbm>> -> memref<112x384xf32, #tpu.memory_space<hbm>>
      %dma_wait3A_2033 = arith.constant 0 : i32
      %dma_wait3A_2034 = arith.constant 0 : i32
      %dma_wait3A_2035 = tpu.memref_slice %arg7[%arg1, %dma_wait3A_2030, %dma_wait3A_2033, %dma_wait3A_2034] : memref<16x2x112x384xf32, #tpu.memory_space<vmem_shared>> -> memref<1x1x112x384xf32, #tpu.memory_space<vmem_shared>>
      %dma_wait3A_2036 = tpu.memref_squeeze %dma_wait3A_2035 : memref<1x1x112x384xf32, #tpu.memory_space<vmem_shared>> -> memref<112x384xf32, #tpu.memory_space<vmem_shared>>
      tpu.wait_dma2 semaphore(%arg13 : memref<!tpu.dma_semaphore, #tpu.memory_space<semaphore_mem>>) src(%dma_wait3A_2036 : memref<112x384xf32, #tpu.memory_space<vmem_shared>>) dst(%dma_wait3A_2032 : memref<112x384xf32, #tpu.memory_space<hbm>>)
      %add3A_2037 = arith.constant 4592 : i32
      %add3A_2038 = arith.addi %mul3A_741, %add3A_2037 : i32
      %dma_start3A_2039 = arith.constant 1 : i32
      %dma_start3A_2040 = arith.constant 0 : i32
      %dma_start3A_2041 = arith.constant 0 : i32
      %dma_start3A_2042 = tpu.memref_slice %arg7[%arg1, %dma_start3A_2039, %dma_start3A_2040, %dma_start3A_2041] : memref<16x2x112x384xf32, #tpu.memory_space<vmem_shared>> -> memref<1x1x112x384xf32, #tpu.memory_space<vmem_shared>>
      %dma_start3A_2043 = tpu.memref_squeeze %dma_start3A_2042 : memref<1x1x112x384xf32, #tpu.memory_space<vmem_shared>> -> memref<112x384xf32, #tpu.memory_space<vmem_shared>>
      %dma_start3A_2044 = arith.constant 0 : i32
      %dma_start3A_2045 = tpu.memref_slice %arg2[%add3A_2038, %dma_start3A_2044] : memref<200704x384xf32, #tpu.memory_space<hbm>> -> memref<112x384xf32, #tpu.memory_space<hbm>>
      tpu.enqueue_dma source(%dma_start3A_2045 : memref<112x384xf32, #tpu.memory_space<hbm>>) target(%dma_start3A_2043 : memref<112x384xf32, #tpu.memory_space<vmem_shared>>) target_semaphore(%arg11 : memref<!tpu.dma_semaphore, #tpu.memory_space<semaphore_mem>>)
      %dma_wait3A_2046 = arith.constant 0 : i32
      %dma_wait3A_2047 = arith.constant 0 : i32
      %dma_wait3A_2048 = arith.constant 0 : i32
      %dma_wait3A_2049 = tpu.memref_slice %arg7[%arg1, %dma_wait3A_2046, %dma_wait3A_2047, %dma_wait3A_2048] : memref<16x2x112x384xf32, #tpu.memory_space<vmem_shared>> -> memref<1x1x112x384xf32, #tpu.memory_space<vmem_shared>>
      %dma_wait3A_2050 = tpu.memref_squeeze %dma_wait3A_2049 : memref<1x1x112x384xf32, #tpu.memory_space<vmem_shared>> -> memref<112x384xf32, #tpu.memory_space<vmem_shared>>
      %dma_wait3A_2051 = arith.constant 0 : i32
      %dma_wait3A_2052 = tpu.memref_slice %arg2[%add3A_2006, %dma_wait3A_2051] : memref<200704x384xf32, #tpu.memory_space<hbm>> -> memref<112x384xf32, #tpu.memory_space<hbm>>
      tpu.wait_dma2 semaphore(%arg10 : memref<!tpu.dma_semaphore, #tpu.memory_space<semaphore_mem>>) src(%dma_wait3A_2052 : memref<112x384xf32, #tpu.memory_space<hbm>>) dst(%dma_wait3A_2050 : memref<112x384xf32, #tpu.memory_space<vmem_shared>>)
      %add3A_2053 = arith.constant 4480 : i32
      %add3A_2054 = arith.addi %mul3A_741, %add3A_2053 : i32
      %dma_start3A_2055 = arith.constant 0 : i32
      %dma_start3A_2056 = arith.constant 0 : i32
      %dma_start3A_2057 = tpu.memref_slice %arg4[%add3A_2054, %dma_start3A_2056] : memref<200704x384xf32, #tpu.memory_space<hbm>> -> memref<112x384xf32, #tpu.memory_space<hbm>>
      %dma_start3A_2058 = arith.constant 0 : i32
      %dma_start3A_2059 = arith.constant 0 : i32
      %dma_start3A_2060 = tpu.memref_slice %arg7[%arg1, %dma_start3A_2055, %dma_start3A_2058, %dma_start3A_2059] : memref<16x2x112x384xf32, #tpu.memory_space<vmem_shared>> -> memref<1x1x112x384xf32, #tpu.memory_space<vmem_shared>>
      %dma_start3A_2061 = tpu.memref_squeeze %dma_start3A_2060 : memref<1x1x112x384xf32, #tpu.memory_space<vmem_shared>> -> memref<112x384xf32, #tpu.memory_space<vmem_shared>>
      tpu.enqueue_dma source(%dma_start3A_2061 : memref<112x384xf32, #tpu.memory_space<vmem_shared>>) target(%dma_start3A_2057 : memref<112x384xf32, #tpu.memory_space<hbm>>) target_semaphore(%arg12 : memref<!tpu.dma_semaphore, #tpu.memory_space<semaphore_mem>>)
      %dma_wait3A_2062 = arith.constant 0 : i32
      %dma_wait3A_2063 = arith.constant 0 : i32
      %dma_wait3A_2064 = tpu.memref_slice %arg4[%add3A_2054, %dma_wait3A_2063] : memref<200704x384xf32, #tpu.memory_space<hbm>> -> memref<112x384xf32, #tpu.memory_space<hbm>>
      %dma_wait3A_2065 = arith.constant 0 : i32
      %dma_wait3A_2066 = arith.constant 0 : i32
      %dma_wait3A_2067 = tpu.memref_slice %arg7[%arg1, %dma_wait3A_2062, %dma_wait3A_2065, %dma_wait3A_2066] : memref<16x2x112x384xf32, #tpu.memory_space<vmem_shared>> -> memref<1x1x112x384xf32, #tpu.memory_space<vmem_shared>>
      %dma_wait3A_2068 = tpu.memref_squeeze %dma_wait3A_2067 : memref<1x1x112x384xf32, #tpu.memory_space<vmem_shared>> -> memref<112x384xf32, #tpu.memory_space<vmem_shared>>
      tpu.wait_dma2 semaphore(%arg12 : memref<!tpu.dma_semaphore, #tpu.memory_space<semaphore_mem>>) src(%dma_wait3A_2068 : memref<112x384xf32, #tpu.memory_space<vmem_shared>>) dst(%dma_wait3A_2064 : memref<112x384xf32, #tpu.memory_space<hbm>>)
      %add3A_2069 = arith.constant 4704 : i32
      %add3A_2070 = arith.addi %mul3A_741, %add3A_2069 : i32
      %dma_start3A_2071 = arith.constant 0 : i32
      %dma_start3A_2072 = arith.constant 0 : i32
      %dma_start3A_2073 = arith.constant 0 : i32
      %dma_start3A_2074 = tpu.memref_slice %arg7[%arg1, %dma_start3A_2071, %dma_start3A_2072, %dma_start3A_2073] : memref<16x2x112x384xf32, #tpu.memory_space<vmem_shared>> -> memref<1x1x112x384xf32, #tpu.memory_space<vmem_shared>>
      %dma_start3A_2075 = tpu.memref_squeeze %dma_start3A_2074 : memref<1x1x112x384xf32, #tpu.memory_space<vmem_shared>> -> memref<112x384xf32, #tpu.memory_space<vmem_shared>>
      %dma_start3A_2076 = arith.constant 0 : i32
      %dma_start3A_2077 = tpu.memref_slice %arg2[%add3A_2070, %dma_start3A_2076] : memref<200704x384xf32, #tpu.memory_space<hbm>> -> memref<112x384xf32, #tpu.memory_space<hbm>>
      tpu.enqueue_dma source(%dma_start3A_2077 : memref<112x384xf32, #tpu.memory_space<hbm>>) target(%dma_start3A_2075 : memref<112x384xf32, #tpu.memory_space<vmem_shared>>) target_semaphore(%arg10 : memref<!tpu.dma_semaphore, #tpu.memory_space<semaphore_mem>>)
      %dma_wait3A_2078 = arith.constant 1 : i32
      %dma_wait3A_2079 = arith.constant 0 : i32
      %dma_wait3A_2080 = arith.constant 0 : i32
      %dma_wait3A_2081 = tpu.memref_slice %arg7[%arg1, %dma_wait3A_2078, %dma_wait3A_2079, %dma_wait3A_2080] : memref<16x2x112x384xf32, #tpu.memory_space<vmem_shared>> -> memref<1x1x112x384xf32, #tpu.memory_space<vmem_shared>>
      %dma_wait3A_2082 = tpu.memref_squeeze %dma_wait3A_2081 : memref<1x1x112x384xf32, #tpu.memory_space<vmem_shared>> -> memref<112x384xf32, #tpu.memory_space<vmem_shared>>
      %dma_wait3A_2083 = arith.constant 0 : i32
      %dma_wait3A_2084 = tpu.memref_slice %arg2[%add3A_2038, %dma_wait3A_2083] : memref<200704x384xf32, #tpu.memory_space<hbm>> -> memref<112x384xf32, #tpu.memory_space<hbm>>
      tpu.wait_dma2 semaphore(%arg11 : memref<!tpu.dma_semaphore, #tpu.memory_space<semaphore_mem>>) src(%dma_wait3A_2084 : memref<112x384xf32, #tpu.memory_space<hbm>>) dst(%dma_wait3A_2082 : memref<112x384xf32, #tpu.memory_space<vmem_shared>>)
      %add3A_2085 = arith.constant 4592 : i32
      %add3A_2086 = arith.addi %mul3A_741, %add3A_2085 : i32
      %dma_start3A_2087 = arith.constant 1 : i32
      %dma_start3A_2088 = arith.constant 0 : i32
      %dma_start3A_2089 = tpu.memref_slice %arg4[%add3A_2086, %dma_start3A_2088] : memref<200704x384xf32, #tpu.memory_space<hbm>> -> memref<112x384xf32, #tpu.memory_space<hbm>>
      %dma_start3A_2090 = arith.constant 0 : i32
      %dma_start3A_2091 = arith.constant 0 : i32
      %dma_start3A_2092 = tpu.memref_slice %arg7[%arg1, %dma_start3A_2087, %dma_start3A_2090, %dma_start3A_2091] : memref<16x2x112x384xf32, #tpu.memory_space<vmem_shared>> -> memref<1x1x112x384xf32, #tpu.memory_space<vmem_shared>>
      %dma_start3A_2093 = tpu.memref_squeeze %dma_start3A_2092 : memref<1x1x112x384xf32, #tpu.memory_space<vmem_shared>> -> memref<112x384xf32, #tpu.memory_space<vmem_shared>>
      tpu.enqueue_dma source(%dma_start3A_2093 : memref<112x384xf32, #tpu.memory_space<vmem_shared>>) target(%dma_start3A_2089 : memref<112x384xf32, #tpu.memory_space<hbm>>) target_semaphore(%arg13 : memref<!tpu.dma_semaphore, #tpu.memory_space<semaphore_mem>>)
      %dma_wait3A_2094 = arith.constant 1 : i32
      %dma_wait3A_2095 = arith.constant 0 : i32
      %dma_wait3A_2096 = tpu.memref_slice %arg4[%add3A_2086, %dma_wait3A_2095] : memref<200704x384xf32, #tpu.memory_space<hbm>> -> memref<112x384xf32, #tpu.memory_space<hbm>>
      %dma_wait3A_2097 = arith.constant 0 : i32
      %dma_wait3A_2098 = arith.constant 0 : i32
      %dma_wait3A_2099 = tpu.memref_slice %arg7[%arg1, %dma_wait3A_2094, %dma_wait3A_2097, %dma_wait3A_2098] : memref<16x2x112x384xf32, #tpu.memory_space<vmem_shared>> -> memref<1x1x112x384xf32, #tpu.memory_space<vmem_shared>>
      %dma_wait3A_2100 = tpu.memref_squeeze %dma_wait3A_2099 : memref<1x1x112x384xf32, #tpu.memory_space<vmem_shared>> -> memref<112x384xf32, #tpu.memory_space<vmem_shared>>
      tpu.wait_dma2 semaphore(%arg13 : memref<!tpu.dma_semaphore, #tpu.memory_space<semaphore_mem>>) src(%dma_wait3A_2100 : memref<112x384xf32, #tpu.memory_space<vmem_shared>>) dst(%dma_wait3A_2096 : memref<112x384xf32, #tpu.memory_space<hbm>>)
      %add3A_2101 = arith.constant 4816 : i32
      %add3A_2102 = arith.addi %mul3A_741, %add3A_2101 : i32
      %dma_start3A_2103 = arith.constant 1 : i32
      %dma_start3A_2104 = arith.constant 0 : i32
      %dma_start3A_2105 = arith.constant 0 : i32
      %dma_start3A_2106 = tpu.memref_slice %arg7[%arg1, %dma_start3A_2103, %dma_start3A_2104, %dma_start3A_2105] : memref<16x2x112x384xf32, #tpu.memory_space<vmem_shared>> -> memref<1x1x112x384xf32, #tpu.memory_space<vmem_shared>>
      %dma_start3A_2107 = tpu.memref_squeeze %dma_start3A_2106 : memref<1x1x112x384xf32, #tpu.memory_space<vmem_shared>> -> memref<112x384xf32, #tpu.memory_space<vmem_shared>>
      %dma_start3A_2108 = arith.constant 0 : i32
      %dma_start3A_2109 = tpu.memref_slice %arg2[%add3A_2102, %dma_start3A_2108] : memref<200704x384xf32, #tpu.memory_space<hbm>> -> memref<112x384xf32, #tpu.memory_space<hbm>>
      tpu.enqueue_dma source(%dma_start3A_2109 : memref<112x384xf32, #tpu.memory_space<hbm>>) target(%dma_start3A_2107 : memref<112x384xf32, #tpu.memory_space<vmem_shared>>) target_semaphore(%arg11 : memref<!tpu.dma_semaphore, #tpu.memory_space<semaphore_mem>>)
      %dma_wait3A_2110 = arith.constant 0 : i32
      %dma_wait3A_2111 = arith.constant 0 : i32
      %dma_wait3A_2112 = arith.constant 0 : i32
      %dma_wait3A_2113 = tpu.memref_slice %arg7[%arg1, %dma_wait3A_2110, %dma_wait3A_2111, %dma_wait3A_2112] : memref<16x2x112x384xf32, #tpu.memory_space<vmem_shared>> -> memref<1x1x112x384xf32, #tpu.memory_space<vmem_shared>>
      %dma_wait3A_2114 = tpu.memref_squeeze %dma_wait3A_2113 : memref<1x1x112x384xf32, #tpu.memory_space<vmem_shared>> -> memref<112x384xf32, #tpu.memory_space<vmem_shared>>
      %dma_wait3A_2115 = arith.constant 0 : i32
      %dma_wait3A_2116 = tpu.memref_slice %arg2[%add3A_2070, %dma_wait3A_2115] : memref<200704x384xf32, #tpu.memory_space<hbm>> -> memref<112x384xf32, #tpu.memory_space<hbm>>
      tpu.wait_dma2 semaphore(%arg10 : memref<!tpu.dma_semaphore, #tpu.memory_space<semaphore_mem>>) src(%dma_wait3A_2116 : memref<112x384xf32, #tpu.memory_space<hbm>>) dst(%dma_wait3A_2114 : memref<112x384xf32, #tpu.memory_space<vmem_shared>>)
      %add3A_2117 = arith.constant 4704 : i32
      %add3A_2118 = arith.addi %mul3A_741, %add3A_2117 : i32
      %dma_start3A_2119 = arith.constant 0 : i32
      %dma_start3A_2120 = arith.constant 0 : i32
      %dma_start3A_2121 = tpu.memref_slice %arg4[%add3A_2118, %dma_start3A_2120] : memref<200704x384xf32, #tpu.memory_space<hbm>> -> memref<112x384xf32, #tpu.memory_space<hbm>>
      %dma_start3A_2122 = arith.constant 0 : i32
      %dma_start3A_2123 = arith.constant 0 : i32
      %dma_start3A_2124 = tpu.memref_slice %arg7[%arg1, %dma_start3A_2119, %dma_start3A_2122, %dma_start3A_2123] : memref<16x2x112x384xf32, #tpu.memory_space<vmem_shared>> -> memref<1x1x112x384xf32, #tpu.memory_space<vmem_shared>>
      %dma_start3A_2125 = tpu.memref_squeeze %dma_start3A_2124 : memref<1x1x112x384xf32, #tpu.memory_space<vmem_shared>> -> memref<112x384xf32, #tpu.memory_space<vmem_shared>>
      tpu.enqueue_dma source(%dma_start3A_2125 : memref<112x384xf32, #tpu.memory_space<vmem_shared>>) target(%dma_start3A_2121 : memref<112x384xf32, #tpu.memory_space<hbm>>) target_semaphore(%arg12 : memref<!tpu.dma_semaphore, #tpu.memory_space<semaphore_mem>>)
      %dma_wait3A_2126 = arith.constant 0 : i32
      %dma_wait3A_2127 = arith.constant 0 : i32
      %dma_wait3A_2128 = tpu.memref_slice %arg4[%add3A_2118, %dma_wait3A_2127] : memref<200704x384xf32, #tpu.memory_space<hbm>> -> memref<112x384xf32, #tpu.memory_space<hbm>>
      %dma_wait3A_2129 = arith.constant 0 : i32
      %dma_wait3A_2130 = arith.constant 0 : i32
      %dma_wait3A_2131 = tpu.memref_slice %arg7[%arg1, %dma_wait3A_2126, %dma_wait3A_2129, %dma_wait3A_2130] : memref<16x2x112x384xf32, #tpu.memory_space<vmem_shared>> -> memref<1x1x112x384xf32, #tpu.memory_space<vmem_shared>>
      %dma_wait3A_2132 = tpu.memref_squeeze %dma_wait3A_2131 : memref<1x1x112x384xf32, #tpu.memory_space<vmem_shared>> -> memref<112x384xf32, #tpu.memory_space<vmem_shared>>
      tpu.wait_dma2 semaphore(%arg12 : memref<!tpu.dma_semaphore, #tpu.memory_space<semaphore_mem>>) src(%dma_wait3A_2132 : memref<112x384xf32, #tpu.memory_space<vmem_shared>>) dst(%dma_wait3A_2128 : memref<112x384xf32, #tpu.memory_space<hbm>>)
      %add3A_2133 = arith.constant 4928 : i32
      %add3A_2134 = arith.addi %mul3A_741, %add3A_2133 : i32
      %dma_start3A_2135 = arith.constant 0 : i32
      %dma_start3A_2136 = arith.constant 0 : i32
      %dma_start3A_2137 = arith.constant 0 : i32
      %dma_start3A_2138 = tpu.memref_slice %arg7[%arg1, %dma_start3A_2135, %dma_start3A_2136, %dma_start3A_2137] : memref<16x2x112x384xf32, #tpu.memory_space<vmem_shared>> -> memref<1x1x112x384xf32, #tpu.memory_space<vmem_shared>>
      %dma_start3A_2139 = tpu.memref_squeeze %dma_start3A_2138 : memref<1x1x112x384xf32, #tpu.memory_space<vmem_shared>> -> memref<112x384xf32, #tpu.memory_space<vmem_shared>>
      %dma_start3A_2140 = arith.constant 0 : i32
      %dma_start3A_2141 = tpu.memref_slice %arg2[%add3A_2134, %dma_start3A_2140] : memref<200704x384xf32, #tpu.memory_space<hbm>> -> memref<112x384xf32, #tpu.memory_space<hbm>>
      tpu.enqueue_dma source(%dma_start3A_2141 : memref<112x384xf32, #tpu.memory_space<hbm>>) target(%dma_start3A_2139 : memref<112x384xf32, #tpu.memory_space<vmem_shared>>) target_semaphore(%arg10 : memref<!tpu.dma_semaphore, #tpu.memory_space<semaphore_mem>>)
      %dma_wait3A_2142 = arith.constant 1 : i32
      %dma_wait3A_2143 = arith.constant 0 : i32
      %dma_wait3A_2144 = arith.constant 0 : i32
      %dma_wait3A_2145 = tpu.memref_slice %arg7[%arg1, %dma_wait3A_2142, %dma_wait3A_2143, %dma_wait3A_2144] : memref<16x2x112x384xf32, #tpu.memory_space<vmem_shared>> -> memref<1x1x112x384xf32, #tpu.memory_space<vmem_shared>>
      %dma_wait3A_2146 = tpu.memref_squeeze %dma_wait3A_2145 : memref<1x1x112x384xf32, #tpu.memory_space<vmem_shared>> -> memref<112x384xf32, #tpu.memory_space<vmem_shared>>
      %dma_wait3A_2147 = arith.constant 0 : i32
      %dma_wait3A_2148 = tpu.memref_slice %arg2[%add3A_2102, %dma_wait3A_2147] : memref<200704x384xf32, #tpu.memory_space<hbm>> -> memref<112x384xf32, #tpu.memory_space<hbm>>
      tpu.wait_dma2 semaphore(%arg11 : memref<!tpu.dma_semaphore, #tpu.memory_space<semaphore_mem>>) src(%dma_wait3A_2148 : memref<112x384xf32, #tpu.memory_space<hbm>>) dst(%dma_wait3A_2146 : memref<112x384xf32, #tpu.memory_space<vmem_shared>>)
      %add3A_2149 = arith.constant 4816 : i32
      %add3A_2150 = arith.addi %mul3A_741, %add3A_2149 : i32
      %dma_start3A_2151 = arith.constant 1 : i32
      %dma_start3A_2152 = arith.constant 0 : i32
      %dma_start3A_2153 = tpu.memref_slice %arg4[%add3A_2150, %dma_start3A_2152] : memref<200704x384xf32, #tpu.memory_space<hbm>> -> memref<112x384xf32, #tpu.memory_space<hbm>>
      %dma_start3A_2154 = arith.constant 0 : i32
      %dma_start3A_2155 = arith.constant 0 : i32
      %dma_start3A_2156 = tpu.memref_slice %arg7[%arg1, %dma_start3A_2151, %dma_start3A_2154, %dma_start3A_2155] : memref<16x2x112x384xf32, #tpu.memory_space<vmem_shared>> -> memref<1x1x112x384xf32, #tpu.memory_space<vmem_shared>>
      %dma_start3A_2157 = tpu.memref_squeeze %dma_start3A_2156 : memref<1x1x112x384xf32, #tpu.memory_space<vmem_shared>> -> memref<112x384xf32, #tpu.memory_space<vmem_shared>>
      tpu.enqueue_dma source(%dma_start3A_2157 : memref<112x384xf32, #tpu.memory_space<vmem_shared>>) target(%dma_start3A_2153 : memref<112x384xf32, #tpu.memory_space<hbm>>) target_semaphore(%arg13 : memref<!tpu.dma_semaphore, #tpu.memory_space<semaphore_mem>>)
      %dma_wait3A_2158 = arith.constant 1 : i32
      %dma_wait3A_2159 = arith.constant 0 : i32
      %dma_wait3A_2160 = tpu.memref_slice %arg4[%add3A_2150, %dma_wait3A_2159] : memref<200704x384xf32, #tpu.memory_space<hbm>> -> memref<112x384xf32, #tpu.memory_space<hbm>>
      %dma_wait3A_2161 = arith.constant 0 : i32
      %dma_wait3A_2162 = arith.constant 0 : i32
      %dma_wait3A_2163 = tpu.memref_slice %arg7[%arg1, %dma_wait3A_2158, %dma_wait3A_2161, %dma_wait3A_2162] : memref<16x2x112x384xf32, #tpu.memory_space<vmem_shared>> -> memref<1x1x112x384xf32, #tpu.memory_space<vmem_shared>>
      %dma_wait3A_2164 = tpu.memref_squeeze %dma_wait3A_2163 : memref<1x1x112x384xf32, #tpu.memory_space<vmem_shared>> -> memref<112x384xf32, #tpu.memory_space<vmem_shared>>
      tpu.wait_dma2 semaphore(%arg13 : memref<!tpu.dma_semaphore, #tpu.memory_space<semaphore_mem>>) src(%dma_wait3A_2164 : memref<112x384xf32, #tpu.memory_space<vmem_shared>>) dst(%dma_wait3A_2160 : memref<112x384xf32, #tpu.memory_space<hbm>>)
      %add3A_2165 = arith.constant 5040 : i32
      %add3A_2166 = arith.addi %mul3A_741, %add3A_2165 : i32
      %dma_start3A_2167 = arith.constant 1 : i32
      %dma_start3A_2168 = arith.constant 0 : i32
      %dma_start3A_2169 = arith.constant 0 : i32
      %dma_start3A_2170 = tpu.memref_slice %arg7[%arg1, %dma_start3A_2167, %dma_start3A_2168, %dma_start3A_2169] : memref<16x2x112x384xf32, #tpu.memory_space<vmem_shared>> -> memref<1x1x112x384xf32, #tpu.memory_space<vmem_shared>>
      %dma_start3A_2171 = tpu.memref_squeeze %dma_start3A_2170 : memref<1x1x112x384xf32, #tpu.memory_space<vmem_shared>> -> memref<112x384xf32, #tpu.memory_space<vmem_shared>>
      %dma_start3A_2172 = arith.constant 0 : i32
      %dma_start3A_2173 = tpu.memref_slice %arg2[%add3A_2166, %dma_start3A_2172] : memref<200704x384xf32, #tpu.memory_space<hbm>> -> memref<112x384xf32, #tpu.memory_space<hbm>>
      tpu.enqueue_dma source(%dma_start3A_2173 : memref<112x384xf32, #tpu.memory_space<hbm>>) target(%dma_start3A_2171 : memref<112x384xf32, #tpu.memory_space<vmem_shared>>) target_semaphore(%arg11 : memref<!tpu.dma_semaphore, #tpu.memory_space<semaphore_mem>>)
      %dma_wait3A_2174 = arith.constant 0 : i32
      %dma_wait3A_2175 = arith.constant 0 : i32
      %dma_wait3A_2176 = arith.constant 0 : i32
      %dma_wait3A_2177 = tpu.memref_slice %arg7[%arg1, %dma_wait3A_2174, %dma_wait3A_2175, %dma_wait3A_2176] : memref<16x2x112x384xf32, #tpu.memory_space<vmem_shared>> -> memref<1x1x112x384xf32, #tpu.memory_space<vmem_shared>>
      %dma_wait3A_2178 = tpu.memref_squeeze %dma_wait3A_2177 : memref<1x1x112x384xf32, #tpu.memory_space<vmem_shared>> -> memref<112x384xf32, #tpu.memory_space<vmem_shared>>
      %dma_wait3A_2179 = arith.constant 0 : i32
      %dma_wait3A_2180 = tpu.memref_slice %arg2[%add3A_2134, %dma_wait3A_2179] : memref<200704x384xf32, #tpu.memory_space<hbm>> -> memref<112x384xf32, #tpu.memory_space<hbm>>
      tpu.wait_dma2 semaphore(%arg10 : memref<!tpu.dma_semaphore, #tpu.memory_space<semaphore_mem>>) src(%dma_wait3A_2180 : memref<112x384xf32, #tpu.memory_space<hbm>>) dst(%dma_wait3A_2178 : memref<112x384xf32, #tpu.memory_space<vmem_shared>>)
      %add3A_2181 = arith.constant 4928 : i32
      %add3A_2182 = arith.addi %mul3A_741, %add3A_2181 : i32
      %dma_start3A_2183 = arith.constant 0 : i32
      %dma_start3A_2184 = arith.constant 0 : i32
      %dma_start3A_2185 = tpu.memref_slice %arg4[%add3A_2182, %dma_start3A_2184] : memref<200704x384xf32, #tpu.memory_space<hbm>> -> memref<112x384xf32, #tpu.memory_space<hbm>>
      %dma_start3A_2186 = arith.constant 0 : i32
      %dma_start3A_2187 = arith.constant 0 : i32
      %dma_start3A_2188 = tpu.memref_slice %arg7[%arg1, %dma_start3A_2183, %dma_start3A_2186, %dma_start3A_2187] : memref<16x2x112x384xf32, #tpu.memory_space<vmem_shared>> -> memref<1x1x112x384xf32, #tpu.memory_space<vmem_shared>>
      %dma_start3A_2189 = tpu.memref_squeeze %dma_start3A_2188 : memref<1x1x112x384xf32, #tpu.memory_space<vmem_shared>> -> memref<112x384xf32, #tpu.memory_space<vmem_shared>>
      tpu.enqueue_dma source(%dma_start3A_2189 : memref<112x384xf32, #tpu.memory_space<vmem_shared>>) target(%dma_start3A_2185 : memref<112x384xf32, #tpu.memory_space<hbm>>) target_semaphore(%arg12 : memref<!tpu.dma_semaphore, #tpu.memory_space<semaphore_mem>>)
      %dma_wait3A_2190 = arith.constant 0 : i32
      %dma_wait3A_2191 = arith.constant 0 : i32
      %dma_wait3A_2192 = tpu.memref_slice %arg4[%add3A_2182, %dma_wait3A_2191] : memref<200704x384xf32, #tpu.memory_space<hbm>> -> memref<112x384xf32, #tpu.memory_space<hbm>>
      %dma_wait3A_2193 = arith.constant 0 : i32
      %dma_wait3A_2194 = arith.constant 0 : i32
      %dma_wait3A_2195 = tpu.memref_slice %arg7[%arg1, %dma_wait3A_2190, %dma_wait3A_2193, %dma_wait3A_2194] : memref<16x2x112x384xf32, #tpu.memory_space<vmem_shared>> -> memref<1x1x112x384xf32, #tpu.memory_space<vmem_shared>>
      %dma_wait3A_2196 = tpu.memref_squeeze %dma_wait3A_2195 : memref<1x1x112x384xf32, #tpu.memory_space<vmem_shared>> -> memref<112x384xf32, #tpu.memory_space<vmem_shared>>
      tpu.wait_dma2 semaphore(%arg12 : memref<!tpu.dma_semaphore, #tpu.memory_space<semaphore_mem>>) src(%dma_wait3A_2196 : memref<112x384xf32, #tpu.memory_space<vmem_shared>>) dst(%dma_wait3A_2192 : memref<112x384xf32, #tpu.memory_space<hbm>>)
      %add3A_2197 = arith.constant 5152 : i32
      %add3A_2198 = arith.addi %mul3A_741, %add3A_2197 : i32
      %dma_start3A_2199 = arith.constant 0 : i32
      %dma_start3A_2200 = arith.constant 0 : i32
      %dma_start3A_2201 = arith.constant 0 : i32
      %dma_start3A_2202 = tpu.memref_slice %arg7[%arg1, %dma_start3A_2199, %dma_start3A_2200, %dma_start3A_2201] : memref<16x2x112x384xf32, #tpu.memory_space<vmem_shared>> -> memref<1x1x112x384xf32, #tpu.memory_space<vmem_shared>>
      %dma_start3A_2203 = tpu.memref_squeeze %dma_start3A_2202 : memref<1x1x112x384xf32, #tpu.memory_space<vmem_shared>> -> memref<112x384xf32, #tpu.memory_space<vmem_shared>>
      %dma_start3A_2204 = arith.constant 0 : i32
      %dma_start3A_2205 = tpu.memref_slice %arg2[%add3A_2198, %dma_start3A_2204] : memref<200704x384xf32, #tpu.memory_space<hbm>> -> memref<112x384xf32, #tpu.memory_space<hbm>>
      tpu.enqueue_dma source(%dma_start3A_2205 : memref<112x384xf32, #tpu.memory_space<hbm>>) target(%dma_start3A_2203 : memref<112x384xf32, #tpu.memory_space<vmem_shared>>) target_semaphore(%arg10 : memref<!tpu.dma_semaphore, #tpu.memory_space<semaphore_mem>>)
      %dma_wait3A_2206 = arith.constant 1 : i32
      %dma_wait3A_2207 = arith.constant 0 : i32
      %dma_wait3A_2208 = arith.constant 0 : i32
      %dma_wait3A_2209 = tpu.memref_slice %arg7[%arg1, %dma_wait3A_2206, %dma_wait3A_2207, %dma_wait3A_2208] : memref<16x2x112x384xf32, #tpu.memory_space<vmem_shared>> -> memref<1x1x112x384xf32, #tpu.memory_space<vmem_shared>>
      %dma_wait3A_2210 = tpu.memref_squeeze %dma_wait3A_2209 : memref<1x1x112x384xf32, #tpu.memory_space<vmem_shared>> -> memref<112x384xf32, #tpu.memory_space<vmem_shared>>
      %dma_wait3A_2211 = arith.constant 0 : i32
      %dma_wait3A_2212 = tpu.memref_slice %arg2[%add3A_2166, %dma_wait3A_2211] : memref<200704x384xf32, #tpu.memory_space<hbm>> -> memref<112x384xf32, #tpu.memory_space<hbm>>
      tpu.wait_dma2 semaphore(%arg11 : memref<!tpu.dma_semaphore, #tpu.memory_space<semaphore_mem>>) src(%dma_wait3A_2212 : memref<112x384xf32, #tpu.memory_space<hbm>>) dst(%dma_wait3A_2210 : memref<112x384xf32, #tpu.memory_space<vmem_shared>>)
      %add3A_2213 = arith.constant 5040 : i32
      %add3A_2214 = arith.addi %mul3A_741, %add3A_2213 : i32
      %dma_start3A_2215 = arith.constant 1 : i32
      %dma_start3A_2216 = arith.constant 0 : i32
      %dma_start3A_2217 = tpu.memref_slice %arg4[%add3A_2214, %dma_start3A_2216] : memref<200704x384xf32, #tpu.memory_space<hbm>> -> memref<112x384xf32, #tpu.memory_space<hbm>>
      %dma_start3A_2218 = arith.constant 0 : i32
      %dma_start3A_2219 = arith.constant 0 : i32
      %dma_start3A_2220 = tpu.memref_slice %arg7[%arg1, %dma_start3A_2215, %dma_start3A_2218, %dma_start3A_2219] : memref<16x2x112x384xf32, #tpu.memory_space<vmem_shared>> -> memref<1x1x112x384xf32, #tpu.memory_space<vmem_shared>>
      %dma_start3A_2221 = tpu.memref_squeeze %dma_start3A_2220 : memref<1x1x112x384xf32, #tpu.memory_space<vmem_shared>> -> memref<112x384xf32, #tpu.memory_space<vmem_shared>>
      tpu.enqueue_dma source(%dma_start3A_2221 : memref<112x384xf32, #tpu.memory_space<vmem_shared>>) target(%dma_start3A_2217 : memref<112x384xf32, #tpu.memory_space<hbm>>) target_semaphore(%arg13 : memref<!tpu.dma_semaphore, #tpu.memory_space<semaphore_mem>>)
      %dma_wait3A_2222 = arith.constant 1 : i32
      %dma_wait3A_2223 = arith.constant 0 : i32
      %dma_wait3A_2224 = tpu.memref_slice %arg4[%add3A_2214, %dma_wait3A_2223] : memref<200704x384xf32, #tpu.memory_space<hbm>> -> memref<112x384xf32, #tpu.memory_space<hbm>>
      %dma_wait3A_2225 = arith.constant 0 : i32
      %dma_wait3A_2226 = arith.constant 0 : i32
      %dma_wait3A_2227 = tpu.memref_slice %arg7[%arg1, %dma_wait3A_2222, %dma_wait3A_2225, %dma_wait3A_2226] : memref<16x2x112x384xf32, #tpu.memory_space<vmem_shared>> -> memref<1x1x112x384xf32, #tpu.memory_space<vmem_shared>>
      %dma_wait3A_2228 = tpu.memref_squeeze %dma_wait3A_2227 : memref<1x1x112x384xf32, #tpu.memory_space<vmem_shared>> -> memref<112x384xf32, #tpu.memory_space<vmem_shared>>
      tpu.wait_dma2 semaphore(%arg13 : memref<!tpu.dma_semaphore, #tpu.memory_space<semaphore_mem>>) src(%dma_wait3A_2228 : memref<112x384xf32, #tpu.memory_space<vmem_shared>>) dst(%dma_wait3A_2224 : memref<112x384xf32, #tpu.memory_space<hbm>>)
      %add3A_2229 = arith.constant 5264 : i32
      %add3A_2230 = arith.addi %mul3A_741, %add3A_2229 : i32
      %dma_start3A_2231 = arith.constant 1 : i32
      %dma_start3A_2232 = arith.constant 0 : i32
      %dma_start3A_2233 = arith.constant 0 : i32
      %dma_start3A_2234 = tpu.memref_slice %arg7[%arg1, %dma_start3A_2231, %dma_start3A_2232, %dma_start3A_2233] : memref<16x2x112x384xf32, #tpu.memory_space<vmem_shared>> -> memref<1x1x112x384xf32, #tpu.memory_space<vmem_shared>>
      %dma_start3A_2235 = tpu.memref_squeeze %dma_start3A_2234 : memref<1x1x112x384xf32, #tpu.memory_space<vmem_shared>> -> memref<112x384xf32, #tpu.memory_space<vmem_shared>>
      %dma_start3A_2236 = arith.constant 0 : i32
      %dma_start3A_2237 = tpu.memref_slice %arg2[%add3A_2230, %dma_start3A_2236] : memref<200704x384xf32, #tpu.memory_space<hbm>> -> memref<112x384xf32, #tpu.memory_space<hbm>>
      tpu.enqueue_dma source(%dma_start3A_2237 : memref<112x384xf32, #tpu.memory_space<hbm>>) target(%dma_start3A_2235 : memref<112x384xf32, #tpu.memory_space<vmem_shared>>) target_semaphore(%arg11 : memref<!tpu.dma_semaphore, #tpu.memory_space<semaphore_mem>>)
      %dma_wait3A_2238 = arith.constant 0 : i32
      %dma_wait3A_2239 = arith.constant 0 : i32
      %dma_wait3A_2240 = arith.constant 0 : i32
      %dma_wait3A_2241 = tpu.memref_slice %arg7[%arg1, %dma_wait3A_2238, %dma_wait3A_2239, %dma_wait3A_2240] : memref<16x2x112x384xf32, #tpu.memory_space<vmem_shared>> -> memref<1x1x112x384xf32, #tpu.memory_space<vmem_shared>>
      %dma_wait3A_2242 = tpu.memref_squeeze %dma_wait3A_2241 : memref<1x1x112x384xf32, #tpu.memory_space<vmem_shared>> -> memref<112x384xf32, #tpu.memory_space<vmem_shared>>
      %dma_wait3A_2243 = arith.constant 0 : i32
      %dma_wait3A_2244 = tpu.memref_slice %arg2[%add3A_2198, %dma_wait3A_2243] : memref<200704x384xf32, #tpu.memory_space<hbm>> -> memref<112x384xf32, #tpu.memory_space<hbm>>
      tpu.wait_dma2 semaphore(%arg10 : memref<!tpu.dma_semaphore, #tpu.memory_space<semaphore_mem>>) src(%dma_wait3A_2244 : memref<112x384xf32, #tpu.memory_space<hbm>>) dst(%dma_wait3A_2242 : memref<112x384xf32, #tpu.memory_space<vmem_shared>>)
      %add3A_2245 = arith.constant 5152 : i32
      %add3A_2246 = arith.addi %mul3A_741, %add3A_2245 : i32
      %dma_start3A_2247 = arith.constant 0 : i32
      %dma_start3A_2248 = arith.constant 0 : i32
      %dma_start3A_2249 = tpu.memref_slice %arg4[%add3A_2246, %dma_start3A_2248] : memref<200704x384xf32, #tpu.memory_space<hbm>> -> memref<112x384xf32, #tpu.memory_space<hbm>>
      %dma_start3A_2250 = arith.constant 0 : i32
      %dma_start3A_2251 = arith.constant 0 : i32
      %dma_start3A_2252 = tpu.memref_slice %arg7[%arg1, %dma_start3A_2247, %dma_start3A_2250, %dma_start3A_2251] : memref<16x2x112x384xf32, #tpu.memory_space<vmem_shared>> -> memref<1x1x112x384xf32, #tpu.memory_space<vmem_shared>>
      %dma_start3A_2253 = tpu.memref_squeeze %dma_start3A_2252 : memref<1x1x112x384xf32, #tpu.memory_space<vmem_shared>> -> memref<112x384xf32, #tpu.memory_space<vmem_shared>>
      tpu.enqueue_dma source(%dma_start3A_2253 : memref<112x384xf32, #tpu.memory_space<vmem_shared>>) target(%dma_start3A_2249 : memref<112x384xf32, #tpu.memory_space<hbm>>) target_semaphore(%arg12 : memref<!tpu.dma_semaphore, #tpu.memory_space<semaphore_mem>>)
      %dma_wait3A_2254 = arith.constant 0 : i32
      %dma_wait3A_2255 = arith.constant 0 : i32
      %dma_wait3A_2256 = tpu.memref_slice %arg4[%add3A_2246, %dma_wait3A_2255] : memref<200704x384xf32, #tpu.memory_space<hbm>> -> memref<112x384xf32, #tpu.memory_space<hbm>>
      %dma_wait3A_2257 = arith.constant 0 : i32
      %dma_wait3A_2258 = arith.constant 0 : i32
      %dma_wait3A_2259 = tpu.memref_slice %arg7[%arg1, %dma_wait3A_2254, %dma_wait3A_2257, %dma_wait3A_2258] : memref<16x2x112x384xf32, #tpu.memory_space<vmem_shared>> -> memref<1x1x112x384xf32, #tpu.memory_space<vmem_shared>>
      %dma_wait3A_2260 = tpu.memref_squeeze %dma_wait3A_2259 : memref<1x1x112x384xf32, #tpu.memory_space<vmem_shared>> -> memref<112x384xf32, #tpu.memory_space<vmem_shared>>
      tpu.wait_dma2 semaphore(%arg12 : memref<!tpu.dma_semaphore, #tpu.memory_space<semaphore_mem>>) src(%dma_wait3A_2260 : memref<112x384xf32, #tpu.memory_space<vmem_shared>>) dst(%dma_wait3A_2256 : memref<112x384xf32, #tpu.memory_space<hbm>>)
      %add3A_2261 = arith.constant 5376 : i32
      %add3A_2262 = arith.addi %mul3A_741, %add3A_2261 : i32
      %dma_start3A_2263 = arith.constant 0 : i32
      %dma_start3A_2264 = arith.constant 0 : i32
      %dma_start3A_2265 = arith.constant 0 : i32
      %dma_start3A_2266 = tpu.memref_slice %arg7[%arg1, %dma_start3A_2263, %dma_start3A_2264, %dma_start3A_2265] : memref<16x2x112x384xf32, #tpu.memory_space<vmem_shared>> -> memref<1x1x112x384xf32, #tpu.memory_space<vmem_shared>>
      %dma_start3A_2267 = tpu.memref_squeeze %dma_start3A_2266 : memref<1x1x112x384xf32, #tpu.memory_space<vmem_shared>> -> memref<112x384xf32, #tpu.memory_space<vmem_shared>>
      %dma_start3A_2268 = arith.constant 0 : i32
      %dma_start3A_2269 = tpu.memref_slice %arg2[%add3A_2262, %dma_start3A_2268] : memref<200704x384xf32, #tpu.memory_space<hbm>> -> memref<112x384xf32, #tpu.memory_space<hbm>>
      tpu.enqueue_dma source(%dma_start3A_2269 : memref<112x384xf32, #tpu.memory_space<hbm>>) target(%dma_start3A_2267 : memref<112x384xf32, #tpu.memory_space<vmem_shared>>) target_semaphore(%arg10 : memref<!tpu.dma_semaphore, #tpu.memory_space<semaphore_mem>>)
      %dma_wait3A_2270 = arith.constant 1 : i32
      %dma_wait3A_2271 = arith.constant 0 : i32
      %dma_wait3A_2272 = arith.constant 0 : i32
      %dma_wait3A_2273 = tpu.memref_slice %arg7[%arg1, %dma_wait3A_2270, %dma_wait3A_2271, %dma_wait3A_2272] : memref<16x2x112x384xf32, #tpu.memory_space<vmem_shared>> -> memref<1x1x112x384xf32, #tpu.memory_space<vmem_shared>>
      %dma_wait3A_2274 = tpu.memref_squeeze %dma_wait3A_2273 : memref<1x1x112x384xf32, #tpu.memory_space<vmem_shared>> -> memref<112x384xf32, #tpu.memory_space<vmem_shared>>
      %dma_wait3A_2275 = arith.constant 0 : i32
      %dma_wait3A_2276 = tpu.memref_slice %arg2[%add3A_2230, %dma_wait3A_2275] : memref<200704x384xf32, #tpu.memory_space<hbm>> -> memref<112x384xf32, #tpu.memory_space<hbm>>
      tpu.wait_dma2 semaphore(%arg11 : memref<!tpu.dma_semaphore, #tpu.memory_space<semaphore_mem>>) src(%dma_wait3A_2276 : memref<112x384xf32, #tpu.memory_space<hbm>>) dst(%dma_wait3A_2274 : memref<112x384xf32, #tpu.memory_space<vmem_shared>>)
      %add3A_2277 = arith.constant 5264 : i32
      %add3A_2278 = arith.addi %mul3A_741, %add3A_2277 : i32
      %dma_start3A_2279 = arith.constant 1 : i32
      %dma_start3A_2280 = arith.constant 0 : i32
      %dma_start3A_2281 = tpu.memref_slice %arg4[%add3A_2278, %dma_start3A_2280] : memref<200704x384xf32, #tpu.memory_space<hbm>> -> memref<112x384xf32, #tpu.memory_space<hbm>>
      %dma_start3A_2282 = arith.constant 0 : i32
      %dma_start3A_2283 = arith.constant 0 : i32
      %dma_start3A_2284 = tpu.memref_slice %arg7[%arg1, %dma_start3A_2279, %dma_start3A_2282, %dma_start3A_2283] : memref<16x2x112x384xf32, #tpu.memory_space<vmem_shared>> -> memref<1x1x112x384xf32, #tpu.memory_space<vmem_shared>>
      %dma_start3A_2285 = tpu.memref_squeeze %dma_start3A_2284 : memref<1x1x112x384xf32, #tpu.memory_space<vmem_shared>> -> memref<112x384xf32, #tpu.memory_space<vmem_shared>>
      tpu.enqueue_dma source(%dma_start3A_2285 : memref<112x384xf32, #tpu.memory_space<vmem_shared>>) target(%dma_start3A_2281 : memref<112x384xf32, #tpu.memory_space<hbm>>) target_semaphore(%arg13 : memref<!tpu.dma_semaphore, #tpu.memory_space<semaphore_mem>>)
      %dma_wait3A_2286 = arith.constant 1 : i32
      %dma_wait3A_2287 = arith.constant 0 : i32
      %dma_wait3A_2288 = tpu.memref_slice %arg4[%add3A_2278, %dma_wait3A_2287] : memref<200704x384xf32, #tpu.memory_space<hbm>> -> memref<112x384xf32, #tpu.memory_space<hbm>>
      %dma_wait3A_2289 = arith.constant 0 : i32
      %dma_wait3A_2290 = arith.constant 0 : i32
      %dma_wait3A_2291 = tpu.memref_slice %arg7[%arg1, %dma_wait3A_2286, %dma_wait3A_2289, %dma_wait3A_2290] : memref<16x2x112x384xf32, #tpu.memory_space<vmem_shared>> -> memref<1x1x112x384xf32, #tpu.memory_space<vmem_shared>>
      %dma_wait3A_2292 = tpu.memref_squeeze %dma_wait3A_2291 : memref<1x1x112x384xf32, #tpu.memory_space<vmem_shared>> -> memref<112x384xf32, #tpu.memory_space<vmem_shared>>
      tpu.wait_dma2 semaphore(%arg13 : memref<!tpu.dma_semaphore, #tpu.memory_space<semaphore_mem>>) src(%dma_wait3A_2292 : memref<112x384xf32, #tpu.memory_space<vmem_shared>>) dst(%dma_wait3A_2288 : memref<112x384xf32, #tpu.memory_space<hbm>>)
      %add3A_2293 = arith.constant 5488 : i32
      %add3A_2294 = arith.addi %mul3A_741, %add3A_2293 : i32
      %dma_start3A_2295 = arith.constant 1 : i32
      %dma_start3A_2296 = arith.constant 0 : i32
      %dma_start3A_2297 = arith.constant 0 : i32
      %dma_start3A_2298 = tpu.memref_slice %arg7[%arg1, %dma_start3A_2295, %dma_start3A_2296, %dma_start3A_2297] : memref<16x2x112x384xf32, #tpu.memory_space<vmem_shared>> -> memref<1x1x112x384xf32, #tpu.memory_space<vmem_shared>>
      %dma_start3A_2299 = tpu.memref_squeeze %dma_start3A_2298 : memref<1x1x112x384xf32, #tpu.memory_space<vmem_shared>> -> memref<112x384xf32, #tpu.memory_space<vmem_shared>>
      %dma_start3A_2300 = arith.constant 0 : i32
      %dma_start3A_2301 = tpu.memref_slice %arg2[%add3A_2294, %dma_start3A_2300] : memref<200704x384xf32, #tpu.memory_space<hbm>> -> memref<112x384xf32, #tpu.memory_space<hbm>>
      tpu.enqueue_dma source(%dma_start3A_2301 : memref<112x384xf32, #tpu.memory_space<hbm>>) target(%dma_start3A_2299 : memref<112x384xf32, #tpu.memory_space<vmem_shared>>) target_semaphore(%arg11 : memref<!tpu.dma_semaphore, #tpu.memory_space<semaphore_mem>>)
      %dma_wait3A_2302 = arith.constant 0 : i32
      %dma_wait3A_2303 = arith.constant 0 : i32
      %dma_wait3A_2304 = arith.constant 0 : i32
      %dma_wait3A_2305 = tpu.memref_slice %arg7[%arg1, %dma_wait3A_2302, %dma_wait3A_2303, %dma_wait3A_2304] : memref<16x2x112x384xf32, #tpu.memory_space<vmem_shared>> -> memref<1x1x112x384xf32, #tpu.memory_space<vmem_shared>>
      %dma_wait3A_2306 = tpu.memref_squeeze %dma_wait3A_2305 : memref<1x1x112x384xf32, #tpu.memory_space<vmem_shared>> -> memref<112x384xf32, #tpu.memory_space<vmem_shared>>
      %dma_wait3A_2307 = arith.constant 0 : i32
      %dma_wait3A_2308 = tpu.memref_slice %arg2[%add3A_2262, %dma_wait3A_2307] : memref<200704x384xf32, #tpu.memory_space<hbm>> -> memref<112x384xf32, #tpu.memory_space<hbm>>
      tpu.wait_dma2 semaphore(%arg10 : memref<!tpu.dma_semaphore, #tpu.memory_space<semaphore_mem>>) src(%dma_wait3A_2308 : memref<112x384xf32, #tpu.memory_space<hbm>>) dst(%dma_wait3A_2306 : memref<112x384xf32, #tpu.memory_space<vmem_shared>>)
      %add3A_2309 = arith.constant 5376 : i32
      %add3A_2310 = arith.addi %mul3A_741, %add3A_2309 : i32
      %dma_start3A_2311 = arith.constant 0 : i32
      %dma_start3A_2312 = arith.constant 0 : i32
      %dma_start3A_2313 = tpu.memref_slice %arg4[%add3A_2310, %dma_start3A_2312] : memref<200704x384xf32, #tpu.memory_space<hbm>> -> memref<112x384xf32, #tpu.memory_space<hbm>>
      %dma_start3A_2314 = arith.constant 0 : i32
      %dma_start3A_2315 = arith.constant 0 : i32
      %dma_start3A_2316 = tpu.memref_slice %arg7[%arg1, %dma_start3A_2311, %dma_start3A_2314, %dma_start3A_2315] : memref<16x2x112x384xf32, #tpu.memory_space<vmem_shared>> -> memref<1x1x112x384xf32, #tpu.memory_space<vmem_shared>>
      %dma_start3A_2317 = tpu.memref_squeeze %dma_start3A_2316 : memref<1x1x112x384xf32, #tpu.memory_space<vmem_shared>> -> memref<112x384xf32, #tpu.memory_space<vmem_shared>>
      tpu.enqueue_dma source(%dma_start3A_2317 : memref<112x384xf32, #tpu.memory_space<vmem_shared>>) target(%dma_start3A_2313 : memref<112x384xf32, #tpu.memory_space<hbm>>) target_semaphore(%arg12 : memref<!tpu.dma_semaphore, #tpu.memory_space<semaphore_mem>>)
      %dma_wait3A_2318 = arith.constant 0 : i32
      %dma_wait3A_2319 = arith.constant 0 : i32
      %dma_wait3A_2320 = tpu.memref_slice %arg4[%add3A_2310, %dma_wait3A_2319] : memref<200704x384xf32, #tpu.memory_space<hbm>> -> memref<112x384xf32, #tpu.memory_space<hbm>>
      %dma_wait3A_2321 = arith.constant 0 : i32
      %dma_wait3A_2322 = arith.constant 0 : i32
      %dma_wait3A_2323 = tpu.memref_slice %arg7[%arg1, %dma_wait3A_2318, %dma_wait3A_2321, %dma_wait3A_2322] : memref<16x2x112x384xf32, #tpu.memory_space<vmem_shared>> -> memref<1x1x112x384xf32, #tpu.memory_space<vmem_shared>>
      %dma_wait3A_2324 = tpu.memref_squeeze %dma_wait3A_2323 : memref<1x1x112x384xf32, #tpu.memory_space<vmem_shared>> -> memref<112x384xf32, #tpu.memory_space<vmem_shared>>
      tpu.wait_dma2 semaphore(%arg12 : memref<!tpu.dma_semaphore, #tpu.memory_space<semaphore_mem>>) src(%dma_wait3A_2324 : memref<112x384xf32, #tpu.memory_space<vmem_shared>>) dst(%dma_wait3A_2320 : memref<112x384xf32, #tpu.memory_space<hbm>>)
      %add3A_2325 = arith.constant 5600 : i32
      %add3A_2326 = arith.addi %mul3A_741, %add3A_2325 : i32
      %dma_start3A_2327 = arith.constant 0 : i32
      %dma_start3A_2328 = arith.constant 0 : i32
      %dma_start3A_2329 = arith.constant 0 : i32
      %dma_start3A_2330 = tpu.memref_slice %arg7[%arg1, %dma_start3A_2327, %dma_start3A_2328, %dma_start3A_2329] : memref<16x2x112x384xf32, #tpu.memory_space<vmem_shared>> -> memref<1x1x112x384xf32, #tpu.memory_space<vmem_shared>>
      %dma_start3A_2331 = tpu.memref_squeeze %dma_start3A_2330 : memref<1x1x112x384xf32, #tpu.memory_space<vmem_shared>> -> memref<112x384xf32, #tpu.memory_space<vmem_shared>>
      %dma_start3A_2332 = arith.constant 0 : i32
      %dma_start3A_2333 = tpu.memref_slice %arg2[%add3A_2326, %dma_start3A_2332] : memref<200704x384xf32, #tpu.memory_space<hbm>> -> memref<112x384xf32, #tpu.memory_space<hbm>>
      tpu.enqueue_dma source(%dma_start3A_2333 : memref<112x384xf32, #tpu.memory_space<hbm>>) target(%dma_start3A_2331 : memref<112x384xf32, #tpu.memory_space<vmem_shared>>) target_semaphore(%arg10 : memref<!tpu.dma_semaphore, #tpu.memory_space<semaphore_mem>>)
      %dma_wait3A_2334 = arith.constant 1 : i32
      %dma_wait3A_2335 = arith.constant 0 : i32
      %dma_wait3A_2336 = arith.constant 0 : i32
      %dma_wait3A_2337 = tpu.memref_slice %arg7[%arg1, %dma_wait3A_2334, %dma_wait3A_2335, %dma_wait3A_2336] : memref<16x2x112x384xf32, #tpu.memory_space<vmem_shared>> -> memref<1x1x112x384xf32, #tpu.memory_space<vmem_shared>>
      %dma_wait3A_2338 = tpu.memref_squeeze %dma_wait3A_2337 : memref<1x1x112x384xf32, #tpu.memory_space<vmem_shared>> -> memref<112x384xf32, #tpu.memory_space<vmem_shared>>
      %dma_wait3A_2339 = arith.constant 0 : i32
      %dma_wait3A_2340 = tpu.memref_slice %arg2[%add3A_2294, %dma_wait3A_2339] : memref<200704x384xf32, #tpu.memory_space<hbm>> -> memref<112x384xf32, #tpu.memory_space<hbm>>
      tpu.wait_dma2 semaphore(%arg11 : memref<!tpu.dma_semaphore, #tpu.memory_space<semaphore_mem>>) src(%dma_wait3A_2340 : memref<112x384xf32, #tpu.memory_space<hbm>>) dst(%dma_wait3A_2338 : memref<112x384xf32, #tpu.memory_space<vmem_shared>>)
      %add3A_2341 = arith.constant 5488 : i32
      %add3A_2342 = arith.addi %mul3A_741, %add3A_2341 : i32
      %dma_start3A_2343 = arith.constant 1 : i32
      %dma_start3A_2344 = arith.constant 0 : i32
      %dma_start3A_2345 = tpu.memref_slice %arg4[%add3A_2342, %dma_start3A_2344] : memref<200704x384xf32, #tpu.memory_space<hbm>> -> memref<112x384xf32, #tpu.memory_space<hbm>>
      %dma_start3A_2346 = arith.constant 0 : i32
      %dma_start3A_2347 = arith.constant 0 : i32
      %dma_start3A_2348 = tpu.memref_slice %arg7[%arg1, %dma_start3A_2343, %dma_start3A_2346, %dma_start3A_2347] : memref<16x2x112x384xf32, #tpu.memory_space<vmem_shared>> -> memref<1x1x112x384xf32, #tpu.memory_space<vmem_shared>>
      %dma_start3A_2349 = tpu.memref_squeeze %dma_start3A_2348 : memref<1x1x112x384xf32, #tpu.memory_space<vmem_shared>> -> memref<112x384xf32, #tpu.memory_space<vmem_shared>>
      tpu.enqueue_dma source(%dma_start3A_2349 : memref<112x384xf32, #tpu.memory_space<vmem_shared>>) target(%dma_start3A_2345 : memref<112x384xf32, #tpu.memory_space<hbm>>) target_semaphore(%arg13 : memref<!tpu.dma_semaphore, #tpu.memory_space<semaphore_mem>>)
      %dma_wait3A_2350 = arith.constant 1 : i32
      %dma_wait3A_2351 = arith.constant 0 : i32
      %dma_wait3A_2352 = tpu.memref_slice %arg4[%add3A_2342, %dma_wait3A_2351] : memref<200704x384xf32, #tpu.memory_space<hbm>> -> memref<112x384xf32, #tpu.memory_space<hbm>>
      %dma_wait3A_2353 = arith.constant 0 : i32
      %dma_wait3A_2354 = arith.constant 0 : i32
      %dma_wait3A_2355 = tpu.memref_slice %arg7[%arg1, %dma_wait3A_2350, %dma_wait3A_2353, %dma_wait3A_2354] : memref<16x2x112x384xf32, #tpu.memory_space<vmem_shared>> -> memref<1x1x112x384xf32, #tpu.memory_space<vmem_shared>>
      %dma_wait3A_2356 = tpu.memref_squeeze %dma_wait3A_2355 : memref<1x1x112x384xf32, #tpu.memory_space<vmem_shared>> -> memref<112x384xf32, #tpu.memory_space<vmem_shared>>
      tpu.wait_dma2 semaphore(%arg13 : memref<!tpu.dma_semaphore, #tpu.memory_space<semaphore_mem>>) src(%dma_wait3A_2356 : memref<112x384xf32, #tpu.memory_space<vmem_shared>>) dst(%dma_wait3A_2352 : memref<112x384xf32, #tpu.memory_space<hbm>>)
      %add3A_2357 = arith.constant 5712 : i32
      %add3A_2358 = arith.addi %mul3A_741, %add3A_2357 : i32
      %dma_start3A_2359 = arith.constant 1 : i32
      %dma_start3A_2360 = arith.constant 0 : i32
      %dma_start3A_2361 = arith.constant 0 : i32
      %dma_start3A_2362 = tpu.memref_slice %arg7[%arg1, %dma_start3A_2359, %dma_start3A_2360, %dma_start3A_2361] : memref<16x2x112x384xf32, #tpu.memory_space<vmem_shared>> -> memref<1x1x112x384xf32, #tpu.memory_space<vmem_shared>>
      %dma_start3A_2363 = tpu.memref_squeeze %dma_start3A_2362 : memref<1x1x112x384xf32, #tpu.memory_space<vmem_shared>> -> memref<112x384xf32, #tpu.memory_space<vmem_shared>>
      %dma_start3A_2364 = arith.constant 0 : i32
      %dma_start3A_2365 = tpu.memref_slice %arg2[%add3A_2358, %dma_start3A_2364] : memref<200704x384xf32, #tpu.memory_space<hbm>> -> memref<112x384xf32, #tpu.memory_space<hbm>>
      tpu.enqueue_dma source(%dma_start3A_2365 : memref<112x384xf32, #tpu.memory_space<hbm>>) target(%dma_start3A_2363 : memref<112x384xf32, #tpu.memory_space<vmem_shared>>) target_semaphore(%arg11 : memref<!tpu.dma_semaphore, #tpu.memory_space<semaphore_mem>>)
      %dma_wait3A_2366 = arith.constant 0 : i32
      %dma_wait3A_2367 = arith.constant 0 : i32
      %dma_wait3A_2368 = arith.constant 0 : i32
      %dma_wait3A_2369 = tpu.memref_slice %arg7[%arg1, %dma_wait3A_2366, %dma_wait3A_2367, %dma_wait3A_2368] : memref<16x2x112x384xf32, #tpu.memory_space<vmem_shared>> -> memref<1x1x112x384xf32, #tpu.memory_space<vmem_shared>>
      %dma_wait3A_2370 = tpu.memref_squeeze %dma_wait3A_2369 : memref<1x1x112x384xf32, #tpu.memory_space<vmem_shared>> -> memref<112x384xf32, #tpu.memory_space<vmem_shared>>
      %dma_wait3A_2371 = arith.constant 0 : i32
      %dma_wait3A_2372 = tpu.memref_slice %arg2[%add3A_2326, %dma_wait3A_2371] : memref<200704x384xf32, #tpu.memory_space<hbm>> -> memref<112x384xf32, #tpu.memory_space<hbm>>
      tpu.wait_dma2 semaphore(%arg10 : memref<!tpu.dma_semaphore, #tpu.memory_space<semaphore_mem>>) src(%dma_wait3A_2372 : memref<112x384xf32, #tpu.memory_space<hbm>>) dst(%dma_wait3A_2370 : memref<112x384xf32, #tpu.memory_space<vmem_shared>>)
      %add3A_2373 = arith.constant 5600 : i32
      %add3A_2374 = arith.addi %mul3A_741, %add3A_2373 : i32
      %dma_start3A_2375 = arith.constant 0 : i32
      %dma_start3A_2376 = arith.constant 0 : i32
      %dma_start3A_2377 = tpu.memref_slice %arg4[%add3A_2374, %dma_start3A_2376] : memref<200704x384xf32, #tpu.memory_space<hbm>> -> memref<112x384xf32, #tpu.memory_space<hbm>>
      %dma_start3A_2378 = arith.constant 0 : i32
      %dma_start3A_2379 = arith.constant 0 : i32
      %dma_start3A_2380 = tpu.memref_slice %arg7[%arg1, %dma_start3A_2375, %dma_start3A_2378, %dma_start3A_2379] : memref<16x2x112x384xf32, #tpu.memory_space<vmem_shared>> -> memref<1x1x112x384xf32, #tpu.memory_space<vmem_shared>>
      %dma_start3A_2381 = tpu.memref_squeeze %dma_start3A_2380 : memref<1x1x112x384xf32, #tpu.memory_space<vmem_shared>> -> memref<112x384xf32, #tpu.memory_space<vmem_shared>>
      tpu.enqueue_dma source(%dma_start3A_2381 : memref<112x384xf32, #tpu.memory_space<vmem_shared>>) target(%dma_start3A_2377 : memref<112x384xf32, #tpu.memory_space<hbm>>) target_semaphore(%arg12 : memref<!tpu.dma_semaphore, #tpu.memory_space<semaphore_mem>>)
      %dma_wait3A_2382 = arith.constant 0 : i32
      %dma_wait3A_2383 = arith.constant 0 : i32
      %dma_wait3A_2384 = tpu.memref_slice %arg4[%add3A_2374, %dma_wait3A_2383] : memref<200704x384xf32, #tpu.memory_space<hbm>> -> memref<112x384xf32, #tpu.memory_space<hbm>>
      %dma_wait3A_2385 = arith.constant 0 : i32
      %dma_wait3A_2386 = arith.constant 0 : i32
      %dma_wait3A_2387 = tpu.memref_slice %arg7[%arg1, %dma_wait3A_2382, %dma_wait3A_2385, %dma_wait3A_2386] : memref<16x2x112x384xf32, #tpu.memory_space<vmem_shared>> -> memref<1x1x112x384xf32, #tpu.memory_space<vmem_shared>>
      %dma_wait3A_2388 = tpu.memref_squeeze %dma_wait3A_2387 : memref<1x1x112x384xf32, #tpu.memory_space<vmem_shared>> -> memref<112x384xf32, #tpu.memory_space<vmem_shared>>
      tpu.wait_dma2 semaphore(%arg12 : memref<!tpu.dma_semaphore, #tpu.memory_space<semaphore_mem>>) src(%dma_wait3A_2388 : memref<112x384xf32, #tpu.memory_space<vmem_shared>>) dst(%dma_wait3A_2384 : memref<112x384xf32, #tpu.memory_space<hbm>>)
      %add3A_2389 = arith.constant 5824 : i32
      %add3A_2390 = arith.addi %mul3A_741, %add3A_2389 : i32
      %dma_start3A_2391 = arith.constant 0 : i32
      %dma_start3A_2392 = arith.constant 0 : i32
      %dma_start3A_2393 = arith.constant 0 : i32
      %dma_start3A_2394 = tpu.memref_slice %arg7[%arg1, %dma_start3A_2391, %dma_start3A_2392, %dma_start3A_2393] : memref<16x2x112x384xf32, #tpu.memory_space<vmem_shared>> -> memref<1x1x112x384xf32, #tpu.memory_space<vmem_shared>>
      %dma_start3A_2395 = tpu.memref_squeeze %dma_start3A_2394 : memref<1x1x112x384xf32, #tpu.memory_space<vmem_shared>> -> memref<112x384xf32, #tpu.memory_space<vmem_shared>>
      %dma_start3A_2396 = arith.constant 0 : i32
      %dma_start3A_2397 = tpu.memref_slice %arg2[%add3A_2390, %dma_start3A_2396] : memref<200704x384xf32, #tpu.memory_space<hbm>> -> memref<112x384xf32, #tpu.memory_space<hbm>>
      tpu.enqueue_dma source(%dma_start3A_2397 : memref<112x384xf32, #tpu.memory_space<hbm>>) target(%dma_start3A_2395 : memref<112x384xf32, #tpu.memory_space<vmem_shared>>) target_semaphore(%arg10 : memref<!tpu.dma_semaphore, #tpu.memory_space<semaphore_mem>>)
      %dma_wait3A_2398 = arith.constant 1 : i32
      %dma_wait3A_2399 = arith.constant 0 : i32
      %dma_wait3A_2400 = arith.constant 0 : i32
      %dma_wait3A_2401 = tpu.memref_slice %arg7[%arg1, %dma_wait3A_2398, %dma_wait3A_2399, %dma_wait3A_2400] : memref<16x2x112x384xf32, #tpu.memory_space<vmem_shared>> -> memref<1x1x112x384xf32, #tpu.memory_space<vmem_shared>>
      %dma_wait3A_2402 = tpu.memref_squeeze %dma_wait3A_2401 : memref<1x1x112x384xf32, #tpu.memory_space<vmem_shared>> -> memref<112x384xf32, #tpu.memory_space<vmem_shared>>
      %dma_wait3A_2403 = arith.constant 0 : i32
      %dma_wait3A_2404 = tpu.memref_slice %arg2[%add3A_2358, %dma_wait3A_2403] : memref<200704x384xf32, #tpu.memory_space<hbm>> -> memref<112x384xf32, #tpu.memory_space<hbm>>
      tpu.wait_dma2 semaphore(%arg11 : memref<!tpu.dma_semaphore, #tpu.memory_space<semaphore_mem>>) src(%dma_wait3A_2404 : memref<112x384xf32, #tpu.memory_space<hbm>>) dst(%dma_wait3A_2402 : memref<112x384xf32, #tpu.memory_space<vmem_shared>>)
      %add3A_2405 = arith.constant 5712 : i32
      %add3A_2406 = arith.addi %mul3A_741, %add3A_2405 : i32
      %dma_start3A_2407 = arith.constant 1 : i32
      %dma_start3A_2408 = arith.constant 0 : i32
      %dma_start3A_2409 = tpu.memref_slice %arg4[%add3A_2406, %dma_start3A_2408] : memref<200704x384xf32, #tpu.memory_space<hbm>> -> memref<112x384xf32, #tpu.memory_space<hbm>>
      %dma_start3A_2410 = arith.constant 0 : i32
      %dma_start3A_2411 = arith.constant 0 : i32
      %dma_start3A_2412 = tpu.memref_slice %arg7[%arg1, %dma_start3A_2407, %dma_start3A_2410, %dma_start3A_2411] : memref<16x2x112x384xf32, #tpu.memory_space<vmem_shared>> -> memref<1x1x112x384xf32, #tpu.memory_space<vmem_shared>>
      %dma_start3A_2413 = tpu.memref_squeeze %dma_start3A_2412 : memref<1x1x112x384xf32, #tpu.memory_space<vmem_shared>> -> memref<112x384xf32, #tpu.memory_space<vmem_shared>>
      tpu.enqueue_dma source(%dma_start3A_2413 : memref<112x384xf32, #tpu.memory_space<vmem_shared>>) target(%dma_start3A_2409 : memref<112x384xf32, #tpu.memory_space<hbm>>) target_semaphore(%arg13 : memref<!tpu.dma_semaphore, #tpu.memory_space<semaphore_mem>>)
      %dma_wait3A_2414 = arith.constant 1 : i32
      %dma_wait3A_2415 = arith.constant 0 : i32
      %dma_wait3A_2416 = tpu.memref_slice %arg4[%add3A_2406, %dma_wait3A_2415] : memref<200704x384xf32, #tpu.memory_space<hbm>> -> memref<112x384xf32, #tpu.memory_space<hbm>>
      %dma_wait3A_2417 = arith.constant 0 : i32
      %dma_wait3A_2418 = arith.constant 0 : i32
      %dma_wait3A_2419 = tpu.memref_slice %arg7[%arg1, %dma_wait3A_2414, %dma_wait3A_2417, %dma_wait3A_2418] : memref<16x2x112x384xf32, #tpu.memory_space<vmem_shared>> -> memref<1x1x112x384xf32, #tpu.memory_space<vmem_shared>>
      %dma_wait3A_2420 = tpu.memref_squeeze %dma_wait3A_2419 : memref<1x1x112x384xf32, #tpu.memory_space<vmem_shared>> -> memref<112x384xf32, #tpu.memory_space<vmem_shared>>
      tpu.wait_dma2 semaphore(%arg13 : memref<!tpu.dma_semaphore, #tpu.memory_space<semaphore_mem>>) src(%dma_wait3A_2420 : memref<112x384xf32, #tpu.memory_space<vmem_shared>>) dst(%dma_wait3A_2416 : memref<112x384xf32, #tpu.memory_space<hbm>>)
      %add3A_2421 = arith.constant 5936 : i32
      %add3A_2422 = arith.addi %mul3A_741, %add3A_2421 : i32
      %dma_start3A_2423 = arith.constant 1 : i32
      %dma_start3A_2424 = arith.constant 0 : i32
      %dma_start3A_2425 = arith.constant 0 : i32
      %dma_start3A_2426 = tpu.memref_slice %arg7[%arg1, %dma_start3A_2423, %dma_start3A_2424, %dma_start3A_2425] : memref<16x2x112x384xf32, #tpu.memory_space<vmem_shared>> -> memref<1x1x112x384xf32, #tpu.memory_space<vmem_shared>>
      %dma_start3A_2427 = tpu.memref_squeeze %dma_start3A_2426 : memref<1x1x112x384xf32, #tpu.memory_space<vmem_shared>> -> memref<112x384xf32, #tpu.memory_space<vmem_shared>>
      %dma_start3A_2428 = arith.constant 0 : i32
      %dma_start3A_2429 = tpu.memref_slice %arg2[%add3A_2422, %dma_start3A_2428] : memref<200704x384xf32, #tpu.memory_space<hbm>> -> memref<112x384xf32, #tpu.memory_space<hbm>>
      tpu.enqueue_dma source(%dma_start3A_2429 : memref<112x384xf32, #tpu.memory_space<hbm>>) target(%dma_start3A_2427 : memref<112x384xf32, #tpu.memory_space<vmem_shared>>) target_semaphore(%arg11 : memref<!tpu.dma_semaphore, #tpu.memory_space<semaphore_mem>>)
      %dma_wait3A_2430 = arith.constant 0 : i32
      %dma_wait3A_2431 = arith.constant 0 : i32
      %dma_wait3A_2432 = arith.constant 0 : i32
      %dma_wait3A_2433 = tpu.memref_slice %arg7[%arg1, %dma_wait3A_2430, %dma_wait3A_2431, %dma_wait3A_2432] : memref<16x2x112x384xf32, #tpu.memory_space<vmem_shared>> -> memref<1x1x112x384xf32, #tpu.memory_space<vmem_shared>>
      %dma_wait3A_2434 = tpu.memref_squeeze %dma_wait3A_2433 : memref<1x1x112x384xf32, #tpu.memory_space<vmem_shared>> -> memref<112x384xf32, #tpu.memory_space<vmem_shared>>
      %dma_wait3A_2435 = arith.constant 0 : i32
      %dma_wait3A_2436 = tpu.memref_slice %arg2[%add3A_2390, %dma_wait3A_2435] : memref<200704x384xf32, #tpu.memory_space<hbm>> -> memref<112x384xf32, #tpu.memory_space<hbm>>
      tpu.wait_dma2 semaphore(%arg10 : memref<!tpu.dma_semaphore, #tpu.memory_space<semaphore_mem>>) src(%dma_wait3A_2436 : memref<112x384xf32, #tpu.memory_space<hbm>>) dst(%dma_wait3A_2434 : memref<112x384xf32, #tpu.memory_space<vmem_shared>>)
      %add3A_2437 = arith.constant 5824 : i32
      %add3A_2438 = arith.addi %mul3A_741, %add3A_2437 : i32
      %dma_start3A_2439 = arith.constant 0 : i32
      %dma_start3A_2440 = arith.constant 0 : i32
      %dma_start3A_2441 = tpu.memref_slice %arg4[%add3A_2438, %dma_start3A_2440] : memref<200704x384xf32, #tpu.memory_space<hbm>> -> memref<112x384xf32, #tpu.memory_space<hbm>>
      %dma_start3A_2442 = arith.constant 0 : i32
      %dma_start3A_2443 = arith.constant 0 : i32
      %dma_start3A_2444 = tpu.memref_slice %arg7[%arg1, %dma_start3A_2439, %dma_start3A_2442, %dma_start3A_2443] : memref<16x2x112x384xf32, #tpu.memory_space<vmem_shared>> -> memref<1x1x112x384xf32, #tpu.memory_space<vmem_shared>>
      %dma_start3A_2445 = tpu.memref_squeeze %dma_start3A_2444 : memref<1x1x112x384xf32, #tpu.memory_space<vmem_shared>> -> memref<112x384xf32, #tpu.memory_space<vmem_shared>>
      tpu.enqueue_dma source(%dma_start3A_2445 : memref<112x384xf32, #tpu.memory_space<vmem_shared>>) target(%dma_start3A_2441 : memref<112x384xf32, #tpu.memory_space<hbm>>) target_semaphore(%arg12 : memref<!tpu.dma_semaphore, #tpu.memory_space<semaphore_mem>>)
      %dma_wait3A_2446 = arith.constant 0 : i32
      %dma_wait3A_2447 = arith.constant 0 : i32
      %dma_wait3A_2448 = tpu.memref_slice %arg4[%add3A_2438, %dma_wait3A_2447] : memref<200704x384xf32, #tpu.memory_space<hbm>> -> memref<112x384xf32, #tpu.memory_space<hbm>>
      %dma_wait3A_2449 = arith.constant 0 : i32
      %dma_wait3A_2450 = arith.constant 0 : i32
      %dma_wait3A_2451 = tpu.memref_slice %arg7[%arg1, %dma_wait3A_2446, %dma_wait3A_2449, %dma_wait3A_2450] : memref<16x2x112x384xf32, #tpu.memory_space<vmem_shared>> -> memref<1x1x112x384xf32, #tpu.memory_space<vmem_shared>>
      %dma_wait3A_2452 = tpu.memref_squeeze %dma_wait3A_2451 : memref<1x1x112x384xf32, #tpu.memory_space<vmem_shared>> -> memref<112x384xf32, #tpu.memory_space<vmem_shared>>
      tpu.wait_dma2 semaphore(%arg12 : memref<!tpu.dma_semaphore, #tpu.memory_space<semaphore_mem>>) src(%dma_wait3A_2452 : memref<112x384xf32, #tpu.memory_space<vmem_shared>>) dst(%dma_wait3A_2448 : memref<112x384xf32, #tpu.memory_space<hbm>>)
      %add3A_2453 = arith.constant 6048 : i32
      %add3A_2454 = arith.addi %mul3A_741, %add3A_2453 : i32
      %dma_start3A_2455 = arith.constant 0 : i32
      %dma_start3A_2456 = arith.constant 0 : i32
      %dma_start3A_2457 = arith.constant 0 : i32
      %dma_start3A_2458 = tpu.memref_slice %arg7[%arg1, %dma_start3A_2455, %dma_start3A_2456, %dma_start3A_2457] : memref<16x2x112x384xf32, #tpu.memory_space<vmem_shared>> -> memref<1x1x112x384xf32, #tpu.memory_space<vmem_shared>>
      %dma_start3A_2459 = tpu.memref_squeeze %dma_start3A_2458 : memref<1x1x112x384xf32, #tpu.memory_space<vmem_shared>> -> memref<112x384xf32, #tpu.memory_space<vmem_shared>>
      %dma_start3A_2460 = arith.constant 0 : i32
      %dma_start3A_2461 = tpu.memref_slice %arg2[%add3A_2454, %dma_start3A_2460] : memref<200704x384xf32, #tpu.memory_space<hbm>> -> memref<112x384xf32, #tpu.memory_space<hbm>>
      tpu.enqueue_dma source(%dma_start3A_2461 : memref<112x384xf32, #tpu.memory_space<hbm>>) target(%dma_start3A_2459 : memref<112x384xf32, #tpu.memory_space<vmem_shared>>) target_semaphore(%arg10 : memref<!tpu.dma_semaphore, #tpu.memory_space<semaphore_mem>>)
      %dma_wait3A_2462 = arith.constant 1 : i32
      %dma_wait3A_2463 = arith.constant 0 : i32
      %dma_wait3A_2464 = arith.constant 0 : i32
      %dma_wait3A_2465 = tpu.memref_slice %arg7[%arg1, %dma_wait3A_2462, %dma_wait3A_2463, %dma_wait3A_2464] : memref<16x2x112x384xf32, #tpu.memory_space<vmem_shared>> -> memref<1x1x112x384xf32, #tpu.memory_space<vmem_shared>>
      %dma_wait3A_2466 = tpu.memref_squeeze %dma_wait3A_2465 : memref<1x1x112x384xf32, #tpu.memory_space<vmem_shared>> -> memref<112x384xf32, #tpu.memory_space<vmem_shared>>
      %dma_wait3A_2467 = arith.constant 0 : i32
      %dma_wait3A_2468 = tpu.memref_slice %arg2[%add3A_2422, %dma_wait3A_2467] : memref<200704x384xf32, #tpu.memory_space<hbm>> -> memref<112x384xf32, #tpu.memory_space<hbm>>
      tpu.wait_dma2 semaphore(%arg11 : memref<!tpu.dma_semaphore, #tpu.memory_space<semaphore_mem>>) src(%dma_wait3A_2468 : memref<112x384xf32, #tpu.memory_space<hbm>>) dst(%dma_wait3A_2466 : memref<112x384xf32, #tpu.memory_space<vmem_shared>>)
      %add3A_2469 = arith.constant 5936 : i32
      %add3A_2470 = arith.addi %mul3A_741, %add3A_2469 : i32
      %dma_start3A_2471 = arith.constant 1 : i32
      %dma_start3A_2472 = arith.constant 0 : i32
      %dma_start3A_2473 = tpu.memref_slice %arg4[%add3A_2470, %dma_start3A_2472] : memref<200704x384xf32, #tpu.memory_space<hbm>> -> memref<112x384xf32, #tpu.memory_space<hbm>>
      %dma_start3A_2474 = arith.constant 0 : i32
      %dma_start3A_2475 = arith.constant 0 : i32
      %dma_start3A_2476 = tpu.memref_slice %arg7[%arg1, %dma_start3A_2471, %dma_start3A_2474, %dma_start3A_2475] : memref<16x2x112x384xf32, #tpu.memory_space<vmem_shared>> -> memref<1x1x112x384xf32, #tpu.memory_space<vmem_shared>>
      %dma_start3A_2477 = tpu.memref_squeeze %dma_start3A_2476 : memref<1x1x112x384xf32, #tpu.memory_space<vmem_shared>> -> memref<112x384xf32, #tpu.memory_space<vmem_shared>>
      tpu.enqueue_dma source(%dma_start3A_2477 : memref<112x384xf32, #tpu.memory_space<vmem_shared>>) target(%dma_start3A_2473 : memref<112x384xf32, #tpu.memory_space<hbm>>) target_semaphore(%arg13 : memref<!tpu.dma_semaphore, #tpu.memory_space<semaphore_mem>>)
      %dma_wait3A_2478 = arith.constant 1 : i32
      %dma_wait3A_2479 = arith.constant 0 : i32
      %dma_wait3A_2480 = tpu.memref_slice %arg4[%add3A_2470, %dma_wait3A_2479] : memref<200704x384xf32, #tpu.memory_space<hbm>> -> memref<112x384xf32, #tpu.memory_space<hbm>>
      %dma_wait3A_2481 = arith.constant 0 : i32
      %dma_wait3A_2482 = arith.constant 0 : i32
      %dma_wait3A_2483 = tpu.memref_slice %arg7[%arg1, %dma_wait3A_2478, %dma_wait3A_2481, %dma_wait3A_2482] : memref<16x2x112x384xf32, #tpu.memory_space<vmem_shared>> -> memref<1x1x112x384xf32, #tpu.memory_space<vmem_shared>>
      %dma_wait3A_2484 = tpu.memref_squeeze %dma_wait3A_2483 : memref<1x1x112x384xf32, #tpu.memory_space<vmem_shared>> -> memref<112x384xf32, #tpu.memory_space<vmem_shared>>
      tpu.wait_dma2 semaphore(%arg13 : memref<!tpu.dma_semaphore, #tpu.memory_space<semaphore_mem>>) src(%dma_wait3A_2484 : memref<112x384xf32, #tpu.memory_space<vmem_shared>>) dst(%dma_wait3A_2480 : memref<112x384xf32, #tpu.memory_space<hbm>>)
      %add3A_2485 = arith.constant 6160 : i32
      %add3A_2486 = arith.addi %mul3A_741, %add3A_2485 : i32
      %dma_start3A_2487 = arith.constant 1 : i32
      %dma_start3A_2488 = arith.constant 0 : i32
      %dma_start3A_2489 = arith.constant 0 : i32
      %dma_start3A_2490 = tpu.memref_slice %arg7[%arg1, %dma_start3A_2487, %dma_start3A_2488, %dma_start3A_2489] : memref<16x2x112x384xf32, #tpu.memory_space<vmem_shared>> -> memref<1x1x112x384xf32, #tpu.memory_space<vmem_shared>>
      %dma_start3A_2491 = tpu.memref_squeeze %dma_start3A_2490 : memref<1x1x112x384xf32, #tpu.memory_space<vmem_shared>> -> memref<112x384xf32, #tpu.memory_space<vmem_shared>>
      %dma_start3A_2492 = arith.constant 0 : i32
      %dma_start3A_2493 = tpu.memref_slice %arg2[%add3A_2486, %dma_start3A_2492] : memref<200704x384xf32, #tpu.memory_space<hbm>> -> memref<112x384xf32, #tpu.memory_space<hbm>>
      tpu.enqueue_dma source(%dma_start3A_2493 : memref<112x384xf32, #tpu.memory_space<hbm>>) target(%dma_start3A_2491 : memref<112x384xf32, #tpu.memory_space<vmem_shared>>) target_semaphore(%arg11 : memref<!tpu.dma_semaphore, #tpu.memory_space<semaphore_mem>>)
      %dma_wait3A_2494 = arith.constant 0 : i32
      %dma_wait3A_2495 = arith.constant 0 : i32
      %dma_wait3A_2496 = arith.constant 0 : i32
      %dma_wait3A_2497 = tpu.memref_slice %arg7[%arg1, %dma_wait3A_2494, %dma_wait3A_2495, %dma_wait3A_2496] : memref<16x2x112x384xf32, #tpu.memory_space<vmem_shared>> -> memref<1x1x112x384xf32, #tpu.memory_space<vmem_shared>>
      %dma_wait3A_2498 = tpu.memref_squeeze %dma_wait3A_2497 : memref<1x1x112x384xf32, #tpu.memory_space<vmem_shared>> -> memref<112x384xf32, #tpu.memory_space<vmem_shared>>
      %dma_wait3A_2499 = arith.constant 0 : i32
      %dma_wait3A_2500 = tpu.memref_slice %arg2[%add3A_2454, %dma_wait3A_2499] : memref<200704x384xf32, #tpu.memory_space<hbm>> -> memref<112x384xf32, #tpu.memory_space<hbm>>
      tpu.wait_dma2 semaphore(%arg10 : memref<!tpu.dma_semaphore, #tpu.memory_space<semaphore_mem>>) src(%dma_wait3A_2500 : memref<112x384xf32, #tpu.memory_space<hbm>>) dst(%dma_wait3A_2498 : memref<112x384xf32, #tpu.memory_space<vmem_shared>>)
      %add3A_2501 = arith.constant 6048 : i32
      %add3A_2502 = arith.addi %mul3A_741, %add3A_2501 : i32
      %dma_start3A_2503 = arith.constant 0 : i32
      %dma_start3A_2504 = arith.constant 0 : i32
      %dma_start3A_2505 = tpu.memref_slice %arg4[%add3A_2502, %dma_start3A_2504] : memref<200704x384xf32, #tpu.memory_space<hbm>> -> memref<112x384xf32, #tpu.memory_space<hbm>>
      %dma_start3A_2506 = arith.constant 0 : i32
      %dma_start3A_2507 = arith.constant 0 : i32
      %dma_start3A_2508 = tpu.memref_slice %arg7[%arg1, %dma_start3A_2503, %dma_start3A_2506, %dma_start3A_2507] : memref<16x2x112x384xf32, #tpu.memory_space<vmem_shared>> -> memref<1x1x112x384xf32, #tpu.memory_space<vmem_shared>>
      %dma_start3A_2509 = tpu.memref_squeeze %dma_start3A_2508 : memref<1x1x112x384xf32, #tpu.memory_space<vmem_shared>> -> memref<112x384xf32, #tpu.memory_space<vmem_shared>>
      tpu.enqueue_dma source(%dma_start3A_2509 : memref<112x384xf32, #tpu.memory_space<vmem_shared>>) target(%dma_start3A_2505 : memref<112x384xf32, #tpu.memory_space<hbm>>) target_semaphore(%arg12 : memref<!tpu.dma_semaphore, #tpu.memory_space<semaphore_mem>>)
      %dma_wait3A_2510 = arith.constant 1 : i32
      %dma_wait3A_2511 = arith.constant 0 : i32
      %dma_wait3A_2512 = arith.constant 0 : i32
      %dma_wait3A_2513 = tpu.memref_slice %arg7[%arg1, %dma_wait3A_2510, %dma_wait3A_2511, %dma_wait3A_2512] : memref<16x2x112x384xf32, #tpu.memory_space<vmem_shared>> -> memref<1x1x112x384xf32, #tpu.memory_space<vmem_shared>>
      %dma_wait3A_2514 = tpu.memref_squeeze %dma_wait3A_2513 : memref<1x1x112x384xf32, #tpu.memory_space<vmem_shared>> -> memref<112x384xf32, #tpu.memory_space<vmem_shared>>
      %dma_wait3A_2515 = arith.constant 0 : i32
      %dma_wait3A_2516 = tpu.memref_slice %arg2[%add3A_2486, %dma_wait3A_2515] : memref<200704x384xf32, #tpu.memory_space<hbm>> -> memref<112x384xf32, #tpu.memory_space<hbm>>
      tpu.wait_dma2 semaphore(%arg11 : memref<!tpu.dma_semaphore, #tpu.memory_space<semaphore_mem>>) src(%dma_wait3A_2516 : memref<112x384xf32, #tpu.memory_space<hbm>>) dst(%dma_wait3A_2514 : memref<112x384xf32, #tpu.memory_space<vmem_shared>>)
      %add3A_2517 = arith.constant 6160 : i32
      %add3A_2518 = arith.addi %mul3A_741, %add3A_2517 : i32
      %dma_start3A_2519 = arith.constant 1 : i32
      %dma_start3A_2520 = arith.constant 0 : i32
      %dma_start3A_2521 = tpu.memref_slice %arg4[%add3A_2518, %dma_start3A_2520] : memref<200704x384xf32, #tpu.memory_space<hbm>> -> memref<112x384xf32, #tpu.memory_space<hbm>>
      %dma_start3A_2522 = arith.constant 0 : i32
      %dma_start3A_2523 = arith.constant 0 : i32
      %dma_start3A_2524 = tpu.memref_slice %arg7[%arg1, %dma_start3A_2519, %dma_start3A_2522, %dma_start3A_2523] : memref<16x2x112x384xf32, #tpu.memory_space<vmem_shared>> -> memref<1x1x112x384xf32, #tpu.memory_space<vmem_shared>>
      %dma_start3A_2525 = tpu.memref_squeeze %dma_start3A_2524 : memref<1x1x112x384xf32, #tpu.memory_space<vmem_shared>> -> memref<112x384xf32, #tpu.memory_space<vmem_shared>>
      tpu.enqueue_dma source(%dma_start3A_2525 : memref<112x384xf32, #tpu.memory_space<vmem_shared>>) target(%dma_start3A_2521 : memref<112x384xf32, #tpu.memory_space<hbm>>) target_semaphore(%arg13 : memref<!tpu.dma_semaphore, #tpu.memory_space<semaphore_mem>>)
      %dma_wait3A_2526 = arith.constant 0 : i32
      %dma_wait3A_2527 = arith.constant 0 : i32
      %dma_wait3A_2528 = tpu.memref_slice %arg4[%add3A_2502, %dma_wait3A_2527] : memref<200704x384xf32, #tpu.memory_space<hbm>> -> memref<112x384xf32, #tpu.memory_space<hbm>>
      %dma_wait3A_2529 = arith.constant 0 : i32
      %dma_wait3A_2530 = arith.constant 0 : i32
      %dma_wait3A_2531 = tpu.memref_slice %arg7[%arg1, %dma_wait3A_2526, %dma_wait3A_2529, %dma_wait3A_2530] : memref<16x2x112x384xf32, #tpu.memory_space<vmem_shared>> -> memref<1x1x112x384xf32, #tpu.memory_space<vmem_shared>>
      %dma_wait3A_2532 = tpu.memref_squeeze %dma_wait3A_2531 : memref<1x1x112x384xf32, #tpu.memory_space<vmem_shared>> -> memref<112x384xf32, #tpu.memory_space<vmem_shared>>
      tpu.wait_dma2 semaphore(%arg12 : memref<!tpu.dma_semaphore, #tpu.memory_space<semaphore_mem>>) src(%dma_wait3A_2532 : memref<112x384xf32, #tpu.memory_space<vmem_shared>>) dst(%dma_wait3A_2528 : memref<112x384xf32, #tpu.memory_space<hbm>>)
      %dma_wait3A_2533 = arith.constant 1 : i32
      %dma_wait3A_2534 = arith.constant 0 : i32
      %dma_wait3A_2535 = tpu.memref_slice %arg4[%add3A_2518, %dma_wait3A_2534] : memref<200704x384xf32, #tpu.memory_space<hbm>> -> memref<112x384xf32, #tpu.memory_space<hbm>>
      %dma_wait3A_2536 = arith.constant 0 : i32
      %dma_wait3A_2537 = arith.constant 0 : i32
      %dma_wait3A_2538 = tpu.memref_slice %arg7[%arg1, %dma_wait3A_2533, %dma_wait3A_2536, %dma_wait3A_2537] : memref<16x2x112x384xf32, #tpu.memory_space<vmem_shared>> -> memref<1x1x112x384xf32, #tpu.memory_space<vmem_shared>>
      %dma_wait3A_2539 = tpu.memref_squeeze %dma_wait3A_2538 : memref<1x1x112x384xf32, #tpu.memory_space<vmem_shared>> -> memref<112x384xf32, #tpu.memory_space<vmem_shared>>
      tpu.wait_dma2 semaphore(%arg13 : memref<!tpu.dma_semaphore, #tpu.memory_space<semaphore_mem>>) src(%dma_wait3A_2539 : memref<112x384xf32, #tpu.memory_space<vmem_shared>>) dst(%dma_wait3A_2535 : memref<112x384xf32, #tpu.memory_space<hbm>>)
    } else {
    }
    %ne3A_745 = arith.constant 0 : i32
    %ne3A_746 = arith.cmpi ne, %add3A_739, %ne3A_745 : i32
    %convert_element_type3A_747 = arith.extui %ne3A_746 : i1 to i32
    %cond3A_748 = arith.constant 0 : i32
    %cond3A_749 = arith.cmpi ne, %convert_element_type3A_747, %cond3A_748 : i32
    scf.if %cond3A_749 {
      %scan3A = arith.constant 0 : i32
      %scan3A_750 = arith.constant 0 : i32
      %scan3A_751 = arith.constant 196 : i32
      %scan3A_752 = arith.addi %scan3A_750, %scan3A_751 : i32
      %scan3A_753 = arith.constant 1 : i32
      scf.for %scan3A_755 = %scan3A_750 to %scan3A_752 step %scan3A_753  : i32 {
        %mul3A_756 = arith.constant 32 : i32
        %mul3A_757 = arith.muli %scan3A_755, %mul3A_756 : i32
        %add3A_758 = arith.addi %mul3A_741, %mul3A_757 : i32
        "tpu.region"() ({
          %run_scoped3A = tpu.sem_alloc : memref<!tpu.dma_semaphore, #tpu.memory_space<semaphore_mem>>
          %dma_start3A = arith.constant 0 : i32
          %dma_start3A_765 = tpu.memref_slice %arg2[%add3A_758, %dma_start3A] : memref<200704x384xf32, #tpu.memory_space<hbm>> -> memref<32x384xf32, #tpu.memory_space<hbm>>
          %dma_start3A_766 = arith.constant 0 : i32
          %dma_start3A_767 = tpu.memref_slice %arg2[%add3A_758, %dma_start3A_766] : memref<200704x384xf32, #tpu.memory_space<hbm>> -> memref<32x384xf32, #tpu.memory_space<hbm>>
          tpu.enqueue_dma source(%dma_start3A_767 : memref<32x384xf32, #tpu.memory_space<hbm>>) target(%arg8 : memref<32x384xf32, #tpu.memory_space<vmem>>) target_semaphore(%run_scoped3A : memref<!tpu.dma_semaphore, #tpu.memory_space<semaphore_mem>>)
          %dma_wait3A = arith.constant 0 : i32
          %dma_wait3A_768 = tpu.memref_slice %arg2[%add3A_758, %dma_wait3A] : memref<200704x384xf32, #tpu.memory_space<hbm>> -> memref<32x384xf32, #tpu.memory_space<hbm>>
          %dma_wait3A_769 = arith.constant 0 : i32
          %dma_wait3A_770 = tpu.memref_slice %arg2[%add3A_758, %dma_wait3A_769] : memref<200704x384xf32, #tpu.memory_space<hbm>> -> memref<32x384xf32, #tpu.memory_space<hbm>>
          tpu.wait_dma2 semaphore(%run_scoped3A : memref<!tpu.dma_semaphore, #tpu.memory_space<semaphore_mem>>) src(%dma_wait3A_770 : memref<32x384xf32, #tpu.memory_space<hbm>>) dst(%arg8 : memref<32x384xf32, #tpu.memory_space<vmem>>)
          tpu.yield
        }) : () -> ()
        %scan3A_759 = arith.constant 0 : i32
        %scan3A_760 = arith.constant 0 : i32
        %scan3A_761 = arith.constant 32 : i32
        %scan3A_762 = arith.addi %scan3A_760, %scan3A_761 : i32
        %scan3A_763 = arith.constant 1 : i32
        scf.for %scan3A_765 = %scan3A_760 to %scan3A_762 step %scan3A_763  : i32 {
          %multiple_of3A = arith.constant 0 : i32
          %multiple_of3A_766 = tpu.assume_multiple %multiple_of3A, 8 : i32
          %get3A_767 = arith.index_cast %multiple_of3A_766 : i32 to index
          %get3A_768 = tpu.vector_load %arg6[%get3A_767] {strides = array<i32>} : memref<384xi32, #tpu.memory_space<vmem>>, vector<16xi32>,
          %broadcast_in_dim3A_769 = arith.constant 0 : i32
          %broadcast_in_dim3A_770 = vector.broadcast %broadcast_in_dim3A_769 : i32 to vector<16xi32>
          %add3A_771 = vector.broadcast %scan3A_765 : i32 to vector<16xi32>
          %add3A_772 = arith.addi %broadcast_in_dim3A_770, %add3A_771 : vector<16xi32>
          %gather3A = tpu.vector_load_idx %arg8[%add3A_772, %get3A_768] : memref<32x384xf32, #tpu.memory_space<vmem>>[vector<16xi32>, vector<16xi32>], vector<16xf32>,
          %swap3A_773 = arith.index_cast %scan3A_765 : i32 to index
          %swap3A_774 = arith.constant 0 : index
          %swap3A_775 = tpu.vector_load %arg9[%swap3A_773, %swap3A_774] {strides = array<i32>} : memref<32x384xf32, #tpu.memory_space<vmem>>, vector<16xf32>,
          tpu.vector_store %arg9[%swap3A_773, %swap3A_774], %gather3A {strides = array<i32>} : memref<32x384xf32, #tpu.memory_space<vmem>>, vector<16xf32>,
          %multiple_of3A_776 = arith.constant 16 : i32
          %multiple_of3A_777 = tpu.assume_multiple %multiple_of3A_776, 8 : i32
          %get3A_778 = arith.index_cast %multiple_of3A_777 : i32 to index
          %get3A_779 = tpu.vector_load %arg6[%get3A_778] {strides = array<i32>} : memref<384xi32, #tpu.memory_space<vmem>>, vector<16xi32>,
          %broadcast_in_dim3A_780 = arith.constant 0 : i32
          %broadcast_in_dim3A_781 = vector.broadcast %broadcast_in_dim3A_780 : i32 to vector<16xi32>
          %add3A_782 = vector.broadcast %scan3A_765 : i32 to vector<16xi32>
          %add3A_783 = arith.addi %broadcast_in_dim3A_781, %add3A_782 : vector<16xi32>
          %gather3A_784 = tpu.vector_load_idx %arg8[%add3A_783, %get3A_779] : memref<32x384xf32, #tpu.memory_space<vmem>>[vector<16xi32>, vector<16xi32>], vector<16xf32>,
          %swap3A_785 = arith.index_cast %scan3A_765 : i32 to index
          %swap3A_786 = arith.constant 16 : index
          %swap3A_787 = tpu.vector_load %arg9[%swap3A_785, %swap3A_786] {strides = array<i32>} : memref<32x384xf32, #tpu.memory_space<vmem>>, vector<16xf32>,
          tpu.vector_store %arg9[%swap3A_785, %swap3A_786], %gather3A_784 {strides = array<i32>} : memref<32x384xf32, #tpu.memory_space<vmem>>, vector<16xf32>,
          %multiple_of3A_788 = arith.constant 32 : i32
          %multiple_of3A_789 = tpu.assume_multiple %multiple_of3A_788, 8 : i32
          %get3A_790 = arith.index_cast %multiple_of3A_789 : i32 to index
          %get3A_791 = tpu.vector_load %arg6[%get3A_790] {strides = array<i32>} : memref<384xi32, #tpu.memory_space<vmem>>, vector<16xi32>,
          %broadcast_in_dim3A_792 = arith.constant 0 : i32
          %broadcast_in_dim3A_793 = vector.broadcast %broadcast_in_dim3A_792 : i32 to vector<16xi32>
          %add3A_794 = vector.broadcast %scan3A_765 : i32 to vector<16xi32>
          %add3A_795 = arith.addi %broadcast_in_dim3A_793, %add3A_794 : vector<16xi32>
          %gather3A_796 = tpu.vector_load_idx %arg8[%add3A_795, %get3A_791] : memref<32x384xf32, #tpu.memory_space<vmem>>[vector<16xi32>, vector<16xi32>], vector<16xf32>,
          %swap3A_797 = arith.index_cast %scan3A_765 : i32 to index
          %swap3A_798 = arith.constant 32 : index
          %swap3A_799 = tpu.vector_load %arg9[%swap3A_797, %swap3A_798] {strides = array<i32>} : memref<32x384xf32, #tpu.memory_space<vmem>>, vector<16xf32>,
          tpu.vector_store %arg9[%swap3A_797, %swap3A_798], %gather3A_796 {strides = array<i32>} : memref<32x384xf32, #tpu.memory_space<vmem>>, vector<16xf32>,
          %multiple_of3A_800 = arith.constant 48 : i32
          %multiple_of3A_801 = tpu.assume_multiple %multiple_of3A_800, 8 : i32
          %get3A_802 = arith.index_cast %multiple_of3A_801 : i32 to index
          %get3A_803 = tpu.vector_load %arg6[%get3A_802] {strides = array<i32>} : memref<384xi32, #tpu.memory_space<vmem>>, vector<16xi32>,
          %broadcast_in_dim3A_804 = arith.constant 0 : i32
          %broadcast_in_dim3A_805 = vector.broadcast %broadcast_in_dim3A_804 : i32 to vector<16xi32>
          %add3A_806 = vector.broadcast %scan3A_765 : i32 to vector<16xi32>
          %add3A_807 = arith.addi %broadcast_in_dim3A_805, %add3A_806 : vector<16xi32>
          %gather3A_808 = tpu.vector_load_idx %arg8[%add3A_807, %get3A_803] : memref<32x384xf32, #tpu.memory_space<vmem>>[vector<16xi32>, vector<16xi32>], vector<16xf32>,
          %swap3A_809 = arith.index_cast %scan3A_765 : i32 to index
          %swap3A_810 = arith.constant 48 : index
          %swap3A_811 = tpu.vector_load %arg9[%swap3A_809, %swap3A_810] {strides = array<i32>} : memref<32x384xf32, #tpu.memory_space<vmem>>, vector<16xf32>,
          tpu.vector_store %arg9[%swap3A_809, %swap3A_810], %gather3A_808 {strides = array<i32>} : memref<32x384xf32, #tpu.memory_space<vmem>>, vector<16xf32>,
          %multiple_of3A_812 = arith.constant 64 : i32
          %multiple_of3A_813 = tpu.assume_multiple %multiple_of3A_812, 8 : i32
          %get3A_814 = arith.index_cast %multiple_of3A_813 : i32 to index
          %get3A_815 = tpu.vector_load %arg6[%get3A_814] {strides = array<i32>} : memref<384xi32, #tpu.memory_space<vmem>>, vector<16xi32>,
          %broadcast_in_dim3A_816 = arith.constant 0 : i32
          %broadcast_in_dim3A_817 = vector.broadcast %broadcast_in_dim3A_816 : i32 to vector<16xi32>
          %add3A_818 = vector.broadcast %scan3A_765 : i32 to vector<16xi32>
          %add3A_819 = arith.addi %broadcast_in_dim3A_817, %add3A_818 : vector<16xi32>
          %gather3A_820 = tpu.vector_load_idx %arg8[%add3A_819, %get3A_815] : memref<32x384xf32, #tpu.memory_space<vmem>>[vector<16xi32>, vector<16xi32>], vector<16xf32>,
          %swap3A_821 = arith.index_cast %scan3A_765 : i32 to index
          %swap3A_822 = arith.constant 64 : index
          %swap3A_823 = tpu.vector_load %arg9[%swap3A_821, %swap3A_822] {strides = array<i32>} : memref<32x384xf32, #tpu.memory_space<vmem>>, vector<16xf32>,
          tpu.vector_store %arg9[%swap3A_821, %swap3A_822], %gather3A_820 {strides = array<i32>} : memref<32x384xf32, #tpu.memory_space<vmem>>, vector<16xf32>,
          %multiple_of3A_824 = arith.constant 80 : i32
          %multiple_of3A_825 = tpu.assume_multiple %multiple_of3A_824, 8 : i32
          %get3A_826 = arith.index_cast %multiple_of3A_825 : i32 to index
          %get3A_827 = tpu.vector_load %arg6[%get3A_826] {strides = array<i32>} : memref<384xi32, #tpu.memory_space<vmem>>, vector<16xi32>,
          %broadcast_in_dim3A_828 = arith.constant 0 : i32
          %broadcast_in_dim3A_829 = vector.broadcast %broadcast_in_dim3A_828 : i32 to vector<16xi32>
          %add3A_830 = vector.broadcast %scan3A_765 : i32 to vector<16xi32>
          %add3A_831 = arith.addi %broadcast_in_dim3A_829, %add3A_830 : vector<16xi32>
          %gather3A_832 = tpu.vector_load_idx %arg8[%add3A_831, %get3A_827] : memref<32x384xf32, #tpu.memory_space<vmem>>[vector<16xi32>, vector<16xi32>], vector<16xf32>,
          %swap3A_833 = arith.index_cast %scan3A_765 : i32 to index
          %swap3A_834 = arith.constant 80 : index
          %swap3A_835 = tpu.vector_load %arg9[%swap3A_833, %swap3A_834] {strides = array<i32>} : memref<32x384xf32, #tpu.memory_space<vmem>>, vector<16xf32>,
          tpu.vector_store %arg9[%swap3A_833, %swap3A_834], %gather3A_832 {strides = array<i32>} : memref<32x384xf32, #tpu.memory_space<vmem>>, vector<16xf32>,
          %multiple_of3A_836 = arith.constant 96 : i32
          %multiple_of3A_837 = tpu.assume_multiple %multiple_of3A_836, 8 : i32
          %get3A_838 = arith.index_cast %multiple_of3A_837 : i32 to index
          %get3A_839 = tpu.vector_load %arg6[%get3A_838] {strides = array<i32>} : memref<384xi32, #tpu.memory_space<vmem>>, vector<16xi32>,
          %broadcast_in_dim3A_840 = arith.constant 0 : i32
          %broadcast_in_dim3A_841 = vector.broadcast %broadcast_in_dim3A_840 : i32 to vector<16xi32>
          %add3A_842 = vector.broadcast %scan3A_765 : i32 to vector<16xi32>
          %add3A_843 = arith.addi %broadcast_in_dim3A_841, %add3A_842 : vector<16xi32>
          %gather3A_844 = tpu.vector_load_idx %arg8[%add3A_843, %get3A_839] : memref<32x384xf32, #tpu.memory_space<vmem>>[vector<16xi32>, vector<16xi32>], vector<16xf32>,
          %swap3A_845 = arith.index_cast %scan3A_765 : i32 to index
          %swap3A_846 = arith.constant 96 : index
          %swap3A_847 = tpu.vector_load %arg9[%swap3A_845, %swap3A_846] {strides = array<i32>} : memref<32x384xf32, #tpu.memory_space<vmem>>, vector<16xf32>,
          tpu.vector_store %arg9[%swap3A_845, %swap3A_846], %gather3A_844 {strides = array<i32>} : memref<32x384xf32, #tpu.memory_space<vmem>>, vector<16xf32>,
          %multiple_of3A_848 = arith.constant 112 : i32
          %multiple_of3A_849 = tpu.assume_multiple %multiple_of3A_848, 8 : i32
          %get3A_850 = arith.index_cast %multiple_of3A_849 : i32 to index
          %get3A_851 = tpu.vector_load %arg6[%get3A_850] {strides = array<i32>} : memref<384xi32, #tpu.memory_space<vmem>>, vector<16xi32>,
          %broadcast_in_dim3A_852 = arith.constant 0 : i32
          %broadcast_in_dim3A_853 = vector.broadcast %broadcast_in_dim3A_852 : i32 to vector<16xi32>
          %add3A_854 = vector.broadcast %scan3A_765 : i32 to vector<16xi32>
          %add3A_855 = arith.addi %broadcast_in_dim3A_853, %add3A_854 : vector<16xi32>
          %gather3A_856 = tpu.vector_load_idx %arg8[%add3A_855, %get3A_851] : memref<32x384xf32, #tpu.memory_space<vmem>>[vector<16xi32>, vector<16xi32>], vector<16xf32>,
          %swap3A_857 = arith.index_cast %scan3A_765 : i32 to index
          %swap3A_858 = arith.constant 112 : index
          %swap3A_859 = tpu.vector_load %arg9[%swap3A_857, %swap3A_858] {strides = array<i32>} : memref<32x384xf32, #tpu.memory_space<vmem>>, vector<16xf32>,
          tpu.vector_store %arg9[%swap3A_857, %swap3A_858], %gather3A_856 {strides = array<i32>} : memref<32x384xf32, #tpu.memory_space<vmem>>, vector<16xf32>,
          %multiple_of3A_860 = arith.constant 128 : i32
          %multiple_of3A_861 = tpu.assume_multiple %multiple_of3A_860, 8 : i32
          %get3A_862 = arith.index_cast %multiple_of3A_861 : i32 to index
          %get3A_863 = tpu.vector_load %arg6[%get3A_862] {strides = array<i32>} : memref<384xi32, #tpu.memory_space<vmem>>, vector<16xi32>,
          %broadcast_in_dim3A_864 = arith.constant 0 : i32
          %broadcast_in_dim3A_865 = vector.broadcast %broadcast_in_dim3A_864 : i32 to vector<16xi32>
          %add3A_866 = vector.broadcast %scan3A_765 : i32 to vector<16xi32>
          %add3A_867 = arith.addi %broadcast_in_dim3A_865, %add3A_866 : vector<16xi32>
          %gather3A_868 = tpu.vector_load_idx %arg8[%add3A_867, %get3A_863] : memref<32x384xf32, #tpu.memory_space<vmem>>[vector<16xi32>, vector<16xi32>], vector<16xf32>,
          %swap3A_869 = arith.index_cast %scan3A_765 : i32 to index
          %swap3A_870 = arith.constant 128 : index
          %swap3A_871 = tpu.vector_load %arg9[%swap3A_869, %swap3A_870] {strides = array<i32>} : memref<32x384xf32, #tpu.memory_space<vmem>>, vector<16xf32>,
          tpu.vector_store %arg9[%swap3A_869, %swap3A_870], %gather3A_868 {strides = array<i32>} : memref<32x384xf32, #tpu.memory_space<vmem>>, vector<16xf32>,
          %multiple_of3A_872 = arith.constant 144 : i32
          %multiple_of3A_873 = tpu.assume_multiple %multiple_of3A_872, 8 : i32
          %get3A_874 = arith.index_cast %multiple_of3A_873 : i32 to index
          %get3A_875 = tpu.vector_load %arg6[%get3A_874] {strides = array<i32>} : memref<384xi32, #tpu.memory_space<vmem>>, vector<16xi32>,
          %broadcast_in_dim3A_876 = arith.constant 0 : i32
          %broadcast_in_dim3A_877 = vector.broadcast %broadcast_in_dim3A_876 : i32 to vector<16xi32>
          %add3A_878 = vector.broadcast %scan3A_765 : i32 to vector<16xi32>
          %add3A_879 = arith.addi %broadcast_in_dim3A_877, %add3A_878 : vector<16xi32>
          %gather3A_880 = tpu.vector_load_idx %arg8[%add3A_879, %get3A_875] : memref<32x384xf32, #tpu.memory_space<vmem>>[vector<16xi32>, vector<16xi32>], vector<16xf32>,
          %swap3A_881 = arith.index_cast %scan3A_765 : i32 to index
          %swap3A_882 = arith.constant 144 : index
          %swap3A_883 = tpu.vector_load %arg9[%swap3A_881, %swap3A_882] {strides = array<i32>} : memref<32x384xf32, #tpu.memory_space<vmem>>, vector<16xf32>,
          tpu.vector_store %arg9[%swap3A_881, %swap3A_882], %gather3A_880 {strides = array<i32>} : memref<32x384xf32, #tpu.memory_space<vmem>>, vector<16xf32>,
          %multiple_of3A_884 = arith.constant 160 : i32
          %multiple_of3A_885 = tpu.assume_multiple %multiple_of3A_884, 8 : i32
          %get3A_886 = arith.index_cast %multiple_of3A_885 : i32 to index
          %get3A_887 = tpu.vector_load %arg6[%get3A_886] {strides = array<i32>} : memref<384xi32, #tpu.memory_space<vmem>>, vector<16xi32>,
          %broadcast_in_dim3A_888 = arith.constant 0 : i32
          %broadcast_in_dim3A_889 = vector.broadcast %broadcast_in_dim3A_888 : i32 to vector<16xi32>
          %add3A_890 = vector.broadcast %scan3A_765 : i32 to vector<16xi32>
          %add3A_891 = arith.addi %broadcast_in_dim3A_889, %add3A_890 : vector<16xi32>
          %gather3A_892 = tpu.vector_load_idx %arg8[%add3A_891, %get3A_887] : memref<32x384xf32, #tpu.memory_space<vmem>>[vector<16xi32>, vector<16xi32>], vector<16xf32>,
          %swap3A_893 = arith.index_cast %scan3A_765 : i32 to index
          %swap3A_894 = arith.constant 160 : index
          %swap3A_895 = tpu.vector_load %arg9[%swap3A_893, %swap3A_894] {strides = array<i32>} : memref<32x384xf32, #tpu.memory_space<vmem>>, vector<16xf32>,
          tpu.vector_store %arg9[%swap3A_893, %swap3A_894], %gather3A_892 {strides = array<i32>} : memref<32x384xf32, #tpu.memory_space<vmem>>, vector<16xf32>,
          %multiple_of3A_896 = arith.constant 176 : i32
          %multiple_of3A_897 = tpu.assume_multiple %multiple_of3A_896, 8 : i32
          %get3A_898 = arith.index_cast %multiple_of3A_897 : i32 to index
          %get3A_899 = tpu.vector_load %arg6[%get3A_898] {strides = array<i32>} : memref<384xi32, #tpu.memory_space<vmem>>, vector<16xi32>,
          %broadcast_in_dim3A_900 = arith.constant 0 : i32
          %broadcast_in_dim3A_901 = vector.broadcast %broadcast_in_dim3A_900 : i32 to vector<16xi32>
          %add3A_902 = vector.broadcast %scan3A_765 : i32 to vector<16xi32>
          %add3A_903 = arith.addi %broadcast_in_dim3A_901, %add3A_902 : vector<16xi32>
          %gather3A_904 = tpu.vector_load_idx %arg8[%add3A_903, %get3A_899] : memref<32x384xf32, #tpu.memory_space<vmem>>[vector<16xi32>, vector<16xi32>], vector<16xf32>,
          %swap3A_905 = arith.index_cast %scan3A_765 : i32 to index
          %swap3A_906 = arith.constant 176 : index
          %swap3A_907 = tpu.vector_load %arg9[%swap3A_905, %swap3A_906] {strides = array<i32>} : memref<32x384xf32, #tpu.memory_space<vmem>>, vector<16xf32>,
          tpu.vector_store %arg9[%swap3A_905, %swap3A_906], %gather3A_904 {strides = array<i32>} : memref<32x384xf32, #tpu.memory_space<vmem>>, vector<16xf32>,
          %multiple_of3A_908 = arith.constant 192 : i32
          %multiple_of3A_909 = tpu.assume_multiple %multiple_of3A_908, 8 : i32
          %get3A_910 = arith.index_cast %multiple_of3A_909 : i32 to index
          %get3A_911 = tpu.vector_load %arg6[%get3A_910] {strides = array<i32>} : memref<384xi32, #tpu.memory_space<vmem>>, vector<16xi32>,
          %broadcast_in_dim3A_912 = arith.constant 0 : i32
          %broadcast_in_dim3A_913 = vector.broadcast %broadcast_in_dim3A_912 : i32 to vector<16xi32>
          %add3A_914 = vector.broadcast %scan3A_765 : i32 to vector<16xi32>
          %add3A_915 = arith.addi %broadcast_in_dim3A_913, %add3A_914 : vector<16xi32>
          %gather3A_916 = tpu.vector_load_idx %arg8[%add3A_915, %get3A_911] : memref<32x384xf32, #tpu.memory_space<vmem>>[vector<16xi32>, vector<16xi32>], vector<16xf32>,
          %swap3A_917 = arith.index_cast %scan3A_765 : i32 to index
          %swap3A_918 = arith.constant 192 : index
          %swap3A_919 = tpu.vector_load %arg9[%swap3A_917, %swap3A_918] {strides = array<i32>} : memref<32x384xf32, #tpu.memory_space<vmem>>, vector<16xf32>,
          tpu.vector_store %arg9[%swap3A_917, %swap3A_918], %gather3A_916 {strides = array<i32>} : memref<32x384xf32, #tpu.memory_space<vmem>>, vector<16xf32>,
          %multiple_of3A_920 = arith.constant 208 : i32
          %multiple_of3A_921 = tpu.assume_multiple %multiple_of3A_920, 8 : i32
          %get3A_922 = arith.index_cast %multiple_of3A_921 : i32 to index
          %get3A_923 = tpu.vector_load %arg6[%get3A_922] {strides = array<i32>} : memref<384xi32, #tpu.memory_space<vmem>>, vector<16xi32>,
          %broadcast_in_dim3A_924 = arith.constant 0 : i32
          %broadcast_in_dim3A_925 = vector.broadcast %broadcast_in_dim3A_924 : i32 to vector<16xi32>
          %add3A_926 = vector.broadcast %scan3A_765 : i32 to vector<16xi32>
          %add3A_927 = arith.addi %broadcast_in_dim3A_925, %add3A_926 : vector<16xi32>
          %gather3A_928 = tpu.vector_load_idx %arg8[%add3A_927, %get3A_923] : memref<32x384xf32, #tpu.memory_space<vmem>>[vector<16xi32>, vector<16xi32>], vector<16xf32>,
          %swap3A_929 = arith.index_cast %scan3A_765 : i32 to index
          %swap3A_930 = arith.constant 208 : index
          %swap3A_931 = tpu.vector_load %arg9[%swap3A_929, %swap3A_930] {strides = array<i32>} : memref<32x384xf32, #tpu.memory_space<vmem>>, vector<16xf32>,
          tpu.vector_store %arg9[%swap3A_929, %swap3A_930], %gather3A_928 {strides = array<i32>} : memref<32x384xf32, #tpu.memory_space<vmem>>, vector<16xf32>,
          %multiple_of3A_932 = arith.constant 224 : i32
          %multiple_of3A_933 = tpu.assume_multiple %multiple_of3A_932, 8 : i32
          %get3A_934 = arith.index_cast %multiple_of3A_933 : i32 to index
          %get3A_935 = tpu.vector_load %arg6[%get3A_934] {strides = array<i32>} : memref<384xi32, #tpu.memory_space<vmem>>, vector<16xi32>,
          %broadcast_in_dim3A_936 = arith.constant 0 : i32
          %broadcast_in_dim3A_937 = vector.broadcast %broadcast_in_dim3A_936 : i32 to vector<16xi32>
          %add3A_938 = vector.broadcast %scan3A_765 : i32 to vector<16xi32>
          %add3A_939 = arith.addi %broadcast_in_dim3A_937, %add3A_938 : vector<16xi32>
          %gather3A_940 = tpu.vector_load_idx %arg8[%add3A_939, %get3A_935] : memref<32x384xf32, #tpu.memory_space<vmem>>[vector<16xi32>, vector<16xi32>], vector<16xf32>,
          %swap3A_941 = arith.index_cast %scan3A_765 : i32 to index
          %swap3A_942 = arith.constant 224 : index
          %swap3A_943 = tpu.vector_load %arg9[%swap3A_941, %swap3A_942] {strides = array<i32>} : memref<32x384xf32, #tpu.memory_space<vmem>>, vector<16xf32>,
          tpu.vector_store %arg9[%swap3A_941, %swap3A_942], %gather3A_940 {strides = array<i32>} : memref<32x384xf32, #tpu.memory_space<vmem>>, vector<16xf32>,
          %multiple_of3A_944 = arith.constant 240 : i32
          %multiple_of3A_945 = tpu.assume_multiple %multiple_of3A_944, 8 : i32
          %get3A_946 = arith.index_cast %multiple_of3A_945 : i32 to index
          %get3A_947 = tpu.vector_load %arg6[%get3A_946] {strides = array<i32>} : memref<384xi32, #tpu.memory_space<vmem>>, vector<16xi32>,
          %broadcast_in_dim3A_948 = arith.constant 0 : i32
          %broadcast_in_dim3A_949 = vector.broadcast %broadcast_in_dim3A_948 : i32 to vector<16xi32>
          %add3A_950 = vector.broadcast %scan3A_765 : i32 to vector<16xi32>
          %add3A_951 = arith.addi %broadcast_in_dim3A_949, %add3A_950 : vector<16xi32>
          %gather3A_952 = tpu.vector_load_idx %arg8[%add3A_951, %get3A_947] : memref<32x384xf32, #tpu.memory_space<vmem>>[vector<16xi32>, vector<16xi32>], vector<16xf32>,
          %swap3A_953 = arith.index_cast %scan3A_765 : i32 to index
          %swap3A_954 = arith.constant 240 : index
          %swap3A_955 = tpu.vector_load %arg9[%swap3A_953, %swap3A_954] {strides = array<i32>} : memref<32x384xf32, #tpu.memory_space<vmem>>, vector<16xf32>,
          tpu.vector_store %arg9[%swap3A_953, %swap3A_954], %gather3A_952 {strides = array<i32>} : memref<32x384xf32, #tpu.memory_space<vmem>>, vector<16xf32>,
          %multiple_of3A_956 = arith.constant 256 : i32
          %multiple_of3A_957 = tpu.assume_multiple %multiple_of3A_956, 8 : i32
          %get3A_958 = arith.index_cast %multiple_of3A_957 : i32 to index
          %get3A_959 = tpu.vector_load %arg6[%get3A_958] {strides = array<i32>} : memref<384xi32, #tpu.memory_space<vmem>>, vector<16xi32>,
          %broadcast_in_dim3A_960 = arith.constant 0 : i32
          %broadcast_in_dim3A_961 = vector.broadcast %broadcast_in_dim3A_960 : i32 to vector<16xi32>
          %add3A_962 = vector.broadcast %scan3A_765 : i32 to vector<16xi32>
          %add3A_963 = arith.addi %broadcast_in_dim3A_961, %add3A_962 : vector<16xi32>
          %gather3A_964 = tpu.vector_load_idx %arg8[%add3A_963, %get3A_959] : memref<32x384xf32, #tpu.memory_space<vmem>>[vector<16xi32>, vector<16xi32>], vector<16xf32>,
          %swap3A_965 = arith.index_cast %scan3A_765 : i32 to index
          %swap3A_966 = arith.constant 256 : index
          %swap3A_967 = tpu.vector_load %arg9[%swap3A_965, %swap3A_966] {strides = array<i32>} : memref<32x384xf32, #tpu.memory_space<vmem>>, vector<16xf32>,
          tpu.vector_store %arg9[%swap3A_965, %swap3A_966], %gather3A_964 {strides = array<i32>} : memref<32x384xf32, #tpu.memory_space<vmem>>, vector<16xf32>,
          %multiple_of3A_968 = arith.constant 272 : i32
          %multiple_of3A_969 = tpu.assume_multiple %multiple_of3A_968, 8 : i32
          %get3A_970 = arith.index_cast %multiple_of3A_969 : i32 to index
          %get3A_971 = tpu.vector_load %arg6[%get3A_970] {strides = array<i32>} : memref<384xi32, #tpu.memory_space<vmem>>, vector<16xi32>,
          %broadcast_in_dim3A_972 = arith.constant 0 : i32
          %broadcast_in_dim3A_973 = vector.broadcast %broadcast_in_dim3A_972 : i32 to vector<16xi32>
          %add3A_974 = vector.broadcast %scan3A_765 : i32 to vector<16xi32>
          %add3A_975 = arith.addi %broadcast_in_dim3A_973, %add3A_974 : vector<16xi32>
          %gather3A_976 = tpu.vector_load_idx %arg8[%add3A_975, %get3A_971] : memref<32x384xf32, #tpu.memory_space<vmem>>[vector<16xi32>, vector<16xi32>], vector<16xf32>,
          %swap3A_977 = arith.index_cast %scan3A_765 : i32 to index
          %swap3A_978 = arith.constant 272 : index
          %swap3A_979 = tpu.vector_load %arg9[%swap3A_977, %swap3A_978] {strides = array<i32>} : memref<32x384xf32, #tpu.memory_space<vmem>>, vector<16xf32>,
          tpu.vector_store %arg9[%swap3A_977, %swap3A_978], %gather3A_976 {strides = array<i32>} : memref<32x384xf32, #tpu.memory_space<vmem>>, vector<16xf32>,
          %multiple_of3A_980 = arith.constant 288 : i32
          %multiple_of3A_981 = tpu.assume_multiple %multiple_of3A_980, 8 : i32
          %get3A_982 = arith.index_cast %multiple_of3A_981 : i32 to index
          %get3A_983 = tpu.vector_load %arg6[%get3A_982] {strides = array<i32>} : memref<384xi32, #tpu.memory_space<vmem>>, vector<16xi32>,
          %broadcast_in_dim3A_984 = arith.constant 0 : i32
          %broadcast_in_dim3A_985 = vector.broadcast %broadcast_in_dim3A_984 : i32 to vector<16xi32>
          %add3A_986 = vector.broadcast %scan3A_765 : i32 to vector<16xi32>
          %add3A_987 = arith.addi %broadcast_in_dim3A_985, %add3A_986 : vector<16xi32>
          %gather3A_988 = tpu.vector_load_idx %arg8[%add3A_987, %get3A_983] : memref<32x384xf32, #tpu.memory_space<vmem>>[vector<16xi32>, vector<16xi32>], vector<16xf32>,
          %swap3A_989 = arith.index_cast %scan3A_765 : i32 to index
          %swap3A_990 = arith.constant 288 : index
          %swap3A_991 = tpu.vector_load %arg9[%swap3A_989, %swap3A_990] {strides = array<i32>} : memref<32x384xf32, #tpu.memory_space<vmem>>, vector<16xf32>,
          tpu.vector_store %arg9[%swap3A_989, %swap3A_990], %gather3A_988 {strides = array<i32>} : memref<32x384xf32, #tpu.memory_space<vmem>>, vector<16xf32>,
          %multiple_of3A_992 = arith.constant 304 : i32
          %multiple_of3A_993 = tpu.assume_multiple %multiple_of3A_992, 8 : i32
          %get3A_994 = arith.index_cast %multiple_of3A_993 : i32 to index
          %get3A_995 = tpu.vector_load %arg6[%get3A_994] {strides = array<i32>} : memref<384xi32, #tpu.memory_space<vmem>>, vector<16xi32>,
          %broadcast_in_dim3A_996 = arith.constant 0 : i32
          %broadcast_in_dim3A_997 = vector.broadcast %broadcast_in_dim3A_996 : i32 to vector<16xi32>
          %add3A_998 = vector.broadcast %scan3A_765 : i32 to vector<16xi32>
          %add3A_999 = arith.addi %broadcast_in_dim3A_997, %add3A_998 : vector<16xi32>
          %gather3A_1000 = tpu.vector_load_idx %arg8[%add3A_999, %get3A_995] : memref<32x384xf32, #tpu.memory_space<vmem>>[vector<16xi32>, vector<16xi32>], vector<16xf32>,
          %swap3A_1001 = arith.index_cast %scan3A_765 : i32 to index
          %swap3A_1002 = arith.constant 304 : index
          %swap3A_1003 = tpu.vector_load %arg9[%swap3A_1001, %swap3A_1002] {strides = array<i32>} : memref<32x384xf32, #tpu.memory_space<vmem>>, vector<16xf32>,
          tpu.vector_store %arg9[%swap3A_1001, %swap3A_1002], %gather3A_1000 {strides = array<i32>} : memref<32x384xf32, #tpu.memory_space<vmem>>, vector<16xf32>,
          %multiple_of3A_1004 = arith.constant 320 : i32
          %multiple_of3A_1005 = tpu.assume_multiple %multiple_of3A_1004, 8 : i32
          %get3A_1006 = arith.index_cast %multiple_of3A_1005 : i32 to index
          %get3A_1007 = tpu.vector_load %arg6[%get3A_1006] {strides = array<i32>} : memref<384xi32, #tpu.memory_space<vmem>>, vector<16xi32>,
          %broadcast_in_dim3A_1008 = arith.constant 0 : i32
          %broadcast_in_dim3A_1009 = vector.broadcast %broadcast_in_dim3A_1008 : i32 to vector<16xi32>
          %add3A_1010 = vector.broadcast %scan3A_765 : i32 to vector<16xi32>
          %add3A_1011 = arith.addi %broadcast_in_dim3A_1009, %add3A_1010 : vector<16xi32>
          %gather3A_1012 = tpu.vector_load_idx %arg8[%add3A_1011, %get3A_1007] : memref<32x384xf32, #tpu.memory_space<vmem>>[vector<16xi32>, vector<16xi32>], vector<16xf32>,
          %swap3A_1013 = arith.index_cast %scan3A_765 : i32 to index
          %swap3A_1014 = arith.constant 320 : index
          %swap3A_1015 = tpu.vector_load %arg9[%swap3A_1013, %swap3A_1014] {strides = array<i32>} : memref<32x384xf32, #tpu.memory_space<vmem>>, vector<16xf32>,
          tpu.vector_store %arg9[%swap3A_1013, %swap3A_1014], %gather3A_1012 {strides = array<i32>} : memref<32x384xf32, #tpu.memory_space<vmem>>, vector<16xf32>,
          %multiple_of3A_1016 = arith.constant 336 : i32
          %multiple_of3A_1017 = tpu.assume_multiple %multiple_of3A_1016, 8 : i32
          %get3A_1018 = arith.index_cast %multiple_of3A_1017 : i32 to index
          %get3A_1019 = tpu.vector_load %arg6[%get3A_1018] {strides = array<i32>} : memref<384xi32, #tpu.memory_space<vmem>>, vector<16xi32>,
          %broadcast_in_dim3A_1020 = arith.constant 0 : i32
          %broadcast_in_dim3A_1021 = vector.broadcast %broadcast_in_dim3A_1020 : i32 to vector<16xi32>
          %add3A_1022 = vector.broadcast %scan3A_765 : i32 to vector<16xi32>
          %add3A_1023 = arith.addi %broadcast_in_dim3A_1021, %add3A_1022 : vector<16xi32>
          %gather3A_1024 = tpu.vector_load_idx %arg8[%add3A_1023, %get3A_1019] : memref<32x384xf32, #tpu.memory_space<vmem>>[vector<16xi32>, vector<16xi32>], vector<16xf32>,
          %swap3A_1025 = arith.index_cast %scan3A_765 : i32 to index
          %swap3A_1026 = arith.constant 336 : index
          %swap3A_1027 = tpu.vector_load %arg9[%swap3A_1025, %swap3A_1026] {strides = array<i32>} : memref<32x384xf32, #tpu.memory_space<vmem>>, vector<16xf32>,
          tpu.vector_store %arg9[%swap3A_1025, %swap3A_1026], %gather3A_1024 {strides = array<i32>} : memref<32x384xf32, #tpu.memory_space<vmem>>, vector<16xf32>,
          %multiple_of3A_1028 = arith.constant 352 : i32
          %multiple_of3A_1029 = tpu.assume_multiple %multiple_of3A_1028, 8 : i32
          %get3A_1030 = arith.index_cast %multiple_of3A_1029 : i32 to index
          %get3A_1031 = tpu.vector_load %arg6[%get3A_1030] {strides = array<i32>} : memref<384xi32, #tpu.memory_space<vmem>>, vector<16xi32>,
          %broadcast_in_dim3A_1032 = arith.constant 0 : i32
          %broadcast_in_dim3A_1033 = vector.broadcast %broadcast_in_dim3A_1032 : i32 to vector<16xi32>
          %add3A_1034 = vector.broadcast %scan3A_765 : i32 to vector<16xi32>
          %add3A_1035 = arith.addi %broadcast_in_dim3A_1033, %add3A_1034 : vector<16xi32>
          %gather3A_1036 = tpu.vector_load_idx %arg8[%add3A_1035, %get3A_1031] : memref<32x384xf32, #tpu.memory_space<vmem>>[vector<16xi32>, vector<16xi32>], vector<16xf32>,
          %swap3A_1037 = arith.index_cast %scan3A_765 : i32 to index
          %swap3A_1038 = arith.constant 352 : index
          %swap3A_1039 = tpu.vector_load %arg9[%swap3A_1037, %swap3A_1038] {strides = array<i32>} : memref<32x384xf32, #tpu.memory_space<vmem>>, vector<16xf32>,
          tpu.vector_store %arg9[%swap3A_1037, %swap3A_1038], %gather3A_1036 {strides = array<i32>} : memref<32x384xf32, #tpu.memory_space<vmem>>, vector<16xf32>,
          %multiple_of3A_1040 = arith.constant 368 : i32
          %multiple_of3A_1041 = tpu.assume_multiple %multiple_of3A_1040, 8 : i32
          %get3A_1042 = arith.index_cast %multiple_of3A_1041 : i32 to index
          %get3A_1043 = tpu.vector_load %arg6[%get3A_1042] {strides = array<i32>} : memref<384xi32, #tpu.memory_space<vmem>>, vector<16xi32>,
          %broadcast_in_dim3A_1044 = arith.constant 0 : i32
          %broadcast_in_dim3A_1045 = vector.broadcast %broadcast_in_dim3A_1044 : i32 to vector<16xi32>
          %add3A_1046 = vector.broadcast %scan3A_765 : i32 to vector<16xi32>
          %add3A_1047 = arith.addi %broadcast_in_dim3A_1045, %add3A_1046 : vector<16xi32>
          %gather3A_1048 = tpu.vector_load_idx %arg8[%add3A_1047, %get3A_1043] : memref<32x384xf32, #tpu.memory_space<vmem>>[vector<16xi32>, vector<16xi32>], vector<16xf32>,
          %swap3A_1049 = arith.index_cast %scan3A_765 : i32 to index
          %swap3A_1050 = arith.constant 368 : index
          %swap3A_1051 = tpu.vector_load %arg9[%swap3A_1049, %swap3A_1050] {strides = array<i32>} : memref<32x384xf32, #tpu.memory_space<vmem>>, vector<16xf32>,
          tpu.vector_store %arg9[%swap3A_1049, %swap3A_1050], %gather3A_1048 {strides = array<i32>} : memref<32x384xf32, #tpu.memory_space<vmem>>, vector<16xf32>,
        }
        %scan3A_764 = arith.constant 32 : i32
        "tpu.region"() ({
          %run_scoped3A = tpu.sem_alloc : memref<!tpu.dma_semaphore, #tpu.memory_space<semaphore_mem>>
          %dma_start3A = arith.constant 0 : i32
          %dma_start3A_765 = tpu.memref_slice %arg4[%add3A_758, %dma_start3A] : memref<200704x384xf32, #tpu.memory_space<hbm>> -> memref<32x384xf32, #tpu.memory_space<hbm>>
          %dma_start3A_766 = arith.constant 0 : i32
          %dma_start3A_767 = tpu.memref_slice %arg4[%add3A_758, %dma_start3A_766] : memref<200704x384xf32, #tpu.memory_space<hbm>> -> memref<32x384xf32, #tpu.memory_space<hbm>>
          tpu.enqueue_dma source(%arg9 : memref<32x384xf32, #tpu.memory_space<vmem>>) target(%dma_start3A_767 : memref<32x384xf32, #tpu.memory_space<hbm>>) target_semaphore(%run_scoped3A : memref<!tpu.dma_semaphore, #tpu.memory_space<semaphore_mem>>)
          %dma_wait3A = arith.constant 0 : i32
          %dma_wait3A_768 = tpu.memref_slice %arg4[%add3A_758, %dma_wait3A] : memref<200704x384xf32, #tpu.memory_space<hbm>> -> memref<32x384xf32, #tpu.memory_space<hbm>>
          %dma_wait3A_769 = arith.constant 0 : i32
          %dma_wait3A_770 = tpu.memref_slice %arg4[%add3A_758, %dma_wait3A_769] : memref<200704x384xf32, #tpu.memory_space<hbm>> -> memref<32x384xf32, #tpu.memory_space<hbm>>
          tpu.wait_dma2 semaphore(%run_scoped3A : memref<!tpu.dma_semaphore, #tpu.memory_space<semaphore_mem>>) src(%arg9 : memref<32x384xf32, #tpu.memory_space<vmem>>) dst(%dma_wait3A_770 : memref<32x384xf32, #tpu.memory_space<hbm>>)
          tpu.yield
        }) : () -> ()
      }
      %scan3A_754 = arith.constant 196 : i32
    } else {
    }
    return
  }
}

</mosaic_0001>

<sc_bundles>
// kernel: _sc_gather.3.cloned.1.call-start
scs
__scs_entry_jumppad:
0x0: {  	(pc) =	sbr.rel $0x88, $3  }
0x1: {  	(tag) =	ssettag $0x0;
	lr =	simm.s32 $0x1  }
0x2: {  	[smem:$0x3F9F] =	sst lr;
	_ =	strace $0xD0000000  }
0x3: {  	_ = 	snop  }
0x4: {  	_ = 	snop  }
0x5: {  	_ = 	snop  }
0x6: {  	_ = 	snop  }
0x7: {  	_ = 	snop  }
__scs_overlays_trampoline_lowered:
0x8: {  	[smem:$0x3FAE] =	sst s0  }
0x9: {  	[smem:$0x3FAF] =	sst s1  }
0xa: {  	[smem:$0x3FB0] =	sst s2  }
0xb: {  	[smem:$0x3FB1] =	sst s3  }
0xc: {  	[smem:$0x3FB2] =	sst s4  }
0xd: {  	[smem:$0x3FB3] =	sst s5  }
0xe: {  	[smem:$0x3FB4] =	sst s6  }
0xf: {  	[smem:$0x3FB5] =	sst s7  }
0x10: {  	[smem:$0x3FB6] =	sst s8  }
0x11: {  	[smem:$0x3FB7] =	sst s9;
	s0 =	simm.s32 @!p0 $0x0  }
0x12: {  	s1 =	sld [smem:$0x3F9D];
	s0 =	simm.s32 @p0 $0x1  }
0x13: {  	[smem:$0x3FB8] =	sst s0;
	s0 =	simm.s32 @!p1 $0x0  }
0x14: {  	s2 =	sld [smem:$0x3F9C];
	s0 =	simm.s32 @p1 $0x1  }
0x15: {  	[smem:$0x3FB9] =	sst s0;
	s0 =	simm.s32 @!p2 $0x0  }
0x16: {  	s3 =	sld [smem:$0x3FDB];
	s0 =	simm.s32 @p2 $0x1  }
0x17: {  	s4 =	simm.s32 $0x1BF5;
	[smem:$0x3FBB] =	sst s0  }
0x18: {  	s0 =	sld [smem:$0x3F9E];
	_ =	swait.ge [sflag:s4], $0x0  }
0x19: {  	s7 =	sld [smem:$0x3F9F]  }
0x1a: {  	s8 =	sadd.s32 $0xFFFFE003, lr  }
0x1b: {  	s9 =	sadd.s32 $0xFFFFFEF7, lr;
	s5 =	simm.s32 $0xFFFFFFFF;
	p2 =	slt.u32 s8, $0xFFFFF086  }
0x1c: {  	p1 =	slt.u32 s9, $0xF7A;
	s5 =	simm.s32 @!p2 $0x0  }
0x1d: {  	s5 =	simm.s32 @p1 $0x1;
	p0 =	seq.s32 s7, s2  }
0x1e: {  	s7 =	smul.u32 @!p0 $0xF7A, s2;
	p2 =	seq.s32 @!p0 s5, $0x0  }
0x1f: {  	s9 =	smul.u32 $0xF7A, s1;
	s8 =	simm.s32 @!p0 $0x1BF5;
	p2 =	por !p2, p0  }
0x20: {  	[sflag:s8] =	ssyncset.s32 @!p0 $0xFFFFF086;
	s6 =	sadd.s32 @!p0 s3, s7;
	s7 =	simm.s32 @!p0 $0x108  }
0x21: {  	s3 =	sadd.s32 s3, s9;
	s6 =	sadd.s32 @!p0 $0x88, s6;
	s7 =	simm.s32 @p2 $0x1082  }
0x22: {  	[simem:s7], [sflag:s8] =	dma.local @!p0 [hbm:s6], $0xF7A  }
0x23: {  	s9 =	sor.u32 $0xD0000000, s2;
	s6 =	simm.s32 $0x108;
	_ =	swait.ge @!p0 [sflag:s8], $0x0  }
0x24: {  	s3 =	sadd.s32 $0x88, s3;
	s6 =	simm.s32 @!p1 $0x1082;
	[sflag:s4] =	ssyncset.s32 $0xFFFFF086  }
0x25: {  	[simem:s6], [sflag:s4] =	dma.local [hbm:s3], $0xF7A  }
0x26: {  	[smem:$0x3F9F] =	sst s1;
	(tag) =	ssettag s2;
	_ =	strace s9  }
0x27: {  	s1 =	sld [smem:$0x3FAF]  }
0x28: {  	s2 =	sld [smem:$0x3FB0]  }
0x29: {  	s4 =	sld [smem:$0x3FB2]  }
0x2a: {  	p0 =	seq.s32 s5, $0x0;
	s5 =	sld [smem:$0x3FB3]  }
0x2b: {  	s6 =	sld [smem:$0x3FB4]  }
0x2c: {  	s7 =	sld [smem:$0x3FB5]  }
0x2d: {  	s3 =	simm.s32 $0x108;
	s8 =	sld [smem:$0x3FB6]  }
0x2e: {  	s3 =	simm.s32 @!p0 $0x1082;
	s9 =	sld [smem:$0x3FB7]  }
0x2f: {  	lr =	sadd.s32 s0, s3;
	s0 =	sld [smem:$0x3FAE]  }
0x30: {  	s3 =	sld [smem:$0x3FB1]  }
0x31: {  	[smem:$0x3FBA] =	sst s10  }
0x32: {  	s10 =	sld [smem:$0x3FB8];
	_ =	sdelay $0x3  }
0x33: {  	p0 =	seq.s32 s10, $0x1;
	s10 =	sld [smem:$0x3FBA];
	_ =	sdelay $0x3  }
0x34: {  	[smem:$0x3FBA] =	sst s10  }
0x35: {  	s10 =	sld [smem:$0x3FB9];
	_ =	sdelay $0x3  }
0x36: {  	p1 =	seq.s32 s10, $0x1;
	s10 =	sld [smem:$0x3FBA];
	_ =	sdelay $0x3  }
0x37: {  	[smem:$0x3FBA] =	sst s10  }
0x38: {  	s10 =	sld [smem:$0x3FBB]  }
0x39: {  	_ = 	snop;
	(pc) =	sbr.ind lr, $3  }
0x3a: {  	_ = 	snop  }
0x3b: {  	_ = 	snop  }
0x3c: {  	p2 =	seq.s32 s10, $0x1;
	s10 =	sld [smem:$0x3FBA]  }
0x3d: {  	_ =	shalt  }
0x3e: {  	_ =	shalt  }
0x3f: {  	_ =	shalt  }
0x40: {  	_ =	shalt  }
0x41: {  	_ =	shalt  }
0x42: {  	_ =	shalt  }
0x43: {  	_ =	shalt  }
0x44: {  	_ =	shalt  }
0x45: {  	_ =	shalt  }
0x46: {  	_ =	shalt  }
0x47: {  	_ =	shalt  }
0x48: {  	_ =	shalt  }
0x49: {  	_ =	shalt  }
0x4a: {  	_ =	shalt  }
0x4b: {  	_ =	shalt  }
0x4c: {  	_ =	shalt  }
0x4d: {  	_ =	shalt  }
0x4e: {  	_ =	shalt  }
0x4f: {  	_ =	shalt  }
0x50: {  	_ =	shalt  }
0x51: {  	_ =	shalt  }
0x52: {  	_ =	shalt  }
0x53: {  	_ =	shalt  }
0x54: {  	_ =	shalt  }
0x55: {  	_ =	shalt  }
0x56: {  	_ =	shalt  }
0x57: {  	_ =	shalt  }
0x58: {  	_ =	shalt  }
0x59: {  	_ =	shalt  }
0x5a: {  	_ =	shalt  }
0x5b: {  	_ =	shalt  }
0x5c: {  	_ =	shalt  }
0x5d: {  	_ =	shalt  }
0x5e: {  	_ =	shalt  }
0x5f: {  	_ =	shalt  }
0x60: {  	_ =	shalt  }
0x61: {  	_ =	shalt  }
0x62: {  	_ =	shalt  }
0x63: {  	_ =	shalt  }
0x64: {  	_ =	shalt  }
0x65: {  	_ =	shalt  }
0x66: {  	_ =	shalt  }
0x67: {  	_ =	shalt  }
0x68: {  	_ =	shalt  }
0x69: {  	_ =	shalt  }
0x6a: {  	_ =	shalt  }
0x6b: {  	_ =	shalt  }
0x6c: {  	_ =	shalt  }
0x6d: {  	_ =	shalt  }
0x6e: {  	_ =	shalt  }
0x6f: {  	_ =	shalt  }
0x70: {  	_ =	shalt  }
0x71: {  	_ =	shalt  }
0x72: {  	_ =	shalt  }
0x73: {  	_ =	shalt  }
0x74: {  	_ =	shalt  }
0x75: {  	_ =	shalt  }
0x76: {  	_ =	shalt  }
0x77: {  	_ =	shalt  }
0x78: {  	_ =	shalt  }
0x79: {  	_ =	shalt  }
0x7a: {  	_ =	shalt  }
0x7b: {  	_ =	shalt  }
0x7c: {  	_ =	shalt  }
0x7d: {  	_ =	shalt  }
0x7e: {  	_ =	shalt  }
0x7f: {  	_ =	shalt  }
0x80: {  	_ =	shalt  }
0x81: {  	_ =	shalt  }
0x82: {  	_ =	shalt  }
0x83: {  	_ =	shalt  }
0x84: {  	_ =	shalt  }
0x85: {  	_ =	shalt  }
0x86: {  	_ =	shalt  }
0x87: {  	_ =	shalt  }
.Lfunc_end0:
.L_simem_size_0:
called_computation_lowered:
.L_overlay_start_0:
0x88: {  	s2 =	sld [smem:$0x3FD9]  }
0x89: {  	s3 =	sld [smem:$0x3FFE];
	_ =	sdelay $0x1  }
0x8a: {  	s1 =	srdreg.scid  }
0x8b: {  	s0 =	sand.u32 $0x1, s1  }
0x8c: {  	s18 =	sshll.u32 s0, $0xA;
	s2 =	sadd.s32 s3, s2  }
0x8d: {  	s2 =	sadd.s32 s2, s18  }
0x8e: {  	[smem:$0x3FC6] =	sst s2  }
0x8f: {  	_ = 	snop  }
0x90: {  	s2 =	sld [smem:$0x3FC9]  }
0x91: {  	s19 =	sld [smem:$0x3FC8]  }
0x92: {  	s4 =	sld [smem:$0x3FD0];
	(tm) =	ssettm $0x1  }
0x93: {  	s5 =	sld [smem:$0x3FFB];
	_ =	sdelay $0x3  }
0x94: {  	_ =	strace s5  }
0x95: {  	s5 =	sld [smem:$0x3FFC];
	_ =	sdelay $0x3  }
0x96: {  	_ =	strace s5  }
0x97: {  	s5 =	sld [smem:$0x3FFD];
	_ =	sdelay $0x3  }
0x98: {  	_ =	strace s5  }
0x99: {  	_ =	strace $0x8FFFFFFF  }
0x9a: {  	s20 =	sld [smem:$0x3FDB];
	_ =	sdelay $0x1  }
0x9b: {  	s6 =	simm.s32 $_scs_section_size  }
0x9c: {  	s7 =	simm.s32 $_size__tile_overlayer_lowered;
	s8 =	simm.s32 $_tile_overlayer_lowered  }
0x9d: {  	s23 =	simm.s32 $0x1BFF;
	s22 =	sshll.u32 s8, $0x1;
	s5 =	sadd.s32 s6, s20  }
0x9e: {  	s9 =	simm.s32 $0x0;
	s21 =	sshll.u32 s7, $0x1;
	s7 =	sadd.s32 s22, s5  }
0x9f: {  	[timem:s9], [sflag:s23] =	dma.local [hbm:s7], s21  }
0xa0: {  	_ =	swait.ge [sflag:s23], s21  }
0xa1: {  	s6 =	ssub.s32 $0x0, s21;
	[sflag:s23] =	ssyncset.done $0x0  }
0xa2: {  	[sflag:s23] =	ssyncadd.s32 s6;
	_ =	sdelay $0x1  }
0xa3: {  	s24 =	simm.s32 $0x1B8B  }
0xa4: {  	_ =	swait.ge [sflag:s24], $0x1  }
0xa5: {  	[sflag:s24] =	ssyncset.done $0x0  }
0xa6: {  	s25 =	simm.s32 $0x1B8E;
	[sflag:s24] =	ssyncadd.s32 $0xFFFFFFFF  }
0xa7: {  	s26 =	simm.s32 $execute0_lowered;
	[smem:$0x3FD2] =	sst s25  }
0xa8: {  	s6 =	sshll.u32 s26, $0x1;
	_ =	strace $0x80000046;
	[dreg:$0x1] =	wrdreg $0xFFFFFFFF  }
0xa9: {  	s28 =	simm.s32 $_size_execute0_lowered;
	s5 =	sadd.s32 s5, s6;
	[dreg:$0x0] =	wrdreg $0x0  }
0xaa: {  	s6 =	sshll.u32 s28, $0x1;
	[dreg:$0x2] =	wrdreg s5  }
0xab: {  	[dreg:$0x3] =	wrdreg s6  }
0xac: {  	[dreg:$0x4] =	wrdreg $0xC0  }
0xad: {  	_ =	task [dreg:s9], $0x5FFFF  }
0xae: {  	[dreg:$0x1] =	wrdreg $0xFFFFFFFF  }
0xaf: {  	[dreg:$0x0] =	wrdreg $0x60  }
0xb0: {  	[dreg:$0x2] =	wrdreg s2  }
0xb1: {  	[dreg:$0x3] =	wrdreg s19  }
0xb2: {  	[dreg:$0x4] =	wrdreg s4  }
0xb3: {  	[dreg:$0x5] =	wrdreg $0x3000  }
0xb4: {  	[dreg:$0x6] =	wrdreg $0x9  }
0xb5: {  	_ =	task.clear_ibuf [dreg:s9], $0x7FFFF;
	_ =	strace $0x90000046  }
0xb6: {  	s29 =	simm.s32 $0x9;
	_ =	strace $0x80000048  }
0xb7: {  	_ =	swait.ge [sflag:s29], $0x1  }
0xb8: {  	[sflag:s29] =	ssyncadd.s32 $0xFFFFFFFF  }
0xb9: {  	_ =	strace $0x90000048  }
0xba: {  	_ =	sfence  }
0xbb: {  	s30 =	sld [smem:$0x0];
	_ =	sdelay $0x2  }
0xbc: {  	s31 =	sshll.u32 s1, $0xD;
	s1 =	sshrl.u32 s1, $0x2  }
0xbd: {  	s3 =	sand.u32 $0x4000, s31;
	s1 =	sadd.s32 s1, s30  }
0xbe: {  	s0 =	sor.u32 s3, s0;
	s1 =	sshll.u32 s1, $0x11  }
0xbf: {  	s0 =	sor.u32 s1, s0  }
0xc0: {  	s0 =	sadd.s32 $0x8F2B, s0  }
0xc1: {  	[sflag:s0] =	ssyncadd.remote.s32 $0x1  }
0xc2: {  	_ =	sfence.sel $0xFFFF  }
0xc3: {  	[dreg:$0x0] =	wrdreg $0xFFFFFFFF;
	(pc) =	sbr.abs _section_cstart, $3  }
0xc4: {  	[dreg:$0x1] =	wrdreg $0xFFFFFFFF  }
0xc5: {  	_ =	task.clear_ibuf [dreg:s9], $0x2FFFF;
	_ =	strace $0x9FFFFFFF  }
0xc6: {  	(tm) =	ssettm $0x7FFFFFFF  }
0xc7: {  	_ =	shalt  }
tec
execute0_lowered:
.L_overlay_start_1:
0x0: {  	(tag) =	ssettag $0x1  }
0x1: {  	s0 =	srdreg.scid;
	s1 =	stileid.u32  }
0x2: {  	s0 =	sand.u32 $0x1, s0;
	s2 =	sshll.u32 s1, $0x1  }
0x3: {  	s9 =	rddreg [dreg:$0x0];
	s2 =	sor.u32 s0, s2  }
0x4: {  	s10 =	rddreg [dreg:$0x2];
	s5 =	smul.u32 $0x1880, s2  }
0x5: {  	s3 =	rddreg [dreg:$0x3]  }
0x6: {  	s11 =	simm.s32 $0x0;
	s6 =	smul.u32 $0x54000, s1;
	s2 =	sshrl.u32 s5, $0x3  }
0x7: {  	[smem:$0x7FF] =	sst s11;
	s0 =	ssub.s32 $0x2, s0;
	s7 =	smul.u32 $0xC00, s2  }
0x8: {  	s8 =	sshrl.u32 s0, $0x1;
	s6 =	sshrl.u32 s6, $0x2;
	s2 =	smul.u32 $0x180, s2  }
0x9: {  	_ =	strace $0x80000047;
	s0 =	ssub.s32 s0, s8;
	s1 =	sadd.s32 s6, s3  }
0xa: {  	[dreg:$0x5] =	wrdreg s1;
	s0 =	smax.u32 s0, $0x1;
	s23 =	sadd.s32 $0x2A00, s2  }
0xb: {  	[smem:$0x7FD] =	sst s0;
	s25 =	sadd.s32 $0x3F00, s2;
	s24 =	sadd.s32 s9, s23  }
0xc: {  	s7 =	sshrl.u32 s7, $0x3;
	s26 =	sadd.s32 s9, s25;
	[dreg:$0x7] =	wrdreg s24  }
0xd: {  	s28 =	sadd.s32 $0x5400, s2;
	s29 =	sadd.s32 s10, s23;
	[dreg:$0x9] =	wrdreg s26  }
0xe: {  	s31 =	sadd.s32 $0x6900, s2;
	s30 =	sadd.s32 s9, s28;
	[dreg:$0xa] =	wrdreg s29  }
0xf: {  	s22 =	sadd.s32 $0x1500, s7;
	s7 =	sadd.s32 s10, s25;
	[dreg:$0xb] =	wrdreg s30  }
0x10: {  	s12 =	sadd.s32 $0x7E00, s2;
	s8 =	sadd.s32 s9, s31;
	[dreg:$0xc] =	wrdreg s7  }
0x11: {  	s13 =	sadd.s32 s9, s12;
	[dreg:$0xd] =	wrdreg s8  }
0x12: {  	s14 =	sadd.s32 $0x9300, s2;
	s15 =	sadd.s32 s10, s31;
	[dreg:$0xf] =	wrdreg s13  }
0x13: {  	s16 =	sadd.s32 s9, s14;
	[dreg:$0x10] =	wrdreg s15  }
0x14: {  	s18 =	sadd.s32 $0xA800, s2;
	s17 =	sadd.s32 s10, s12;
	[dreg:$0x11] =	wrdreg s16  }
0x15: {  	s20 =	sadd.s32 s9, s18;
	[dreg:$0x12] =	wrdreg s17  }
0x16: {  	s21 =	sadd.s32 s10, s18;
	[dreg:$0x14] =	wrdreg s20  }
0x17: {  	s4 =	sadd.s32 s9, s22;
	[dreg:$0x15] =	wrdreg s21  }
0x18: {  	s19 =	sadd.s32 $0xBD00, s2;
	s3 =	sadd.s32 s10, s22;
	[dreg:$0x6] =	wrdreg s4  }
0x19: {  	s23 =	sadd.s32 $0xD200, s2;
	s22 =	sadd.s32 s9, s19;
	[dreg:$0x8] =	wrdreg s3  }
0x1a: {  	s18 =	sadd.s32 $0x16500, s2;
	s25 =	sadd.s32 s9, s23;
	[dreg:$0x16] =	wrdreg s22  }
0x1b: {  	s20 =	sadd.s32 s9, s18;
	[dreg:$0x18] =	wrdreg s25  }
0x1c: {  	s21 =	sadd.s32 s10, s18;
	[smem:$0x7AD] =	sst s20  }
0x1d: {  	s24 =	sadd.s32 $0xE700, s2;
	s3 =	sadd.s32 s10, s28;
	[smem:$0x7AE] =	sst s21  }
0x1e: {  	s26 =	sadd.s32 s9, s24;
	[dreg:$0xe] =	wrdreg s3  }
0x1f: {  	s29 =	sadd.s32 $0xFC00, s2;
	s28 =	sadd.s32 s10, s24;
	[dreg:$0x1a] =	wrdreg s26  }
0x20: {  	s30 =	sadd.s32 $0x11100, s2;
	s31 =	sadd.s32 s9, s29;
	[dreg:$0x1b] =	wrdreg s28  }
0x21: {  	s7 =	sadd.s32 s9, s30;
	[dreg:$0x1c] =	wrdreg s31  }
0x22: {  	s13 =	sadd.s32 $0x13B00, s2;
	s8 =	sadd.s32 s10, s30;
	[dreg:$0x1e] =	wrdreg s7  }
0x23: {  	s15 =	sadd.s32 s9, s13;
	[dreg:$0x1f] =	wrdreg s8  }
0x24: {  	s16 =	sadd.s32 s10, s13;
	[smem:$0x7A9] =	sst s15  }
0x25: {  	s12 =	sadd.s32 $0x12600, s2;
	s3 =	sadd.s32 s10, s14;
	[smem:$0x7AA] =	sst s16  }
0x26: {  	s22 =	sadd.s32 $0x17A00, s2;
	s14 =	sadd.s32 s9, s12;
	[dreg:$0x13] =	wrdreg s3  }
0x27: {  	s6 =	sadd.s32 $0x1CE00, s2;
	s24 =	sadd.s32 s9, s22;
	[smem:$0x7A7] =	sst s14  }
0x28: {  	s8 =	sadd.s32 s9, s6;
	[smem:$0x7AF] =	sst s24  }
0x29: {  	s17 =	sadd.s32 $0x15000, s2;
	s3 =	sadd.s32 s10, s19;
	[smem:$0x7B7] =	sst s8  }
0x2a: {  	s28 =	sadd.s32 $0x1A400, s2;
	s19 =	sadd.s32 s9, s17;
	[dreg:$0x17] =	wrdreg s3  }
0x2b: {  	s7 =	sadd.s32 $0x1E300, s2;
	s30 =	sadd.s32 s9, s28;
	[smem:$0x7AB] =	sst s19  }
0x2c: {  	s15 =	sadd.s32 $0x20D00, s2;
	s13 =	sadd.s32 s10, s7;
	[smem:$0x7B3] =	sst s30  }
0x2d: {  	s18 =	sadd.s32 s10, s15;
	[smem:$0x7BA] =	sst s13  }
0x2e: {  	s14 =	sadd.s32 $0x1F800, s2;
	s3 =	sadd.s32 s10, s23;
	[smem:$0x7BE] =	sst s18  }
0x2f: {  	s16 =	sadd.s32 s9, s14;
	[dreg:$0x19] =	wrdreg s3  }
0x30: {  	s23 =	sadd.s32 $0x18F00, s2;
	s3 =	sadd.s32 s10, s29;
	[smem:$0x7BB] =	sst s16  }
0x31: {  	s25 =	sadd.s32 s9, s23;
	[dreg:$0x1d] =	wrdreg s3  }
0x32: {  	s19 =	sadd.s32 $0x22200, s2;
	s26 =	sadd.s32 s10, s23;
	[smem:$0x7B1] =	sst s25  }
0x33: {  	s20 =	sadd.s32 $0x23700, s2;
	s21 =	sadd.s32 s9, s19;
	[smem:$0x7B2] =	sst s26  }
0x34: {  	s23 =	sadd.s32 s10, s20;
	[smem:$0x7BF] =	sst s21  }
0x35: {  	s29 =	sadd.s32 $0x1B900, s2;
	s3 =	sadd.s32 s10, s12;
	[smem:$0x7C2] =	sst s23  }
0x36: {  	s31 =	sadd.s32 s9, s29;
	[smem:$0x7A8] =	sst s3  }
0x37: {  	s4 =	sadd.s32 s10, s29;
	[smem:$0x7B5] =	sst s31  }
0x38: {  	s24 =	sadd.s32 $0x24C00, s2;
	s12 =	sadd.s32 s9, s7;
	[smem:$0x7B6] =	sst s4  }
0x39: {  	s30 =	sadd.s32 $0x27600, s2;
	s26 =	sadd.s32 s9, s24;
	[smem:$0x7B9] =	sst s12  }
0x3a: {  	s7 =	sadd.s32 s9, s30;
	[smem:$0x7C3] =	sst s26  }
0x3b: {  	s3 =	sadd.s32 s10, s17;
	[smem:$0x7C7] =	sst s7  }
0x3c: {  	s25 =	sadd.s32 $0x26100, s2;
	s17 =	sadd.s32 s9, s15;
	[smem:$0x7AC] =	sst s3  }
0x3d: {  	s13 =	sadd.s32 $0x2A000, s2;
	s29 =	sadd.s32 s10, s25;
	[smem:$0x7BD] =	sst s17  }
0x3e: {  	s15 =	sadd.s32 s9, s13;
	[smem:$0x7C6] =	sst s29  }
0x3f: {  	s3 =	sadd.s32 s10, s22;
	[smem:$0x7CB] =	sst s15  }
0x40: {  	s31 =	sadd.s32 $0x28B00, s2;
	s22 =	sadd.s32 s9, s20;
	[smem:$0x7B0] =	sst s3  }
0x41: {  	s8 =	sadd.s32 s9, s31;
	[smem:$0x7C1] =	sst s22  }
0x42: {  	s18 =	sadd.s32 $0x2CA00, s2;
	s12 =	sadd.s32 s10, s31;
	[smem:$0x7C9] =	sst s8  }
0x43: {  	s20 =	sadd.s32 s9, s18;
	[smem:$0x7CA] =	sst s12  }
0x44: {  	s3 =	sadd.s32 s10, s28;
	[smem:$0x7CF] =	sst s20  }
0x45: {  	s23 =	sadd.s32 $0x2F400, s2;
	s28 =	sadd.s32 s9, s25;
	[smem:$0x7B4] =	sst s3  }
0x46: {  	s29 =	sadd.s32 $0x31E00, s2;
	s25 =	sadd.s32 s9, s23;
	[smem:$0x7C5] =	sst s28  }
0x47: {  	s31 =	sadd.s32 s9, s29;
	[smem:$0x7D3] =	sst s25  }
0x48: {  	s3 =	sadd.s32 s10, s6;
	[smem:$0x7D7] =	sst s31  }
0x49: {  	[smem:$0x7B8] =	sst s3;
	s3 =	sadd.s32 s10, s14  }
0x4a: {  	s14 =	sadd.s32 $0x2B500, s2;
	[smem:$0x7BC] =	sst s3;
	s3 =	sadd.s32 s10, s19  }
0x4b: {  	s16 =	sadd.s32 s9, s14;
	[smem:$0x7C0] =	sst s3  }
0x4c: {  	s12 =	sadd.s32 $0x34800, s2;
	s17 =	sadd.s32 s10, s14;
	[smem:$0x7CD] =	sst s16  }
0x4d: {  	s14 =	sadd.s32 s9, s12;
	[smem:$0x7CE] =	sst s17  }
0x4e: {  	s19 =	sadd.s32 $0x2DF00, s2;
	s3 =	sadd.s32 s10, s24;
	[smem:$0x7DB] =	sst s14  }
0x4f: {  	s21 =	sadd.s32 s9, s19;
	[smem:$0x7C4] =	sst s3  }
0x50: {  	s22 =	sadd.s32 s10, s19;
	[smem:$0x7D1] =	sst s21  }
0x51: {  	s24 =	sadd.s32 $0x30900, s2;
	s3 =	sadd.s32 s10, s30;
	[smem:$0x7D2] =	sst s22  }
0x52: {  	s26 =	sadd.s32 s9, s24;
	[smem:$0x7C8] =	sst s3  }
0x53: {  	s17 =	sadd.s32 $0x37200, s2;
	s28 =	sadd.s32 s10, s24;
	[smem:$0x7D5] =	sst s26  }
0x54: {  	s19 =	sadd.s32 s9, s17;
	[smem:$0x7D6] =	sst s28  }
0x55: {  	s30 =	sadd.s32 $0x33300, s2;
	s3 =	sadd.s32 s10, s13;
	[smem:$0x7DF] =	sst s19  }
0x56: {  	s7 =	sadd.s32 s9, s30;
	[smem:$0x7CC] =	sst s3  }
0x57: {  	s22 =	sadd.s32 $0x39C00, s2;
	s8 =	sadd.s32 s10, s30;
	[smem:$0x7D9] =	sst s7  }
0x58: {  	s24 =	sadd.s32 s9, s22;
	[smem:$0x7DA] =	sst s8  }
0x59: {  	s13 =	sadd.s32 $0x35D00, s2;
	s3 =	sadd.s32 s10, s18;
	[smem:$0x7E3] =	sst s24  }
0x5a: {  	s15 =	sadd.s32 s9, s13;
	[smem:$0x7D0] =	sst s3  }
0x5b: {  	s28 =	sadd.s32 $0x3C600, s2;
	s16 =	sadd.s32 s10, s13;
	[smem:$0x7DD] =	sst s15  }
0x5c: {  	s6 =	sadd.s32 $0x3F000, s2;
	s30 =	sadd.s32 s9, s28;
	[smem:$0x7DE] =	sst s16  }
0x5d: {  	s8 =	sadd.s32 s9, s6;
	[smem:$0x7E7] =	sst s30  }
0x5e: {  	s24 =	sadd.s32 s9, s2;
	[smem:$0x7EB] =	sst s8  }
0x5f: {  	s18 =	sadd.s32 $0x38700, s2;
	s3 =	sadd.s32 s10, s23;
	[smem:$0x7F7] =	sst s24  }
0x60: {  	s20 =	sadd.s32 s9, s18;
	[smem:$0x7D4] =	sst s3  }
0x61: {  	s7 =	sadd.s32 $0x40500, s2;
	s21 =	sadd.s32 s10, s18;
	[smem:$0x7E1] =	sst s20  }
0x62: {  	s14 =	sadd.s32 $0x41A00, s2;
	s13 =	sadd.s32 s10, s7;
	[smem:$0x7E2] =	sst s21  }
0x63: {  	s16 =	sadd.s32 s9, s14;
	[smem:$0x7EE] =	sst s13  }
0x64: {  	s23 =	sadd.s32 $0x3B100, s2;
	s3 =	sadd.s32 s10, s29;
	[smem:$0x7EF] =	sst s16  }
0x65: {  	s25 =	sadd.s32 s9, s23;
	[smem:$0x7D8] =	sst s3  }
0x66: {  	s15 =	sadd.s32 $0x42F00, s2;
	s26 =	sadd.s32 s10, s23;
	[smem:$0x7E5] =	sst s25  }
0x67: {  	s19 =	sadd.s32 $0x44400, s2;
	s18 =	sadd.s32 s10, s15;
	[smem:$0x7E6] =	sst s26  }
0x68: {  	s21 =	sadd.s32 s9, s19;
	[smem:$0x7F2] =	sst s18  }
0x69: {  	s29 =	sadd.s32 $0x3DB00, s2;
	s3 =	sadd.s32 s10, s12;
	[smem:$0x7F3] =	sst s21  }
0x6a: {  	s31 =	sadd.s32 s9, s29;
	[smem:$0x7DC] =	sst s3  }
0x6b: {  	s4 =	sadd.s32 s10, s29;
	[smem:$0x7E9] =	sst s31  }
0x6c: {  	s20 =	sadd.s32 $0x45900, s2;
	s12 =	sadd.s32 s9, s7;
	[smem:$0x7EA] =	sst s4  }
0x6d: {  	s23 =	sadd.s32 s10, s20;
	[smem:$0x7ED] =	sst s12  }
0x6e: {  	s26 =	sadd.s32 s10, s2;
	[smem:$0x7F6] =	sst s23  }
0x6f: {  	s25 =	sadd.s32 $0x46E00, s2;
	s3 =	sadd.s32 s10, s17;
	[smem:$0x7F8] =	sst s26  }
0x70: {  	s2 =	sadd.s32 $0x48300, s2;
	s17 =	sadd.s32 s9, s15;
	[smem:$0x7E0] =	sst s3  }
0x71: {  	s30 =	sadd.s32 s9, s2;
	[smem:$0x7F1] =	sst s17  }
0x72: {  	s16 =	simm.s32 $0x5;
	s31 =	sadd.s32 s10, s2;
	[smem:$0x7FB] =	sst s30  }
0x73: {  	v0 =	vlaneseq.u32;
	s29 =	sadd.s32 $0xA800, s1;
	s3 =	sadd.s32 s10, s22;
	[smem:$0x7FC] =	sst s31  }
0x74: {  	v1 =	vimm.s32 $0x0;
	v2 =	vor.u32 $0x10, v0;
	v3 =	vor.u32 $0x20, v0;
	s18 =	simm.s32 $0x1;
	s22 =	sadd.s32 s9, s20;
	[smem:$0x7E4] =	sst s3  }
0x75: {  	v4 =	vor.u32 $0x30, v0;
	v5 =	vor.u32 $0x40, v0;
	v6 =	vor.u32 $0x50, v0;
	s21 =	simm.s32 $0x4;
	s3 =	sadd.s32 s10, s28;
	[smem:$0x7F5] =	sst s22  }
0x76: {  	v7 =	vor.u32 $0x60, v0;
	v8 =	vor.u32 $0x70, v0;
	v9 =	vor.u32 $0x80, v0;
	s1 =	simm.s32 $0x0;
	s28 =	sadd.s32 s9, s25;
	[smem:$0x7E8] =	sst s3  }
.Ltmp0:
0x77: {  	v10 =	vor.u32 $0x90, v0;
	v11 =	vor.u32 $0xA0, v0;
	v12 =	vor.u32 $0xB0, v0;
	s3 =	sadd.s32 s10, s6;
	[smem:$0x7F9] =	sst s28;
	(pc) =	sbr.rel .LBB2_1-.Ltmp0, $4  }
0x78: {  	v13 =	vor.u32 $0xC0, v0;
	v14 =	vor.u32 $0xD0, v0;
	v15 =	vor.u32 $0xE0, v0;
	s15 =	sshrl.u32 s29, $0x3;
	[smem:$0x7EC] =	sst s3;
	s3 =	sadd.s32 s10, s14  }
0x79: {  	v16 =	vor.u32 $0xF0, v0;
	v17 =	vor.u32 $0x100, v0;
	v18 =	vor.u32 $0x110, v0;
	s17 =	simm.s32 $0x180;
	[smem:$0x7F0] =	sst s3;
	s3 =	sadd.s32 s10, s19  }
0x7a: {  	v19 =	vor.u32 $0x120, v0;
	v20 =	vor.u32 $0x130, v0;
	v21 =	vor.u32 $0x140, v0;
	s20 =	simm.s32 $0x2;
	[smem:$0x7F4] =	sst s3;
	s3 =	sadd.s32 s10, s25  }
0x7b: {  	v22 =	vor.u32 $0x150, v0;
	v23 =	vor.u32 $0x160, v0;
	v24 =	vor.u32 $0x170, v0;
	s22 =	simm.s32 $0x15300;
	s19 =	simm.s32 $0x3;
	[smem:$0x7FA] =	sst s3  }
.LBB2_2:
0x7c: {  	s0 =	stileid.u32;
	s12 =	sld [smem:$0x7F7]  }
0x7d: {  	s1 =	rddreg [dreg:$0x5];
	s0 =	sshll.u32 s0, $0x6  }
0x7e: {  	s25 =	sshrl.u32 s1, $0x3;
	s29 =	sor.u32 $0x1C01, s0  }
0x7f: {  	[spmem:s25], [sflag:s29] =	dma.local [hbm:s12], $0x1500  }
0x80: {  	s26 =	sor.u32 $0x1C02, s0;
	s1 =	rddreg [dreg:$0x6]  }
0x81: {  	[spmem:s15], [sflag:s26] =	dma.local [hbm:s1], $0x1500  }
0x82: {  	_ =	swait.ge [sflag:s18], $0x1500  }
0x83: {  	s13 =	sld [smem:$0x7F8]  }
0x84: {  	[sflag:s18] =	ssyncset.done $0x0  }
0x85: {  	s28 =	sor.u32 $0x1C03, s0;
	[sflag:s18] =	ssyncadd.s32 $0xFFFFEB00  }
0x86: {  	[hbm:s13], [sflag:s28] =	dma.local [spmem:s25], $0x1500  }
0x87: {  	_ =	swait.ge [sflag:s19], $0x1500  }
0x88: {  	[sflag:s19] =	ssyncset.done $0x0  }
0x89: {  	s14 =	rddreg [dreg:$0x7];
	[sflag:s19] =	ssyncadd.s32 $0xFFFFEB00  }
0x8a: {  	[spmem:s25], [sflag:s29] =	dma.local [hbm:s14], $0x1500  }
0x8b: {  	_ =	swait.ge [sflag:s20], $0x1500  }
0x8c: {  	[sflag:s20] =	ssyncset.done $0x0  }
0x8d: {  	s30 =	sor.u32 $0x1C04, s0;
	s23 =	rddreg [dreg:$0x8];
	[sflag:s20] =	ssyncadd.s32 $0xFFFFEB00  }
0x8e: {  	[hbm:s23], [sflag:s30] =	dma.local [spmem:s15], $0x1500  }
0x8f: {  	_ =	swait.ge [sflag:s21], $0x1500  }
0x90: {  	[sflag:s21] =	ssyncset.done $0x0  }
0x91: {  	s24 =	rddreg [dreg:$0x9];
	[sflag:s21] =	ssyncadd.s32 $0xFFFFEB00  }
0x92: {  	[spmem:s15], [sflag:s26] =	dma.local [hbm:s24], $0x1500  }
0x93: {  	_ =	swait.ge [sflag:s18], $0x1500  }
0x94: {  	[sflag:s18] =	ssyncset.done $0x0  }
0x95: {  	s31 =	rddreg [dreg:$0xa];
	[sflag:s18] =	ssyncadd.s32 $0xFFFFEB00  }
0x96: {  	[hbm:s31], [sflag:s28] =	dma.local [spmem:s25], $0x1500  }
0x97: {  	_ =	swait.ge [sflag:s19], $0x1500  }
0x98: {  	[sflag:s19] =	ssyncset.done $0x0  }
0x99: {  	s1 =	rddreg [dreg:$0xb];
	[sflag:s19] =	ssyncadd.s32 $0xFFFFEB00  }
0x9a: {  	[spmem:s25], [sflag:s29] =	dma.local [hbm:s1], $0x1500  }
0x9b: {  	_ =	swait.ge [sflag:s20], $0x1500  }
0x9c: {  	[sflag:s20] =	ssyncset.done $0x0  }
0x9d: {  	s2 =	rddreg [dreg:$0xc];
	[sflag:s20] =	ssyncadd.s32 $0xFFFFEB00  }
0x9e: {  	[hbm:s2], [sflag:s30] =	dma.local [spmem:s15], $0x1500  }
0x9f: {  	_ =	swait.ge [sflag:s21], $0x1500  }
0xa0: {  	[sflag:s21] =	ssyncset.done $0x0  }
0xa1: {  	s3 =	rddreg [dreg:$0xd];
	[sflag:s21] =	ssyncadd.s32 $0xFFFFEB00  }
0xa2: {  	[spmem:s15], [sflag:s26] =	dma.local [hbm:s3], $0x1500  }
0xa3: {  	_ =	swait.ge [sflag:s18], $0x1500  }
0xa4: {  	[sflag:s18] =	ssyncset.done $0x0  }
0xa5: {  	s4 =	rddreg [dreg:$0xe];
	[sflag:s18] =	ssyncadd.s32 $0xFFFFEB00  }
0xa6: {  	[hbm:s4], [sflag:s28] =	dma.local [spmem:s25], $0x1500  }
0xa7: {  	_ =	swait.ge [sflag:s19], $0x1500  }
0xa8: {  	[sflag:s19] =	ssyncset.done $0x0  }
0xa9: {  	s6 =	rddreg [dreg:$0xf];
	[sflag:s19] =	ssyncadd.s32 $0xFFFFEB00  }
0xaa: {  	[spmem:s25], [sflag:s29] =	dma.local [hbm:s6], $0x1500  }
0xab: {  	_ =	swait.ge [sflag:s20], $0x1500  }
0xac: {  	[sflag:s20] =	ssyncset.done $0x0  }
0xad: {  	s7 =	rddreg [dreg:$0x10];
	[sflag:s20] =	ssyncadd.s32 $0xFFFFEB00  }
0xae: {  	[hbm:s7], [sflag:s30] =	dma.local [spmem:s15], $0x1500  }
0xaf: {  	_ =	swait.ge [sflag:s21], $0x1500  }
0xb0: {  	[sflag:s21] =	ssyncset.done $0x0  }
0xb1: {  	s8 =	rddreg [dreg:$0x11];
	[sflag:s21] =	ssyncadd.s32 $0xFFFFEB00  }
0xb2: {  	[spmem:s15], [sflag:s26] =	dma.local [hbm:s8], $0x1500  }
0xb3: {  	_ =	swait.ge [sflag:s18], $0x1500  }
0xb4: {  	[sflag:s18] =	ssyncset.done $0x0  }
0xb5: {  	s12 =	rddreg [dreg:$0x12];
	[sflag:s18] =	ssyncadd.s32 $0xFFFFEB00  }
0xb6: {  	[hbm:s12], [sflag:s28] =	dma.local [spmem:s25], $0x1500  }
0xb7: {  	_ =	swait.ge [sflag:s19], $0x1500  }
0xb8: {  	[sflag:s19] =	ssyncset.done $0x0  }
0xb9: {  	s13 =	rddreg [dreg:$0x14];
	[sflag:s19] =	ssyncadd.s32 $0xFFFFEB00  }
0xba: {  	[spmem:s25], [sflag:s29] =	dma.local [hbm:s13], $0x1500  }
0xbb: {  	_ =	swait.ge [sflag:s20], $0x1500  }
0xbc: {  	[sflag:s20] =	ssyncset.done $0x0  }
0xbd: {  	s14 =	rddreg [dreg:$0x13];
	[sflag:s20] =	ssyncadd.s32 $0xFFFFEB00  }
0xbe: {  	[hbm:s14], [sflag:s30] =	dma.local [spmem:s15], $0x1500  }
0xbf: {  	_ =	swait.ge [sflag:s21], $0x1500  }
0xc0: {  	[sflag:s21] =	ssyncset.done $0x0  }
0xc1: {  	s23 =	rddreg [dreg:$0x16];
	[sflag:s21] =	ssyncadd.s32 $0xFFFFEB00  }
0xc2: {  	[spmem:s15], [sflag:s26] =	dma.local [hbm:s23], $0x1500  }
0xc3: {  	_ =	swait.ge [sflag:s18], $0x1500  }
0xc4: {  	[sflag:s18] =	ssyncset.done $0x0  }
0xc5: {  	s24 =	rddreg [dreg:$0x15];
	[sflag:s18] =	ssyncadd.s32 $0xFFFFEB00  }
0xc6: {  	[hbm:s24], [sflag:s28] =	dma.local [spmem:s25], $0x1500  }
0xc7: {  	_ =	swait.ge [sflag:s19], $0x1500  }
0xc8: {  	[sflag:s19] =	ssyncset.done $0x0  }
0xc9: {  	s31 =	rddreg [dreg:$0x18];
	[sflag:s19] =	ssyncadd.s32 $0xFFFFEB00  }
0xca: {  	[spmem:s25], [sflag:s29] =	dma.local [hbm:s31], $0x1500  }
0xcb: {  	_ =	swait.ge [sflag:s20], $0x1500  }
0xcc: {  	[sflag:s20] =	ssyncset.done $0x0  }
0xcd: {  	s1 =	rddreg [dreg:$0x17];
	[sflag:s20] =	ssyncadd.s32 $0xFFFFEB00  }
0xce: {  	[hbm:s1], [sflag:s30] =	dma.local [spmem:s15], $0x1500  }
0xcf: {  	_ =	swait.ge [sflag:s21], $0x1500  }
0xd0: {  	[sflag:s21] =	ssyncset.done $0x0  }
0xd1: {  	s2 =	rddreg [dreg:$0x1a];
	[sflag:s21] =	ssyncadd.s32 $0xFFFFEB00  }
0xd2: {  	[spmem:s15], [sflag:s26] =	dma.local [hbm:s2], $0x1500  }
0xd3: {  	_ =	swait.ge [sflag:s18], $0x1500  }
0xd4: {  	[sflag:s18] =	ssyncset.done $0x0  }
0xd5: {  	s3 =	rddreg [dreg:$0x19];
	[sflag:s18] =	ssyncadd.s32 $0xFFFFEB00  }
0xd6: {  	[hbm:s3], [sflag:s28] =	dma.local [spmem:s25], $0x1500  }
0xd7: {  	_ =	swait.ge [sflag:s19], $0x1500  }
0xd8: {  	[sflag:s19] =	ssyncset.done $0x0  }
0xd9: {  	s4 =	rddreg [dreg:$0x1c];
	[sflag:s19] =	ssyncadd.s32 $0xFFFFEB00  }
0xda: {  	[spmem:s25], [sflag:s29] =	dma.local [hbm:s4], $0x1500  }
0xdb: {  	_ =	swait.ge [sflag:s20], $0x1500  }
0xdc: {  	[sflag:s20] =	ssyncset.done $0x0  }
0xdd: {  	s6 =	rddreg [dreg:$0x1b];
	[sflag:s20] =	ssyncadd.s32 $0xFFFFEB00  }
0xde: {  	[hbm:s6], [sflag:s30] =	dma.local [spmem:s15], $0x1500  }
0xdf: {  	_ =	swait.ge [sflag:s21], $0x1500  }
0xe0: {  	[sflag:s21] =	ssyncset.done $0x0  }
0xe1: {  	s7 =	rddreg [dreg:$0x1e];
	[sflag:s21] =	ssyncadd.s32 $0xFFFFEB00  }
0xe2: {  	[spmem:s15], [sflag:s26] =	dma.local [hbm:s7], $0x1500  }
0xe3: {  	_ =	swait.ge [sflag:s18], $0x1500  }
0xe4: {  	[sflag:s18] =	ssyncset.done $0x0  }
0xe5: {  	s8 =	rddreg [dreg:$0x1d];
	[sflag:s18] =	ssyncadd.s32 $0xFFFFEB00  }
0xe6: {  	[hbm:s8], [sflag:s28] =	dma.local [spmem:s25], $0x1500  }
0xe7: {  	_ =	swait.ge [sflag:s19], $0x1500  }
0xe8: {  	s12 =	sld [smem:$0x7A7]  }
0xe9: {  	[sflag:s19] =	ssyncset.done $0x0  }
0xea: {  	[sflag:s19] =	ssyncadd.s32 $0xFFFFEB00  }
0xeb: {  	[spmem:s25], [sflag:s29] =	dma.local [hbm:s12], $0x1500  }
0xec: {  	_ =	swait.ge [sflag:s20], $0x1500  }
0xed: {  	[sflag:s20] =	ssyncset.done $0x0  }
0xee: {  	s13 =	rddreg [dreg:$0x1f];
	[sflag:s20] =	ssyncadd.s32 $0xFFFFEB00  }
0xef: {  	[hbm:s13], [sflag:s30] =	dma.local [spmem:s15], $0x1500  }
0xf0: {  	_ =	swait.ge [sflag:s21], $0x1500  }
0xf1: {  	s14 =	sld [smem:$0x7A9]  }
0xf2: {  	[sflag:s21] =	ssyncset.done $0x0  }
0xf3: {  	[sflag:s21] =	ssyncadd.s32 $0xFFFFEB00  }
0xf4: {  	[spmem:s15], [sflag:s26] =	dma.local [hbm:s14], $0x1500  }
0xf5: {  	_ =	swait.ge [sflag:s18], $0x1500  }
0xf6: {  	s23 =	sld [smem:$0x7A8]  }
0xf7: {  	[sflag:s18] =	ssyncset.done $0x0  }
0xf8: {  	[sflag:s18] =	ssyncadd.s32 $0xFFFFEB00  }
0xf9: {  	[hbm:s23], [sflag:s28] =	dma.local [spmem:s25], $0x1500  }
0xfa: {  	_ =	swait.ge [sflag:s19], $0x1500  }
0xfb: {  	s24 =	sld [smem:$0x7AB]  }
0xfc: {  	[sflag:s19] =	ssyncset.done $0x0  }
0xfd: {  	[sflag:s19] =	ssyncadd.s32 $0xFFFFEB00  }
0xfe: {  	[spmem:s25], [sflag:s29] =	dma.local [hbm:s24], $0x1500  }
0xff: {  	_ =	swait.ge [sflag:s20], $0x1500  }
0x100: {  	s31 =	sld [smem:$0x7AA]  }
0x101: {  	[sflag:s20] =	ssyncset.done $0x0  }
0x102: {  	[sflag:s20] =	ssyncadd.s32 $0xFFFFEB00  }
0x103: {  	[hbm:s31], [sflag:s30] =	dma.local [spmem:s15], $0x1500  }
0x104: {  	_ =	swait.ge [sflag:s21], $0x1500  }
0x105: {  	s1 =	sld [smem:$0x7AD]  }
0x106: {  	[sflag:s21] =	ssyncset.done $0x0  }
0x107: {  	[sflag:s21] =	ssyncadd.s32 $0xFFFFEB00  }
0x108: {  	[spmem:s15], [sflag:s26] =	dma.local [hbm:s1], $0x1500  }
0x109: {  	_ =	swait.ge [sflag:s18], $0x1500  }
0x10a: {  	s2 =	sld [smem:$0x7AC]  }
0x10b: {  	[sflag:s18] =	ssyncset.done $0x0  }
0x10c: {  	[sflag:s18] =	ssyncadd.s32 $0xFFFFEB00  }
0x10d: {  	[hbm:s2], [sflag:s28] =	dma.local [spmem:s25], $0x1500  }
0x10e: {  	_ =	swait.ge [sflag:s19], $0x1500  }
0x10f: {  	s3 =	sld [smem:$0x7AF]  }
0x110: {  	[sflag:s19] =	ssyncset.done $0x0  }
0x111: {  	[sflag:s19] =	ssyncadd.s32 $0xFFFFEB00  }
0x112: {  	[spmem:s25], [sflag:s29] =	dma.local [hbm:s3], $0x1500  }
0x113: {  	_ =	swait.ge [sflag:s20], $0x1500  }
0x114: {  	s4 =	sld [smem:$0x7AE]  }
0x115: {  	[sflag:s20] =	ssyncset.done $0x0  }
0x116: {  	[sflag:s20] =	ssyncadd.s32 $0xFFFFEB00  }
0x117: {  	[hbm:s4], [sflag:s30] =	dma.local [spmem:s15], $0x1500  }
0x118: {  	_ =	swait.ge [sflag:s21], $0x1500  }
0x119: {  	s6 =	sld [smem:$0x7B1]  }
0x11a: {  	[sflag:s21] =	ssyncset.done $0x0  }
0x11b: {  	[sflag:s21] =	ssyncadd.s32 $0xFFFFEB00  }
0x11c: {  	[spmem:s15], [sflag:s26] =	dma.local [hbm:s6], $0x1500  }
0x11d: {  	_ =	swait.ge [sflag:s18], $0x1500  }
0x11e: {  	s7 =	sld [smem:$0x7B0]  }
0x11f: {  	[sflag:s18] =	ssyncset.done $0x0  }
0x120: {  	[sflag:s18] =	ssyncadd.s32 $0xFFFFEB00  }
0x121: {  	[hbm:s7], [sflag:s28] =	dma.local [spmem:s25], $0x1500  }
0x122: {  	_ =	swait.ge [sflag:s19], $0x1500  }
0x123: {  	s8 =	sld [smem:$0x7B3]  }
0x124: {  	[sflag:s19] =	ssyncset.done $0x0  }
0x125: {  	[sflag:s19] =	ssyncadd.s32 $0xFFFFEB00  }
0x126: {  	[spmem:s25], [sflag:s29] =	dma.local [hbm:s8], $0x1500  }
0x127: {  	_ =	swait.ge [sflag:s20], $0x1500  }
0x128: {  	s12 =	sld [smem:$0x7B2]  }
0x129: {  	[sflag:s20] =	ssyncset.done $0x0  }
0x12a: {  	[sflag:s20] =	ssyncadd.s32 $0xFFFFEB00  }
0x12b: {  	[hbm:s12], [sflag:s30] =	dma.local [spmem:s15], $0x1500  }
0x12c: {  	_ =	swait.ge [sflag:s21], $0x1500  }
0x12d: {  	s13 =	sld [smem:$0x7B5]  }
0x12e: {  	[sflag:s21] =	ssyncset.done $0x0  }
0x12f: {  	[sflag:s21] =	ssyncadd.s32 $0xFFFFEB00  }
0x130: {  	[spmem:s15], [sflag:s26] =	dma.local [hbm:s13], $0x1500  }
0x131: {  	_ =	swait.ge [sflag:s18], $0x1500  }
0x132: {  	s14 =	sld [smem:$0x7B4]  }
0x133: {  	[sflag:s18] =	ssyncset.done $0x0  }
0x134: {  	[sflag:s18] =	ssyncadd.s32 $0xFFFFEB00  }
0x135: {  	[hbm:s14], [sflag:s28] =	dma.local [spmem:s25], $0x1500  }
0x136: {  	_ =	swait.ge [sflag:s19], $0x1500  }
0x137: {  	s23 =	sld [smem:$0x7B7]  }
0x138: {  	[sflag:s19] =	ssyncset.done $0x0  }
0x139: {  	[sflag:s19] =	ssyncadd.s32 $0xFFFFEB00  }
0x13a: {  	[spmem:s25], [sflag:s29] =	dma.local [hbm:s23], $0x1500  }
0x13b: {  	_ =	swait.ge [sflag:s20], $0x1500  }
0x13c: {  	s24 =	sld [smem:$0x7B6]  }
0x13d: {  	[sflag:s20] =	ssyncset.done $0x0  }
0x13e: {  	[sflag:s20] =	ssyncadd.s32 $0xFFFFEB00  }
0x13f: {  	[hbm:s24], [sflag:s30] =	dma.local [spmem:s15], $0x1500  }
0x140: {  	_ =	swait.ge [sflag:s21], $0x1500  }
0x141: {  	s31 =	sld [smem:$0x7B9]  }
0x142: {  	[sflag:s21] =	ssyncset.done $0x0  }
0x143: {  	[sflag:s21] =	ssyncadd.s32 $0xFFFFEB00  }
0x144: {  	[spmem:s15], [sflag:s26] =	dma.local [hbm:s31], $0x1500  }
0x145: {  	_ =	swait.ge [sflag:s18], $0x1500  }
0x146: {  	s1 =	sld [smem:$0x7B8]  }
0x147: {  	[sflag:s18] =	ssyncset.done $0x0  }
0x148: {  	[sflag:s18] =	ssyncadd.s32 $0xFFFFEB00  }
0x149: {  	[hbm:s1], [sflag:s28] =	dma.local [spmem:s25], $0x1500  }
0x14a: {  	_ =	swait.ge [sflag:s19], $0x1500  }
0x14b: {  	s2 =	sld [smem:$0x7BB]  }
0x14c: {  	[sflag:s19] =	ssyncset.done $0x0  }
0x14d: {  	[sflag:s19] =	ssyncadd.s32 $0xFFFFEB00  }
0x14e: {  	[spmem:s25], [sflag:s29] =	dma.local [hbm:s2], $0x1500  }
0x14f: {  	_ =	swait.ge [sflag:s20], $0x1500  }
0x150: {  	s3 =	sld [smem:$0x7BA]  }
0x151: {  	[sflag:s20] =	ssyncset.done $0x0  }
0x152: {  	[sflag:s20] =	ssyncadd.s32 $0xFFFFEB00  }
0x153: {  	[hbm:s3], [sflag:s30] =	dma.local [spmem:s15], $0x1500  }
0x154: {  	_ =	swait.ge [sflag:s21], $0x1500  }
0x155: {  	s4 =	sld [smem:$0x7BD]  }
0x156: {  	[sflag:s21] =	ssyncset.done $0x0  }
0x157: {  	[sflag:s21] =	ssyncadd.s32 $0xFFFFEB00  }
0x158: {  	[spmem:s15], [sflag:s26] =	dma.local [hbm:s4], $0x1500  }
0x159: {  	_ =	swait.ge [sflag:s18], $0x1500  }
0x15a: {  	s6 =	sld [smem:$0x7BC]  }
0x15b: {  	[sflag:s18] =	ssyncset.done $0x0  }
0x15c: {  	[sflag:s18] =	ssyncadd.s32 $0xFFFFEB00  }
0x15d: {  	[hbm:s6], [sflag:s28] =	dma.local [spmem:s25], $0x1500  }
0x15e: {  	_ =	swait.ge [sflag:s19], $0x1500  }
0x15f: {  	s7 =	sld [smem:$0x7BF]  }
0x160: {  	[sflag:s19] =	ssyncset.done $0x0  }
0x161: {  	[sflag:s19] =	ssyncadd.s32 $0xFFFFEB00  }
0x162: {  	[spmem:s25], [sflag:s29] =	dma.local [hbm:s7], $0x1500  }
0x163: {  	_ =	swait.ge [sflag:s20], $0x1500  }
0x164: {  	s8 =	sld [smem:$0x7BE]  }
0x165: {  	[sflag:s20] =	ssyncset.done $0x0  }
0x166: {  	[sflag:s20] =	ssyncadd.s32 $0xFFFFEB00  }
0x167: {  	[hbm:s8], [sflag:s30] =	dma.local [spmem:s15], $0x1500  }
0x168: {  	_ =	swait.ge [sflag:s21], $0x1500  }
0x169: {  	s12 =	sld [smem:$0x7C1]  }
0x16a: {  	[sflag:s21] =	ssyncset.done $0x0  }
0x16b: {  	[sflag:s21] =	ssyncadd.s32 $0xFFFFEB00  }
0x16c: {  	[spmem:s15], [sflag:s26] =	dma.local [hbm:s12], $0x1500  }
0x16d: {  	_ =	swait.ge [sflag:s18], $0x1500  }
0x16e: {  	s13 =	sld [smem:$0x7C0]  }
0x16f: {  	[sflag:s18] =	ssyncset.done $0x0  }
0x170: {  	[sflag:s18] =	ssyncadd.s32 $0xFFFFEB00  }
0x171: {  	[hbm:s13], [sflag:s28] =	dma.local [spmem:s25], $0x1500  }
0x172: {  	_ =	swait.ge [sflag:s19], $0x1500  }
0x173: {  	s14 =	sld [smem:$0x7C3]  }
0x174: {  	[sflag:s19] =	ssyncset.done $0x0  }
0x175: {  	[sflag:s19] =	ssyncadd.s32 $0xFFFFEB00  }
0x176: {  	[spmem:s25], [sflag:s29] =	dma.local [hbm:s14], $0x1500  }
0x177: {  	_ =	swait.ge [sflag:s20], $0x1500  }
0x178: {  	s23 =	sld [smem:$0x7C2]  }
0x179: {  	[sflag:s20] =	ssyncset.done $0x0  }
0x17a: {  	[sflag:s20] =	ssyncadd.s32 $0xFFFFEB00  }
0x17b: {  	[hbm:s23], [sflag:s30] =	dma.local [spmem:s15], $0x1500  }
0x17c: {  	_ =	swait.ge [sflag:s21], $0x1500  }
0x17d: {  	s24 =	sld [smem:$0x7C5]  }
0x17e: {  	[sflag:s21] =	ssyncset.done $0x0  }
0x17f: {  	[sflag:s21] =	ssyncadd.s32 $0xFFFFEB00  }
0x180: {  	[spmem:s15], [sflag:s26] =	dma.local [hbm:s24], $0x1500  }
0x181: {  	_ =	swait.ge [sflag:s18], $0x1500  }
0x182: {  	s31 =	sld [smem:$0x7C4]  }
0x183: {  	[sflag:s18] =	ssyncset.done $0x0  }
0x184: {  	[sflag:s18] =	ssyncadd.s32 $0xFFFFEB00  }
0x185: {  	[hbm:s31], [sflag:s28] =	dma.local [spmem:s25], $0x1500  }
0x186: {  	_ =	swait.ge [sflag:s19], $0x1500  }
0x187: {  	s1 =	sld [smem:$0x7C7]  }
0x188: {  	[sflag:s19] =	ssyncset.done $0x0  }
0x189: {  	[sflag:s19] =	ssyncadd.s32 $0xFFFFEB00  }
0x18a: {  	[spmem:s25], [sflag:s29] =	dma.local [hbm:s1], $0x1500  }
0x18b: {  	_ =	swait.ge [sflag:s20], $0x1500  }
0x18c: {  	s2 =	sld [smem:$0x7C6]  }
0x18d: {  	[sflag:s20] =	ssyncset.done $0x0  }
0x18e: {  	[sflag:s20] =	ssyncadd.s32 $0xFFFFEB00  }
0x18f: {  	[hbm:s2], [sflag:s30] =	dma.local [spmem:s15], $0x1500  }
0x190: {  	_ =	swait.ge [sflag:s21], $0x1500  }
0x191: {  	s3 =	sld [smem:$0x7C9]  }
0x192: {  	[sflag:s21] =	ssyncset.done $0x0  }
0x193: {  	[sflag:s21] =	ssyncadd.s32 $0xFFFFEB00  }
0x194: {  	[spmem:s15], [sflag:s26] =	dma.local [hbm:s3], $0x1500  }
0x195: {  	_ =	swait.ge [sflag:s18], $0x1500  }
0x196: {  	s4 =	sld [smem:$0x7C8]  }
0x197: {  	[sflag:s18] =	ssyncset.done $0x0  }
0x198: {  	[sflag:s18] =	ssyncadd.s32 $0xFFFFEB00  }
0x199: {  	[hbm:s4], [sflag:s28] =	dma.local [spmem:s25], $0x1500  }
0x19a: {  	_ =	swait.ge [sflag:s19], $0x1500  }
0x19b: {  	s6 =	sld [smem:$0x7CB]  }
0x19c: {  	[sflag:s19] =	ssyncset.done $0x0  }
0x19d: {  	[sflag:s19] =	ssyncadd.s32 $0xFFFFEB00  }
0x19e: {  	[spmem:s25], [sflag:s29] =	dma.local [hbm:s6], $0x1500  }
0x19f: {  	_ =	swait.ge [sflag:s20], $0x1500  }
0x1a0: {  	s7 =	sld [smem:$0x7CA]  }
0x1a1: {  	[sflag:s20] =	ssyncset.done $0x0  }
0x1a2: {  	[sflag:s20] =	ssyncadd.s32 $0xFFFFEB00  }
0x1a3: {  	[hbm:s7], [sflag:s30] =	dma.local [spmem:s15], $0x1500  }
0x1a4: {  	_ =	swait.ge [sflag:s21], $0x1500  }
0x1a5: {  	s8 =	sld [smem:$0x7CD]  }
0x1a6: {  	[sflag:s21] =	ssyncset.done $0x0  }
0x1a7: {  	[sflag:s21] =	ssyncadd.s32 $0xFFFFEB00  }
0x1a8: {  	[spmem:s15], [sflag:s26] =	dma.local [hbm:s8], $0x1500  }
0x1a9: {  	_ =	swait.ge [sflag:s18], $0x1500  }
0x1aa: {  	s12 =	sld [smem:$0x7CC]  }
0x1ab: {  	[sflag:s18] =	ssyncset.done $0x0  }
0x1ac: {  	[sflag:s18] =	ssyncadd.s32 $0xFFFFEB00  }
0x1ad: {  	[hbm:s12], [sflag:s28] =	dma.local [spmem:s25], $0x1500  }
0x1ae: {  	_ =	swait.ge [sflag:s19], $0x1500  }
0x1af: {  	s13 =	sld [smem:$0x7CF]  }
0x1b0: {  	[sflag:s19] =	ssyncset.done $0x0  }
0x1b1: {  	[sflag:s19] =	ssyncadd.s32 $0xFFFFEB00  }
0x1b2: {  	[spmem:s25], [sflag:s29] =	dma.local [hbm:s13], $0x1500  }
0x1b3: {  	_ =	swait.ge [sflag:s20], $0x1500  }
0x1b4: {  	s14 =	sld [smem:$0x7CE]  }
0x1b5: {  	[sflag:s20] =	ssyncset.done $0x0  }
0x1b6: {  	[sflag:s20] =	ssyncadd.s32 $0xFFFFEB00  }
0x1b7: {  	[hbm:s14], [sflag:s30] =	dma.local [spmem:s15], $0x1500  }
0x1b8: {  	_ =	swait.ge [sflag:s21], $0x1500  }
0x1b9: {  	s23 =	sld [smem:$0x7D1]  }
0x1ba: {  	[sflag:s21] =	ssyncset.done $0x0  }
0x1bb: {  	[sflag:s21] =	ssyncadd.s32 $0xFFFFEB00  }
0x1bc: {  	[spmem:s15], [sflag:s26] =	dma.local [hbm:s23], $0x1500  }
0x1bd: {  	_ =	swait.ge [sflag:s18], $0x1500  }
0x1be: {  	s24 =	sld [smem:$0x7D0]  }
0x1bf: {  	[sflag:s18] =	ssyncset.done $0x0  }
0x1c0: {  	[sflag:s18] =	ssyncadd.s32 $0xFFFFEB00  }
0x1c1: {  	[hbm:s24], [sflag:s28] =	dma.local [spmem:s25], $0x1500  }
0x1c2: {  	_ =	swait.ge [sflag:s19], $0x1500  }
0x1c3: {  	s31 =	sld [smem:$0x7D3]  }
0x1c4: {  	[sflag:s19] =	ssyncset.done $0x0  }
0x1c5: {  	[sflag:s19] =	ssyncadd.s32 $0xFFFFEB00  }
0x1c6: {  	[spmem:s25], [sflag:s29] =	dma.local [hbm:s31], $0x1500  }
0x1c7: {  	_ =	swait.ge [sflag:s20], $0x1500  }
0x1c8: {  	s1 =	sld [smem:$0x7D2]  }
0x1c9: {  	[sflag:s20] =	ssyncset.done $0x0  }
0x1ca: {  	[sflag:s20] =	ssyncadd.s32 $0xFFFFEB00  }
0x1cb: {  	[hbm:s1], [sflag:s30] =	dma.local [spmem:s15], $0x1500  }
0x1cc: {  	_ =	swait.ge [sflag:s21], $0x1500  }
0x1cd: {  	s2 =	sld [smem:$0x7D5]  }
0x1ce: {  	[sflag:s21] =	ssyncset.done $0x0  }
0x1cf: {  	[sflag:s21] =	ssyncadd.s32 $0xFFFFEB00  }
0x1d0: {  	[spmem:s15], [sflag:s26] =	dma.local [hbm:s2], $0x1500  }
0x1d1: {  	_ =	swait.ge [sflag:s18], $0x1500  }
0x1d2: {  	s3 =	sld [smem:$0x7D4]  }
0x1d3: {  	[sflag:s18] =	ssyncset.done $0x0  }
0x1d4: {  	[sflag:s18] =	ssyncadd.s32 $0xFFFFEB00  }
0x1d5: {  	[hbm:s3], [sflag:s28] =	dma.local [spmem:s25], $0x1500  }
0x1d6: {  	_ =	swait.ge [sflag:s19], $0x1500  }
0x1d7: {  	s4 =	sld [smem:$0x7D7]  }
0x1d8: {  	[sflag:s19] =	ssyncset.done $0x0  }
0x1d9: {  	[sflag:s19] =	ssyncadd.s32 $0xFFFFEB00  }
0x1da: {  	[spmem:s25], [sflag:s29] =	dma.local [hbm:s4], $0x1500  }
0x1db: {  	_ =	swait.ge [sflag:s20], $0x1500  }
0x1dc: {  	s6 =	sld [smem:$0x7D6]  }
0x1dd: {  	[sflag:s20] =	ssyncset.done $0x0  }
0x1de: {  	[sflag:s20] =	ssyncadd.s32 $0xFFFFEB00  }
0x1df: {  	[hbm:s6], [sflag:s30] =	dma.local [spmem:s15], $0x1500  }
0x1e0: {  	_ =	swait.ge [sflag:s21], $0x1500  }
0x1e1: {  	s7 =	sld [smem:$0x7D9]  }
0x1e2: {  	[sflag:s21] =	ssyncset.done $0x0  }
0x1e3: {  	[sflag:s21] =	ssyncadd.s32 $0xFFFFEB00  }
0x1e4: {  	[spmem:s15], [sflag:s26] =	dma.local [hbm:s7], $0x1500  }
0x1e5: {  	_ =	swait.ge [sflag:s18], $0x1500  }
0x1e6: {  	s8 =	sld [smem:$0x7D8]  }
0x1e7: {  	[sflag:s18] =	ssyncset.done $0x0  }
0x1e8: {  	[sflag:s18] =	ssyncadd.s32 $0xFFFFEB00  }
0x1e9: {  	[hbm:s8], [sflag:s28] =	dma.local [spmem:s25], $0x1500  }
0x1ea: {  	_ =	swait.ge [sflag:s19], $0x1500  }
0x1eb: {  	s12 =	sld [smem:$0x7DB]  }
0x1ec: {  	[sflag:s19] =	ssyncset.done $0x0  }
0x1ed: {  	[sflag:s19] =	ssyncadd.s32 $0xFFFFEB00  }
0x1ee: {  	[spmem:s25], [sflag:s29] =	dma.local [hbm:s12], $0x1500  }
0x1ef: {  	_ =	swait.ge [sflag:s20], $0x1500  }
0x1f0: {  	s13 =	sld [smem:$0x7DA]  }
0x1f1: {  	[sflag:s20] =	ssyncset.done $0x0  }
0x1f2: {  	[sflag:s20] =	ssyncadd.s32 $0xFFFFEB00  }
0x1f3: {  	[hbm:s13], [sflag:s30] =	dma.local [spmem:s15], $0x1500  }
0x1f4: {  	_ =	swait.ge [sflag:s21], $0x1500  }
0x1f5: {  	s14 =	sld [smem:$0x7DD]  }
0x1f6: {  	[sflag:s21] =	ssyncset.done $0x0  }
0x1f7: {  	[sflag:s21] =	ssyncadd.s32 $0xFFFFEB00  }
0x1f8: {  	[spmem:s15], [sflag:s26] =	dma.local [hbm:s14], $0x1500  }
0x1f9: {  	_ =	swait.ge [sflag:s18], $0x1500  }
0x1fa: {  	s23 =	sld [smem:$0x7DC]  }
0x1fb: {  	[sflag:s18] =	ssyncset.done $0x0  }
0x1fc: {  	[sflag:s18] =	ssyncadd.s32 $0xFFFFEB00  }
0x1fd: {  	[hbm:s23], [sflag:s28] =	dma.local [spmem:s25], $0x1500  }
0x1fe: {  	_ =	swait.ge [sflag:s19], $0x1500  }
0x1ff: {  	s24 =	sld [smem:$0x7DF]  }
0x200: {  	[sflag:s19] =	ssyncset.done $0x0  }
0x201: {  	[sflag:s19] =	ssyncadd.s32 $0xFFFFEB00  }
0x202: {  	[spmem:s25], [sflag:s29] =	dma.local [hbm:s24], $0x1500  }
0x203: {  	_ =	swait.ge [sflag:s20], $0x1500  }
0x204: {  	s31 =	sld [smem:$0x7DE]  }
0x205: {  	[sflag:s20] =	ssyncset.done $0x0  }
0x206: {  	[sflag:s20] =	ssyncadd.s32 $0xFFFFEB00  }
0x207: {  	[hbm:s31], [sflag:s30] =	dma.local [spmem:s15], $0x1500  }
0x208: {  	_ =	swait.ge [sflag:s21], $0x1500  }
0x209: {  	s1 =	sld [smem:$0x7E1]  }
0x20a: {  	[sflag:s21] =	ssyncset.done $0x0  }
0x20b: {  	[sflag:s21] =	ssyncadd.s32 $0xFFFFEB00  }
0x20c: {  	[spmem:s15], [sflag:s26] =	dma.local [hbm:s1], $0x1500  }
0x20d: {  	_ =	swait.ge [sflag:s18], $0x1500  }
0x20e: {  	s2 =	sld [smem:$0x7E0]  }
0x20f: {  	[sflag:s18] =	ssyncset.done $0x0  }
0x210: {  	[sflag:s18] =	ssyncadd.s32 $0xFFFFEB00  }
0x211: {  	[hbm:s2], [sflag:s28] =	dma.local [spmem:s25], $0x1500  }
0x212: {  	_ =	swait.ge [sflag:s19], $0x1500  }
0x213: {  	s3 =	sld [smem:$0x7E3]  }
0x214: {  	[sflag:s19] =	ssyncset.done $0x0  }
0x215: {  	[sflag:s19] =	ssyncadd.s32 $0xFFFFEB00  }
0x216: {  	[spmem:s25], [sflag:s29] =	dma.local [hbm:s3], $0x1500  }
0x217: {  	_ =	swait.ge [sflag:s20], $0x1500  }
0x218: {  	s4 =	sld [smem:$0x7E2]  }
0x219: {  	[sflag:s20] =	ssyncset.done $0x0  }
0x21a: {  	[sflag:s20] =	ssyncadd.s32 $0xFFFFEB00  }
0x21b: {  	[hbm:s4], [sflag:s30] =	dma.local [spmem:s15], $0x1500  }
0x21c: {  	_ =	swait.ge [sflag:s21], $0x1500  }
0x21d: {  	s6 =	sld [smem:$0x7E5]  }
0x21e: {  	[sflag:s21] =	ssyncset.done $0x0  }
0x21f: {  	[sflag:s21] =	ssyncadd.s32 $0xFFFFEB00  }
0x220: {  	[spmem:s15], [sflag:s26] =	dma.local [hbm:s6], $0x1500  }
0x221: {  	_ =	swait.ge [sflag:s18], $0x1500  }
0x222: {  	s7 =	sld [smem:$0x7E4]  }
0x223: {  	[sflag:s18] =	ssyncset.done $0x0  }
0x224: {  	[sflag:s18] =	ssyncadd.s32 $0xFFFFEB00  }
0x225: {  	[hbm:s7], [sflag:s28] =	dma.local [spmem:s25], $0x1500  }
0x226: {  	_ =	swait.ge [sflag:s19], $0x1500  }
0x227: {  	s8 =	sld [smem:$0x7E7]  }
0x228: {  	[sflag:s19] =	ssyncset.done $0x0  }
0x229: {  	[sflag:s19] =	ssyncadd.s32 $0xFFFFEB00  }
0x22a: {  	[spmem:s25], [sflag:s29] =	dma.local [hbm:s8], $0x1500  }
0x22b: {  	_ =	swait.ge [sflag:s20], $0x1500  }
0x22c: {  	s12 =	sld [smem:$0x7E6]  }
0x22d: {  	[sflag:s20] =	ssyncset.done $0x0  }
0x22e: {  	[sflag:s20] =	ssyncadd.s32 $0xFFFFEB00  }
0x22f: {  	[hbm:s12], [sflag:s30] =	dma.local [spmem:s15], $0x1500  }
0x230: {  	_ =	swait.ge [sflag:s21], $0x1500  }
0x231: {  	s13 =	sld [smem:$0x7E9]  }
0x232: {  	[sflag:s21] =	ssyncset.done $0x0  }
0x233: {  	[sflag:s21] =	ssyncadd.s32 $0xFFFFEB00  }
0x234: {  	[spmem:s15], [sflag:s26] =	dma.local [hbm:s13], $0x1500  }
0x235: {  	_ =	swait.ge [sflag:s18], $0x1500  }
0x236: {  	s14 =	sld [smem:$0x7E8]  }
0x237: {  	[sflag:s18] =	ssyncset.done $0x0  }
0x238: {  	[sflag:s18] =	ssyncadd.s32 $0xFFFFEB00  }
0x239: {  	[hbm:s14], [sflag:s28] =	dma.local [spmem:s25], $0x1500  }
0x23a: {  	_ =	swait.ge [sflag:s19], $0x1500  }
0x23b: {  	s23 =	sld [smem:$0x7EB]  }
0x23c: {  	[sflag:s19] =	ssyncset.done $0x0  }
0x23d: {  	[sflag:s19] =	ssyncadd.s32 $0xFFFFEB00  }
0x23e: {  	[spmem:s25], [sflag:s29] =	dma.local [hbm:s23], $0x1500  }
0x23f: {  	_ =	swait.ge [sflag:s20], $0x1500  }
0x240: {  	s24 =	sld [smem:$0x7EA]  }
0x241: {  	[sflag:s20] =	ssyncset.done $0x0  }
0x242: {  	[sflag:s20] =	ssyncadd.s32 $0xFFFFEB00  }
0x243: {  	[hbm:s24], [sflag:s30] =	dma.local [spmem:s15], $0x1500  }
0x244: {  	_ =	swait.ge [sflag:s21], $0x1500  }
0x245: {  	s31 =	sld [smem:$0x7ED]  }
0x246: {  	[sflag:s21] =	ssyncset.done $0x0  }
0x247: {  	[sflag:s21] =	ssyncadd.s32 $0xFFFFEB00  }
0x248: {  	[spmem:s15], [sflag:s26] =	dma.local [hbm:s31], $0x1500  }
0x249: {  	_ =	swait.ge [sflag:s18], $0x1500  }
0x24a: {  	s1 =	sld [smem:$0x7EC]  }
0x24b: {  	[sflag:s18] =	ssyncset.done $0x0  }
0x24c: {  	[sflag:s18] =	ssyncadd.s32 $0xFFFFEB00  }
0x24d: {  	[hbm:s1], [sflag:s28] =	dma.local [spmem:s25], $0x1500  }
0x24e: {  	_ =	swait.ge [sflag:s19], $0x1500  }
0x24f: {  	s2 =	sld [smem:$0x7EF]  }
0x250: {  	[sflag:s19] =	ssyncset.done $0x0  }
0x251: {  	[sflag:s19] =	ssyncadd.s32 $0xFFFFEB00  }
0x252: {  	[spmem:s25], [sflag:s29] =	dma.local [hbm:s2], $0x1500  }
0x253: {  	_ =	swait.ge [sflag:s20], $0x1500  }
0x254: {  	s3 =	sld [smem:$0x7EE]  }
0x255: {  	[sflag:s20] =	ssyncset.done $0x0  }
0x256: {  	[sflag:s20] =	ssyncadd.s32 $0xFFFFEB00  }
0x257: {  	[hbm:s3], [sflag:s30] =	dma.local [spmem:s15], $0x1500  }
0x258: {  	_ =	swait.ge [sflag:s21], $0x1500  }
0x259: {  	s4 =	sld [smem:$0x7F1]  }
0x25a: {  	[sflag:s21] =	ssyncset.done $0x0  }
0x25b: {  	[sflag:s21] =	ssyncadd.s32 $0xFFFFEB00  }
0x25c: {  	[spmem:s15], [sflag:s26] =	dma.local [hbm:s4], $0x1500  }
0x25d: {  	_ =	swait.ge [sflag:s18], $0x1500  }
0x25e: {  	s6 =	sld [smem:$0x7F0]  }
0x25f: {  	[sflag:s18] =	ssyncset.done $0x0  }
0x260: {  	[sflag:s18] =	ssyncadd.s32 $0xFFFFEB00  }
0x261: {  	[hbm:s6], [sflag:s28] =	dma.local [spmem:s25], $0x1500  }
0x262: {  	_ =	swait.ge [sflag:s19], $0x1500  }
0x263: {  	s7 =	sld [smem:$0x7F3]  }
0x264: {  	[sflag:s19] =	ssyncset.done $0x0  }
0x265: {  	[sflag:s19] =	ssyncadd.s32 $0xFFFFEB00  }
0x266: {  	[spmem:s25], [sflag:s29] =	dma.local [hbm:s7], $0x1500  }
0x267: {  	_ =	swait.ge [sflag:s20], $0x1500  }
0x268: {  	s8 =	sld [smem:$0x7F2]  }
0x269: {  	[sflag:s20] =	ssyncset.done $0x0  }
0x26a: {  	[sflag:s20] =	ssyncadd.s32 $0xFFFFEB00  }
0x26b: {  	[hbm:s8], [sflag:s30] =	dma.local [spmem:s15], $0x1500  }
0x26c: {  	_ =	swait.ge [sflag:s21], $0x1500  }
0x26d: {  	s12 =	sld [smem:$0x7F5]  }
0x26e: {  	[sflag:s21] =	ssyncset.done $0x0  }
0x26f: {  	[sflag:s21] =	ssyncadd.s32 $0xFFFFEB00  }
0x270: {  	[spmem:s15], [sflag:s26] =	dma.local [hbm:s12], $0x1500  }
0x271: {  	_ =	swait.ge [sflag:s18], $0x1500  }
0x272: {  	s13 =	sld [smem:$0x7F4]  }
0x273: {  	[sflag:s18] =	ssyncset.done $0x0  }
0x274: {  	[sflag:s18] =	ssyncadd.s32 $0xFFFFEB00  }
0x275: {  	[hbm:s13], [sflag:s28] =	dma.local [spmem:s25], $0x1500  }
0x276: {  	_ =	swait.ge [sflag:s19], $0x1500  }
0x277: {  	s14 =	sld [smem:$0x7F9]  }
0x278: {  	[sflag:s19] =	ssyncset.done $0x0  }
0x279: {  	[sflag:s19] =	ssyncadd.s32 $0xFFFFEB00  }
0x27a: {  	[spmem:s25], [sflag:s29] =	dma.local [hbm:s14], $0x1500  }
0x27b: {  	_ =	swait.ge [sflag:s20], $0x1500  }
0x27c: {  	s23 =	sld [smem:$0x7F6]  }
0x27d: {  	[sflag:s20] =	ssyncset.done $0x0  }
0x27e: {  	[sflag:s20] =	ssyncadd.s32 $0xFFFFEB00  }
0x27f: {  	[hbm:s23], [sflag:s30] =	dma.local [spmem:s15], $0x1500  }
0x280: {  	_ =	swait.ge [sflag:s21], $0x1500  }
0x281: {  	s24 =	sld [smem:$0x7FB]  }
0x282: {  	[sflag:s21] =	ssyncset.done $0x0  }
0x283: {  	[sflag:s21] =	ssyncadd.s32 $0xFFFFEB00  }
0x284: {  	[spmem:s15], [sflag:s26] =	dma.local [hbm:s24], $0x1500  }
0x285: {  	_ =	swait.ge [sflag:s18], $0x1500  }
0x286: {  	s29 =	sld [smem:$0x7FA]  }
0x287: {  	[sflag:s18] =	ssyncset.done $0x0  }
0x288: {  	[sflag:s18] =	ssyncadd.s32 $0xFFFFEB00  }
0x289: {  	[hbm:s29], [sflag:s28] =	dma.local [spmem:s25], $0x1500  }
0x28a: {  	_ =	swait.ge [sflag:s20], $0x1500  }
0x28b: {  	s31 =	sld [smem:$0x7FC]  }
0x28c: {  	[sflag:s20] =	ssyncset.done $0x0  }
0x28d: {  	[sflag:s20] =	ssyncadd.s32 $0xFFFFEB00  }
0x28e: {  	[hbm:s31], [sflag:s30] =	dma.local [spmem:s15], $0x1500  }
0x28f: {  	_ =	swait.ge [sflag:s19], $0x1500  }
0x290: {  	[sflag:s19] =	ssyncset.done $0x0  }
0x291: {  	[sflag:s19] =	ssyncadd.s32 $0xFFFFEB00  }
0x292: {  	_ =	swait.ge [sflag:s21], $0x1500  }
0x293: {  	[sflag:s21] =	ssyncset.done $0x0  }
0x294: {  	[sflag:s21] =	ssyncadd.s32 $0xFFFFEB00  }
.LBB2_6:
0x295: {  	s1 =	sld [smem:$0x7A2]  }
0x296: {  	s0 =	sld [smem:$0x7FD];
	_ =	sdelay $0x1  }
0x297: {  	s1 =	sadd.s32 $0x1, s1  }
0x298: {  	p0 =	sne.s32 s1, s0  }
.Ltmp1:
0x299: {  	_ = 	snop;
	(pc) =	sbr.rel @!p0 .LBB2_7-.Ltmp1, $1  }
0x29a: {  	_ =	sdelay $0x3  }
.LBB2_1:
0x29b: {  	[smem:$0x7A2] =	sst s1  }
0x29c: {  	s0 =	rddreg [dreg:$0x1]  }
0x29d: {  	[tilespmem:s11], [sflag:$0x5] =	stream.linear.gather [hbm4b:s0+s11], $0x180, $0x38;
	[tilespmem:$0x1B300] =	vst v63  }
0x29e: {  	_ =	swait.ge [sflag:s16], $0x180  }
0x29f: {  	[sflag:s16] =	ssyncset.done $0x0  }
0x2a0: {  	[sflag:s16] =	ssyncadd.s32 $0xFFFFFE80  }
0x2a1: {  	[tilespmem:$0x180] =	vst v1  }
0x2a2: {  	[tilespmem:$0x190] =	vst v1  }
0x2a3: {  	[tilespmem:$0x1A0] =	vst v1  }
0x2a4: {  	[tilespmem:$0x1B0] =	vst v1  }
0x2a5: {  	[tilespmem:$0x1C0] =	vst v1;
	v25 =	vld [tilespmem:$0x0]  }
0x2a6: {  	[tilespmem:$0x1D0] =	vst v1  }
0x2a7: {  	[tilespmem:$0x1E0] =	vst v1  }
0x2a8: {  	[tilespmem:$0x1F0] =	vst v1  }
0x2a9: {  	[tilespmem:$0x200] =	vst v1  }
0x2aa: {  	[tilespmem:$0x210] =	vst v1;
	vm0 =	vlt.f32 v25, $0.0e+00;
	vm1 =	vgt.f32 v25, $0.0e+00  }
0x2ab: {  	[tilespmem:$0x220] =	vst v1;
	vm0 =	vmor vm1, vm0  }
0x2ac: {  	[tilespmem:$0x230] =	vst v1;
	v25 =	vsel vm0, $0x1, v1  }
0x2ad: {  	[tilespmem:$0x240] =	vst v1;
	(xrf0) =	vadd.scan.msk.s32 $0xffff, v25  }
0x2ae: {  	[tilespmem:$0x250] =	vst v1  }
0x2af: {  	[tilespmem:$0x260] =	vst v1  }
0x2b0: {  	[tilespmem:$0x270] =	vst v1  }
0x2b1: {  	[tilespmem:$0x280] =	vst v1  }
0x2b2: {  	[tilespmem:$0x290] =	vst v1  }
0x2b3: {  	[tilespmem:$0x2A0] =	vst v1;
	v26, _, _ =	vpop (xrf0)  }
0x2b4: {  	[tilespmem:$0x2B0] =	vst v1;
	v25 =	vsub.s32 v26, v25  }
0x2b5: {  	[tilespmem:$0x2C0] =	vst v1  }
0x2b6: {  	[tilespmem:$0x2D0] =	vst v1  }
0x2b7: {  	[tilespmem:$0x2E0] =	vst v1  }
0x2b8: {  	[tilespmem:$0x2F0] =	vst v1  }
0x2b9: {  	[tilespmem:v25+s17+$0x0] =	vst.idx.msk vm0, v0  }
0x2ba: {  	v25 =	vld [tilespmem:$0x10];
	_ =	sdelay $0x4  }
0x2bb: {  	vm0 =	vmneg vm0;
	vm8 =	vlt.f32 v25, $0.0e+00;
	vm2 =	vgt.f32 v25, $0.0e+00  }
0x2bc: {  	v25 =	vsel vm0, $0x1, v1;
	vm9 =	vmor vm2, vm8  }
0x2bd: {  	(xrf0) =	vadd.scan.msk.s32 $0xffff, v25;
	v25 =	vsel vm9, $0x1, v1  }
0x2be: {  	(xrf0) =	vadd.scan.msk.s32 $0xffff, v25;
	_ =	sdelay $0x3  }
0x2bf: {  	v25 =	vbroadcast v26, $0xF  }
0x2c0: {  	v28 =	vsel vm9, $0xFFFFFFFF, v1;
	v27, _, _ =	vpop (xrf0)  }
0x2c1: {  	v25 =	vadd.s32 v28, v25;
	v63, _, _ =	vpop (xrf0)  }
0x2c2: {  	v25 =	vadd.s32 v63, v25;
	_ =	sdelay $0x2  }
0x2c3: {  	(v2sf) =	vpush v26, $0xF  }
0x2c4: {  	(v2sf) =	vpush v27, $0xF  }
0x2c5: {  	(v2sf) =	vpush v63, $0xF;
	[tilespmem:v25+s17+$0x0] =	vst.idx.msk vm9, v2  }
0x2c6: {  	v25 =	vld [tilespmem:$0x20];
	_ =	sdelay $0x4  }
0x2c7: {  	vm0 =	vmneg vm9;
	vm10 =	vlt.f32 v25, $0.0e+00;
	vm11 =	vgt.f32 v25, $0.0e+00  }
0x2c8: {  	v25 =	vsel vm0, $0x1, v1;
	vm12 =	vmor vm11, vm10  }
0x2c9: {  	(xrf0) =	vadd.scan.msk.s32 $0xffff, v25;
	v25 =	vsel vm12, $0x1, v1  }
0x2ca: {  	(xrf0) =	vadd.scan.msk.s32 $0xffff, v25;
	_ =	sdelay $0x3  }
0x2cb: {  	s4 =	spop (v2sf)  }
0x2cc: {  	s6 =	spop (v2sf);
	v25, _, _ =	vpop (xrf0)  }
0x2cd: {  	v26 =	vsel vm12, $0xFFFFFFFF, v1;
	s2 =	spop (v2sf);
	v27, _, _ =	vpop (xrf0)  }
0x2ce: {  	s0 =	sadd.s32 s4, s2;
	v26 =	vadd.s32 v26, v27  }
0x2cf: {  	v26 =	vadd.s32 s0, v26;
	_ =	sdelay $0x3  }
0x2d0: {  	(v2sf) =	vpush v25, $0xF  }
0x2d1: {  	(v2sf) =	vpush v27, $0xF;
	[tilespmem:v26+s17+$0x0] =	vst.idx.msk vm12, v3  }
0x2d2: {  	v25 =	vld [tilespmem:$0x30];
	_ =	sdelay $0x4  }
0x2d3: {  	vm0 =	vmneg vm12;
	vm13 =	vlt.f32 v25, $0.0e+00;
	vm14 =	vgt.f32 v25, $0.0e+00  }
0x2d4: {  	v25 =	vsel vm0, $0x1, v1;
	vm15 =	vmor vm14, vm13  }
0x2d5: {  	(xrf0) =	vadd.scan.msk.s32 $0xffff, v25;
	v25 =	vsel vm15, $0x1, v1  }
0x2d6: {  	(xrf0) =	vadd.scan.msk.s32 $0xffff, v25;
	_ =	sdelay $0x4  }
0x2d7: {  	s7 =	spop (v2sf);
	v25, _, _ =	vpop (xrf0)  }
0x2d8: {  	v26 =	vsel vm15, $0xFFFFFFFF, v1;
	s8 =	spop (v2sf);
	v27, _, _ =	vpop (xrf0)  }
0x2d9: {  	s0 =	sadd.s32 s0, s8;
	v26 =	vadd.s32 v26, v27  }
0x2da: {  	v26 =	vadd.s32 s0, v26;
	_ =	sdelay $0x3  }
0x2db: {  	(v2sf) =	vpush v25, $0xF  }
0x2dc: {  	(v2sf) =	vpush v27, $0xF;
	[tilespmem:v26+s17+$0x0] =	vst.idx.msk vm15, v4  }
0x2dd: {  	v25 =	vld [tilespmem:$0x40];
	_ =	sdelay $0x4  }
0x2de: {  	vm0 =	vmneg vm15;
	vm4 =	vlt.f32 v25, $0.0e+00;
	vm5 =	vgt.f32 v25, $0.0e+00  }
0x2df: {  	v25 =	vsel vm0, $0x1, v1;
	vm6 =	vmor vm5, vm4  }
0x2e0: {  	(xrf0) =	vadd.scan.msk.s32 $0xffff, v25;
	v25 =	vsel vm6, $0x1, v1  }
0x2e1: {  	(xrf0) =	vadd.scan.msk.s32 $0xffff, v25;
	_ =	sdelay $0x4  }
0x2e2: {  	s11 =	spop (v2sf);
	v25, _, _ =	vpop (xrf0)  }
0x2e3: {  	v26 =	vsel vm6, $0xFFFFFFFF, v1;
	s12 =	spop (v2sf);
	v27, _, _ =	vpop (xrf0)  }
0x2e4: {  	s0 =	sadd.s32 s0, s12;
	v26 =	vadd.s32 v26, v27  }
0x2e5: {  	v26 =	vadd.s32 s0, v26;
	_ =	sdelay $0x3  }
0x2e6: {  	(v2sf) =	vpush v25, $0xF  }
0x2e7: {  	(v2sf) =	vpush v27, $0xF;
	[tilespmem:v26+s17+$0x0] =	vst.idx.msk vm6, v5  }
0x2e8: {  	v25 =	vld [tilespmem:$0x50];
	_ =	sdelay $0x4  }
0x2e9: {  	vm0 =	vmneg vm6;
	vm7 =	vlt.f32 v25, $0.0e+00;
	vm8 =	vgt.f32 v25, $0.0e+00  }
0x2ea: {  	v25 =	vsel vm0, $0x1, v1;
	vm9 =	vmor vm8, vm7  }
0x2eb: {  	(xrf0) =	vadd.scan.msk.s32 $0xffff, v25;
	v25 =	vsel vm9, $0x1, v1  }
0x2ec: {  	(xrf0) =	vadd.scan.msk.s32 $0xffff, v25;
	_ =	sdelay $0x4  }
0x2ed: {  	s13 =	spop (v2sf);
	v25, _, _ =	vpop (xrf0)  }
0x2ee: {  	v26 =	vsel vm9, $0xFFFFFFFF, v1;
	s14 =	spop (v2sf);
	v27, _, _ =	vpop (xrf0)  }
0x2ef: {  	s0 =	sadd.s32 s0, s14;
	v26 =	vadd.s32 v26, v27  }
0x2f0: {  	v26 =	vadd.s32 s0, v26;
	_ =	sdelay $0x3  }
0x2f1: {  	(v2sf) =	vpush v25, $0xF  }
0x2f2: {  	(v2sf) =	vpush v27, $0xF;
	[tilespmem:v26+s17+$0x0] =	vst.idx.msk vm9, v6  }
0x2f3: {  	v25 =	vld [tilespmem:$0x60];
	_ =	sdelay $0x4  }
0x2f4: {  	vm0 =	vmneg vm9;
	vm10 =	vlt.f32 v25, $0.0e+00;
	vm11 =	vgt.f32 v25, $0.0e+00  }
0x2f5: {  	v25 =	vsel vm0, $0x1, v1;
	vm12 =	vmor vm11, vm10  }
0x2f6: {  	(xrf0) =	vadd.scan.msk.s32 $0xffff, v25;
	v25 =	vsel vm12, $0x1, v1  }
0x2f7: {  	(xrf0) =	vadd.scan.msk.s32 $0xffff, v25;
	_ =	sdelay $0x4  }
0x2f8: {  	s30 =	spop (v2sf);
	v25, _, _ =	vpop (xrf0)  }
0x2f9: {  	v26 =	vsel vm12, $0xFFFFFFFF, v1;
	s23 =	spop (v2sf);
	v27, _, _ =	vpop (xrf0)  }
0x2fa: {  	s0 =	sadd.s32 s0, s23;
	v26 =	vadd.s32 v26, v27  }
0x2fb: {  	v26 =	vadd.s32 s0, v26;
	_ =	sdelay $0x3  }
0x2fc: {  	(v2sf) =	vpush v25, $0xF  }
0x2fd: {  	(v2sf) =	vpush v27, $0xF;
	[tilespmem:v26+s17+$0x0] =	vst.idx.msk vm12, v7  }
0x2fe: {  	v25 =	vld [tilespmem:$0x70];
	_ =	sdelay $0x4  }
0x2ff: {  	vm0 =	vmneg vm12;
	vm13 =	vlt.f32 v25, $0.0e+00;
	vm14 =	vgt.f32 v25, $0.0e+00  }
0x300: {  	v25 =	vsel vm0, $0x1, v1;
	vm15 =	vmor vm14, vm13  }
0x301: {  	(xrf0) =	vadd.scan.msk.s32 $0xffff, v25;
	v25 =	vsel vm15, $0x1, v1  }
0x302: {  	(xrf0) =	vadd.scan.msk.s32 $0xffff, v25;
	_ =	sdelay $0x4  }
0x303: {  	s28 =	spop (v2sf);
	v25, _, _ =	vpop (xrf0)  }
0x304: {  	v26 =	vsel vm15, $0xFFFFFFFF, v1;
	s24 =	spop (v2sf);
	v27, _, _ =	vpop (xrf0)  }
0x305: {  	s0 =	sadd.s32 s0, s24;
	v26 =	vadd.s32 v26, v27  }
0x306: {  	v26 =	vadd.s32 s0, v26;
	_ =	sdelay $0x3  }
0x307: {  	(v2sf) =	vpush v25, $0xF  }
0x308: {  	(v2sf) =	vpush v27, $0xF;
	[tilespmem:v26+s17+$0x0] =	vst.idx.msk vm15, v8  }
0x309: {  	v25 =	vld [tilespmem:$0x80];
	_ =	sdelay $0x4  }
0x30a: {  	vm0 =	vmneg vm15;
	vm4 =	vlt.f32 v25, $0.0e+00;
	vm5 =	vgt.f32 v25, $0.0e+00  }
0x30b: {  	v25 =	vsel vm0, $0x1, v1;
	vm6 =	vmor vm5, vm4  }
0x30c: {  	(xrf0) =	vadd.scan.msk.s32 $0xffff, v25;
	v25 =	vsel vm6, $0x1, v1  }
0x30d: {  	(xrf0) =	vadd.scan.msk.s32 $0xffff, v25;
	_ =	sdelay $0x4  }
0x30e: {  	s26 =	spop (v2sf);
	v25, _, _ =	vpop (xrf0)  }
0x30f: {  	v26 =	vsel vm6, $0xFFFFFFFF, v1;
	s25 =	spop (v2sf);
	v27, _, _ =	vpop (xrf0)  }
0x310: {  	s2 =	sadd.s32 s0, s25;
	v26 =	vadd.s32 v26, v27  }
0x311: {  	v26 =	vadd.s32 s2, v26;
	_ =	sdelay $0x3  }
0x312: {  	(v2sf) =	vpush v25, $0xF  }
0x313: {  	(v2sf) =	vpush v27, $0xF;
	[tilespmem:v26+s17+$0x0] =	vst.idx.msk vm6, v9  }
0x314: {  	v25 =	vld [tilespmem:$0x90];
	_ =	sdelay $0x4  }
0x315: {  	vm0 =	vmneg vm6;
	vm7 =	vlt.f32 v25, $0.0e+00;
	vm8 =	vgt.f32 v25, $0.0e+00  }
0x316: {  	v25 =	vsel vm0, $0x1, v1;
	vm9 =	vmor vm8, vm7  }
0x317: {  	(xrf0) =	vadd.scan.msk.s32 $0xffff, v25;
	v25 =	vsel vm9, $0x1, v1  }
0x318: {  	(xrf0) =	vadd.scan.msk.s32 $0xffff, v25;
	_ =	sdelay $0x4  }
0x319: {  	s25 =	spop (v2sf);
	v25, _, _ =	vpop (xrf0)  }
0x31a: {  	[smem:$0x7A3] =	sst s6;
	v26 =	vsel vm9, $0xFFFFFFFF, v1;
	s6 =	spop (v2sf);
	v27, _, _ =	vpop (xrf0)  }
0x31b: {  	s6 =	sadd.s32 s2, s6;
	v26 =	vadd.s32 v26, v27  }
0x31c: {  	v26 =	vadd.s32 s6, v26;
	_ =	sdelay $0x3  }
0x31d: {  	(v2sf) =	vpush v25, $0xF  }
0x31e: {  	(v2sf) =	vpush v27, $0xF;
	[tilespmem:v26+s17+$0x0] =	vst.idx.msk vm9, v10  }
0x31f: {  	v25 =	vld [tilespmem:$0xA0];
	_ =	sdelay $0x4  }
0x320: {  	vm0 =	vmneg vm9;
	vm10 =	vlt.f32 v25, $0.0e+00;
	vm11 =	vgt.f32 v25, $0.0e+00  }
0x321: {  	v25 =	vsel vm0, $0x1, v1;
	vm12 =	vmor vm11, vm10  }
0x322: {  	(xrf0) =	vadd.scan.msk.s32 $0xffff, v25;
	v25 =	vsel vm12, $0x1, v1  }
0x323: {  	(xrf0) =	vadd.scan.msk.s32 $0xffff, v25;
	_ =	sdelay $0x4  }
0x324: {  	s3 =	spop (v2sf);
	v25, _, _ =	vpop (xrf0)  }
0x325: {  	[smem:$0x7A4] =	sst s7;
	v26 =	vsel vm12, $0xFFFFFFFF, v1;
	s7 =	spop (v2sf);
	v27, _, _ =	vpop (xrf0)  }
0x326: {  	s6 =	sadd.s32 s6, s7;
	v26 =	vadd.s32 v26, v27  }
0x327: {  	v26 =	vadd.s32 s6, v26;
	_ =	sdelay $0x3  }
0x328: {  	(v2sf) =	vpush v25, $0xF  }
0x329: {  	(v2sf) =	vpush v27, $0xF;
	[tilespmem:v26+s17+$0x0] =	vst.idx.msk vm12, v11  }
0x32a: {  	v25 =	vld [tilespmem:$0xB0];
	_ =	sdelay $0x4  }
0x32b: {  	vm0 =	vmneg vm12;
	vm13 =	vlt.f32 v25, $0.0e+00;
	vm14 =	vgt.f32 v25, $0.0e+00  }
0x32c: {  	v25 =	vsel vm0, $0x1, v1;
	vm15 =	vmor vm14, vm13  }
0x32d: {  	(xrf0) =	vadd.scan.msk.s32 $0xffff, v25;
	v25 =	vsel vm15, $0x1, v1  }
0x32e: {  	(xrf0) =	vadd.scan.msk.s32 $0xffff, v25;
	_ =	sdelay $0x4  }
0x32f: {  	s8 =	spop (v2sf);
	v25, _, _ =	vpop (xrf0)  }
0x330: {  	v26 =	vsel vm15, $0xFFFFFFFF, v1;
	s29 =	spop (v2sf);
	v27, _, _ =	vpop (xrf0)  }
0x331: {  	s6 =	sadd.s32 s6, s29;
	v26 =	vadd.s32 v26, v27  }
0x332: {  	v26 =	vadd.s32 s6, v26;
	_ =	sdelay $0x3  }
0x333: {  	(v2sf) =	vpush v25, $0xF  }
0x334: {  	(v2sf) =	vpush v27, $0xF;
	[tilespmem:v26+s17+$0x0] =	vst.idx.msk vm15, v12  }
0x335: {  	v25 =	vld [tilespmem:$0xC0];
	_ =	sdelay $0x4  }
0x336: {  	vm0 =	vmneg vm15;
	vm4 =	vlt.f32 v25, $0.0e+00;
	vm5 =	vgt.f32 v25, $0.0e+00  }
0x337: {  	v25 =	vsel vm0, $0x1, v1;
	vm6 =	vmor vm5, vm4  }
0x338: {  	(xrf0) =	vadd.scan.msk.s32 $0xffff, v25;
	v25 =	vsel vm6, $0x1, v1  }
0x339: {  	(xrf0) =	vadd.scan.msk.s32 $0xffff, v25;
	_ =	sdelay $0x4  }
0x33a: {  	s23 =	spop (v2sf);
	v25, _, _ =	vpop (xrf0)  }
0x33b: {  	v26 =	vsel vm6, $0xFFFFFFFF, v1;
	s31 =	spop (v2sf);
	v27, _, _ =	vpop (xrf0)  }
0x33c: {  	s6 =	sadd.s32 s6, s31;
	v26 =	vadd.s32 v26, v27  }
0x33d: {  	v26 =	vadd.s32 s6, v26;
	_ =	sdelay $0x3  }
0x33e: {  	(v2sf) =	vpush v25, $0xF  }
0x33f: {  	(v2sf) =	vpush v27, $0xF;
	[tilespmem:v26+s17+$0x0] =	vst.idx.msk vm6, v13  }
0x340: {  	v25 =	vld [tilespmem:$0xD0];
	_ =	sdelay $0x4  }
0x341: {  	vm0 =	vmneg vm6;
	vm7 =	vlt.f32 v25, $0.0e+00;
	vm8 =	vgt.f32 v25, $0.0e+00  }
0x342: {  	v25 =	vsel vm0, $0x1, v1;
	vm9 =	vmor vm8, vm7  }
0x343: {  	(xrf0) =	vadd.scan.msk.s32 $0xffff, v25;
	v25 =	vsel vm9, $0x1, v1  }
0x344: {  	(xrf0) =	vadd.scan.msk.s32 $0xffff, v25;
	_ =	sdelay $0x4  }
0x345: {  	s7 =	spop (v2sf);
	v25, _, _ =	vpop (xrf0)  }
0x346: {  	v26 =	vsel vm9, $0xFFFFFFFF, v1;
	s0 =	spop (v2sf);
	v27, _, _ =	vpop (xrf0)  }
0x347: {  	s6 =	sadd.s32 s6, s0;
	v26 =	vadd.s32 v26, v27  }
0x348: {  	v26 =	vadd.s32 s6, v26;
	_ =	sdelay $0x3  }
0x349: {  	(v2sf) =	vpush v25, $0xF  }
0x34a: {  	(v2sf) =	vpush v27, $0xF;
	[tilespmem:v26+s17+$0x0] =	vst.idx.msk vm9, v14  }
0x34b: {  	v25 =	vld [tilespmem:$0xE0];
	_ =	sdelay $0x4  }
0x34c: {  	vm0 =	vmneg vm9;
	vm10 =	vlt.f32 v25, $0.0e+00;
	vm11 =	vgt.f32 v25, $0.0e+00  }
0x34d: {  	v25 =	vsel vm0, $0x1, v1;
	vm12 =	vmor vm11, vm10  }
0x34e: {  	(xrf0) =	vadd.scan.msk.s32 $0xffff, v25;
	v25 =	vsel vm12, $0x1, v1  }
0x34f: {  	(xrf0) =	vadd.scan.msk.s32 $0xffff, v25;
	_ =	sdelay $0x4  }
0x350: {  	s2 =	smov.u32 s10;
	s10 =	spop (v2sf);
	v25, _, _ =	vpop (xrf0)  }
0x351: {  	v26 =	vsel vm12, $0xFFFFFFFF, v1;
	s1 =	spop (v2sf);
	v27, _, _ =	vpop (xrf0)  }
0x352: {  	s6 =	sadd.s32 s6, s1;
	v26 =	vadd.s32 v26, v27  }
0x353: {  	v26 =	vadd.s32 s6, v26;
	_ =	sdelay $0x3  }
0x354: {  	(v2sf) =	vpush v25, $0xF  }
0x355: {  	(v2sf) =	vpush v27, $0xF;
	[tilespmem:v26+s17+$0x0] =	vst.idx.msk vm12, v15  }
0x356: {  	v25 =	vld [tilespmem:$0xF0];
	_ =	sdelay $0x4  }
0x357: {  	vm0 =	vmneg vm12;
	vm13 =	vlt.f32 v25, $0.0e+00;
	vm14 =	vgt.f32 v25, $0.0e+00  }
0x358: {  	v25 =	vsel vm0, $0x1, v1;
	vm15 =	vmor vm14, vm13  }
0x359: {  	(xrf0) =	vadd.scan.msk.s32 $0xffff, v25;
	v25 =	vsel vm15, $0x1, v1  }
0x35a: {  	(xrf0) =	vadd.scan.msk.s32 $0xffff, v25;
	_ =	sdelay $0x4  }
0x35b: {  	[smem:$0x7A5] =	sst s11;
	s11 =	spop (v2sf);
	v25, _, _ =	vpop (xrf0)  }
0x35c: {  	v26 =	vsel vm15, $0xFFFFFFFF, v1;
	s12 =	spop (v2sf);
	v27, _, _ =	vpop (xrf0)  }
0x35d: {  	s6 =	sadd.s32 s6, s12;
	v26 =	vadd.s32 v26, v27  }
0x35e: {  	v26 =	vadd.s32 s6, v26;
	_ =	sdelay $0x3  }
0x35f: {  	(v2sf) =	vpush v25, $0xF  }
0x360: {  	(v2sf) =	vpush v27, $0xF;
	[tilespmem:v26+s17+$0x0] =	vst.idx.msk vm15, v16  }
0x361: {  	v25 =	vld [tilespmem:$0x100];
	_ =	sdelay $0x4  }
0x362: {  	vm0 =	vmneg vm15;
	vm4 =	vlt.f32 v25, $0.0e+00;
	vm5 =	vgt.f32 v25, $0.0e+00  }
0x363: {  	v25 =	vsel vm0, $0x1, v1;
	vm6 =	vmor vm5, vm4  }
0x364: {  	(xrf0) =	vadd.scan.msk.s32 $0xffff, v25;
	v25 =	vsel vm6, $0x1, v1  }
0x365: {  	(xrf0) =	vadd.scan.msk.s32 $0xffff, v25;
	_ =	sdelay $0x4  }
0x366: {  	s12 =	spop (v2sf);
	v25, _, _ =	vpop (xrf0)  }
0x367: {  	[smem:$0x7A6] =	sst s13;
	v26 =	vsel vm6, $0xFFFFFFFF, v1;
	s13 =	spop (v2sf);
	v27, _, _ =	vpop (xrf0)  }
0x368: {  	s6 =	sadd.s32 s6, s13;
	v26 =	vadd.s32 v26, v27  }
0x369: {  	v26 =	vadd.s32 s6, v26;
	_ =	sdelay $0x3  }
0x36a: {  	(v2sf) =	vpush v25, $0xF  }
0x36b: {  	(v2sf) =	vpush v27, $0xF;
	[tilespmem:v26+s17+$0x0] =	vst.idx.msk vm6, v17  }
0x36c: {  	v25 =	vld [tilespmem:$0x110];
	_ =	sdelay $0x4  }
0x36d: {  	vm0 =	vmneg vm6;
	vm7 =	vlt.f32 v25, $0.0e+00;
	vm8 =	vgt.f32 v25, $0.0e+00  }
0x36e: {  	v25 =	vsel vm0, $0x1, v1;
	vm9 =	vmor vm8, vm7  }
0x36f: {  	(xrf0) =	vadd.scan.msk.s32 $0xffff, v25;
	v25 =	vsel vm9, $0x1, v1  }
0x370: {  	(xrf0) =	vadd.scan.msk.s32 $0xffff, v25;
	_ =	sdelay $0x4  }
0x371: {  	s13 =	spop (v2sf);
	v25, _, _ =	vpop (xrf0)  }
0x372: {  	v26 =	vsel vm9, $0xFFFFFFFF, v1;
	s14 =	spop (v2sf);
	v27, _, _ =	vpop (xrf0)  }
0x373: {  	s6 =	sadd.s32 s6, s14;
	v26 =	vadd.s32 v26, v27  }
0x374: {  	v26 =	vadd.s32 s6, v26;
	_ =	sdelay $0x3  }
0x375: {  	(v2sf) =	vpush v25, $0xF  }
0x376: {  	(v2sf) =	vpush v27, $0xF;
	[tilespmem:v26+s17+$0x0] =	vst.idx.msk vm9, v18  }
0x377: {  	v25 =	vld [tilespmem:$0x120];
	_ =	sdelay $0x4  }
0x378: {  	vm0 =	vmneg vm9;
	vm10 =	vlt.f32 v25, $0.0e+00;
	vm11 =	vgt.f32 v25, $0.0e+00  }
0x379: {  	v25 =	vsel vm0, $0x1, v1;
	vm12 =	vmor vm11, vm10  }
0x37a: {  	(xrf0) =	vadd.scan.msk.s32 $0xffff, v25;
	v25 =	vsel vm12, $0x1, v1  }
0x37b: {  	(xrf0) =	vadd.scan.msk.s32 $0xffff, v25;
	_ =	sdelay $0x4  }
0x37c: {  	s14 =	spop (v2sf);
	v25, _, _ =	vpop (xrf0)  }
0x37d: {  	v26 =	vsel vm12, $0xFFFFFFFF, v1;
	s24 =	spop (v2sf);
	v27, _, _ =	vpop (xrf0)  }
0x37e: {  	s6 =	sadd.s32 s6, s24;
	v26 =	vadd.s32 v26, v27  }
0x37f: {  	v26 =	vadd.s32 s6, v26;
	_ =	sdelay $0x3  }
0x380: {  	(v2sf) =	vpush v25, $0xF  }
0x381: {  	(v2sf) =	vpush v27, $0xF;
	[tilespmem:v26+s17+$0x0] =	vst.idx.msk vm12, v19  }
0x382: {  	v25 =	vld [tilespmem:$0x130];
	_ =	sdelay $0x4  }
0x383: {  	vm0 =	vmneg vm12;
	vm13 =	vlt.f32 v25, $0.0e+00;
	vm14 =	vgt.f32 v25, $0.0e+00  }
0x384: {  	v25 =	vsel vm0, $0x1, v1;
	vm15 =	vmor vm14, vm13  }
0x385: {  	(xrf0) =	vadd.scan.msk.s32 $0xffff, v25;
	v25 =	vsel vm15, $0x1, v1  }
0x386: {  	(xrf0) =	vadd.scan.msk.s32 $0xffff, v25;
	_ =	sdelay $0x4  }
0x387: {  	s24 =	spop (v2sf);
	v25, _, _ =	vpop (xrf0)  }
0x388: {  	v26 =	vsel vm15, $0xFFFFFFFF, v1;
	s31 =	spop (v2sf);
	v27, _, _ =	vpop (xrf0)  }
0x389: {  	s31 =	sadd.s32 s6, s31;
	v26 =	vadd.s32 v26, v27  }
0x38a: {  	v26 =	vadd.s32 s31, v26;
	_ =	sdelay $0x3  }
0x38b: {  	(v2sf) =	vpush v25, $0xF  }
0x38c: {  	(v2sf) =	vpush v27, $0xF;
	[tilespmem:v26+s17+$0x0] =	vst.idx.msk vm15, v20  }
0x38d: {  	v25 =	vld [tilespmem:$0x140];
	_ =	sdelay $0x4  }
0x38e: {  	vm0 =	vmneg vm15;
	vm4 =	vlt.f32 v25, $0.0e+00;
	vm5 =	vgt.f32 v25, $0.0e+00  }
0x38f: {  	v25 =	vsel vm0, $0x1, v1;
	vm6 =	vmor vm5, vm4  }
0x390: {  	(xrf0) =	vadd.scan.msk.s32 $0xffff, v25;
	v25 =	vsel vm6, $0x1, v1  }
0x391: {  	(xrf0) =	vadd.scan.msk.s32 $0xffff, v25;
	_ =	sdelay $0x4  }
0x392: {  	s6 =	spop (v2sf);
	v25, _, _ =	vpop (xrf0)  }
0x393: {  	v26 =	vsel vm6, $0xFFFFFFFF, v1;
	s4 =	spop (v2sf);
	v27, _, _ =	vpop (xrf0)  }
0x394: {  	s1 =	sadd.s32 s31, s4;
	v26 =	vadd.s32 v26, v27  }
0x395: {  	v26 =	vadd.s32 s1, v26;
	_ =	sdelay $0x3  }
0x396: {  	(v2sf) =	vpush v25, $0xF  }
0x397: {  	(v2sf) =	vpush v27, $0xF;
	[tilespmem:v26+s17+$0x0] =	vst.idx.msk vm6, v21  }
0x398: {  	v25 =	vld [tilespmem:$0x150];
	_ =	sdelay $0x4  }
0x399: {  	vm0 =	vmneg vm6;
	vm7 =	vlt.f32 v25, $0.0e+00;
	vm8 =	vgt.f32 v25, $0.0e+00  }
0x39a: {  	v25 =	vsel vm0, $0x1, v1;
	vm9 =	vmor vm8, vm7  }
0x39b: {  	(xrf0) =	vadd.scan.msk.s32 $0xffff, v25;
	v25 =	vsel vm9, $0x1, v1  }
0x39c: {  	(xrf0) =	vadd.scan.msk.s32 $0xffff, v25;
	_ =	sdelay $0x4  }
0x39d: {  	s31 =	spop (v2sf);
	v25, _, _ =	vpop (xrf0)  }
0x39e: {  	v26 =	vsel vm9, $0xFFFFFFFF, v1;
	s4 =	spop (v2sf);
	v27, _, _ =	vpop (xrf0)  }
0x39f: {  	s1 =	sadd.s32 s1, s4;
	v26 =	vadd.s32 v26, v27  }
0x3a0: {  	v26 =	vadd.s32 s1, v26;
	_ =	sdelay $0x3  }
0x3a1: {  	(v2sf) =	vpush v25, $0xF  }
0x3a2: {  	(v2sf) =	vpush v27, $0xF;
	[tilespmem:v26+s17+$0x0] =	vst.idx.msk vm9, v22  }
0x3a3: {  	v25 =	vld [tilespmem:$0x160];
	_ =	sdelay $0x4  }
0x3a4: {  	vm0 =	vmneg vm9;
	vm10 =	vlt.f32 v25, $0.0e+00;
	vm11 =	vgt.f32 v25, $0.0e+00  }
0x3a5: {  	v25 =	vsel vm0, $0x1, v1;
	vm12 =	vmor vm11, vm10  }
0x3a6: {  	(xrf0) =	vadd.scan.msk.s32 $0xffff, v25;
	v25 =	vsel vm12, $0x1, v1  }
0x3a7: {  	(xrf0) =	vadd.scan.msk.s32 $0xffff, v25;
	_ =	sdelay $0x4  }
0x3a8: {  	s4 =	spop (v2sf);
	v25, _, _ =	vpop (xrf0)  }
0x3a9: {  	v26 =	vsel vm12, $0xFFFFFFFF, v1;
	s29 =	spop (v2sf);
	v27, _, _ =	vpop (xrf0)  }
0x3aa: {  	s0 =	sadd.s32 s1, s29;
	v26 =	vadd.s32 v26, v27  }
0x3ab: {  	v26 =	vadd.s32 s0, v26;
	_ =	sdelay $0x4  }
0x3ac: {  	[tilespmem:v26+s17+$0x0] =	vst.idx.msk vm12, v23  }
0x3ad: {  	v26 =	vld [tilespmem:$0x170];
	_ =	sdelay $0x2  }
0x3ae: {  	s1 =	sld [smem:$0x7A3]  }
0x3af: {  	s29 =	sld [smem:$0x7A4]  }
0x3b0: {  	vm0 =	vmneg vm12;
	vm13 =	vlt.f32 v26, $0.0e+00;
	vm14 =	vgt.f32 v26, $0.0e+00  }
0x3b1: {  	v26 =	vsel vm0, $0x1, v1;
	vm15 =	vmor vm14, vm13  }
0x3b2: {  	s1 =	sadd.s32 s1, s29;
	s29 =	sld [smem:$0x7A5];
	(xrf0) =	vadd.scan.msk.s32 $0xffff, v26;
	vm1 =	vmneg vm15;
	v26 =	vsel vm15, $0x1, v1  }
0x3b3: {  	(xrf0) =	vadd.scan.msk.s32 $0xffff, v26;
	v26 =	vsel vm1, $0x1, v1  }
0x3b4: {  	(xrf0) =	vadd.scan.msk.s32 $0xffff, v26  }
0x3b5: {  	s1 =	sadd.s32 s29, s1;
	s29 =	sld [smem:$0x7A6];
	_ =	sdelay $0x2  }
0x3b6: {  	(v2sf) =	vpush v25, $0xF;
	s1 =	sadd.s32 s29, s1;
	v25, _, _ =	vpop (xrf0)  }
0x3b7: {  	(v2sf) =	vpush v27, $0xF;
	s1 =	sadd.s32 s30, s1;
	v26, _, _ =	vpop (xrf0)  }
0x3b8: {  	s1 =	sadd.s32 s28, s1;
	(v2sf) =	vpush v25, $0xF;
	v25, _, _ =	vpop (xrf0)  }
0x3b9: {  	s1 =	sadd.s32 s26, s1;
	(v2sf) =	vpush v25, $0xF  }
0x3ba: {  	s1 =	sadd.s32 s25, s1  }
0x3bb: {  	s1 =	sadd.s32 s3, s1  }
0x3bc: {  	s1 =	sadd.s32 s8, s1  }
0x3bd: {  	s1 =	sadd.s32 s23, s1  }
0x3be: {  	s1 =	sadd.s32 s7, s1  }
0x3bf: {  	s1 =	sadd.s32 s10, s1  }
0x3c0: {  	s1 =	sadd.s32 s11, s1  }
0x3c1: {  	s1 =	sadd.s32 s12, s1  }
0x3c2: {  	s1 =	sadd.s32 s13, s1  }
0x3c3: {  	s1 =	sadd.s32 s14, s1  }
0x3c4: {  	s1 =	sadd.s32 s24, s1  }
0x3c5: {  	s25 =	spop (v2sf);
	s1 =	sadd.s32 s6, s1  }
0x3c6: {  	s26 =	spop (v2sf);
	s1 =	sadd.s32 s31, s1;
	v25 =	vsel vm15, $0xFFFFFFFF, v1  }
0x3c7: {  	s0 =	sadd.s32 s0, s26;
	s28 =	sadd.s32 s4, s1;
	v25 =	vadd.s32 v25, v26;
	s29 =	spop (v2sf)  }
0x3c8: {  	v25 =	vadd.s32 s0, v25;
	s0 =	sadd.s32 s25, s28;
	s30 =	spop (v2sf)  }
0x3c9: {  	s0 =	sadd.s32 s29, s0;
	s31 =	ssub.s32 $0x0, s30  }
0x3ca: {  	p0 =	sne.s32 s0, s31  }
.Ltmp2:
0x3cb: {  	_ = 	snop;
	(pc) =	sbr.rel @!p0 .LBB2_2-.Ltmp2, $3  }
0x3cc: {  	_ =	sdelay $0x1  }
0x3cd: {  	s10 =	smov.u32 s2  }
0x3ce: {  	s11 =	simm.s32 $0x0;
	s6 =	simm.s32 $0x18300;
	[tilespmem:v25+s17+$0x0] =	vst.idx.msk vm15, v24;
	s0 =	simm.s32 $0x0  }
.LBB2_3:
0x3cf: {  	s1 =	sshll.u32 s0, $0x5  }
0x3d0: {  	s1 =	sadd.s32 s5, s1  }
0x3d1: {  	s1 =	sshrl.u32 s1, $0x3  }
0x3d2: {  	s2 =	smul.u32 $0x180, s1;
	_ =	sdelay $0x1  }
0x3d3: {  	s3 =	simm.s32 $0x0;
	s1 =	sadd.s32 s9, s2  }
0x3d4: {  	[tilespmem:s22], [sflag:$0x5] =	stream.linear.gather [hbm4b:s1+s3], $0x3000, $0x38;
	[tilespmem:$0x1B300] =	vst v63  }
0x3d5: {  	_ =	swait.ge [sflag:s16], $0x3000  }
0x3d6: {  	[sflag:s16] =	ssyncset.done $0x0  }
0x3d7: {  	s8 =	simm.s32 $0x0;
	[sflag:s16] =	ssyncadd.s32 $0xFFFFD000  }
.LBB2_4:
0x3d8: {  	v26 =	vld [tilespmem:$0x180];
	_ =	sdelay $0x2  }
0x3d9: {  	v27 =	vmov s8  }
0x3da: {  	v25 =	vshrl.u32 v27, $0x3  }
0x3db: {  	v25 =	vmul.u32 $0xC00, v25;
	v28 =	vshll.u32 v26, $0x3  }
0x3dc: {  	v28 =	vand.u32 $0xFFFFFC00, v28  }
0x3dd: {  	v29 =	vand.u32 $0x7F, v26;
	v26 =	vshll.u32 v27, $0x7;
	v28 =	vadd.s32 v25, v28  }
0x3de: {  	v26 =	vand.u32 $0x380, v26;
	v27 =	vor.u32 v29, v28  }
0x3df: {  	v27 =	vor.u32 v26, v27;
	_ =	sdelay $0x4  }
0x3e0: {  	s1 =	sshrl.u32 s8, $0x3;
	v27 =	vld.idx.msk [tilespmem:v27+s22+$0x0], $0xffff  }
0x3e1: {  	s1 =	smul.u32 $0x3000, s1;
	_ =	sdelay $0x1  }
0x3e2: {  	s4 =	sand.u32 $0x380, s3;
	s1 =	sshra.s32 s1, $0x2  }
0x3e3: {  	s7 =	sor.u32 s4, s1  }
0x3e4: {  	[tilespmem:s7+$0x18300] =	vst v27  }
0x3e5: {  	v27 =	vld [tilespmem:$0x190];
	_ =	sdelay $0x4  }
0x3e6: {  	v41 =	vshll.u32 v27, $0x3  }
0x3e7: {  	v28 =	vand.u32 $0xFFFFFC00, v41  }
0x3e8: {  	v27 =	vand.u32 $0x7F, v27;
	v28 =	vadd.s32 v25, v28  }
0x3e9: {  	v27 =	vor.u32 v27, v28  }
0x3ea: {  	v27 =	vor.u32 v26, v27;
	_ =	sdelay $0x4  }
0x3eb: {  	v27 =	vld.idx.msk [tilespmem:v27+s22+$0x0], $0xffff;
	_ =	sdelay $0x3  }
0x3ec: {  	s1 =	sadd.s32 $0x18300, s7  }
0x3ed: {  	[tilespmem:s1+$0x10] =	vst v27  }
0x3ee: {  	v27 =	vld [tilespmem:$0x1A0];
	_ =	sdelay $0x4  }
0x3ef: {  	v42 =	vshll.u32 v27, $0x3  }
0x3f0: {  	v28 =	vand.u32 $0xFFFFFC00, v42  }
0x3f1: {  	v27 =	vand.u32 $0x7F, v27;
	v28 =	vadd.s32 v25, v28  }
0x3f2: {  	v27 =	vor.u32 v27, v28  }
0x3f3: {  	v27 =	vor.u32 v26, v27;
	_ =	sdelay $0x4  }
0x3f4: {  	v27 =	vld.idx.msk [tilespmem:v27+s22+$0x0], $0xffff;
	_ =	sdelay $0x4  }
0x3f5: {  	[tilespmem:s1+$0x20] =	vst v27  }
0x3f6: {  	v27 =	vld [tilespmem:$0x1B0];
	_ =	sdelay $0x4  }
0x3f7: {  	v43 =	vshll.u32 v27, $0x3  }
0x3f8: {  	v28 =	vand.u32 $0xFFFFFC00, v43  }
0x3f9: {  	v27 =	vand.u32 $0x7F, v27;
	v28 =	vadd.s32 v25, v28  }
0x3fa: {  	v27 =	vor.u32 v27, v28  }
0x3fb: {  	v27 =	vor.u32 v26, v27;
	_ =	sdelay $0x4  }
0x3fc: {  	v27 =	vld.idx.msk [tilespmem:v27+s22+$0x0], $0xffff;
	_ =	sdelay $0x4  }
0x3fd: {  	[tilespmem:s1+$0x30] =	vst v27  }
0x3fe: {  	v27 =	vld [tilespmem:$0x1C0];
	_ =	sdelay $0x4  }
0x3ff: {  	v44 =	vshll.u32 v27, $0x3  }
0x400: {  	v28 =	vand.u32 $0xFFFFFC00, v44  }
0x401: {  	v27 =	vand.u32 $0x7F, v27;
	v28 =	vadd.s32 v25, v28  }
0x402: {  	v27 =	vor.u32 v27, v28  }
0x403: {  	v27 =	vor.u32 v26, v27;
	_ =	sdelay $0x4  }
0x404: {  	v27 =	vld.idx.msk [tilespmem:v27+s22+$0x0], $0xffff;
	_ =	sdelay $0x4  }
0x405: {  	[tilespmem:s1+$0x40] =	vst v27  }
0x406: {  	v27 =	vld [tilespmem:$0x1D0];
	_ =	sdelay $0x4  }
0x407: {  	v45 =	vshll.u32 v27, $0x3  }
0x408: {  	v28 =	vand.u32 $0xFFFFFC00, v45  }
0x409: {  	v27 =	vand.u32 $0x7F, v27;
	v28 =	vadd.s32 v25, v28  }
0x40a: {  	v27 =	vor.u32 v27, v28  }
0x40b: {  	v27 =	vor.u32 v26, v27;
	_ =	sdelay $0x4  }
0x40c: {  	v27 =	vld.idx.msk [tilespmem:v27+s22+$0x0], $0xffff;
	_ =	sdelay $0x4  }
0x40d: {  	[tilespmem:s1+$0x50] =	vst v27  }
0x40e: {  	v27 =	vld [tilespmem:$0x1E0];
	_ =	sdelay $0x4  }
0x40f: {  	v46 =	vshll.u32 v27, $0x3  }
0x410: {  	v28 =	vand.u32 $0xFFFFFC00, v46  }
0x411: {  	v27 =	vand.u32 $0x7F, v27;
	v28 =	vadd.s32 v25, v28  }
0x412: {  	v27 =	vor.u32 v27, v28  }
0x413: {  	v27 =	vor.u32 v26, v27;
	_ =	sdelay $0x4  }
0x414: {  	v27 =	vld.idx.msk [tilespmem:v27+s22+$0x0], $0xffff;
	_ =	sdelay $0x4  }
0x415: {  	[tilespmem:s1+$0x60] =	vst v27  }
0x416: {  	v27 =	vld [tilespmem:$0x1F0];
	_ =	sdelay $0x4  }
0x417: {  	v47 =	vshll.u32 v27, $0x3  }
0x418: {  	v28 =	vand.u32 $0xFFFFFC00, v47  }
0x419: {  	v27 =	vand.u32 $0x7F, v27;
	v28 =	vadd.s32 v25, v28  }
0x41a: {  	v27 =	vor.u32 v27, v28  }
0x41b: {  	v27 =	vor.u32 v26, v27;
	_ =	sdelay $0x4  }
0x41c: {  	v27 =	vld.idx.msk [tilespmem:v27+s22+$0x0], $0xffff;
	_ =	sdelay $0x4  }
0x41d: {  	[tilespmem:s1+$0x70] =	vst v27  }
0x41e: {  	v27 =	vld [tilespmem:$0x200];
	_ =	sdelay $0x4  }
0x41f: {  	v48 =	vshll.u32 v27, $0x3  }
0x420: {  	v28 =	vand.u32 $0xFFFFFC00, v48  }
0x421: {  	v27 =	vand.u32 $0x7F, v27;
	v28 =	vadd.s32 v25, v28  }
0x422: {  	v27 =	vor.u32 v27, v28  }
0x423: {  	v27 =	vor.u32 v26, v27;
	_ =	sdelay $0x4  }
0x424: {  	v27 =	vld.idx.msk [tilespmem:v27+s22+$0x0], $0xffff;
	_ =	sdelay $0x4  }
0x425: {  	[tilespmem:s7+$0x18700] =	vst v27  }
0x426: {  	v27 =	vld [tilespmem:$0x210];
	_ =	sdelay $0x4  }
0x427: {  	v49 =	vshll.u32 v27, $0x3  }
0x428: {  	v28 =	vand.u32 $0xFFFFFC00, v49  }
0x429: {  	v27 =	vand.u32 $0x7F, v27;
	v28 =	vadd.s32 v25, v28  }
0x42a: {  	v27 =	vor.u32 v27, v28  }
0x42b: {  	v27 =	vor.u32 v26, v27;
	_ =	sdelay $0x4  }
0x42c: {  	v27 =	vld.idx.msk [tilespmem:v27+s22+$0x0], $0xffff;
	_ =	sdelay $0x3  }
0x42d: {  	s30 =	sadd.s32 $0x18700, s7  }
0x42e: {  	[tilespmem:s30+$0x10] =	vst v27  }
0x42f: {  	v27 =	vld [tilespmem:$0x220];
	_ =	sdelay $0x4  }
0x430: {  	v50 =	vshll.u32 v27, $0x3  }
0x431: {  	v28 =	vand.u32 $0xFFFFFC00, v50  }
0x432: {  	v27 =	vand.u32 $0x7F, v27;
	v28 =	vadd.s32 v25, v28  }
0x433: {  	v27 =	vor.u32 v27, v28  }
0x434: {  	v27 =	vor.u32 v26, v27;
	_ =	sdelay $0x4  }
0x435: {  	v27 =	vld.idx.msk [tilespmem:v27+s22+$0x0], $0xffff;
	_ =	sdelay $0x4  }
0x436: {  	[tilespmem:s30+$0x20] =	vst v27  }
0x437: {  	v27 =	vld [tilespmem:$0x230];
	_ =	sdelay $0x4  }
0x438: {  	v51 =	vshll.u32 v27, $0x3  }
0x439: {  	v28 =	vand.u32 $0xFFFFFC00, v51  }
0x43a: {  	v27 =	vand.u32 $0x7F, v27;
	v28 =	vadd.s32 v25, v28  }
0x43b: {  	v27 =	vor.u32 v27, v28  }
0x43c: {  	v27 =	vor.u32 v26, v27;
	_ =	sdelay $0x4  }
0x43d: {  	v27 =	vld.idx.msk [tilespmem:v27+s22+$0x0], $0xffff;
	_ =	sdelay $0x4  }
0x43e: {  	[tilespmem:s30+$0x30] =	vst v27  }
0x43f: {  	v27 =	vld [tilespmem:$0x240];
	_ =	sdelay $0x4  }
0x440: {  	v52 =	vshll.u32 v27, $0x3  }
0x441: {  	v28 =	vand.u32 $0xFFFFFC00, v52  }
0x442: {  	v27 =	vand.u32 $0x7F, v27;
	v28 =	vadd.s32 v25, v28  }
0x443: {  	v27 =	vor.u32 v27, v28  }
0x444: {  	v27 =	vor.u32 v26, v27;
	_ =	sdelay $0x4  }
0x445: {  	v27 =	vld.idx.msk [tilespmem:v27+s22+$0x0], $0xffff;
	_ =	sdelay $0x4  }
0x446: {  	[tilespmem:s30+$0x40] =	vst v27  }
0x447: {  	v27 =	vld [tilespmem:$0x250];
	_ =	sdelay $0x4  }
0x448: {  	v53 =	vshll.u32 v27, $0x3  }
0x449: {  	v28 =	vand.u32 $0xFFFFFC00, v53  }
0x44a: {  	v27 =	vand.u32 $0x7F, v27;
	v28 =	vadd.s32 v25, v28  }
0x44b: {  	v27 =	vor.u32 v27, v28  }
0x44c: {  	v27 =	vor.u32 v26, v27;
	_ =	sdelay $0x4  }
0x44d: {  	v27 =	vld.idx.msk [tilespmem:v27+s22+$0x0], $0xffff;
	_ =	sdelay $0x4  }
0x44e: {  	[tilespmem:s30+$0x50] =	vst v27  }
0x44f: {  	v27 =	vld [tilespmem:$0x260];
	_ =	sdelay $0x4  }
0x450: {  	v54 =	vshll.u32 v27, $0x3  }
0x451: {  	v28 =	vand.u32 $0xFFFFFC00, v54  }
0x452: {  	v27 =	vand.u32 $0x7F, v27;
	v28 =	vadd.s32 v25, v28  }
0x453: {  	v27 =	vor.u32 v27, v28  }
0x454: {  	v27 =	vor.u32 v26, v27;
	_ =	sdelay $0x4  }
0x455: {  	v27 =	vld.idx.msk [tilespmem:v27+s22+$0x0], $0xffff;
	_ =	sdelay $0x4  }
0x456: {  	[tilespmem:s30+$0x60] =	vst v27  }
0x457: {  	v27 =	vld [tilespmem:$0x270];
	_ =	sdelay $0x4  }
0x458: {  	v55 =	vshll.u32 v27, $0x3  }
0x459: {  	v28 =	vand.u32 $0xFFFFFC00, v55  }
0x45a: {  	v27 =	vand.u32 $0x7F, v27;
	v28 =	vadd.s32 v25, v28  }
0x45b: {  	v27 =	vor.u32 v27, v28  }
0x45c: {  	v27 =	vor.u32 v26, v27;
	_ =	sdelay $0x4  }
0x45d: {  	v27 =	vld.idx.msk [tilespmem:v27+s22+$0x0], $0xffff;
	_ =	sdelay $0x4  }
0x45e: {  	[tilespmem:s30+$0x70] =	vst v27  }
0x45f: {  	v27 =	vld [tilespmem:$0x280];
	_ =	sdelay $0x4  }
0x460: {  	v56 =	vshll.u32 v27, $0x3  }
0x461: {  	v28 =	vand.u32 $0xFFFFFC00, v56  }
0x462: {  	v27 =	vand.u32 $0x7F, v27;
	v28 =	vadd.s32 v25, v28  }
0x463: {  	v27 =	vor.u32 v27, v28  }
0x464: {  	v27 =	vor.u32 v26, v27;
	_ =	sdelay $0x4  }
0x465: {  	v27 =	vld.idx.msk [tilespmem:v27+s22+$0x0], $0xffff;
	_ =	sdelay $0x4  }
0x466: {  	[tilespmem:s7+$0x18B00] =	vst v27  }
0x467: {  	v27 =	vld [tilespmem:$0x290];
	_ =	sdelay $0x4  }
0x468: {  	v57 =	vshll.u32 v27, $0x3  }
0x469: {  	v28 =	vand.u32 $0xFFFFFC00, v57  }
0x46a: {  	v27 =	vand.u32 $0x7F, v27;
	v28 =	vadd.s32 v25, v28  }
0x46b: {  	v27 =	vor.u32 v27, v28  }
0x46c: {  	v27 =	vor.u32 v26, v27;
	_ =	sdelay $0x4  }
0x46d: {  	v27 =	vld.idx.msk [tilespmem:v27+s22+$0x0], $0xffff;
	_ =	sdelay $0x3  }
0x46e: {  	s31 =	sadd.s32 $0x18B00, s7  }
0x46f: {  	[tilespmem:s31+$0x10] =	vst v27  }
0x470: {  	v27 =	vld [tilespmem:$0x2A0];
	_ =	sdelay $0x4  }
0x471: {  	v58 =	vshll.u32 v27, $0x3  }
0x472: {  	v28 =	vand.u32 $0xFFFFFC00, v58  }
0x473: {  	v27 =	vand.u32 $0x7F, v27;
	v28 =	vadd.s32 v25, v28  }
0x474: {  	v27 =	vor.u32 v27, v28  }
0x475: {  	v27 =	vor.u32 v26, v27;
	_ =	sdelay $0x4  }
0x476: {  	v27 =	vld.idx.msk [tilespmem:v27+s22+$0x0], $0xffff;
	_ =	sdelay $0x4  }
0x477: {  	[tilespmem:s31+$0x20] =	vst v27  }
0x478: {  	v27 =	vld [tilespmem:$0x2B0];
	_ =	sdelay $0x4  }
0x479: {  	v59 =	vshll.u32 v27, $0x3  }
0x47a: {  	v28 =	vand.u32 $0xFFFFFC00, v59  }
0x47b: {  	v27 =	vand.u32 $0x7F, v27;
	v28 =	vadd.s32 v25, v28  }
0x47c: {  	v27 =	vor.u32 v27, v28  }
0x47d: {  	v27 =	vor.u32 v26, v27;
	_ =	sdelay $0x4  }
0x47e: {  	v27 =	vld.idx.msk [tilespmem:v27+s22+$0x0], $0xffff;
	_ =	sdelay $0x4  }
0x47f: {  	[tilespmem:s31+$0x30] =	vst v27  }
0x480: {  	v27 =	vld [tilespmem:$0x2C0];
	_ =	sdelay $0x4  }
0x481: {  	v60 =	vshll.u32 v27, $0x3  }
0x482: {  	v28 =	vand.u32 $0xFFFFFC00, v60  }
0x483: {  	v27 =	vand.u32 $0x7F, v27;
	v28 =	vadd.s32 v25, v28  }
0x484: {  	v27 =	vor.u32 v27, v28  }
0x485: {  	v27 =	vor.u32 v26, v27;
	_ =	sdelay $0x4  }
0x486: {  	v27 =	vld.idx.msk [tilespmem:v27+s22+$0x0], $0xffff;
	_ =	sdelay $0x4  }
0x487: {  	[tilespmem:s31+$0x40] =	vst v27  }
0x488: {  	v27 =	vld [tilespmem:$0x2D0];
	_ =	sdelay $0x4  }
0x489: {  	v61 =	vshll.u32 v27, $0x3  }
0x48a: {  	v28 =	vand.u32 $0xFFFFFC00, v61  }
0x48b: {  	v27 =	vand.u32 $0x7F, v27;
	v28 =	vadd.s32 v25, v28  }
0x48c: {  	v27 =	vor.u32 v27, v28  }
0x48d: {  	v27 =	vor.u32 v26, v27;
	_ =	sdelay $0x4  }
0x48e: {  	v27 =	vld.idx.msk [tilespmem:v27+s22+$0x0], $0xffff;
	_ =	sdelay $0x4  }
0x48f: {  	[tilespmem:s31+$0x50] =	vst v27  }
0x490: {  	v27 =	vld [tilespmem:$0x2E0];
	_ =	sdelay $0x4  }
0x491: {  	v62 =	vshll.u32 v27, $0x3  }
0x492: {  	v28 =	vand.u32 $0xFFFFFC00, v62  }
0x493: {  	v27 =	vand.u32 $0x7F, v27;
	v28 =	vadd.s32 v25, v28  }
0x494: {  	v27 =	vor.u32 v27, v28  }
0x495: {  	v27 =	vor.u32 v26, v27;
	_ =	sdelay $0x4  }
0x496: {  	v27 =	vld.idx.msk [tilespmem:v27+s22+$0x0], $0xffff;
	_ =	sdelay $0x4  }
0x497: {  	[tilespmem:s31+$0x60] =	vst v27  }
0x498: {  	v27 =	vld [tilespmem:$0x2F0];
	_ =	sdelay $0x4  }
0x499: {  	v63 =	vshll.u32 v27, $0x3  }
0x49a: {  	v28 =	vand.u32 $0xFFFFFC00, v63  }
0x49b: {  	v27 =	vand.u32 $0x7F, v27;
	v25 =	vadd.s32 v25, v28  }
0x49c: {  	v25 =	vor.u32 v27, v25  }
0x49d: {  	v25 =	vor.u32 v26, v25;
	_ =	sdelay $0x4  }
0x49e: {  	p0 =	sne.s32 s8, $0x1F;
	v25 =	vld.idx.msk [tilespmem:v25+s22+$0x0], $0xffff  }
.Ltmp3:
0x49f: {  	_ = 	snop;
	(pc) =	sbr.rel @p0 .LBB2_4-.Ltmp3, $2  }
0x4a0: {  	_ =	sdelay $0x2  }
0x4a1: {  	s3 =	sadd.s32 $0x80, s3;
	s8 =	sadd.s32 $0x1, s8;
	[tilespmem:s31+$0x70] =	vst v25  }
0x4a2: {  	s1 =	sadd.s32 s10, s2;
	s0 =	sadd.s32 $0x1, s0  }
0x4a3: {  	[hbm4b:s1+s11] =	stream.linear.scatter [tilespmem:s6], [sflag:$0x5], $0x3000, $0x38;
	[tilespmem:$0x1B300] =	vst v63  }
0x4a4: {  	p0 =	sne.s32 s0, $0xC4  }
.Ltmp4:
0x4a5: {  	_ = 	snop;
	(pc) =	sbr.rel @p0 .LBB2_3-.Ltmp4, $4  }
.Ltmp5:
0x4a6: {  	_ = 	snop;
	(pc) =	sbr.rel @!p0 .LBB2_6-.Ltmp5, $4  }
0x4a7: {  	_ =	swait.ge [sflag:s16], $0x3000  }
0x4a8: {  	[sflag:s16] =	ssyncset.done $0x0  }
0x4a9: {  	[sflag:s16] =	ssyncadd.s32 $0xFFFFD000  }
0x4aa: {  	_ = 	snop  }
.LBB2_7:
0x4ab: {  	_ =	sfence.sel $0x180000  }
0x4ac: {  	[bflag:$0x0] =	sbarrier.arrive $0xFFFF  }
0x4ad: {  	_ =	strace $0x90000047  }
0x4ae: {  	s0 =	stileid.u32;
	[bflag:$0x2] =	sbarrier.arrive $0xFFFF  }
0x4af: {  	p0 =	sne.s32 s0, $0x0;
	s0 =	rddreg [dreg:$0x4]  }
0x4b0: {  	s0 =	sadd.s32 @!p0 $0x100000, s0  }
0x4b1: {  	[sflag:s0] =	ssyncadd.tile.s32 @!p0 $0x1;
	_ =	shalt  }
.Lfunc_end2:
_tile_overlayer_lowered:
.L_overlay_start_2:
0x4b2: {  	(tag) =	ssettag $0x2  }
0x4b3: {  	s0 =	rddreg [dreg:$0x0];
	s2 =	stileid.u32  }
0x4b4: {  	s1 =	rddreg [dreg:$0x1];
	p0 =	sne.s32 s2, $0x0  }
0x4b5: {  	s3 =	rddreg [dreg:$0x2];
	[bflag:$0x3] =	sbarrier.arrive $0xFFFF;
	s2 =	simm.s32 @!p0 $0x1C05  }
0x4b6: {  	[timem:s3], [sflag:s2] =	dma.local @!p0 [hbm:s0], s1  }
0x4b7: {  	s0 =	simm.s32 @!p0 $0x5  }
0x4b8: {  	_ =	swait.ge @!p0 [sflag:s0], s1  }
0x4b9: {  	s1 =	ssub.s32 @!p0 $0x0, s1;
	[sflag:s0] =	ssyncset.done @!p0 $0x0  }
0x4ba: {  	[sflag:s0] =	ssyncadd.s32 @!p0 s1  }
0x4bb: {  	[bflag:$0x3] =	sbarrier.arrive $0xFFFF  }
0x4bc: {  	_ =	shalt  }

</sc_bundles>
